<compile_context>
chip_gen: v7x
topology: tpu7x:2x2x1
jax: 0.10.2.dev20260603
libtpu: 0.0.44.dev20260713+nightly
codegen_flags: <defaults>
</compile_context>

<pallas_src>
import functools

import jax
import jax.numpy as jnp
from jax import lax
from jax.experimental import pallas as pl
from jax.experimental.pallas import tpu as pltpu
from jax.experimental.pallas import tpu_sc as plsc

N_NODES = 10000
FEAT = 128
N_EDGES = 320000
T_STEPS = 20
IN_SZ = 16
HID = 64

CHUNK = 128
NUM_CORES = 2
NUM_SUBCORES = 16
NW = NUM_CORES * NUM_SUBCORES
EDGE_ROWS = 2560
ROWS_PER_WORKER = EDGE_ROWS // NW
NBUF = 2
HALF = ROWS_PER_WORKER // 2
NGROUPS_H = HALF // NBUF
ACC_ROWS = 10240
ROWS_PER_TILE = ACC_ROWS // NUM_SUBCORES
ZCHUNKS = ROWS_PER_TILE // CHUNK
TRASH_ROW = 10200
DEG_COLS = 16

BLK = 1000
GRID = N_NODES // BLK

_MESH = plsc.VectorSubcoreMesh(
    core_axis_name="c", subcore_axis_name="s",
    num_cores=NUM_CORES, num_subcores=NUM_SUBCORES)


def _fill(ref, nrows, ncols, val):
    nc16 = ncols // 16

    def row(i, c):
        def col(j, c2):
            ref[i, pl.ds(j * 16, 16)] = jnp.full((16,), val, jnp.float32)
            return c2
        return lax.fori_loop(0, nc16, col, c)

    lax.fori_loop(0, nrows, row, 0)


@functools.partial(
    pl.kernel,
    out_type=jax.ShapeDtypeStruct((NUM_CORES, ACC_ROWS, DEG_COLS), jnp.float32),
    mesh=_MESH,
    scratch_types=[
        pltpu.VMEM((ROWS_PER_WORKER, CHUNK), jnp.int32),
        pltpu.VMEM((CHUNK, DEG_COLS), jnp.float32),
        pltpu.VMEM_SHARED((ACC_ROWS, DEG_COLS), jnp.float32),
    ],
)
def _sc_degree(dst_rows, out, idx_v, buf_v, acc):
    cid = lax.axis_index("c")
    sid = lax.axis_index("s")
    wid = sid * NUM_CORES + cid
    base = sid * ROWS_PER_TILE

    _fill(buf_v, CHUNK, DEG_COLS, 0.0)
    for k in range(ZCHUNKS):
        pltpu.sync_copy(buf_v, acc.at[pl.ds(base + k * CHUNK, CHUNK)])
    _fill(buf_v, CHUNK, DEG_COLS, 1.0)
    pltpu.sync_copy(dst_rows.at[pl.ds(wid * ROWS_PER_WORKER, ROWS_PER_WORKER)],
                    idx_v)
    plsc.subcore_barrier()

    def step(j, c):
        pltpu.sync_copy(buf_v, acc.at[idx_v.at[j]], add=True)
        return c

    lax.fori_loop(0, ROWS_PER_WORKER, step, 0)
    plsc.subcore_barrier()

    for k in range(ZCHUNKS):
        pltpu.sync_copy(acc.at[pl.ds(base + k * CHUNK, CHUNK)], buf_v)
        pltpu.sync_copy(buf_v, out.at[cid, pl.ds(base + k * CHUNK, CHUNK)])


@functools.partial(
    pl.kernel,
    out_type=jax.ShapeDtypeStruct((NUM_CORES, ACC_ROWS, FEAT), jnp.float32),
    mesh=_MESH,
    scratch_types=[
        pltpu.VMEM((HALF, CHUNK), jnp.int32),
        pltpu.VMEM((HALF, CHUNK), jnp.int32),
        pltpu.VMEM((NBUF, CHUNK, FEAT), jnp.float32),
        pltpu.VMEM_SHARED((ACC_ROWS, FEAT), jnp.float32),
        pltpu.SemaphoreType.DMA,
        pltpu.SemaphoreType.DMA,
    ],
)
def _sc_segsum(y, src_rows, dst_rows, out, sidx, didx, bufs, acc, s0, s1):
    sems = [s0, s1]
    cid = lax.axis_index("c")
    sid = lax.axis_index("s")
    wid = sid * NUM_CORES + cid
    base = sid * ROWS_PER_TILE
    rbase = wid * ROWS_PER_WORKER

    b0 = bufs.at[0]
    _fill(b0, CHUNK, FEAT, 0.0)
    for k in range(ZCHUNKS):
        pltpu.sync_copy(b0, acc.at[pl.ds(base + k * CHUNK, CHUNK)])
    plsc.subcore_barrier()

    def run_batch(hbase):
        pltpu.sync_copy(src_rows.at[pl.ds(hbase, HALF)], sidx)
        pltpu.sync_copy(dst_rows.at[pl.ds(hbase, HALF)], didx)
        for b in range(NBUF):
            pltpu.async_copy(y.at[sidx.at[b]], bufs.at[b], sems[b])

        def group(gi, c):
            g0 = gi * NBUF
            for b in range(NBUF):
                pltpu.make_async_copy(y.at[pl.ds(0, CHUNK)], bufs.at[b],
                                      sems[b]).wait()
                pltpu.sync_copy(bufs.at[b], acc.at[didx.at[g0 - NBUF + b]],
                                add=True)
                pltpu.async_copy(y.at[sidx.at[g0 + b]], bufs.at[b], sems[b])
            return c

        lax.fori_loop(1, NGROUPS_H, group, 0)
        for b in range(NBUF):
            pltpu.make_async_copy(y.at[pl.ds(0, CHUNK)], bufs.at[b],
                                  sems[b]).wait()
            pltpu.sync_copy(bufs.at[b], acc.at[didx.at[HALF - NBUF + b]],
                            add=True)

    run_batch(rbase)
    run_batch(rbase + HALF)
    plsc.subcore_barrier()

    for k in range(ZCHUNKS):
        pltpu.sync_copy(acc.at[pl.ds(base + k * CHUNK, CHUNK)], b0)
        pltpu.sync_copy(b0, out.at[cid, pl.ds(base + k * CHUNK, CHUNK)])


def _dinv(degp):
    deg = degp[0][:, 0:1] + degp[1][:, 0:1] + 1.0
    return lax.rsqrt(deg)


def _tc_y_body(xg_ref, w_ref, degp_ref, y_ref):
    d = _dinv(degp_ref)
    y_ref[...] = jnp.dot(xg_ref[...], w_ref[...],
                         preferred_element_type=jnp.float32) * d


def _tc_combine_body(acc_ref, y1_ref, degp_ref, b_ref, w_ref, y2_ref):
    d = _dinv(degp_ref)
    s = acc_ref[0] + acc_ref[1] + y1_ref[...]
    h = jnp.maximum(d * s + b_ref[...], 0.0)
    y2_ref[...] = jnp.dot(h, w_ref[...], preferred_element_type=jnp.float32) * d


def _tc_final_body(acc_ref, y2_ref, degp_ref, b_ref, xt_ref, ext_ref,
                   wa_ref, wb_ref, wc_ref, lb1_ref, lw2_ref, lb2_ref,
                   lw3_ref, lb3_ref, out_ref):
    d = _dinv(degp_ref)
    s = acc_ref[0] + acc_ref[1] + y2_ref[...]
    xg2 = jnp.maximum(d * s + b_ref[...], 0.0)
    z = jnp.dot(xg2, wa_ref[...], preferred_element_type=jnp.float32)
    z += jnp.dot(jnp.maximum(xt_ref[...], 0.0), wb_ref[...],
                 preferred_element_type=jnp.float32)
    z += jnp.dot(jnp.maximum(ext_ref[...], 0.0), wc_ref[...],
                 preferred_element_type=jnp.float32)
    z = jnp.maximum(z + lb1_ref[...], 0.0)
    z = jnp.maximum(jnp.dot(z, lw2_ref[...],
                            preferred_element_type=jnp.float32) + lb2_ref[...], 0.0)
    out_ref[...] = jnp.dot(z, lw3_ref[...],
                           preferred_element_type=jnp.float32) + lb3_ref[...]


def _lstm_gates(g, c):
    i = jax.nn.sigmoid(g[:, 0:HID])
    f = jax.nn.sigmoid(g[:, HID:2 * HID])
    gg = jnp.tanh(g[:, 2 * HID:3 * HID])
    o = jax.nn.sigmoid(g[:, 3 * HID:4 * HID])
    c = f * c + i * gg
    return o * jnp.tanh(c), c


def _tc_lstm_body(xb_ref, w0x_ref, w0h_ref, b0_ref, w1x_ref, w1h_ref, b1_ref,
                  out_ref, hseq_ref):
    h = jnp.zeros((BLK, HID), jnp.float32)
    c = jnp.zeros((BLK, HID), jnp.float32)
    b0 = b0_ref[...]
    w0x = w0x_ref[...]
    w0h = w0h_ref[...]
    for t in range(T_STEPS):
        xt = xb_ref[:, t * IN_SZ:(t + 1) * IN_SZ]
        g = (jnp.dot(xt, w0x, preferred_element_type=jnp.float32)
             + jnp.dot(h, w0h, preferred_element_type=jnp.float32) + b0)
        h, c = _lstm_gates(g, c)
        hseq_ref[:, t * HID:(t + 1) * HID] = h
    h1 = jnp.zeros((BLK, HID), jnp.float32)
    c1 = jnp.zeros((BLK, HID), jnp.float32)
    b1 = b1_ref[...]
    w1x = w1x_ref[...]
    w1h = w1h_ref[...]
    for t in range(T_STEPS):
        xt = hseq_ref[:, t * HID:(t + 1) * HID]
        g = (jnp.dot(xt, w1x, preferred_element_type=jnp.float32)
             + jnp.dot(h1, w1h, preferred_element_type=jnp.float32) + b1)
        h1, c1 = _lstm_gates(g, c1)
    out_ref[...] = jnp.mean(h1, axis=1, keepdims=True)


def _full(shape):
    return pl.BlockSpec(shape, lambda i: tuple(0 for _ in shape))


_tc_y = pl.pallas_call(
    _tc_y_body,
    grid=(GRID,),
    in_specs=[
        pl.BlockSpec((BLK, FEAT), lambda i: (i, 0)),
        _full((FEAT, FEAT)),
        pl.BlockSpec((2, BLK, DEG_COLS), lambda i: (0, i, 0)),
    ],
    out_specs=pl.BlockSpec((BLK, FEAT), lambda i: (i, 0)),
    out_shape=jax.ShapeDtypeStruct((N_NODES, FEAT), jnp.float32),
)

_tc_combine = pl.pallas_call(
    _tc_combine_body,
    grid=(GRID,),
    in_specs=[
        pl.BlockSpec((2, BLK, FEAT), lambda i: (0, i, 0)),
        pl.BlockSpec((BLK, FEAT), lambda i: (i, 0)),
        pl.BlockSpec((2, BLK, DEG_COLS), lambda i: (0, i, 0)),
        _full((1, FEAT)),
        _full((FEAT, FEAT)),
    ],
    out_specs=pl.BlockSpec((BLK, FEAT), lambda i: (i, 0)),
    out_shape=jax.ShapeDtypeStruct((N_NODES, FEAT), jnp.float32),
)

_tc_final = pl.pallas_call(
    _tc_final_body,
    grid=(GRID,),
    in_specs=[
        pl.BlockSpec((2, BLK, FEAT), lambda i: (0, i, 0)),
        pl.BlockSpec((BLK, FEAT), lambda i: (i, 0)),
        pl.BlockSpec((2, BLK, DEG_COLS), lambda i: (0, i, 0)),
        _full((1, FEAT)),
        pl.BlockSpec((BLK, 1), lambda i: (i, 0)),
        pl.BlockSpec((BLK, 2), lambda i: (i, 0)),
        _full((FEAT, HID)),
        _full((1, HID)),
        _full((2, HID)),
        _full((1, HID)),
        _full((HID, HID)),
        _full((1, HID)),
        _full((HID, 1)),
        _full((1, 1)),
    ],
    out_specs=pl.BlockSpec((BLK, 1), lambda i: (i, 0)),
    out_shape=jax.ShapeDtypeStruct((N_NODES, 1), jnp.float32),
)

_tc_lstm = pl.pallas_call(
    _tc_lstm_body,
    grid=(GRID,),
    in_specs=[
        pl.BlockSpec((BLK, T_STEPS * IN_SZ), lambda i: (i, 0)),
        _full((IN_SZ, 4 * HID)),
        _full((HID, 4 * HID)),
        _full((1, 4 * HID)),
        _full((HID, 4 * HID)),
        _full((HID, 4 * HID)),
        _full((1, 4 * HID)),
    ],
    out_specs=pl.BlockSpec((BLK, 1), lambda i: (i, 0)),
    out_shape=jax.ShapeDtypeStruct((N_NODES, 1), jnp.float32),
    scratch_shapes=[pltpu.VMEM((BLK, T_STEPS * HID), jnp.float32)],
)


def kernel(x, edge_index, lstm_data, W1, b1, W2, b2, Wih0, Whh0, bih0, bhh0,
           Wih1, Whh1, bih1, bhh1, lw1, lb1, lw2, lb2, lw3, lb3):
    ext = x[:, 0:2]
    xg = x[:, 2:]
    src = edge_index[0].astype(jnp.int32)
    dst = edge_index[1].astype(jnp.int32)
    pad = EDGE_ROWS * CHUNK - N_EDGES
    srcp = jnp.concatenate([src, jnp.zeros((pad,), jnp.int32)]).reshape(
        EDGE_ROWS, CHUNK)
    dstp = jnp.concatenate([dst, jnp.full((pad,), TRASH_ROW, jnp.int32)]).reshape(
        EDGE_ROWS, CHUNK)

    degp = _sc_degree(dstp)
    y1 = _tc_y(xg, W1, degp)
    acc1 = _sc_segsum(y1, srcp, dstp)
    y2 = _tc_combine(acc1, y1, degp, b1[None, :], W2)
    acc2 = _sc_segsum(y2, srcp, dstp)

    xt = _tc_lstm(lstm_data.reshape(N_NODES, T_STEPS * IN_SZ),
                  Wih0.T, Whh0.T, (bih0 + bhh0)[None, :],
                  Wih1.T, Whh1.T, (bih1 + bhh1)[None, :])

    return _tc_final(acc2, y2, degp, b2[None, :], xt, ext,
                     lw1[:FEAT], lw1[FEAT:FEAT + 1], lw1[FEAT + 1:],
                     lb1[None, :], lw2, lb2[None, :], lw3, lb3[None, :])

# --- scband reference (transcript-rebuilt; emitter-appended) ---
"""Pipeline reference for scband-my-net-16338055594085 (READ-ONLY COPY).

The authoritative reference and input builder live on the scoring server;
editing this copy changes nothing except your own understanding.
"""

import jax, jax.numpy as jnp
import numpy as np

N = 10000
E = 320000
F_IN = 128
HC = 128
T = 20
IN_SZ = 16
HID = 64


def _gcn_conv(x, src, dst, W, b, n_nodes):
    # PyG GCNConv: add self-loops, symmetric normalization, x @ W then aggregate
    sl = jnp.arange(n_nodes, dtype=src.dtype)
    src_sl = jnp.concatenate([src, sl])
    dst_sl = jnp.concatenate([dst, sl])
    deg = jnp.zeros((n_nodes,), dtype=x.dtype).at[dst_sl].add(1.0)
    dinv = jax.lax.rsqrt(deg)
    norm = dinv[src_sl] * dinv[dst_sl]
    xw = x @ W
    msgs = xw[src_sl] * norm[:, None]
    out = jax.ops.segment_sum(msgs, dst_sl, num_segments=n_nodes)
    return out + b


def _lstm_layer(xs, Wih, Whh, bih, bhh):
    # xs: [N, T, in]; PyTorch gate order i, f, g, o
    n = xs.shape[0]
    h_dim = Whh.shape[1]
    h0 = jnp.zeros((n, h_dim), dtype=xs.dtype)
    c0 = jnp.zeros((n, h_dim), dtype=xs.dtype)

    def step(carry, x_t):
        h, c = carry
        gates = x_t @ Wih.T + h @ Whh.T + bih + bhh
        i, f, g, o = jnp.split(gates, 4, axis=-1)
        i = jax.nn.sigmoid(i)
        f = jax.nn.sigmoid(f)
        g = jnp.tanh(g)
        o = jax.nn.sigmoid(o)
        c = f * c + i * g
        h = o * jnp.tanh(c)
        return (h, c), h

    (_, _), hs = jax.lax.scan(step, (h0, c0), jnp.swapaxes(xs, 0, 1))
    return jnp.swapaxes(hs, 0, 1)


def setup_inputs(seed: int = 0) -> dict:
    key = jax.random.key(seed)
    ks = jax.random.split(key, 20)
    s = 0.05
    inp = {}
    inp["x"] = jax.random.normal(ks[0], (N, F_IN + 2), dtype=jnp.float32)
    inp["edge_index"] = jax.random.randint(ks[1], (2, E), 0, N)
    inp["lstm_data"] = jax.random.normal(ks[2], (N, T, IN_SZ), dtype=jnp.float32)
    inp["W1"] = s * jax.random.normal(ks[3], (F_IN, HC), dtype=jnp.float32)
    inp["b1"] = jnp.zeros((HC,), dtype=jnp.float32)
    inp["W2"] = s * jax.random.normal(ks[4], (HC, HC), dtype=jnp.float32)
    inp["b2"] = jnp.zeros((HC,), dtype=jnp.float32)
    inp["Wih0"] = s * jax.random.normal(ks[5], (4 * HID, IN_SZ), dtype=jnp.float32)
    inp["Whh0"] = s * jax.random.normal(ks[6], (4 * HID, HID), dtype=jnp.float32)
    inp["bih0"] = jnp.zeros((4 * HID,), dtype=jnp.float32)
    inp["bhh0"] = jnp.zeros((4 * HID,), dtype=jnp.float32)
    inp["Wih1"] = s * jax.random.normal(ks[7], (4 * HID, HID), dtype=jnp.float32)
    inp["Whh1"] = s * jax.random.normal(ks[8], (4 * HID, HID), dtype=jnp.float32)
    inp["bih1"] = jnp.zeros((4 * HID,), dtype=jnp.float32)
    inp["bhh1"] = jnp.zeros((4 * HID,), dtype=jnp.float32)
    inp["lw1"] = s * jax.random.normal(ks[9], (HC + 3, 64), dtype=jnp.float32)
    inp["lb1"] = jnp.zeros((64,), dtype=jnp.float32)
    inp["lw2"] = s * jax.random.normal(ks[10], (64, 64), dtype=jnp.float32)
    inp["lb2"] = jnp.zeros((64,), dtype=jnp.float32)
    inp["lw3"] = s * jax.random.normal(ks[11], (64, 1), dtype=jnp.float32)
    inp["lb3"] = jnp.zeros((1,), dtype=jnp.float32)
    return inp


def reference(x, edge_index, lstm_data, W1, b1, W2, b2, Wih0, Whh0, bih0, bhh0, Wih1, Whh1, bih1, bhh1, lw1, lb1, lw2, lb2, lw3, lb3):
    src, dst = edge_index[0], edge_index[1]
    external_data = x[:, 0:2]
    xg = x[:, 2:]
    # temporal branch: 2-layer LSTM, take last timestep, reduce to scalar per node
    h = _lstm_layer(lstm_data, Wih0, Whh0, bih0, bhh0)
    h = _lstm_layer(h, Wih1, Whh1, bih1, bhh1)
    x_temporal = h[:, -1, :]
    # data_process.process_lstm_output: reduce hidden vector to one value per node
    x_temporal = jnp.mean(x_temporal, axis=-1)
    x_temporal = x_temporal.reshape(-1, 1)
    # GNN branch
    xg = _gcn_conv(xg, src, dst, W1, b1, N)
    xg = jax.nn.relu(xg)
    xg = _gcn_conv(xg, src, dst, W2, b2, N)
    xg = jax.nn.relu(xg)
    x_merge = jnp.concatenate((xg, x_temporal, external_data), axis=1)
    x_merge = jax.nn.relu(x_merge)
    x_merge = jax.nn.relu(x_merge @ lw1 + lb1)
    x_merge = jax.nn.relu(x_merge @ lw2 + lb2)
    x_merge = x_merge @ lw3 + lb3
    return x_merge

if __name__ == "__main__":
    import jax
    _d = setup_inputs()
    print(jax.jit(kernel)(*tuple(_d.values())))

</pallas_src>

<mosaic_0001>
#map = affine_map<(d0, d1) -> (0, 0)>
#map1 = affine_map<(d0, d1) -> (0, 0, 0)>
module attributes {stable_mosaic.version = 14 : i64} {
  func.func @_sc_segsum(%arg0: i32, %arg1: i32, %arg2: memref<10000x128xf32, #tpu.memory_space<hbm>>, %arg3: memref<2560x128xi32, #tpu.memory_space<hbm>>, %arg4: memref<2560x128xi32, #tpu.memory_space<hbm>>, %arg5: memref<2x10240x128xf32, #tpu.memory_space<hbm>>, %arg6: memref<40x128xi32, #tpu.memory_space<vmem>>, %arg7: memref<40x128xi32, #tpu.memory_space<vmem>>, %arg8: memref<2x128x128xf32, #tpu.memory_space<vmem>>, %arg9: memref<10240x128xf32, #tpu.memory_space<vmem_shared>>, %arg10: memref<!tpu.dma_semaphore, #tpu.memory_space<semaphore_mem>>, %arg11: memref<!tpu.dma_semaphore, #tpu.memory_space<semaphore_mem>>) attributes {dimension_semantics = [#tpu.dimension_semantics<core_parallel>, #tpu.dimension_semantics<subcore_parallel>], iteration_bounds = array<i64: 2, 16>, scalar_prefetch = 0 : i64, scratch_operands = 6 : i64, tpu.core_type = #tpu.core_type<sc_vector_subcore>, window_params = [{transform_indices = #map}, {transform_indices = #map}, {transform_indices = #map}, {transform_indices = #map1}]} {
    %mul3A = arith.constant 2 : i32
    %mul3A_0 = arith.muli %arg1, %mul3A : i32
    %add3A = arith.addi %mul3A_0, %arg0 : i32
    %mul3A_1 = arith.constant 640 : i32
    %mul3A_2 = arith.muli %arg1, %mul3A_1 : i32
    %mul3A_3 = arith.constant 80 : i32
    %mul3A_4 = arith.muli %add3A, %mul3A_3 : i32
    %scan3A = arith.constant 0 : i32
    %scan3A_5 = arith.constant 0 : i32
    %scan3A_6 = arith.constant 0 : i32
    %scan3A_7 = arith.constant 128 : i32
    %scan3A_8 = arith.addi %scan3A_6, %scan3A_7 : i32
    %scan3A_9 = arith.constant 1 : i32
    scf.for %scan3A_184 = %scan3A_6 to %scan3A_8 step %scan3A_9  : i32 {
      %scan3A_185 = arith.constant 0 : i32
      %scan3A_186 = arith.constant 8 : i32
      %scan3A_187 = arith.addi %scan3A_185, %scan3A_186 : i32
      %scan3A_188 = arith.constant 1 : i32
      scf.for %scan3A_190 = %scan3A_185 to %scan3A_187 step %scan3A_188  : i32 {
        %broadcast_in_dim3A = arith.constant 0.000000e+00 : f32
        %broadcast_in_dim3A_191 = vector.broadcast %broadcast_in_dim3A : f32 to vector<16xf32>
        %mul3A_192 = arith.constant 16 : i32
        %mul3A_193 = arith.muli %scan3A_190, %mul3A_192 : i32
        %swap3A = arith.constant 0 : i32
        %swap3A_194 = arith.constant 0 : i32
        %swap3A_195 = tpu.memref_slice %arg8[%scan3A_5, %swap3A, %swap3A_194] : memref<2x128x128xf32, #tpu.memory_space<vmem>> -> memref<1x128x128xf32, #tpu.memory_space<vmem>>
        %swap3A_196 = tpu.memref_squeeze %swap3A_195 : memref<1x128x128xf32, #tpu.memory_space<vmem>> -> memref<128x128xf32, #tpu.memory_space<vmem>>
        %swap3A_197 = arith.index_cast %scan3A_184 : i32 to index
        %swap3A_198 = arith.index_cast %mul3A_193 : i32 to index
        %swap3A_199 = tpu.vector_load %swap3A_196[%swap3A_197, %swap3A_198] {strides = array<i32>} : memref<128x128xf32, #tpu.memory_space<vmem>>, vector<1x16xf32>,
        %swap3A_200 = vector.shape_cast %swap3A_199 : vector<1x16xf32> to vector<16xf32>
        %swap3A_201 = vector.shape_cast %broadcast_in_dim3A_191 : vector<16xf32> to vector<1x16xf32>
        tpu.vector_store %swap3A_196[%swap3A_197, %swap3A_198], %swap3A_201 {strides = array<i32>} : memref<128x128xf32, #tpu.memory_space<vmem>>, vector<1x16xf32>,
      }
      %scan3A_189 = arith.constant 8 : i32
    }
    %scan3A_10 = arith.constant 128 : i32
    %add3A_11 = arith.constant 0 : i32
    %add3A_12 = arith.addi %mul3A_2, %add3A_11 : i32
    %run_scoped3A = arith.constant 0 : i32
    "tpu.region"() ({
      %run_scoped3A_184 = tpu.sem_alloc : memref<!tpu.dma_semaphore, #tpu.memory_space<semaphore_mem>>
      %dma_start3A_185 = arith.constant 0 : i32
      %dma_start3A_186 = arith.constant 0 : i32
      %dma_start3A_187 = tpu.memref_slice %arg8[%run_scoped3A, %dma_start3A_185, %dma_start3A_186] : memref<2x128x128xf32, #tpu.memory_space<vmem>> -> memref<1x128x128xf32, #tpu.memory_space<vmem>>
      %dma_start3A_188 = tpu.memref_squeeze %dma_start3A_187 : memref<1x128x128xf32, #tpu.memory_space<vmem>> -> memref<128x128xf32, #tpu.memory_space<vmem>>
      %dma_start3A_189 = arith.constant 0 : i32
      %dma_start3A_190 = tpu.memref_slice %arg9[%add3A_12, %dma_start3A_189] : memref<10240x128xf32, #tpu.memory_space<vmem_shared>> -> memref<128x128xf32, #tpu.memory_space<vmem_shared>>
      %dma_start3A_191 = arith.constant 0 : i32
      %dma_start3A_192 = tpu.memref_slice %arg9[%add3A_12, %dma_start3A_191] : memref<10240x128xf32, #tpu.memory_space<vmem_shared>> -> memref<128x128xf32, #tpu.memory_space<vmem_shared>>
      %dma_start3A_193 = arith.constant 0 : i32
      %dma_start3A_194 = arith.constant 0 : i32
      %dma_start3A_195 = tpu.memref_slice %arg8[%run_scoped3A, %dma_start3A_193, %dma_start3A_194] : memref<2x128x128xf32, #tpu.memory_space<vmem>> -> memref<1x128x128xf32, #tpu.memory_space<vmem>>
      %dma_start3A_196 = tpu.memref_squeeze %dma_start3A_195 : memref<1x128x128xf32, #tpu.memory_space<vmem>> -> memref<128x128xf32, #tpu.memory_space<vmem>>
      tpu.enqueue_dma source(%dma_start3A_196 : memref<128x128xf32, #tpu.memory_space<vmem>>) target(%dma_start3A_192 : memref<128x128xf32, #tpu.memory_space<vmem_shared>>) target_semaphore(%run_scoped3A_184 : memref<!tpu.dma_semaphore, #tpu.memory_space<semaphore_mem>>)
      %dma_wait3A_197 = arith.constant 0 : i32
      %dma_wait3A_198 = arith.constant 0 : i32
      %dma_wait3A_199 = tpu.memref_slice %arg8[%run_scoped3A, %dma_wait3A_197, %dma_wait3A_198] : memref<2x128x128xf32, #tpu.memory_space<vmem>> -> memref<1x128x128xf32, #tpu.memory_space<vmem>>
      %dma_wait3A_200 = tpu.memref_squeeze %dma_wait3A_199 : memref<1x128x128xf32, #tpu.memory_space<vmem>> -> memref<128x128xf32, #tpu.memory_space<vmem>>
      %dma_wait3A_201 = arith.constant 0 : i32
      %dma_wait3A_202 = tpu.memref_slice %arg9[%add3A_12, %dma_wait3A_201] : memref<10240x128xf32, #tpu.memory_space<vmem_shared>> -> memref<128x128xf32, #tpu.memory_space<vmem_shared>>
      %dma_wait3A_203 = arith.constant 0 : i32
      %dma_wait3A_204 = tpu.memref_slice %arg9[%add3A_12, %dma_wait3A_203] : memref<10240x128xf32, #tpu.memory_space<vmem_shared>> -> memref<128x128xf32, #tpu.memory_space<vmem_shared>>
      %dma_wait3A_205 = arith.constant 0 : i32
      %dma_wait3A_206 = arith.constant 0 : i32
      %dma_wait3A_207 = tpu.memref_slice %arg8[%run_scoped3A, %dma_wait3A_205, %dma_wait3A_206] : memref<2x128x128xf32, #tpu.memory_space<vmem>> -> memref<1x128x128xf32, #tpu.memory_space<vmem>>
      %dma_wait3A_208 = tpu.memref_squeeze %dma_wait3A_207 : memref<1x128x128xf32, #tpu.memory_space<vmem>> -> memref<128x128xf32, #tpu.memory_space<vmem>>
      tpu.wait_dma2 semaphore(%run_scoped3A_184 : memref<!tpu.dma_semaphore, #tpu.memory_space<semaphore_mem>>) src(%dma_wait3A_208 : memref<128x128xf32, #tpu.memory_space<vmem>>) dst(%dma_wait3A_204 : memref<128x128xf32, #tpu.memory_space<vmem_shared>>)
      tpu.yield
    }) : () -> ()
    %add3A_13 = arith.constant 128 : i32
    %add3A_14 = arith.addi %mul3A_2, %add3A_13 : i32
    %run_scoped3A_15 = arith.constant 0 : i32
    "tpu.region"() ({
      %run_scoped3A_184 = tpu.sem_alloc : memref<!tpu.dma_semaphore, #tpu.memory_space<semaphore_mem>>
      %dma_start3A_185 = arith.constant 0 : i32
      %dma_start3A_186 = arith.constant 0 : i32
      %dma_start3A_187 = tpu.memref_slice %arg8[%run_scoped3A_15, %dma_start3A_185, %dma_start3A_186] : memref<2x128x128xf32, #tpu.memory_space<vmem>> -> memref<1x128x128xf32, #tpu.memory_space<vmem>>
      %dma_start3A_188 = tpu.memref_squeeze %dma_start3A_187 : memref<1x128x128xf32, #tpu.memory_space<vmem>> -> memref<128x128xf32, #tpu.memory_space<vmem>>
      %dma_start3A_189 = arith.constant 0 : i32
      %dma_start3A_190 = tpu.memref_slice %arg9[%add3A_14, %dma_start3A_189] : memref<10240x128xf32, #tpu.memory_space<vmem_shared>> -> memref<128x128xf32, #tpu.memory_space<vmem_shared>>
      %dma_start3A_191 = arith.constant 0 : i32
      %dma_start3A_192 = tpu.memref_slice %arg9[%add3A_14, %dma_start3A_191] : memref<10240x128xf32, #tpu.memory_space<vmem_shared>> -> memref<128x128xf32, #tpu.memory_space<vmem_shared>>
      %dma_start3A_193 = arith.constant 0 : i32
      %dma_start3A_194 = arith.constant 0 : i32
      %dma_start3A_195 = tpu.memref_slice %arg8[%run_scoped3A_15, %dma_start3A_193, %dma_start3A_194] : memref<2x128x128xf32, #tpu.memory_space<vmem>> -> memref<1x128x128xf32, #tpu.memory_space<vmem>>
      %dma_start3A_196 = tpu.memref_squeeze %dma_start3A_195 : memref<1x128x128xf32, #tpu.memory_space<vmem>> -> memref<128x128xf32, #tpu.memory_space<vmem>>
      tpu.enqueue_dma source(%dma_start3A_196 : memref<128x128xf32, #tpu.memory_space<vmem>>) target(%dma_start3A_192 : memref<128x128xf32, #tpu.memory_space<vmem_shared>>) target_semaphore(%run_scoped3A_184 : memref<!tpu.dma_semaphore, #tpu.memory_space<semaphore_mem>>)
      %dma_wait3A_197 = arith.constant 0 : i32
      %dma_wait3A_198 = arith.constant 0 : i32
      %dma_wait3A_199 = tpu.memref_slice %arg8[%run_scoped3A_15, %dma_wait3A_197, %dma_wait3A_198] : memref<2x128x128xf32, #tpu.memory_space<vmem>> -> memref<1x128x128xf32, #tpu.memory_space<vmem>>
      %dma_wait3A_200 = tpu.memref_squeeze %dma_wait3A_199 : memref<1x128x128xf32, #tpu.memory_space<vmem>> -> memref<128x128xf32, #tpu.memory_space<vmem>>
      %dma_wait3A_201 = arith.constant 0 : i32
      %dma_wait3A_202 = tpu.memref_slice %arg9[%add3A_14, %dma_wait3A_201] : memref<10240x128xf32, #tpu.memory_space<vmem_shared>> -> memref<128x128xf32, #tpu.memory_space<vmem_shared>>
      %dma_wait3A_203 = arith.constant 0 : i32
      %dma_wait3A_204 = tpu.memref_slice %arg9[%add3A_14, %dma_wait3A_203] : memref<10240x128xf32, #tpu.memory_space<vmem_shared>> -> memref<128x128xf32, #tpu.memory_space<vmem_shared>>
      %dma_wait3A_205 = arith.constant 0 : i32
      %dma_wait3A_206 = arith.constant 0 : i32
      %dma_wait3A_207 = tpu.memref_slice %arg8[%run_scoped3A_15, %dma_wait3A_205, %dma_wait3A_206] : memref<2x128x128xf32, #tpu.memory_space<vmem>> -> memref<1x128x128xf32, #tpu.memory_space<vmem>>
      %dma_wait3A_208 = tpu.memref_squeeze %dma_wait3A_207 : memref<1x128x128xf32, #tpu.memory_space<vmem>> -> memref<128x128xf32, #tpu.memory_space<vmem>>
      tpu.wait_dma2 semaphore(%run_scoped3A_184 : memref<!tpu.dma_semaphore, #tpu.memory_space<semaphore_mem>>) src(%dma_wait3A_208 : memref<128x128xf32, #tpu.memory_space<vmem>>) dst(%dma_wait3A_204 : memref<128x128xf32, #tpu.memory_space<vmem_shared>>)
      tpu.yield
    }) : () -> ()
    %add3A_16 = arith.constant 256 : i32
    %add3A_17 = arith.addi %mul3A_2, %add3A_16 : i32
    %run_scoped3A_18 = arith.constant 0 : i32
    "tpu.region"() ({
      %run_scoped3A_184 = tpu.sem_alloc : memref<!tpu.dma_semaphore, #tpu.memory_space<semaphore_mem>>
      %dma_start3A_185 = arith.constant 0 : i32
      %dma_start3A_186 = arith.constant 0 : i32
      %dma_start3A_187 = tpu.memref_slice %arg8[%run_scoped3A_18, %dma_start3A_185, %dma_start3A_186] : memref<2x128x128xf32, #tpu.memory_space<vmem>> -> memref<1x128x128xf32, #tpu.memory_space<vmem>>
      %dma_start3A_188 = tpu.memref_squeeze %dma_start3A_187 : memref<1x128x128xf32, #tpu.memory_space<vmem>> -> memref<128x128xf32, #tpu.memory_space<vmem>>
      %dma_start3A_189 = arith.constant 0 : i32
      %dma_start3A_190 = tpu.memref_slice %arg9[%add3A_17, %dma_start3A_189] : memref<10240x128xf32, #tpu.memory_space<vmem_shared>> -> memref<128x128xf32, #tpu.memory_space<vmem_shared>>
      %dma_start3A_191 = arith.constant 0 : i32
      %dma_start3A_192 = tpu.memref_slice %arg9[%add3A_17, %dma_start3A_191] : memref<10240x128xf32, #tpu.memory_space<vmem_shared>> -> memref<128x128xf32, #tpu.memory_space<vmem_shared>>
      %dma_start3A_193 = arith.constant 0 : i32
      %dma_start3A_194 = arith.constant 0 : i32
      %dma_start3A_195 = tpu.memref_slice %arg8[%run_scoped3A_18, %dma_start3A_193, %dma_start3A_194] : memref<2x128x128xf32, #tpu.memory_space<vmem>> -> memref<1x128x128xf32, #tpu.memory_space<vmem>>
      %dma_start3A_196 = tpu.memref_squeeze %dma_start3A_195 : memref<1x128x128xf32, #tpu.memory_space<vmem>> -> memref<128x128xf32, #tpu.memory_space<vmem>>
      tpu.enqueue_dma source(%dma_start3A_196 : memref<128x128xf32, #tpu.memory_space<vmem>>) target(%dma_start3A_192 : memref<128x128xf32, #tpu.memory_space<vmem_shared>>) target_semaphore(%run_scoped3A_184 : memref<!tpu.dma_semaphore, #tpu.memory_space<semaphore_mem>>)
      %dma_wait3A_197 = arith.constant 0 : i32
      %dma_wait3A_198 = arith.constant 0 : i32
      %dma_wait3A_199 = tpu.memref_slice %arg8[%run_scoped3A_18, %dma_wait3A_197, %dma_wait3A_198] : memref<2x128x128xf32, #tpu.memory_space<vmem>> -> memref<1x128x128xf32, #tpu.memory_space<vmem>>
      %dma_wait3A_200 = tpu.memref_squeeze %dma_wait3A_199 : memref<1x128x128xf32, #tpu.memory_space<vmem>> -> memref<128x128xf32, #tpu.memory_space<vmem>>
      %dma_wait3A_201 = arith.constant 0 : i32
      %dma_wait3A_202 = tpu.memref_slice %arg9[%add3A_17, %dma_wait3A_201] : memref<10240x128xf32, #tpu.memory_space<vmem_shared>> -> memref<128x128xf32, #tpu.memory_space<vmem_shared>>
      %dma_wait3A_203 = arith.constant 0 : i32
      %dma_wait3A_204 = tpu.memref_slice %arg9[%add3A_17, %dma_wait3A_203] : memref<10240x128xf32, #tpu.memory_space<vmem_shared>> -> memref<128x128xf32, #tpu.memory_space<vmem_shared>>
      %dma_wait3A_205 = arith.constant 0 : i32
      %dma_wait3A_206 = arith.constant 0 : i32
      %dma_wait3A_207 = tpu.memref_slice %arg8[%run_scoped3A_18, %dma_wait3A_205, %dma_wait3A_206] : memref<2x128x128xf32, #tpu.memory_space<vmem>> -> memref<1x128x128xf32, #tpu.memory_space<vmem>>
      %dma_wait3A_208 = tpu.memref_squeeze %dma_wait3A_207 : memref<1x128x128xf32, #tpu.memory_space<vmem>> -> memref<128x128xf32, #tpu.memory_space<vmem>>
      tpu.wait_dma2 semaphore(%run_scoped3A_184 : memref<!tpu.dma_semaphore, #tpu.memory_space<semaphore_mem>>) src(%dma_wait3A_208 : memref<128x128xf32, #tpu.memory_space<vmem>>) dst(%dma_wait3A_204 : memref<128x128xf32, #tpu.memory_space<vmem_shared>>)
      tpu.yield
    }) : () -> ()
    %add3A_19 = arith.constant 384 : i32
    %add3A_20 = arith.addi %mul3A_2, %add3A_19 : i32
    %run_scoped3A_21 = arith.constant 0 : i32
    "tpu.region"() ({
      %run_scoped3A_184 = tpu.sem_alloc : memref<!tpu.dma_semaphore, #tpu.memory_space<semaphore_mem>>
      %dma_start3A_185 = arith.constant 0 : i32
      %dma_start3A_186 = arith.constant 0 : i32
      %dma_start3A_187 = tpu.memref_slice %arg8[%run_scoped3A_21, %dma_start3A_185, %dma_start3A_186] : memref<2x128x128xf32, #tpu.memory_space<vmem>> -> memref<1x128x128xf32, #tpu.memory_space<vmem>>
      %dma_start3A_188 = tpu.memref_squeeze %dma_start3A_187 : memref<1x128x128xf32, #tpu.memory_space<vmem>> -> memref<128x128xf32, #tpu.memory_space<vmem>>
      %dma_start3A_189 = arith.constant 0 : i32
      %dma_start3A_190 = tpu.memref_slice %arg9[%add3A_20, %dma_start3A_189] : memref<10240x128xf32, #tpu.memory_space<vmem_shared>> -> memref<128x128xf32, #tpu.memory_space<vmem_shared>>
      %dma_start3A_191 = arith.constant 0 : i32
      %dma_start3A_192 = tpu.memref_slice %arg9[%add3A_20, %dma_start3A_191] : memref<10240x128xf32, #tpu.memory_space<vmem_shared>> -> memref<128x128xf32, #tpu.memory_space<vmem_shared>>
      %dma_start3A_193 = arith.constant 0 : i32
      %dma_start3A_194 = arith.constant 0 : i32
      %dma_start3A_195 = tpu.memref_slice %arg8[%run_scoped3A_21, %dma_start3A_193, %dma_start3A_194] : memref<2x128x128xf32, #tpu.memory_space<vmem>> -> memref<1x128x128xf32, #tpu.memory_space<vmem>>
      %dma_start3A_196 = tpu.memref_squeeze %dma_start3A_195 : memref<1x128x128xf32, #tpu.memory_space<vmem>> -> memref<128x128xf32, #tpu.memory_space<vmem>>
      tpu.enqueue_dma source(%dma_start3A_196 : memref<128x128xf32, #tpu.memory_space<vmem>>) target(%dma_start3A_192 : memref<128x128xf32, #tpu.memory_space<vmem_shared>>) target_semaphore(%run_scoped3A_184 : memref<!tpu.dma_semaphore, #tpu.memory_space<semaphore_mem>>)
      %dma_wait3A_197 = arith.constant 0 : i32
      %dma_wait3A_198 = arith.constant 0 : i32
      %dma_wait3A_199 = tpu.memref_slice %arg8[%run_scoped3A_21, %dma_wait3A_197, %dma_wait3A_198] : memref<2x128x128xf32, #tpu.memory_space<vmem>> -> memref<1x128x128xf32, #tpu.memory_space<vmem>>
      %dma_wait3A_200 = tpu.memref_squeeze %dma_wait3A_199 : memref<1x128x128xf32, #tpu.memory_space<vmem>> -> memref<128x128xf32, #tpu.memory_space<vmem>>
      %dma_wait3A_201 = arith.constant 0 : i32
      %dma_wait3A_202 = tpu.memref_slice %arg9[%add3A_20, %dma_wait3A_201] : memref<10240x128xf32, #tpu.memory_space<vmem_shared>> -> memref<128x128xf32, #tpu.memory_space<vmem_shared>>
      %dma_wait3A_203 = arith.constant 0 : i32
      %dma_wait3A_204 = tpu.memref_slice %arg9[%add3A_20, %dma_wait3A_203] : memref<10240x128xf32, #tpu.memory_space<vmem_shared>> -> memref<128x128xf32, #tpu.memory_space<vmem_shared>>
      %dma_wait3A_205 = arith.constant 0 : i32
      %dma_wait3A_206 = arith.constant 0 : i32
      %dma_wait3A_207 = tpu.memref_slice %arg8[%run_scoped3A_21, %dma_wait3A_205, %dma_wait3A_206] : memref<2x128x128xf32, #tpu.memory_space<vmem>> -> memref<1x128x128xf32, #tpu.memory_space<vmem>>
      %dma_wait3A_208 = tpu.memref_squeeze %dma_wait3A_207 : memref<1x128x128xf32, #tpu.memory_space<vmem>> -> memref<128x128xf32, #tpu.memory_space<vmem>>
      tpu.wait_dma2 semaphore(%run_scoped3A_184 : memref<!tpu.dma_semaphore, #tpu.memory_space<semaphore_mem>>) src(%dma_wait3A_208 : memref<128x128xf32, #tpu.memory_space<vmem>>) dst(%dma_wait3A_204 : memref<128x128xf32, #tpu.memory_space<vmem_shared>>)
      tpu.yield
    }) : () -> ()
    %add3A_22 = arith.constant 512 : i32
    %add3A_23 = arith.addi %mul3A_2, %add3A_22 : i32
    %run_scoped3A_24 = arith.constant 0 : i32
    "tpu.region"() ({
      %run_scoped3A_184 = tpu.sem_alloc : memref<!tpu.dma_semaphore, #tpu.memory_space<semaphore_mem>>
      %dma_start3A_185 = arith.constant 0 : i32
      %dma_start3A_186 = arith.constant 0 : i32
      %dma_start3A_187 = tpu.memref_slice %arg8[%run_scoped3A_24, %dma_start3A_185, %dma_start3A_186] : memref<2x128x128xf32, #tpu.memory_space<vmem>> -> memref<1x128x128xf32, #tpu.memory_space<vmem>>
      %dma_start3A_188 = tpu.memref_squeeze %dma_start3A_187 : memref<1x128x128xf32, #tpu.memory_space<vmem>> -> memref<128x128xf32, #tpu.memory_space<vmem>>
      %dma_start3A_189 = arith.constant 0 : i32
      %dma_start3A_190 = tpu.memref_slice %arg9[%add3A_23, %dma_start3A_189] : memref<10240x128xf32, #tpu.memory_space<vmem_shared>> -> memref<128x128xf32, #tpu.memory_space<vmem_shared>>
      %dma_start3A_191 = arith.constant 0 : i32
      %dma_start3A_192 = tpu.memref_slice %arg9[%add3A_23, %dma_start3A_191] : memref<10240x128xf32, #tpu.memory_space<vmem_shared>> -> memref<128x128xf32, #tpu.memory_space<vmem_shared>>
      %dma_start3A_193 = arith.constant 0 : i32
      %dma_start3A_194 = arith.constant 0 : i32
      %dma_start3A_195 = tpu.memref_slice %arg8[%run_scoped3A_24, %dma_start3A_193, %dma_start3A_194] : memref<2x128x128xf32, #tpu.memory_space<vmem>> -> memref<1x128x128xf32, #tpu.memory_space<vmem>>
      %dma_start3A_196 = tpu.memref_squeeze %dma_start3A_195 : memref<1x128x128xf32, #tpu.memory_space<vmem>> -> memref<128x128xf32, #tpu.memory_space<vmem>>
      tpu.enqueue_dma source(%dma_start3A_196 : memref<128x128xf32, #tpu.memory_space<vmem>>) target(%dma_start3A_192 : memref<128x128xf32, #tpu.memory_space<vmem_shared>>) target_semaphore(%run_scoped3A_184 : memref<!tpu.dma_semaphore, #tpu.memory_space<semaphore_mem>>)
      %dma_wait3A_197 = arith.constant 0 : i32
      %dma_wait3A_198 = arith.constant 0 : i32
      %dma_wait3A_199 = tpu.memref_slice %arg8[%run_scoped3A_24, %dma_wait3A_197, %dma_wait3A_198] : memref<2x128x128xf32, #tpu.memory_space<vmem>> -> memref<1x128x128xf32, #tpu.memory_space<vmem>>
      %dma_wait3A_200 = tpu.memref_squeeze %dma_wait3A_199 : memref<1x128x128xf32, #tpu.memory_space<vmem>> -> memref<128x128xf32, #tpu.memory_space<vmem>>
      %dma_wait3A_201 = arith.constant 0 : i32
      %dma_wait3A_202 = tpu.memref_slice %arg9[%add3A_23, %dma_wait3A_201] : memref<10240x128xf32, #tpu.memory_space<vmem_shared>> -> memref<128x128xf32, #tpu.memory_space<vmem_shared>>
      %dma_wait3A_203 = arith.constant 0 : i32
      %dma_wait3A_204 = tpu.memref_slice %arg9[%add3A_23, %dma_wait3A_203] : memref<10240x128xf32, #tpu.memory_space<vmem_shared>> -> memref<128x128xf32, #tpu.memory_space<vmem_shared>>
      %dma_wait3A_205 = arith.constant 0 : i32
      %dma_wait3A_206 = arith.constant 0 : i32
      %dma_wait3A_207 = tpu.memref_slice %arg8[%run_scoped3A_24, %dma_wait3A_205, %dma_wait3A_206] : memref<2x128x128xf32, #tpu.memory_space<vmem>> -> memref<1x128x128xf32, #tpu.memory_space<vmem>>
      %dma_wait3A_208 = tpu.memref_squeeze %dma_wait3A_207 : memref<1x128x128xf32, #tpu.memory_space<vmem>> -> memref<128x128xf32, #tpu.memory_space<vmem>>
      tpu.wait_dma2 semaphore(%run_scoped3A_184 : memref<!tpu.dma_semaphore, #tpu.memory_space<semaphore_mem>>) src(%dma_wait3A_208 : memref<128x128xf32, #tpu.memory_space<vmem>>) dst(%dma_wait3A_204 : memref<128x128xf32, #tpu.memory_space<vmem_shared>>)
      tpu.yield
    }) : () -> ()
    %barrier3A = arith.constant 0 : index
    tpu.barrier barrier_id(%barrier3A)
    "tpu.region"() ({
      %run_scoped3A_184 = tpu.sem_alloc : memref<!tpu.dma_semaphore, #tpu.memory_space<semaphore_mem>>
      %dma_start3A_185 = arith.constant 0 : i32
      %dma_start3A_186 = tpu.memref_slice %arg3[%mul3A_4, %dma_start3A_185] : memref<2560x128xi32, #tpu.memory_space<hbm>> -> memref<40x128xi32, #tpu.memory_space<hbm>>
      %dma_start3A_187 = arith.constant 0 : i32
      %dma_start3A_188 = tpu.memref_slice %arg3[%mul3A_4, %dma_start3A_187] : memref<2560x128xi32, #tpu.memory_space<hbm>> -> memref<40x128xi32, #tpu.memory_space<hbm>>
      tpu.enqueue_dma source(%dma_start3A_188 : memref<40x128xi32, #tpu.memory_space<hbm>>) target(%arg6 : memref<40x128xi32, #tpu.memory_space<vmem>>) target_semaphore(%run_scoped3A_184 : memref<!tpu.dma_semaphore, #tpu.memory_space<semaphore_mem>>)
      %dma_wait3A_189 = arith.constant 0 : i32
      %dma_wait3A_190 = tpu.memref_slice %arg3[%mul3A_4, %dma_wait3A_189] : memref<2560x128xi32, #tpu.memory_space<hbm>> -> memref<40x128xi32, #tpu.memory_space<hbm>>
      %dma_wait3A_191 = arith.constant 0 : i32
      %dma_wait3A_192 = tpu.memref_slice %arg3[%mul3A_4, %dma_wait3A_191] : memref<2560x128xi32, #tpu.memory_space<hbm>> -> memref<40x128xi32, #tpu.memory_space<hbm>>
      tpu.wait_dma2 semaphore(%run_scoped3A_184 : memref<!tpu.dma_semaphore, #tpu.memory_space<semaphore_mem>>) src(%dma_wait3A_192 : memref<40x128xi32, #tpu.memory_space<hbm>>) dst(%arg6 : memref<40x128xi32, #tpu.memory_space<vmem>>)
      tpu.yield
    }) : () -> ()
    "tpu.region"() ({
      %run_scoped3A_184 = tpu.sem_alloc : memref<!tpu.dma_semaphore, #tpu.memory_space<semaphore_mem>>
      %dma_start3A_185 = arith.constant 0 : i32
      %dma_start3A_186 = tpu.memref_slice %arg4[%mul3A_4, %dma_start3A_185] : memref<2560x128xi32, #tpu.memory_space<hbm>> -> memref<40x128xi32, #tpu.memory_space<hbm>>
      %dma_start3A_187 = arith.constant 0 : i32
      %dma_start3A_188 = tpu.memref_slice %arg4[%mul3A_4, %dma_start3A_187] : memref<2560x128xi32, #tpu.memory_space<hbm>> -> memref<40x128xi32, #tpu.memory_space<hbm>>
      tpu.enqueue_dma source(%dma_start3A_188 : memref<40x128xi32, #tpu.memory_space<hbm>>) target(%arg7 : memref<40x128xi32, #tpu.memory_space<vmem>>) target_semaphore(%run_scoped3A_184 : memref<!tpu.dma_semaphore, #tpu.memory_space<semaphore_mem>>)
      %dma_wait3A_189 = arith.constant 0 : i32
      %dma_wait3A_190 = tpu.memref_slice %arg4[%mul3A_4, %dma_wait3A_189] : memref<2560x128xi32, #tpu.memory_space<hbm>> -> memref<40x128xi32, #tpu.memory_space<hbm>>
      %dma_wait3A_191 = arith.constant 0 : i32
      %dma_wait3A_192 = tpu.memref_slice %arg4[%mul3A_4, %dma_wait3A_191] : memref<2560x128xi32, #tpu.memory_space<hbm>> -> memref<40x128xi32, #tpu.memory_space<hbm>>
      tpu.wait_dma2 semaphore(%run_scoped3A_184 : memref<!tpu.dma_semaphore, #tpu.memory_space<semaphore_mem>>) src(%dma_wait3A_192 : memref<40x128xi32, #tpu.memory_space<hbm>>) dst(%arg7 : memref<40x128xi32, #tpu.memory_space<vmem>>)
      tpu.yield
    }) : () -> ()
    %dma_start3A = arith.constant 0 : i32
    %dma_start3A_25 = arith.constant 0 : i32
    %dma_start3A_26 = arith.constant 0 : i32
    %dma_start3A_27 = arith.constant 0 : i32
    %dma_start3A_28 = tpu.memref_slice %arg8[%dma_start3A_25, %dma_start3A_26, %dma_start3A_27] : memref<2x128x128xf32, #tpu.memory_space<vmem>> -> memref<1x128x128xf32, #tpu.memory_space<vmem>>
    %dma_start3A_29 = tpu.memref_squeeze %dma_start3A_28 : memref<1x128x128xf32, #tpu.memory_space<vmem>> -> memref<128x128xf32, #tpu.memory_space<vmem>>
    %dma_start3A_30 = arith.constant 0 : i32
    %dma_start3A_31 = tpu.memref_slice %arg6[%dma_start3A, %dma_start3A_30] : memref<40x128xi32, #tpu.memory_space<vmem>> -> memref<1x128xi32, #tpu.memory_space<vmem>>
    %dma_start3A_32 = tpu.memref_squeeze %dma_start3A_31 : memref<1x128xi32, #tpu.memory_space<vmem>> -> memref<128xi32, #tpu.memory_space<vmem>>
    %dma_start3A_33 = arith.constant 0 : i32
    %dma_start3A_34 = arith.constant 0 : i32
    %dma_start3A_35 = tpu.memref_slice %arg2[%dma_start3A_33, %dma_start3A_34] : memref<10000x128xf32, #tpu.memory_space<hbm>> -> memref<10000x128xf32, #tpu.memory_space<hbm>>
    tpu.enqueue_indirect_dma source(%dma_start3A_35 : memref<10000x128xf32, #tpu.memory_space<hbm>>) target(%dma_start3A_29 : memref<128x128xf32, #tpu.memory_space<vmem>>) offsets(%dma_start3A_32 : memref<128xi32, #tpu.memory_space<vmem>>) semaphore(%arg10 : memref<!tpu.dma_semaphore, #tpu.memory_space<semaphore_mem>>)
    %dma_start3A_36 = arith.constant 1 : i32
    %dma_start3A_37 = arith.constant 1 : i32
    %dma_start3A_38 = arith.constant 0 : i32
    %dma_start3A_39 = arith.constant 0 : i32
    %dma_start3A_40 = tpu.memref_slice %arg8[%dma_start3A_37, %dma_start3A_38, %dma_start3A_39] : memref<2x128x128xf32, #tpu.memory_space<vmem>> -> memref<1x128x128xf32, #tpu.memory_space<vmem>>
    %dma_start3A_41 = tpu.memref_squeeze %dma_start3A_40 : memref<1x128x128xf32, #tpu.memory_space<vmem>> -> memref<128x128xf32, #tpu.memory_space<vmem>>
    %dma_start3A_42 = arith.constant 0 : i32
    %dma_start3A_43 = tpu.memref_slice %arg6[%dma_start3A_36, %dma_start3A_42] : memref<40x128xi32, #tpu.memory_space<vmem>> -> memref<1x128xi32, #tpu.memory_space<vmem>>
    %dma_start3A_44 = tpu.memref_squeeze %dma_start3A_43 : memref<1x128xi32, #tpu.memory_space<vmem>> -> memref<128xi32, #tpu.memory_space<vmem>>
    %dma_start3A_45 = arith.constant 0 : i32
    %dma_start3A_46 = arith.constant 0 : i32
    %dma_start3A_47 = tpu.memref_slice %arg2[%dma_start3A_45, %dma_start3A_46] : memref<10000x128xf32, #tpu.memory_space<hbm>> -> memref<10000x128xf32, #tpu.memory_space<hbm>>
    tpu.enqueue_indirect_dma source(%dma_start3A_47 : memref<10000x128xf32, #tpu.memory_space<hbm>>) target(%dma_start3A_41 : memref<128x128xf32, #tpu.memory_space<vmem>>) offsets(%dma_start3A_44 : memref<128xi32, #tpu.memory_space<vmem>>) semaphore(%arg11 : memref<!tpu.dma_semaphore, #tpu.memory_space<semaphore_mem>>)
    %scan3A_48 = arith.constant 0 : i32
    %scan3A_49 = arith.constant 1 : i32
    %scan3A_50 = arith.constant 19 : i32
    %scan3A_51 = arith.addi %scan3A_49, %scan3A_50 : i32
    %scan3A_52 = arith.constant 1 : i32
    scf.for %scan3A_184 = %scan3A_49 to %scan3A_51 step %scan3A_52  : i32 {
      %mul3A_185 = arith.constant 2 : i32
      %mul3A_186 = arith.muli %scan3A_184, %mul3A_185 : i32
      %dma_wait3A_187 = arith.constant 0 : i32
      %dma_wait3A_188 = arith.constant 0 : i32
      %dma_wait3A_189 = arith.constant 0 : i32
      %dma_wait3A_190 = tpu.memref_slice %arg8[%dma_wait3A_187, %dma_wait3A_188, %dma_wait3A_189] : memref<2x128x128xf32, #tpu.memory_space<vmem>> -> memref<1x128x128xf32, #tpu.memory_space<vmem>>
      %dma_wait3A_191 = tpu.memref_squeeze %dma_wait3A_190 : memref<1x128x128xf32, #tpu.memory_space<vmem>> -> memref<128x128xf32, #tpu.memory_space<vmem>>
      %dma_wait3A_192 = arith.constant 0 : i32
      %dma_wait3A_193 = arith.constant 0 : i32
      %dma_wait3A_194 = tpu.memref_slice %arg2[%dma_wait3A_192, %dma_wait3A_193] : memref<10000x128xf32, #tpu.memory_space<hbm>> -> memref<128x128xf32, #tpu.memory_space<hbm>>
      %dma_wait3A_195 = arith.constant 0 : i32
      %dma_wait3A_196 = arith.constant 0 : i32
      %dma_wait3A_197 = tpu.memref_slice %arg8[%dma_wait3A_187, %dma_wait3A_195, %dma_wait3A_196] : memref<2x128x128xf32, #tpu.memory_space<vmem>> -> memref<1x128x128xf32, #tpu.memory_space<vmem>>
      %dma_wait3A_198 = tpu.memref_squeeze %dma_wait3A_197 : memref<1x128x128xf32, #tpu.memory_space<vmem>> -> memref<128x128xf32, #tpu.memory_space<vmem>>
      %dma_wait3A_199 = arith.constant 0 : i32
      %dma_wait3A_200 = arith.constant 0 : i32
      %dma_wait3A_201 = tpu.memref_slice %arg2[%dma_wait3A_199, %dma_wait3A_200] : memref<10000x128xf32, #tpu.memory_space<hbm>> -> memref<128x128xf32, #tpu.memory_space<hbm>>
      tpu.wait_dma2 semaphore(%arg10 : memref<!tpu.dma_semaphore, #tpu.memory_space<semaphore_mem>>) src(%dma_wait3A_201 : memref<128x128xf32, #tpu.memory_space<hbm>>) dst(%dma_wait3A_198 : memref<128x128xf32, #tpu.memory_space<vmem>>)
      %sub3A = arith.constant 2 : i32
      %sub3A_202 = arith.subi %mul3A_186, %sub3A : i32
      %add3A_203 = arith.constant 0 : i32
      %add3A_204 = arith.addi %sub3A_202, %add3A_203 : i32
      %run_scoped3A_205 = arith.constant 0 : i32
      "tpu.region"() ({
        %run_scoped3A_252 = tpu.sem_alloc : memref<!tpu.dma_semaphore, #tpu.memory_space<semaphore_mem>>
        %dma_start3A_253 = arith.constant 0 : i32
        %dma_start3A_254 = arith.constant 0 : i32
        %dma_start3A_255 = tpu.memref_slice %arg8[%run_scoped3A_205, %dma_start3A_253, %dma_start3A_254] : memref<2x128x128xf32, #tpu.memory_space<vmem>> -> memref<1x128x128xf32, #tpu.memory_space<vmem>>
        %dma_start3A_256 = tpu.memref_squeeze %dma_start3A_255 : memref<1x128x128xf32, #tpu.memory_space<vmem>> -> memref<128x128xf32, #tpu.memory_space<vmem>>
        %dma_start3A_257 = arith.constant 0 : i32
        %dma_start3A_258 = tpu.memref_slice %arg7[%add3A_204, %dma_start3A_257] : memref<40x128xi32, #tpu.memory_space<vmem>> -> memref<1x128xi32, #tpu.memory_space<vmem>>
        %dma_start3A_259 = tpu.memref_squeeze %dma_start3A_258 : memref<1x128xi32, #tpu.memory_space<vmem>> -> memref<128xi32, #tpu.memory_space<vmem>>
        %dma_start3A_260 = arith.constant 0 : i32
        %dma_start3A_261 = arith.constant 0 : i32
        %dma_start3A_262 = tpu.memref_slice %arg9[%dma_start3A_260, %dma_start3A_261] : memref<10240x128xf32, #tpu.memory_space<vmem_shared>> -> memref<10240x128xf32, #tpu.memory_space<vmem_shared>>
        tpu.enqueue_indirect_dma source(%dma_start3A_256 : memref<128x128xf32, #tpu.memory_space<vmem>>) target(%dma_start3A_262 : memref<10240x128xf32, #tpu.memory_space<vmem_shared>>) offsets(%dma_start3A_259 : memref<128xi32, #tpu.memory_space<vmem>>) semaphore(%run_scoped3A_252 : memref<!tpu.dma_semaphore, #tpu.memory_space<semaphore_mem>>) {add = true}
        %dma_wait3A_263 = arith.constant 0 : i32
        %dma_wait3A_264 = arith.constant 0 : i32
        %dma_wait3A_265 = tpu.memref_slice %arg8[%run_scoped3A_205, %dma_wait3A_263, %dma_wait3A_264] : memref<2x128x128xf32, #tpu.memory_space<vmem>> -> memref<1x128x128xf32, #tpu.memory_space<vmem>>
        %dma_wait3A_266 = tpu.memref_squeeze %dma_wait3A_265 : memref<1x128x128xf32, #tpu.memory_space<vmem>> -> memref<128x128xf32, #tpu.memory_space<vmem>>
        %dma_wait3A_267 = arith.constant 0 : i32
        %dma_wait3A_268 = tpu.memref_slice %arg7[%add3A_204, %dma_wait3A_267] : memref<40x128xi32, #tpu.memory_space<vmem>> -> memref<1x128xi32, #tpu.memory_space<vmem>>
        %dma_wait3A_269 = tpu.memref_squeeze %dma_wait3A_268 : memref<1x128xi32, #tpu.memory_space<vmem>> -> memref<128xi32, #tpu.memory_space<vmem>>
        %dma_wait3A_270 = arith.constant 0 : i32
        %dma_wait3A_271 = arith.constant 0 : i32
        %dma_wait3A_272 = tpu.memref_slice %arg9[%dma_wait3A_270, %dma_wait3A_271] : memref<10240x128xf32, #tpu.memory_space<vmem_shared>> -> memref<10240x128xf32, #tpu.memory_space<vmem_shared>>
        tpu.wait_indirect_dma semaphore(%run_scoped3A_252 : memref<!tpu.dma_semaphore, #tpu.memory_space<semaphore_mem>>) src(%dma_wait3A_266 : memref<128x128xf32, #tpu.memory_space<vmem>>) dst(%dma_wait3A_272 : memref<10240x128xf32, #tpu.memory_space<vmem_shared>>)
        tpu.yield
      }) : () -> ()
      %add3A_206 = arith.constant 0 : i32
      %add3A_207 = arith.addi %mul3A_186, %add3A_206 : i32
      %dma_start3A_208 = arith.constant 0 : i32
      %dma_start3A_209 = arith.constant 0 : i32
      %dma_start3A_210 = arith.constant 0 : i32
      %dma_start3A_211 = tpu.memref_slice %arg8[%dma_start3A_208, %dma_start3A_209, %dma_start3A_210] : memref<2x128x128xf32, #tpu.memory_space<vmem>> -> memref<1x128x128xf32, #tpu.memory_space<vmem>>
      %dma_start3A_212 = tpu.memref_squeeze %dma_start3A_211 : memref<1x128x128xf32, #tpu.memory_space<vmem>> -> memref<128x128xf32, #tpu.memory_space<vmem>>
      %dma_start3A_213 = arith.constant 0 : i32
      %dma_start3A_214 = tpu.memref_slice %arg6[%add3A_207, %dma_start3A_213] : memref<40x128xi32, #tpu.memory_space<vmem>> -> memref<1x128xi32, #tpu.memory_space<vmem>>
      %dma_start3A_215 = tpu.memref_squeeze %dma_start3A_214 : memref<1x128xi32, #tpu.memory_space<vmem>> -> memref<128xi32, #tpu.memory_space<vmem>>
      %dma_start3A_216 = arith.constant 0 : i32
      %dma_start3A_217 = arith.constant 0 : i32
      %dma_start3A_218 = tpu.memref_slice %arg2[%dma_start3A_216, %dma_start3A_217] : memref<10000x128xf32, #tpu.memory_space<hbm>> -> memref<10000x128xf32, #tpu.memory_space<hbm>>
      tpu.enqueue_indirect_dma source(%dma_start3A_218 : memref<10000x128xf32, #tpu.memory_space<hbm>>) target(%dma_start3A_212 : memref<128x128xf32, #tpu.memory_space<vmem>>) offsets(%dma_start3A_215 : memref<128xi32, #tpu.memory_space<vmem>>) semaphore(%arg10 : memref<!tpu.dma_semaphore, #tpu.memory_space<semaphore_mem>>)
      %dma_wait3A_219 = arith.constant 1 : i32
      %dma_wait3A_220 = arith.constant 0 : i32
      %dma_wait3A_221 = arith.constant 0 : i32
      %dma_wait3A_222 = tpu.memref_slice %arg8[%dma_wait3A_219, %dma_wait3A_220, %dma_wait3A_221] : memref<2x128x128xf32, #tpu.memory_space<vmem>> -> memref<1x128x128xf32, #tpu.memory_space<vmem>>
      %dma_wait3A_223 = tpu.memref_squeeze %dma_wait3A_222 : memref<1x128x128xf32, #tpu.memory_space<vmem>> -> memref<128x128xf32, #tpu.memory_space<vmem>>
      %dma_wait3A_224 = arith.constant 0 : i32
      %dma_wait3A_225 = arith.constant 0 : i32
      %dma_wait3A_226 = tpu.memref_slice %arg2[%dma_wait3A_224, %dma_wait3A_225] : memref<10000x128xf32, #tpu.memory_space<hbm>> -> memref<128x128xf32, #tpu.memory_space<hbm>>
      %dma_wait3A_227 = arith.constant 0 : i32
      %dma_wait3A_228 = arith.constant 0 : i32
      %dma_wait3A_229 = tpu.memref_slice %arg8[%dma_wait3A_219, %dma_wait3A_227, %dma_wait3A_228] : memref<2x128x128xf32, #tpu.memory_space<vmem>> -> memref<1x128x128xf32, #tpu.memory_space<vmem>>
      %dma_wait3A_230 = tpu.memref_squeeze %dma_wait3A_229 : memref<1x128x128xf32, #tpu.memory_space<vmem>> -> memref<128x128xf32, #tpu.memory_space<vmem>>
      %dma_wait3A_231 = arith.constant 0 : i32
      %dma_wait3A_232 = arith.constant 0 : i32
      %dma_wait3A_233 = tpu.memref_slice %arg2[%dma_wait3A_231, %dma_wait3A_232] : memref<10000x128xf32, #tpu.memory_space<hbm>> -> memref<128x128xf32, #tpu.memory_space<hbm>>
      tpu.wait_dma2 semaphore(%arg11 : memref<!tpu.dma_semaphore, #tpu.memory_space<semaphore_mem>>) src(%dma_wait3A_233 : memref<128x128xf32, #tpu.memory_space<hbm>>) dst(%dma_wait3A_230 : memref<128x128xf32, #tpu.memory_space<vmem>>)
      %sub3A_234 = arith.constant 2 : i32
      %sub3A_235 = arith.subi %mul3A_186, %sub3A_234 : i32
      %add3A_236 = arith.constant 1 : i32
      %add3A_237 = arith.addi %sub3A_235, %add3A_236 : i32
      %run_scoped3A_238 = arith.constant 1 : i32
      "tpu.region"() ({
        %run_scoped3A_252 = tpu.sem_alloc : memref<!tpu.dma_semaphore, #tpu.memory_space<semaphore_mem>>
        %dma_start3A_253 = arith.constant 0 : i32
        %dma_start3A_254 = arith.constant 0 : i32
        %dma_start3A_255 = tpu.memref_slice %arg8[%run_scoped3A_238, %dma_start3A_253, %dma_start3A_254] : memref<2x128x128xf32, #tpu.memory_space<vmem>> -> memref<1x128x128xf32, #tpu.memory_space<vmem>>
        %dma_start3A_256 = tpu.memref_squeeze %dma_start3A_255 : memref<1x128x128xf32, #tpu.memory_space<vmem>> -> memref<128x128xf32, #tpu.memory_space<vmem>>
        %dma_start3A_257 = arith.constant 0 : i32
        %dma_start3A_258 = tpu.memref_slice %arg7[%add3A_237, %dma_start3A_257] : memref<40x128xi32, #tpu.memory_space<vmem>> -> memref<1x128xi32, #tpu.memory_space<vmem>>
        %dma_start3A_259 = tpu.memref_squeeze %dma_start3A_258 : memref<1x128xi32, #tpu.memory_space<vmem>> -> memref<128xi32, #tpu.memory_space<vmem>>
        %dma_start3A_260 = arith.constant 0 : i32
        %dma_start3A_261 = arith.constant 0 : i32
        %dma_start3A_262 = tpu.memref_slice %arg9[%dma_start3A_260, %dma_start3A_261] : memref<10240x128xf32, #tpu.memory_space<vmem_shared>> -> memref<10240x128xf32, #tpu.memory_space<vmem_shared>>
        tpu.enqueue_indirect_dma source(%dma_start3A_256 : memref<128x128xf32, #tpu.memory_space<vmem>>) target(%dma_start3A_262 : memref<10240x128xf32, #tpu.memory_space<vmem_shared>>) offsets(%dma_start3A_259 : memref<128xi32, #tpu.memory_space<vmem>>) semaphore(%run_scoped3A_252 : memref<!tpu.dma_semaphore, #tpu.memory_space<semaphore_mem>>) {add = true}
        %dma_wait3A_263 = arith.constant 0 : i32
        %dma_wait3A_264 = arith.constant 0 : i32
        %dma_wait3A_265 = tpu.memref_slice %arg8[%run_scoped3A_238, %dma_wait3A_263, %dma_wait3A_264] : memref<2x128x128xf32, #tpu.memory_space<vmem>> -> memref<1x128x128xf32, #tpu.memory_space<vmem>>
        %dma_wait3A_266 = tpu.memref_squeeze %dma_wait3A_265 : memref<1x128x128xf32, #tpu.memory_space<vmem>> -> memref<128x128xf32, #tpu.memory_space<vmem>>
        %dma_wait3A_267 = arith.constant 0 : i32
        %dma_wait3A_268 = tpu.memref_slice %arg7[%add3A_237, %dma_wait3A_267] : memref<40x128xi32, #tpu.memory_space<vmem>> -> memref<1x128xi32, #tpu.memory_space<vmem>>
        %dma_wait3A_269 = tpu.memref_squeeze %dma_wait3A_268 : memref<1x128xi32, #tpu.memory_space<vmem>> -> memref<128xi32, #tpu.memory_space<vmem>>
        %dma_wait3A_270 = arith.constant 0 : i32
        %dma_wait3A_271 = arith.constant 0 : i32
        %dma_wait3A_272 = tpu.memref_slice %arg9[%dma_wait3A_270, %dma_wait3A_271] : memref<10240x128xf32, #tpu.memory_space<vmem_shared>> -> memref<10240x128xf32, #tpu.memory_space<vmem_shared>>
        tpu.wait_indirect_dma semaphore(%run_scoped3A_252 : memref<!tpu.dma_semaphore, #tpu.memory_space<semaphore_mem>>) src(%dma_wait3A_266 : memref<128x128xf32, #tpu.memory_space<vmem>>) dst(%dma_wait3A_272 : memref<10240x128xf32, #tpu.memory_space<vmem_shared>>)
        tpu.yield
      }) : () -> ()
      %add3A_239 = arith.constant 1 : i32
      %add3A_240 = arith.addi %mul3A_186, %add3A_239 : i32
      %dma_start3A_241 = arith.constant 1 : i32
      %dma_start3A_242 = arith.constant 0 : i32
      %dma_start3A_243 = arith.constant 0 : i32
      %dma_start3A_244 = tpu.memref_slice %arg8[%dma_start3A_241, %dma_start3A_242, %dma_start3A_243] : memref<2x128x128xf32, #tpu.memory_space<vmem>> -> memref<1x128x128xf32, #tpu.memory_space<vmem>>
      %dma_start3A_245 = tpu.memref_squeeze %dma_start3A_244 : memref<1x128x128xf32, #tpu.memory_space<vmem>> -> memref<128x128xf32, #tpu.memory_space<vmem>>
      %dma_start3A_246 = arith.constant 0 : i32
      %dma_start3A_247 = tpu.memref_slice %arg6[%add3A_240, %dma_start3A_246] : memref<40x128xi32, #tpu.memory_space<vmem>> -> memref<1x128xi32, #tpu.memory_space<vmem>>
      %dma_start3A_248 = tpu.memref_squeeze %dma_start3A_247 : memref<1x128xi32, #tpu.memory_space<vmem>> -> memref<128xi32, #tpu.memory_space<vmem>>
      %dma_start3A_249 = arith.constant 0 : i32
      %dma_start3A_250 = arith.constant 0 : i32
      %dma_start3A_251 = tpu.memref_slice %arg2[%dma_start3A_249, %dma_start3A_250] : memref<10000x128xf32, #tpu.memory_space<hbm>> -> memref<10000x128xf32, #tpu.memory_space<hbm>>
      tpu.enqueue_indirect_dma source(%dma_start3A_251 : memref<10000x128xf32, #tpu.memory_space<hbm>>) target(%dma_start3A_245 : memref<128x128xf32, #tpu.memory_space<vmem>>) offsets(%dma_start3A_248 : memref<128xi32, #tpu.memory_space<vmem>>) semaphore(%arg11 : memref<!tpu.dma_semaphore, #tpu.memory_space<semaphore_mem>>)
    }
    %scan3A_53 = arith.constant 19 : i32
    %dma_wait3A = arith.constant 0 : i32
    %dma_wait3A_54 = arith.constant 0 : i32
    %dma_wait3A_55 = arith.constant 0 : i32
    %dma_wait3A_56 = tpu.memref_slice %arg8[%dma_wait3A, %dma_wait3A_54, %dma_wait3A_55] : memref<2x128x128xf32, #tpu.memory_space<vmem>> -> memref<1x128x128xf32, #tpu.memory_space<vmem>>
    %dma_wait3A_57 = tpu.memref_squeeze %dma_wait3A_56 : memref<1x128x128xf32, #tpu.memory_space<vmem>> -> memref<128x128xf32, #tpu.memory_space<vmem>>
    %dma_wait3A_58 = arith.constant 0 : i32
    %dma_wait3A_59 = arith.constant 0 : i32
    %dma_wait3A_60 = tpu.memref_slice %arg2[%dma_wait3A_58, %dma_wait3A_59] : memref<10000x128xf32, #tpu.memory_space<hbm>> -> memref<128x128xf32, #tpu.memory_space<hbm>>
    %dma_wait3A_61 = arith.constant 0 : i32
    %dma_wait3A_62 = arith.constant 0 : i32
    %dma_wait3A_63 = tpu.memref_slice %arg8[%dma_wait3A, %dma_wait3A_61, %dma_wait3A_62] : memref<2x128x128xf32, #tpu.memory_space<vmem>> -> memref<1x128x128xf32, #tpu.memory_space<vmem>>
    %dma_wait3A_64 = tpu.memref_squeeze %dma_wait3A_63 : memref<1x128x128xf32, #tpu.memory_space<vmem>> -> memref<128x128xf32, #tpu.memory_space<vmem>>
    %dma_wait3A_65 = arith.constant 0 : i32
    %dma_wait3A_66 = arith.constant 0 : i32
    %dma_wait3A_67 = tpu.memref_slice %arg2[%dma_wait3A_65, %dma_wait3A_66] : memref<10000x128xf32, #tpu.memory_space<hbm>> -> memref<128x128xf32, #tpu.memory_space<hbm>>
    tpu.wait_dma2 semaphore(%arg10 : memref<!tpu.dma_semaphore, #tpu.memory_space<semaphore_mem>>) src(%dma_wait3A_67 : memref<128x128xf32, #tpu.memory_space<hbm>>) dst(%dma_wait3A_64 : memref<128x128xf32, #tpu.memory_space<vmem>>)
    %run_scoped3A_68 = arith.constant 0 : i32
    %run_scoped3A_69 = arith.constant 38 : i32
    "tpu.region"() ({
      %run_scoped3A_184 = tpu.sem_alloc : memref<!tpu.dma_semaphore, #tpu.memory_space<semaphore_mem>>
      %dma_start3A_185 = arith.constant 0 : i32
      %dma_start3A_186 = arith.constant 0 : i32
      %dma_start3A_187 = tpu.memref_slice %arg8[%run_scoped3A_68, %dma_start3A_185, %dma_start3A_186] : memref<2x128x128xf32, #tpu.memory_space<vmem>> -> memref<1x128x128xf32, #tpu.memory_space<vmem>>
      %dma_start3A_188 = tpu.memref_squeeze %dma_start3A_187 : memref<1x128x128xf32, #tpu.memory_space<vmem>> -> memref<128x128xf32, #tpu.memory_space<vmem>>
      %dma_start3A_189 = arith.constant 0 : i32
      %dma_start3A_190 = tpu.memref_slice %arg7[%run_scoped3A_69, %dma_start3A_189] : memref<40x128xi32, #tpu.memory_space<vmem>> -> memref<1x128xi32, #tpu.memory_space<vmem>>
      %dma_start3A_191 = tpu.memref_squeeze %dma_start3A_190 : memref<1x128xi32, #tpu.memory_space<vmem>> -> memref<128xi32, #tpu.memory_space<vmem>>
      %dma_start3A_192 = arith.constant 0 : i32
      %dma_start3A_193 = arith.constant 0 : i32
      %dma_start3A_194 = tpu.memref_slice %arg9[%dma_start3A_192, %dma_start3A_193] : memref<10240x128xf32, #tpu.memory_space<vmem_shared>> -> memref<10240x128xf32, #tpu.memory_space<vmem_shared>>
      tpu.enqueue_indirect_dma source(%dma_start3A_188 : memref<128x128xf32, #tpu.memory_space<vmem>>) target(%dma_start3A_194 : memref<10240x128xf32, #tpu.memory_space<vmem_shared>>) offsets(%dma_start3A_191 : memref<128xi32, #tpu.memory_space<vmem>>) semaphore(%run_scoped3A_184 : memref<!tpu.dma_semaphore, #tpu.memory_space<semaphore_mem>>) {add = true}
      %dma_wait3A_195 = arith.constant 0 : i32
      %dma_wait3A_196 = arith.constant 0 : i32
      %dma_wait3A_197 = tpu.memref_slice %arg8[%run_scoped3A_68, %dma_wait3A_195, %dma_wait3A_196] : memref<2x128x128xf32, #tpu.memory_space<vmem>> -> memref<1x128x128xf32, #tpu.memory_space<vmem>>
      %dma_wait3A_198 = tpu.memref_squeeze %dma_wait3A_197 : memref<1x128x128xf32, #tpu.memory_space<vmem>> -> memref<128x128xf32, #tpu.memory_space<vmem>>
      %dma_wait3A_199 = arith.constant 0 : i32
      %dma_wait3A_200 = tpu.memref_slice %arg7[%run_scoped3A_69, %dma_wait3A_199] : memref<40x128xi32, #tpu.memory_space<vmem>> -> memref<1x128xi32, #tpu.memory_space<vmem>>
      %dma_wait3A_201 = tpu.memref_squeeze %dma_wait3A_200 : memref<1x128xi32, #tpu.memory_space<vmem>> -> memref<128xi32, #tpu.memory_space<vmem>>
      %dma_wait3A_202 = arith.constant 0 : i32
      %dma_wait3A_203 = arith.constant 0 : i32
      %dma_wait3A_204 = tpu.memref_slice %arg9[%dma_wait3A_202, %dma_wait3A_203] : memref<10240x128xf32, #tpu.memory_space<vmem_shared>> -> memref<10240x128xf32, #tpu.memory_space<vmem_shared>>
      tpu.wait_indirect_dma semaphore(%run_scoped3A_184 : memref<!tpu.dma_semaphore, #tpu.memory_space<semaphore_mem>>) src(%dma_wait3A_198 : memref<128x128xf32, #tpu.memory_space<vmem>>) dst(%dma_wait3A_204 : memref<10240x128xf32, #tpu.memory_space<vmem_shared>>)
      tpu.yield
    }) : () -> ()
    %dma_wait3A_70 = arith.constant 1 : i32
    %dma_wait3A_71 = arith.constant 0 : i32
    %dma_wait3A_72 = arith.constant 0 : i32
    %dma_wait3A_73 = tpu.memref_slice %arg8[%dma_wait3A_70, %dma_wait3A_71, %dma_wait3A_72] : memref<2x128x128xf32, #tpu.memory_space<vmem>> -> memref<1x128x128xf32, #tpu.memory_space<vmem>>
    %dma_wait3A_74 = tpu.memref_squeeze %dma_wait3A_73 : memref<1x128x128xf32, #tpu.memory_space<vmem>> -> memref<128x128xf32, #tpu.memory_space<vmem>>
    %dma_wait3A_75 = arith.constant 0 : i32
    %dma_wait3A_76 = arith.constant 0 : i32
    %dma_wait3A_77 = tpu.memref_slice %arg2[%dma_wait3A_75, %dma_wait3A_76] : memref<10000x128xf32, #tpu.memory_space<hbm>> -> memref<128x128xf32, #tpu.memory_space<hbm>>
    %dma_wait3A_78 = arith.constant 0 : i32
    %dma_wait3A_79 = arith.constant 0 : i32
    %dma_wait3A_80 = tpu.memref_slice %arg8[%dma_wait3A_70, %dma_wait3A_78, %dma_wait3A_79] : memref<2x128x128xf32, #tpu.memory_space<vmem>> -> memref<1x128x128xf32, #tpu.memory_space<vmem>>
    %dma_wait3A_81 = tpu.memref_squeeze %dma_wait3A_80 : memref<1x128x128xf32, #tpu.memory_space<vmem>> -> memref<128x128xf32, #tpu.memory_space<vmem>>
    %dma_wait3A_82 = arith.constant 0 : i32
    %dma_wait3A_83 = arith.constant 0 : i32
    %dma_wait3A_84 = tpu.memref_slice %arg2[%dma_wait3A_82, %dma_wait3A_83] : memref<10000x128xf32, #tpu.memory_space<hbm>> -> memref<128x128xf32, #tpu.memory_space<hbm>>
    tpu.wait_dma2 semaphore(%arg11 : memref<!tpu.dma_semaphore, #tpu.memory_space<semaphore_mem>>) src(%dma_wait3A_84 : memref<128x128xf32, #tpu.memory_space<hbm>>) dst(%dma_wait3A_81 : memref<128x128xf32, #tpu.memory_space<vmem>>)
    %run_scoped3A_85 = arith.constant 1 : i32
    %run_scoped3A_86 = arith.constant 39 : i32
    "tpu.region"() ({
      %run_scoped3A_184 = tpu.sem_alloc : memref<!tpu.dma_semaphore, #tpu.memory_space<semaphore_mem>>
      %dma_start3A_185 = arith.constant 0 : i32
      %dma_start3A_186 = arith.constant 0 : i32
      %dma_start3A_187 = tpu.memref_slice %arg8[%run_scoped3A_85, %dma_start3A_185, %dma_start3A_186] : memref<2x128x128xf32, #tpu.memory_space<vmem>> -> memref<1x128x128xf32, #tpu.memory_space<vmem>>
      %dma_start3A_188 = tpu.memref_squeeze %dma_start3A_187 : memref<1x128x128xf32, #tpu.memory_space<vmem>> -> memref<128x128xf32, #tpu.memory_space<vmem>>
      %dma_start3A_189 = arith.constant 0 : i32
      %dma_start3A_190 = tpu.memref_slice %arg7[%run_scoped3A_86, %dma_start3A_189] : memref<40x128xi32, #tpu.memory_space<vmem>> -> memref<1x128xi32, #tpu.memory_space<vmem>>
      %dma_start3A_191 = tpu.memref_squeeze %dma_start3A_190 : memref<1x128xi32, #tpu.memory_space<vmem>> -> memref<128xi32, #tpu.memory_space<vmem>>
      %dma_start3A_192 = arith.constant 0 : i32
      %dma_start3A_193 = arith.constant 0 : i32
      %dma_start3A_194 = tpu.memref_slice %arg9[%dma_start3A_192, %dma_start3A_193] : memref<10240x128xf32, #tpu.memory_space<vmem_shared>> -> memref<10240x128xf32, #tpu.memory_space<vmem_shared>>
      tpu.enqueue_indirect_dma source(%dma_start3A_188 : memref<128x128xf32, #tpu.memory_space<vmem>>) target(%dma_start3A_194 : memref<10240x128xf32, #tpu.memory_space<vmem_shared>>) offsets(%dma_start3A_191 : memref<128xi32, #tpu.memory_space<vmem>>) semaphore(%run_scoped3A_184 : memref<!tpu.dma_semaphore, #tpu.memory_space<semaphore_mem>>) {add = true}
      %dma_wait3A_195 = arith.constant 0 : i32
      %dma_wait3A_196 = arith.constant 0 : i32
      %dma_wait3A_197 = tpu.memref_slice %arg8[%run_scoped3A_85, %dma_wait3A_195, %dma_wait3A_196] : memref<2x128x128xf32, #tpu.memory_space<vmem>> -> memref<1x128x128xf32, #tpu.memory_space<vmem>>
      %dma_wait3A_198 = tpu.memref_squeeze %dma_wait3A_197 : memref<1x128x128xf32, #tpu.memory_space<vmem>> -> memref<128x128xf32, #tpu.memory_space<vmem>>
      %dma_wait3A_199 = arith.constant 0 : i32
      %dma_wait3A_200 = tpu.memref_slice %arg7[%run_scoped3A_86, %dma_wait3A_199] : memref<40x128xi32, #tpu.memory_space<vmem>> -> memref<1x128xi32, #tpu.memory_space<vmem>>
      %dma_wait3A_201 = tpu.memref_squeeze %dma_wait3A_200 : memref<1x128xi32, #tpu.memory_space<vmem>> -> memref<128xi32, #tpu.memory_space<vmem>>
      %dma_wait3A_202 = arith.constant 0 : i32
      %dma_wait3A_203 = arith.constant 0 : i32
      %dma_wait3A_204 = tpu.memref_slice %arg9[%dma_wait3A_202, %dma_wait3A_203] : memref<10240x128xf32, #tpu.memory_space<vmem_shared>> -> memref<10240x128xf32, #tpu.memory_space<vmem_shared>>
      tpu.wait_indirect_dma semaphore(%run_scoped3A_184 : memref<!tpu.dma_semaphore, #tpu.memory_space<semaphore_mem>>) src(%dma_wait3A_198 : memref<128x128xf32, #tpu.memory_space<vmem>>) dst(%dma_wait3A_204 : memref<10240x128xf32, #tpu.memory_space<vmem_shared>>)
      tpu.yield
    }) : () -> ()
    %add3A_87 = arith.constant 40 : i32
    %add3A_88 = arith.addi %mul3A_4, %add3A_87 : i32
    "tpu.region"() ({
      %run_scoped3A_184 = tpu.sem_alloc : memref<!tpu.dma_semaphore, #tpu.memory_space<semaphore_mem>>
      %dma_start3A_185 = arith.constant 0 : i32
      %dma_start3A_186 = tpu.memref_slice %arg3[%add3A_88, %dma_start3A_185] : memref<2560x128xi32, #tpu.memory_space<hbm>> -> memref<40x128xi32, #tpu.memory_space<hbm>>
      %dma_start3A_187 = arith.constant 0 : i32
      %dma_start3A_188 = tpu.memref_slice %arg3[%add3A_88, %dma_start3A_187] : memref<2560x128xi32, #tpu.memory_space<hbm>> -> memref<40x128xi32, #tpu.memory_space<hbm>>
      tpu.enqueue_dma source(%dma_start3A_188 : memref<40x128xi32, #tpu.memory_space<hbm>>) target(%arg6 : memref<40x128xi32, #tpu.memory_space<vmem>>) target_semaphore(%run_scoped3A_184 : memref<!tpu.dma_semaphore, #tpu.memory_space<semaphore_mem>>)
      %dma_wait3A_189 = arith.constant 0 : i32
      %dma_wait3A_190 = tpu.memref_slice %arg3[%add3A_88, %dma_wait3A_189] : memref<2560x128xi32, #tpu.memory_space<hbm>> -> memref<40x128xi32, #tpu.memory_space<hbm>>
      %dma_wait3A_191 = arith.constant 0 : i32
      %dma_wait3A_192 = tpu.memref_slice %arg3[%add3A_88, %dma_wait3A_191] : memref<2560x128xi32, #tpu.memory_space<hbm>> -> memref<40x128xi32, #tpu.memory_space<hbm>>
      tpu.wait_dma2 semaphore(%run_scoped3A_184 : memref<!tpu.dma_semaphore, #tpu.memory_space<semaphore_mem>>) src(%dma_wait3A_192 : memref<40x128xi32, #tpu.memory_space<hbm>>) dst(%arg6 : memref<40x128xi32, #tpu.memory_space<vmem>>)
      tpu.yield
    }) : () -> ()
    "tpu.region"() ({
      %run_scoped3A_184 = tpu.sem_alloc : memref<!tpu.dma_semaphore, #tpu.memory_space<semaphore_mem>>
      %dma_start3A_185 = arith.constant 0 : i32
      %dma_start3A_186 = tpu.memref_slice %arg4[%add3A_88, %dma_start3A_185] : memref<2560x128xi32, #tpu.memory_space<hbm>> -> memref<40x128xi32, #tpu.memory_space<hbm>>
      %dma_start3A_187 = arith.constant 0 : i32
      %dma_start3A_188 = tpu.memref_slice %arg4[%add3A_88, %dma_start3A_187] : memref<2560x128xi32, #tpu.memory_space<hbm>> -> memref<40x128xi32, #tpu.memory_space<hbm>>
      tpu.enqueue_dma source(%dma_start3A_188 : memref<40x128xi32, #tpu.memory_space<hbm>>) target(%arg7 : memref<40x128xi32, #tpu.memory_space<vmem>>) target_semaphore(%run_scoped3A_184 : memref<!tpu.dma_semaphore, #tpu.memory_space<semaphore_mem>>)
      %dma_wait3A_189 = arith.constant 0 : i32
      %dma_wait3A_190 = tpu.memref_slice %arg4[%add3A_88, %dma_wait3A_189] : memref<2560x128xi32, #tpu.memory_space<hbm>> -> memref<40x128xi32, #tpu.memory_space<hbm>>
      %dma_wait3A_191 = arith.constant 0 : i32
      %dma_wait3A_192 = tpu.memref_slice %arg4[%add3A_88, %dma_wait3A_191] : memref<2560x128xi32, #tpu.memory_space<hbm>> -> memref<40x128xi32, #tpu.memory_space<hbm>>
      tpu.wait_dma2 semaphore(%run_scoped3A_184 : memref<!tpu.dma_semaphore, #tpu.memory_space<semaphore_mem>>) src(%dma_wait3A_192 : memref<40x128xi32, #tpu.memory_space<hbm>>) dst(%arg7 : memref<40x128xi32, #tpu.memory_space<vmem>>)
      tpu.yield
    }) : () -> ()
    %dma_start3A_89 = arith.constant 0 : i32
    %dma_start3A_90 = arith.constant 0 : i32
    %dma_start3A_91 = arith.constant 0 : i32
    %dma_start3A_92 = arith.constant 0 : i32
    %dma_start3A_93 = tpu.memref_slice %arg8[%dma_start3A_90, %dma_start3A_91, %dma_start3A_92] : memref<2x128x128xf32, #tpu.memory_space<vmem>> -> memref<1x128x128xf32, #tpu.memory_space<vmem>>
    %dma_start3A_94 = tpu.memref_squeeze %dma_start3A_93 : memref<1x128x128xf32, #tpu.memory_space<vmem>> -> memref<128x128xf32, #tpu.memory_space<vmem>>
    %dma_start3A_95 = arith.constant 0 : i32
    %dma_start3A_96 = tpu.memref_slice %arg6[%dma_start3A_89, %dma_start3A_95] : memref<40x128xi32, #tpu.memory_space<vmem>> -> memref<1x128xi32, #tpu.memory_space<vmem>>
    %dma_start3A_97 = tpu.memref_squeeze %dma_start3A_96 : memref<1x128xi32, #tpu.memory_space<vmem>> -> memref<128xi32, #tpu.memory_space<vmem>>
    %dma_start3A_98 = arith.constant 0 : i32
    %dma_start3A_99 = arith.constant 0 : i32
    %dma_start3A_100 = tpu.memref_slice %arg2[%dma_start3A_98, %dma_start3A_99] : memref<10000x128xf32, #tpu.memory_space<hbm>> -> memref<10000x128xf32, #tpu.memory_space<hbm>>
    tpu.enqueue_indirect_dma source(%dma_start3A_100 : memref<10000x128xf32, #tpu.memory_space<hbm>>) target(%dma_start3A_94 : memref<128x128xf32, #tpu.memory_space<vmem>>) offsets(%dma_start3A_97 : memref<128xi32, #tpu.memory_space<vmem>>) semaphore(%arg10 : memref<!tpu.dma_semaphore, #tpu.memory_space<semaphore_mem>>)
    %dma_start3A_101 = arith.constant 1 : i32
    %dma_start3A_102 = arith.constant 1 : i32
    %dma_start3A_103 = arith.constant 0 : i32
    %dma_start3A_104 = arith.constant 0 : i32
    %dma_start3A_105 = tpu.memref_slice %arg8[%dma_start3A_102, %dma_start3A_103, %dma_start3A_104] : memref<2x128x128xf32, #tpu.memory_space<vmem>> -> memref<1x128x128xf32, #tpu.memory_space<vmem>>
    %dma_start3A_106 = tpu.memref_squeeze %dma_start3A_105 : memref<1x128x128xf32, #tpu.memory_space<vmem>> -> memref<128x128xf32, #tpu.memory_space<vmem>>
    %dma_start3A_107 = arith.constant 0 : i32
    %dma_start3A_108 = tpu.memref_slice %arg6[%dma_start3A_101, %dma_start3A_107] : memref<40x128xi32, #tpu.memory_space<vmem>> -> memref<1x128xi32, #tpu.memory_space<vmem>>
    %dma_start3A_109 = tpu.memref_squeeze %dma_start3A_108 : memref<1x128xi32, #tpu.memory_space<vmem>> -> memref<128xi32, #tpu.memory_space<vmem>>
    %dma_start3A_110 = arith.constant 0 : i32
    %dma_start3A_111 = arith.constant 0 : i32
    %dma_start3A_112 = tpu.memref_slice %arg2[%dma_start3A_110, %dma_start3A_111] : memref<10000x128xf32, #tpu.memory_space<hbm>> -> memref<10000x128xf32, #tpu.memory_space<hbm>>
    tpu.enqueue_indirect_dma source(%dma_start3A_112 : memref<10000x128xf32, #tpu.memory_space<hbm>>) target(%dma_start3A_106 : memref<128x128xf32, #tpu.memory_space<vmem>>) offsets(%dma_start3A_109 : memref<128xi32, #tpu.memory_space<vmem>>) semaphore(%arg11 : memref<!tpu.dma_semaphore, #tpu.memory_space<semaphore_mem>>)
    %scan3A_113 = arith.constant 0 : i32
    %scan3A_114 = arith.constant 1 : i32
    %scan3A_115 = arith.constant 19 : i32
    %scan3A_116 = arith.addi %scan3A_114, %scan3A_115 : i32
    %scan3A_117 = arith.constant 1 : i32
    scf.for %scan3A_184 = %scan3A_114 to %scan3A_116 step %scan3A_117  : i32 {
      %mul3A_185 = arith.constant 2 : i32
      %mul3A_186 = arith.muli %scan3A_184, %mul3A_185 : i32
      %dma_wait3A_187 = arith.constant 0 : i32
      %dma_wait3A_188 = arith.constant 0 : i32
      %dma_wait3A_189 = arith.constant 0 : i32
      %dma_wait3A_190 = tpu.memref_slice %arg8[%dma_wait3A_187, %dma_wait3A_188, %dma_wait3A_189] : memref<2x128x128xf32, #tpu.memory_space<vmem>> -> memref<1x128x128xf32, #tpu.memory_space<vmem>>
      %dma_wait3A_191 = tpu.memref_squeeze %dma_wait3A_190 : memref<1x128x128xf32, #tpu.memory_space<vmem>> -> memref<128x128xf32, #tpu.memory_space<vmem>>
      %dma_wait3A_192 = arith.constant 0 : i32
      %dma_wait3A_193 = arith.constant 0 : i32
      %dma_wait3A_194 = tpu.memref_slice %arg2[%dma_wait3A_192, %dma_wait3A_193] : memref<10000x128xf32, #tpu.memory_space<hbm>> -> memref<128x128xf32, #tpu.memory_space<hbm>>
      %dma_wait3A_195 = arith.constant 0 : i32
      %dma_wait3A_196 = arith.constant 0 : i32
      %dma_wait3A_197 = tpu.memref_slice %arg8[%dma_wait3A_187, %dma_wait3A_195, %dma_wait3A_196] : memref<2x128x128xf32, #tpu.memory_space<vmem>> -> memref<1x128x128xf32, #tpu.memory_space<vmem>>
      %dma_wait3A_198 = tpu.memref_squeeze %dma_wait3A_197 : memref<1x128x128xf32, #tpu.memory_space<vmem>> -> memref<128x128xf32, #tpu.memory_space<vmem>>
      %dma_wait3A_199 = arith.constant 0 : i32
      %dma_wait3A_200 = arith.constant 0 : i32
      %dma_wait3A_201 = tpu.memref_slice %arg2[%dma_wait3A_199, %dma_wait3A_200] : memref<10000x128xf32, #tpu.memory_space<hbm>> -> memref<128x128xf32, #tpu.memory_space<hbm>>
      tpu.wait_dma2 semaphore(%arg10 : memref<!tpu.dma_semaphore, #tpu.memory_space<semaphore_mem>>) src(%dma_wait3A_201 : memref<128x128xf32, #tpu.memory_space<hbm>>) dst(%dma_wait3A_198 : memref<128x128xf32, #tpu.memory_space<vmem>>)
      %sub3A = arith.constant 2 : i32
      %sub3A_202 = arith.subi %mul3A_186, %sub3A : i32
      %add3A_203 = arith.constant 0 : i32
      %add3A_204 = arith.addi %sub3A_202, %add3A_203 : i32
      %run_scoped3A_205 = arith.constant 0 : i32
      "tpu.region"() ({
        %run_scoped3A_252 = tpu.sem_alloc : memref<!tpu.dma_semaphore, #tpu.memory_space<semaphore_mem>>
        %dma_start3A_253 = arith.constant 0 : i32
        %dma_start3A_254 = arith.constant 0 : i32
        %dma_start3A_255 = tpu.memref_slice %arg8[%run_scoped3A_205, %dma_start3A_253, %dma_start3A_254] : memref<2x128x128xf32, #tpu.memory_space<vmem>> -> memref<1x128x128xf32, #tpu.memory_space<vmem>>
        %dma_start3A_256 = tpu.memref_squeeze %dma_start3A_255 : memref<1x128x128xf32, #tpu.memory_space<vmem>> -> memref<128x128xf32, #tpu.memory_space<vmem>>
        %dma_start3A_257 = arith.constant 0 : i32
        %dma_start3A_258 = tpu.memref_slice %arg7[%add3A_204, %dma_start3A_257] : memref<40x128xi32, #tpu.memory_space<vmem>> -> memref<1x128xi32, #tpu.memory_space<vmem>>
        %dma_start3A_259 = tpu.memref_squeeze %dma_start3A_258 : memref<1x128xi32, #tpu.memory_space<vmem>> -> memref<128xi32, #tpu.memory_space<vmem>>
        %dma_start3A_260 = arith.constant 0 : i32
        %dma_start3A_261 = arith.constant 0 : i32
        %dma_start3A_262 = tpu.memref_slice %arg9[%dma_start3A_260, %dma_start3A_261] : memref<10240x128xf32, #tpu.memory_space<vmem_shared>> -> memref<10240x128xf32, #tpu.memory_space<vmem_shared>>
        tpu.enqueue_indirect_dma source(%dma_start3A_256 : memref<128x128xf32, #tpu.memory_space<vmem>>) target(%dma_start3A_262 : memref<10240x128xf32, #tpu.memory_space<vmem_shared>>) offsets(%dma_start3A_259 : memref<128xi32, #tpu.memory_space<vmem>>) semaphore(%run_scoped3A_252 : memref<!tpu.dma_semaphore, #tpu.memory_space<semaphore_mem>>) {add = true}
        %dma_wait3A_263 = arith.constant 0 : i32
        %dma_wait3A_264 = arith.constant 0 : i32
        %dma_wait3A_265 = tpu.memref_slice %arg8[%run_scoped3A_205, %dma_wait3A_263, %dma_wait3A_264] : memref<2x128x128xf32, #tpu.memory_space<vmem>> -> memref<1x128x128xf32, #tpu.memory_space<vmem>>
        %dma_wait3A_266 = tpu.memref_squeeze %dma_wait3A_265 : memref<1x128x128xf32, #tpu.memory_space<vmem>> -> memref<128x128xf32, #tpu.memory_space<vmem>>
        %dma_wait3A_267 = arith.constant 0 : i32
        %dma_wait3A_268 = tpu.memref_slice %arg7[%add3A_204, %dma_wait3A_267] : memref<40x128xi32, #tpu.memory_space<vmem>> -> memref<1x128xi32, #tpu.memory_space<vmem>>
        %dma_wait3A_269 = tpu.memref_squeeze %dma_wait3A_268 : memref<1x128xi32, #tpu.memory_space<vmem>> -> memref<128xi32, #tpu.memory_space<vmem>>
        %dma_wait3A_270 = arith.constant 0 : i32
        %dma_wait3A_271 = arith.constant 0 : i32
        %dma_wait3A_272 = tpu.memref_slice %arg9[%dma_wait3A_270, %dma_wait3A_271] : memref<10240x128xf32, #tpu.memory_space<vmem_shared>> -> memref<10240x128xf32, #tpu.memory_space<vmem_shared>>
        tpu.wait_indirect_dma semaphore(%run_scoped3A_252 : memref<!tpu.dma_semaphore, #tpu.memory_space<semaphore_mem>>) src(%dma_wait3A_266 : memref<128x128xf32, #tpu.memory_space<vmem>>) dst(%dma_wait3A_272 : memref<10240x128xf32, #tpu.memory_space<vmem_shared>>)
        tpu.yield
      }) : () -> ()
      %add3A_206 = arith.constant 0 : i32
      %add3A_207 = arith.addi %mul3A_186, %add3A_206 : i32
      %dma_start3A_208 = arith.constant 0 : i32
      %dma_start3A_209 = arith.constant 0 : i32
      %dma_start3A_210 = arith.constant 0 : i32
      %dma_start3A_211 = tpu.memref_slice %arg8[%dma_start3A_208, %dma_start3A_209, %dma_start3A_210] : memref<2x128x128xf32, #tpu.memory_space<vmem>> -> memref<1x128x128xf32, #tpu.memory_space<vmem>>
      %dma_start3A_212 = tpu.memref_squeeze %dma_start3A_211 : memref<1x128x128xf32, #tpu.memory_space<vmem>> -> memref<128x128xf32, #tpu.memory_space<vmem>>
      %dma_start3A_213 = arith.constant 0 : i32
      %dma_start3A_214 = tpu.memref_slice %arg6[%add3A_207, %dma_start3A_213] : memref<40x128xi32, #tpu.memory_space<vmem>> -> memref<1x128xi32, #tpu.memory_space<vmem>>
      %dma_start3A_215 = tpu.memref_squeeze %dma_start3A_214 : memref<1x128xi32, #tpu.memory_space<vmem>> -> memref<128xi32, #tpu.memory_space<vmem>>
      %dma_start3A_216 = arith.constant 0 : i32
      %dma_start3A_217 = arith.constant 0 : i32
      %dma_start3A_218 = tpu.memref_slice %arg2[%dma_start3A_216, %dma_start3A_217] : memref<10000x128xf32, #tpu.memory_space<hbm>> -> memref<10000x128xf32, #tpu.memory_space<hbm>>
      tpu.enqueue_indirect_dma source(%dma_start3A_218 : memref<10000x128xf32, #tpu.memory_space<hbm>>) target(%dma_start3A_212 : memref<128x128xf32, #tpu.memory_space<vmem>>) offsets(%dma_start3A_215 : memref<128xi32, #tpu.memory_space<vmem>>) semaphore(%arg10 : memref<!tpu.dma_semaphore, #tpu.memory_space<semaphore_mem>>)
      %dma_wait3A_219 = arith.constant 1 : i32
      %dma_wait3A_220 = arith.constant 0 : i32
      %dma_wait3A_221 = arith.constant 0 : i32
      %dma_wait3A_222 = tpu.memref_slice %arg8[%dma_wait3A_219, %dma_wait3A_220, %dma_wait3A_221] : memref<2x128x128xf32, #tpu.memory_space<vmem>> -> memref<1x128x128xf32, #tpu.memory_space<vmem>>
      %dma_wait3A_223 = tpu.memref_squeeze %dma_wait3A_222 : memref<1x128x128xf32, #tpu.memory_space<vmem>> -> memref<128x128xf32, #tpu.memory_space<vmem>>
      %dma_wait3A_224 = arith.constant 0 : i32
      %dma_wait3A_225 = arith.constant 0 : i32
      %dma_wait3A_226 = tpu.memref_slice %arg2[%dma_wait3A_224, %dma_wait3A_225] : memref<10000x128xf32, #tpu.memory_space<hbm>> -> memref<128x128xf32, #tpu.memory_space<hbm>>
      %dma_wait3A_227 = arith.constant 0 : i32
      %dma_wait3A_228 = arith.constant 0 : i32
      %dma_wait3A_229 = tpu.memref_slice %arg8[%dma_wait3A_219, %dma_wait3A_227, %dma_wait3A_228] : memref<2x128x128xf32, #tpu.memory_space<vmem>> -> memref<1x128x128xf32, #tpu.memory_space<vmem>>
      %dma_wait3A_230 = tpu.memref_squeeze %dma_wait3A_229 : memref<1x128x128xf32, #tpu.memory_space<vmem>> -> memref<128x128xf32, #tpu.memory_space<vmem>>
      %dma_wait3A_231 = arith.constant 0 : i32
      %dma_wait3A_232 = arith.constant 0 : i32
      %dma_wait3A_233 = tpu.memref_slice %arg2[%dma_wait3A_231, %dma_wait3A_232] : memref<10000x128xf32, #tpu.memory_space<hbm>> -> memref<128x128xf32, #tpu.memory_space<hbm>>
      tpu.wait_dma2 semaphore(%arg11 : memref<!tpu.dma_semaphore, #tpu.memory_space<semaphore_mem>>) src(%dma_wait3A_233 : memref<128x128xf32, #tpu.memory_space<hbm>>) dst(%dma_wait3A_230 : memref<128x128xf32, #tpu.memory_space<vmem>>)
      %sub3A_234 = arith.constant 2 : i32
      %sub3A_235 = arith.subi %mul3A_186, %sub3A_234 : i32
      %add3A_236 = arith.constant 1 : i32
      %add3A_237 = arith.addi %sub3A_235, %add3A_236 : i32
      %run_scoped3A_238 = arith.constant 1 : i32
      "tpu.region"() ({
        %run_scoped3A_252 = tpu.sem_alloc : memref<!tpu.dma_semaphore, #tpu.memory_space<semaphore_mem>>
        %dma_start3A_253 = arith.constant 0 : i32
        %dma_start3A_254 = arith.constant 0 : i32
        %dma_start3A_255 = tpu.memref_slice %arg8[%run_scoped3A_238, %dma_start3A_253, %dma_start3A_254] : memref<2x128x128xf32, #tpu.memory_space<vmem>> -> memref<1x128x128xf32, #tpu.memory_space<vmem>>
        %dma_start3A_256 = tpu.memref_squeeze %dma_start3A_255 : memref<1x128x128xf32, #tpu.memory_space<vmem>> -> memref<128x128xf32, #tpu.memory_space<vmem>>
        %dma_start3A_257 = arith.constant 0 : i32
        %dma_start3A_258 = tpu.memref_slice %arg7[%add3A_237, %dma_start3A_257] : memref<40x128xi32, #tpu.memory_space<vmem>> -> memref<1x128xi32, #tpu.memory_space<vmem>>
        %dma_start3A_259 = tpu.memref_squeeze %dma_start3A_258 : memref<1x128xi32, #tpu.memory_space<vmem>> -> memref<128xi32, #tpu.memory_space<vmem>>
        %dma_start3A_260 = arith.constant 0 : i32
        %dma_start3A_261 = arith.constant 0 : i32
        %dma_start3A_262 = tpu.memref_slice %arg9[%dma_start3A_260, %dma_start3A_261] : memref<10240x128xf32, #tpu.memory_space<vmem_shared>> -> memref<10240x128xf32, #tpu.memory_space<vmem_shared>>
        tpu.enqueue_indirect_dma source(%dma_start3A_256 : memref<128x128xf32, #tpu.memory_space<vmem>>) target(%dma_start3A_262 : memref<10240x128xf32, #tpu.memory_space<vmem_shared>>) offsets(%dma_start3A_259 : memref<128xi32, #tpu.memory_space<vmem>>) semaphore(%run_scoped3A_252 : memref<!tpu.dma_semaphore, #tpu.memory_space<semaphore_mem>>) {add = true}
        %dma_wait3A_263 = arith.constant 0 : i32
        %dma_wait3A_264 = arith.constant 0 : i32
        %dma_wait3A_265 = tpu.memref_slice %arg8[%run_scoped3A_238, %dma_wait3A_263, %dma_wait3A_264] : memref<2x128x128xf32, #tpu.memory_space<vmem>> -> memref<1x128x128xf32, #tpu.memory_space<vmem>>
        %dma_wait3A_266 = tpu.memref_squeeze %dma_wait3A_265 : memref<1x128x128xf32, #tpu.memory_space<vmem>> -> memref<128x128xf32, #tpu.memory_space<vmem>>
        %dma_wait3A_267 = arith.constant 0 : i32
        %dma_wait3A_268 = tpu.memref_slice %arg7[%add3A_237, %dma_wait3A_267] : memref<40x128xi32, #tpu.memory_space<vmem>> -> memref<1x128xi32, #tpu.memory_space<vmem>>
        %dma_wait3A_269 = tpu.memref_squeeze %dma_wait3A_268 : memref<1x128xi32, #tpu.memory_space<vmem>> -> memref<128xi32, #tpu.memory_space<vmem>>
        %dma_wait3A_270 = arith.constant 0 : i32
        %dma_wait3A_271 = arith.constant 0 : i32
        %dma_wait3A_272 = tpu.memref_slice %arg9[%dma_wait3A_270, %dma_wait3A_271] : memref<10240x128xf32, #tpu.memory_space<vmem_shared>> -> memref<10240x128xf32, #tpu.memory_space<vmem_shared>>
        tpu.wait_indirect_dma semaphore(%run_scoped3A_252 : memref<!tpu.dma_semaphore, #tpu.memory_space<semaphore_mem>>) src(%dma_wait3A_266 : memref<128x128xf32, #tpu.memory_space<vmem>>) dst(%dma_wait3A_272 : memref<10240x128xf32, #tpu.memory_space<vmem_shared>>)
        tpu.yield
      }) : () -> ()
      %add3A_239 = arith.constant 1 : i32
      %add3A_240 = arith.addi %mul3A_186, %add3A_239 : i32
      %dma_start3A_241 = arith.constant 1 : i32
      %dma_start3A_242 = arith.constant 0 : i32
      %dma_start3A_243 = arith.constant 0 : i32
      %dma_start3A_244 = tpu.memref_slice %arg8[%dma_start3A_241, %dma_start3A_242, %dma_start3A_243] : memref<2x128x128xf32, #tpu.memory_space<vmem>> -> memref<1x128x128xf32, #tpu.memory_space<vmem>>
      %dma_start3A_245 = tpu.memref_squeeze %dma_start3A_244 : memref<1x128x128xf32, #tpu.memory_space<vmem>> -> memref<128x128xf32, #tpu.memory_space<vmem>>
      %dma_start3A_246 = arith.constant 0 : i32
      %dma_start3A_247 = tpu.memref_slice %arg6[%add3A_240, %dma_start3A_246] : memref<40x128xi32, #tpu.memory_space<vmem>> -> memref<1x128xi32, #tpu.memory_space<vmem>>
      %dma_start3A_248 = tpu.memref_squeeze %dma_start3A_247 : memref<1x128xi32, #tpu.memory_space<vmem>> -> memref<128xi32, #tpu.memory_space<vmem>>
      %dma_start3A_249 = arith.constant 0 : i32
      %dma_start3A_250 = arith.constant 0 : i32
      %dma_start3A_251 = tpu.memref_slice %arg2[%dma_start3A_249, %dma_start3A_250] : memref<10000x128xf32, #tpu.memory_space<hbm>> -> memref<10000x128xf32, #tpu.memory_space<hbm>>
      tpu.enqueue_indirect_dma source(%dma_start3A_251 : memref<10000x128xf32, #tpu.memory_space<hbm>>) target(%dma_start3A_245 : memref<128x128xf32, #tpu.memory_space<vmem>>) offsets(%dma_start3A_248 : memref<128xi32, #tpu.memory_space<vmem>>) semaphore(%arg11 : memref<!tpu.dma_semaphore, #tpu.memory_space<semaphore_mem>>)
    }
    %scan3A_118 = arith.constant 19 : i32
    %dma_wait3A_119 = arith.constant 0 : i32
    %dma_wait3A_120 = arith.constant 0 : i32
    %dma_wait3A_121 = arith.constant 0 : i32
    %dma_wait3A_122 = tpu.memref_slice %arg8[%dma_wait3A_119, %dma_wait3A_120, %dma_wait3A_121] : memref<2x128x128xf32, #tpu.memory_space<vmem>> -> memref<1x128x128xf32, #tpu.memory_space<vmem>>
    %dma_wait3A_123 = tpu.memref_squeeze %dma_wait3A_122 : memref<1x128x128xf32, #tpu.memory_space<vmem>> -> memref<128x128xf32, #tpu.memory_space<vmem>>
    %dma_wait3A_124 = arith.constant 0 : i32
    %dma_wait3A_125 = arith.constant 0 : i32
    %dma_wait3A_126 = tpu.memref_slice %arg2[%dma_wait3A_124, %dma_wait3A_125] : memref<10000x128xf32, #tpu.memory_space<hbm>> -> memref<128x128xf32, #tpu.memory_space<hbm>>
    %dma_wait3A_127 = arith.constant 0 : i32
    %dma_wait3A_128 = arith.constant 0 : i32
    %dma_wait3A_129 = tpu.memref_slice %arg8[%dma_wait3A_119, %dma_wait3A_127, %dma_wait3A_128] : memref<2x128x128xf32, #tpu.memory_space<vmem>> -> memref<1x128x128xf32, #tpu.memory_space<vmem>>
    %dma_wait3A_130 = tpu.memref_squeeze %dma_wait3A_129 : memref<1x128x128xf32, #tpu.memory_space<vmem>> -> memref<128x128xf32, #tpu.memory_space<vmem>>
    %dma_wait3A_131 = arith.constant 0 : i32
    %dma_wait3A_132 = arith.constant 0 : i32
    %dma_wait3A_133 = tpu.memref_slice %arg2[%dma_wait3A_131, %dma_wait3A_132] : memref<10000x128xf32, #tpu.memory_space<hbm>> -> memref<128x128xf32, #tpu.memory_space<hbm>>
    tpu.wait_dma2 semaphore(%arg10 : memref<!tpu.dma_semaphore, #tpu.memory_space<semaphore_mem>>) src(%dma_wait3A_133 : memref<128x128xf32, #tpu.memory_space<hbm>>) dst(%dma_wait3A_130 : memref<128x128xf32, #tpu.memory_space<vmem>>)
    %run_scoped3A_134 = arith.constant 0 : i32
    %run_scoped3A_135 = arith.constant 38 : i32
    "tpu.region"() ({
      %run_scoped3A_184 = tpu.sem_alloc : memref<!tpu.dma_semaphore, #tpu.memory_space<semaphore_mem>>
      %dma_start3A_185 = arith.constant 0 : i32
      %dma_start3A_186 = arith.constant 0 : i32
      %dma_start3A_187 = tpu.memref_slice %arg8[%run_scoped3A_134, %dma_start3A_185, %dma_start3A_186] : memref<2x128x128xf32, #tpu.memory_space<vmem>> -> memref<1x128x128xf32, #tpu.memory_space<vmem>>
      %dma_start3A_188 = tpu.memref_squeeze %dma_start3A_187 : memref<1x128x128xf32, #tpu.memory_space<vmem>> -> memref<128x128xf32, #tpu.memory_space<vmem>>
      %dma_start3A_189 = arith.constant 0 : i32
      %dma_start3A_190 = tpu.memref_slice %arg7[%run_scoped3A_135, %dma_start3A_189] : memref<40x128xi32, #tpu.memory_space<vmem>> -> memref<1x128xi32, #tpu.memory_space<vmem>>
      %dma_start3A_191 = tpu.memref_squeeze %dma_start3A_190 : memref<1x128xi32, #tpu.memory_space<vmem>> -> memref<128xi32, #tpu.memory_space<vmem>>
      %dma_start3A_192 = arith.constant 0 : i32
      %dma_start3A_193 = arith.constant 0 : i32
      %dma_start3A_194 = tpu.memref_slice %arg9[%dma_start3A_192, %dma_start3A_193] : memref<10240x128xf32, #tpu.memory_space<vmem_shared>> -> memref<10240x128xf32, #tpu.memory_space<vmem_shared>>
      tpu.enqueue_indirect_dma source(%dma_start3A_188 : memref<128x128xf32, #tpu.memory_space<vmem>>) target(%dma_start3A_194 : memref<10240x128xf32, #tpu.memory_space<vmem_shared>>) offsets(%dma_start3A_191 : memref<128xi32, #tpu.memory_space<vmem>>) semaphore(%run_scoped3A_184 : memref<!tpu.dma_semaphore, #tpu.memory_space<semaphore_mem>>) {add = true}
      %dma_wait3A_195 = arith.constant 0 : i32
      %dma_wait3A_196 = arith.constant 0 : i32
      %dma_wait3A_197 = tpu.memref_slice %arg8[%run_scoped3A_134, %dma_wait3A_195, %dma_wait3A_196] : memref<2x128x128xf32, #tpu.memory_space<vmem>> -> memref<1x128x128xf32, #tpu.memory_space<vmem>>
      %dma_wait3A_198 = tpu.memref_squeeze %dma_wait3A_197 : memref<1x128x128xf32, #tpu.memory_space<vmem>> -> memref<128x128xf32, #tpu.memory_space<vmem>>
      %dma_wait3A_199 = arith.constant 0 : i32
      %dma_wait3A_200 = tpu.memref_slice %arg7[%run_scoped3A_135, %dma_wait3A_199] : memref<40x128xi32, #tpu.memory_space<vmem>> -> memref<1x128xi32, #tpu.memory_space<vmem>>
      %dma_wait3A_201 = tpu.memref_squeeze %dma_wait3A_200 : memref<1x128xi32, #tpu.memory_space<vmem>> -> memref<128xi32, #tpu.memory_space<vmem>>
      %dma_wait3A_202 = arith.constant 0 : i32
      %dma_wait3A_203 = arith.constant 0 : i32
      %dma_wait3A_204 = tpu.memref_slice %arg9[%dma_wait3A_202, %dma_wait3A_203] : memref<10240x128xf32, #tpu.memory_space<vmem_shared>> -> memref<10240x128xf32, #tpu.memory_space<vmem_shared>>
      tpu.wait_indirect_dma semaphore(%run_scoped3A_184 : memref<!tpu.dma_semaphore, #tpu.memory_space<semaphore_mem>>) src(%dma_wait3A_198 : memref<128x128xf32, #tpu.memory_space<vmem>>) dst(%dma_wait3A_204 : memref<10240x128xf32, #tpu.memory_space<vmem_shared>>)
      tpu.yield
    }) : () -> ()
    %dma_wait3A_136 = arith.constant 1 : i32
    %dma_wait3A_137 = arith.constant 0 : i32
    %dma_wait3A_138 = arith.constant 0 : i32
    %dma_wait3A_139 = tpu.memref_slice %arg8[%dma_wait3A_136, %dma_wait3A_137, %dma_wait3A_138] : memref<2x128x128xf32, #tpu.memory_space<vmem>> -> memref<1x128x128xf32, #tpu.memory_space<vmem>>
    %dma_wait3A_140 = tpu.memref_squeeze %dma_wait3A_139 : memref<1x128x128xf32, #tpu.memory_space<vmem>> -> memref<128x128xf32, #tpu.memory_space<vmem>>
    %dma_wait3A_141 = arith.constant 0 : i32
    %dma_wait3A_142 = arith.constant 0 : i32
    %dma_wait3A_143 = tpu.memref_slice %arg2[%dma_wait3A_141, %dma_wait3A_142] : memref<10000x128xf32, #tpu.memory_space<hbm>> -> memref<128x128xf32, #tpu.memory_space<hbm>>
    %dma_wait3A_144 = arith.constant 0 : i32
    %dma_wait3A_145 = arith.constant 0 : i32
    %dma_wait3A_146 = tpu.memref_slice %arg8[%dma_wait3A_136, %dma_wait3A_144, %dma_wait3A_145] : memref<2x128x128xf32, #tpu.memory_space<vmem>> -> memref<1x128x128xf32, #tpu.memory_space<vmem>>
    %dma_wait3A_147 = tpu.memref_squeeze %dma_wait3A_146 : memref<1x128x128xf32, #tpu.memory_space<vmem>> -> memref<128x128xf32, #tpu.memory_space<vmem>>
    %dma_wait3A_148 = arith.constant 0 : i32
    %dma_wait3A_149 = arith.constant 0 : i32
    %dma_wait3A_150 = tpu.memref_slice %arg2[%dma_wait3A_148, %dma_wait3A_149] : memref<10000x128xf32, #tpu.memory_space<hbm>> -> memref<128x128xf32, #tpu.memory_space<hbm>>
    tpu.wait_dma2 semaphore(%arg11 : memref<!tpu.dma_semaphore, #tpu.memory_space<semaphore_mem>>) src(%dma_wait3A_150 : memref<128x128xf32, #tpu.memory_space<hbm>>) dst(%dma_wait3A_147 : memref<128x128xf32, #tpu.memory_space<vmem>>)
    %run_scoped3A_151 = arith.constant 1 : i32
    %run_scoped3A_152 = arith.constant 39 : i32
    "tpu.region"() ({
      %run_scoped3A_184 = tpu.sem_alloc : memref<!tpu.dma_semaphore, #tpu.memory_space<semaphore_mem>>
      %dma_start3A_185 = arith.constant 0 : i32
      %dma_start3A_186 = arith.constant 0 : i32
      %dma_start3A_187 = tpu.memref_slice %arg8[%run_scoped3A_151, %dma_start3A_185, %dma_start3A_186] : memref<2x128x128xf32, #tpu.memory_space<vmem>> -> memref<1x128x128xf32, #tpu.memory_space<vmem>>
      %dma_start3A_188 = tpu.memref_squeeze %dma_start3A_187 : memref<1x128x128xf32, #tpu.memory_space<vmem>> -> memref<128x128xf32, #tpu.memory_space<vmem>>
      %dma_start3A_189 = arith.constant 0 : i32
      %dma_start3A_190 = tpu.memref_slice %arg7[%run_scoped3A_152, %dma_start3A_189] : memref<40x128xi32, #tpu.memory_space<vmem>> -> memref<1x128xi32, #tpu.memory_space<vmem>>
      %dma_start3A_191 = tpu.memref_squeeze %dma_start3A_190 : memref<1x128xi32, #tpu.memory_space<vmem>> -> memref<128xi32, #tpu.memory_space<vmem>>
      %dma_start3A_192 = arith.constant 0 : i32
      %dma_start3A_193 = arith.constant 0 : i32
      %dma_start3A_194 = tpu.memref_slice %arg9[%dma_start3A_192, %dma_start3A_193] : memref<10240x128xf32, #tpu.memory_space<vmem_shared>> -> memref<10240x128xf32, #tpu.memory_space<vmem_shared>>
      tpu.enqueue_indirect_dma source(%dma_start3A_188 : memref<128x128xf32, #tpu.memory_space<vmem>>) target(%dma_start3A_194 : memref<10240x128xf32, #tpu.memory_space<vmem_shared>>) offsets(%dma_start3A_191 : memref<128xi32, #tpu.memory_space<vmem>>) semaphore(%run_scoped3A_184 : memref<!tpu.dma_semaphore, #tpu.memory_space<semaphore_mem>>) {add = true}
      %dma_wait3A_195 = arith.constant 0 : i32
      %dma_wait3A_196 = arith.constant 0 : i32
      %dma_wait3A_197 = tpu.memref_slice %arg8[%run_scoped3A_151, %dma_wait3A_195, %dma_wait3A_196] : memref<2x128x128xf32, #tpu.memory_space<vmem>> -> memref<1x128x128xf32, #tpu.memory_space<vmem>>
      %dma_wait3A_198 = tpu.memref_squeeze %dma_wait3A_197 : memref<1x128x128xf32, #tpu.memory_space<vmem>> -> memref<128x128xf32, #tpu.memory_space<vmem>>
      %dma_wait3A_199 = arith.constant 0 : i32
      %dma_wait3A_200 = tpu.memref_slice %arg7[%run_scoped3A_152, %dma_wait3A_199] : memref<40x128xi32, #tpu.memory_space<vmem>> -> memref<1x128xi32, #tpu.memory_space<vmem>>
      %dma_wait3A_201 = tpu.memref_squeeze %dma_wait3A_200 : memref<1x128xi32, #tpu.memory_space<vmem>> -> memref<128xi32, #tpu.memory_space<vmem>>
      %dma_wait3A_202 = arith.constant 0 : i32
      %dma_wait3A_203 = arith.constant 0 : i32
      %dma_wait3A_204 = tpu.memref_slice %arg9[%dma_wait3A_202, %dma_wait3A_203] : memref<10240x128xf32, #tpu.memory_space<vmem_shared>> -> memref<10240x128xf32, #tpu.memory_space<vmem_shared>>
      tpu.wait_indirect_dma semaphore(%run_scoped3A_184 : memref<!tpu.dma_semaphore, #tpu.memory_space<semaphore_mem>>) src(%dma_wait3A_198 : memref<128x128xf32, #tpu.memory_space<vmem>>) dst(%dma_wait3A_204 : memref<10240x128xf32, #tpu.memory_space<vmem_shared>>)
      tpu.yield
    }) : () -> ()
    %barrier3A_153 = arith.constant 0 : index
    tpu.barrier barrier_id(%barrier3A_153)
    %add3A_154 = arith.constant 0 : i32
    %add3A_155 = arith.addi %mul3A_2, %add3A_154 : i32
    %run_scoped3A_156 = arith.constant 0 : i32
    "tpu.region"() ({
      %run_scoped3A_184 = tpu.sem_alloc : memref<!tpu.dma_semaphore, #tpu.memory_space<semaphore_mem>>
      %dma_start3A_185 = arith.constant 0 : i32
      %dma_start3A_186 = arith.constant 0 : i32
      %dma_start3A_187 = tpu.memref_slice %arg8[%run_scoped3A_156, %dma_start3A_185, %dma_start3A_186] : memref<2x128x128xf32, #tpu.memory_space<vmem>> -> memref<1x128x128xf32, #tpu.memory_space<vmem>>
      %dma_start3A_188 = tpu.memref_squeeze %dma_start3A_187 : memref<1x128x128xf32, #tpu.memory_space<vmem>> -> memref<128x128xf32, #tpu.memory_space<vmem>>
      %dma_start3A_189 = arith.constant 0 : i32
      %dma_start3A_190 = tpu.memref_slice %arg9[%add3A_155, %dma_start3A_189] : memref<10240x128xf32, #tpu.memory_space<vmem_shared>> -> memref<128x128xf32, #tpu.memory_space<vmem_shared>>
      %dma_start3A_191 = arith.constant 0 : i32
      %dma_start3A_192 = arith.constant 0 : i32
      %dma_start3A_193 = tpu.memref_slice %arg8[%run_scoped3A_156, %dma_start3A_191, %dma_start3A_192] : memref<2x128x128xf32, #tpu.memory_space<vmem>> -> memref<1x128x128xf32, #tpu.memory_space<vmem>>
      %dma_start3A_194 = tpu.memref_squeeze %dma_start3A_193 : memref<1x128x128xf32, #tpu.memory_space<vmem>> -> memref<128x128xf32, #tpu.memory_space<vmem>>
      %dma_start3A_195 = arith.constant 0 : i32
      %dma_start3A_196 = tpu.memref_slice %arg9[%add3A_155, %dma_start3A_195] : memref<10240x128xf32, #tpu.memory_space<vmem_shared>> -> memref<128x128xf32, #tpu.memory_space<vmem_shared>>
      tpu.enqueue_dma source(%dma_start3A_196 : memref<128x128xf32, #tpu.memory_space<vmem_shared>>) target(%dma_start3A_194 : memref<128x128xf32, #tpu.memory_space<vmem>>) target_semaphore(%run_scoped3A_184 : memref<!tpu.dma_semaphore, #tpu.memory_space<semaphore_mem>>)
      %dma_wait3A_197 = arith.constant 0 : i32
      %dma_wait3A_198 = arith.constant 0 : i32
      %dma_wait3A_199 = tpu.memref_slice %arg8[%run_scoped3A_156, %dma_wait3A_197, %dma_wait3A_198] : memref<2x128x128xf32, #tpu.memory_space<vmem>> -> memref<1x128x128xf32, #tpu.memory_space<vmem>>
      %dma_wait3A_200 = tpu.memref_squeeze %dma_wait3A_199 : memref<1x128x128xf32, #tpu.memory_space<vmem>> -> memref<128x128xf32, #tpu.memory_space<vmem>>
      %dma_wait3A_201 = arith.constant 0 : i32
      %dma_wait3A_202 = tpu.memref_slice %arg9[%add3A_155, %dma_wait3A_201] : memref<10240x128xf32, #tpu.memory_space<vmem_shared>> -> memref<128x128xf32, #tpu.memory_space<vmem_shared>>
      %dma_wait3A_203 = arith.constant 0 : i32
      %dma_wait3A_204 = arith.constant 0 : i32
      %dma_wait3A_205 = tpu.memref_slice %arg8[%run_scoped3A_156, %dma_wait3A_203, %dma_wait3A_204] : memref<2x128x128xf32, #tpu.memory_space<vmem>> -> memref<1x128x128xf32, #tpu.memory_space<vmem>>
      %dma_wait3A_206 = tpu.memref_squeeze %dma_wait3A_205 : memref<1x128x128xf32, #tpu.memory_space<vmem>> -> memref<128x128xf32, #tpu.memory_space<vmem>>
      %dma_wait3A_207 = arith.constant 0 : i32
      %dma_wait3A_208 = tpu.memref_slice %arg9[%add3A_155, %dma_wait3A_207] : memref<10240x128xf32, #tpu.memory_space<vmem_shared>> -> memref<128x128xf32, #tpu.memory_space<vmem_shared>>
      tpu.wait_dma2 semaphore(%run_scoped3A_184 : memref<!tpu.dma_semaphore, #tpu.memory_space<semaphore_mem>>) src(%dma_wait3A_208 : memref<128x128xf32, #tpu.memory_space<vmem_shared>>) dst(%dma_wait3A_206 : memref<128x128xf32, #tpu.memory_space<vmem>>)
      tpu.yield
    }) : () -> ()
    %add3A_157 = arith.constant 0 : i32
    %add3A_158 = arith.addi %mul3A_2, %add3A_157 : i32
    %run_scoped3A_159 = arith.constant 0 : i32
    "tpu.region"() ({
      %run_scoped3A_184 = tpu.sem_alloc : memref<!tpu.dma_semaphore, #tpu.memory_space<semaphore_mem>>
      %dma_start3A_185 = arith.constant 0 : i32
      %dma_start3A_186 = arith.constant 0 : i32
      %dma_start3A_187 = tpu.memref_slice %arg8[%run_scoped3A_159, %dma_start3A_185, %dma_start3A_186] : memref<2x128x128xf32, #tpu.memory_space<vmem>> -> memref<1x128x128xf32, #tpu.memory_space<vmem>>
      %dma_start3A_188 = tpu.memref_squeeze %dma_start3A_187 : memref<1x128x128xf32, #tpu.memory_space<vmem>> -> memref<128x128xf32, #tpu.memory_space<vmem>>
      %dma_start3A_189 = arith.constant 0 : i32
      %dma_start3A_190 = tpu.memref_slice %arg5[%arg0, %add3A_158, %dma_start3A_189] : memref<2x10240x128xf32, #tpu.memory_space<hbm>> -> memref<1x128x128xf32, #tpu.memory_space<hbm>>
      %dma_start3A_191 = tpu.memref_squeeze %dma_start3A_190 : memref<1x128x128xf32, #tpu.memory_space<hbm>> -> memref<128x128xf32, #tpu.memory_space<hbm>>
      %dma_start3A_192 = arith.constant 0 : i32
      %dma_start3A_193 = tpu.memref_slice %arg5[%arg0, %add3A_158, %dma_start3A_192] : memref<2x10240x128xf32, #tpu.memory_space<hbm>> -> memref<1x128x128xf32, #tpu.memory_space<hbm>>
      %dma_start3A_194 = tpu.memref_squeeze %dma_start3A_193 : memref<1x128x128xf32, #tpu.memory_space<hbm>> -> memref<128x128xf32, #tpu.memory_space<hbm>>
      %dma_start3A_195 = arith.constant 0 : i32
      %dma_start3A_196 = arith.constant 0 : i32
      %dma_start3A_197 = tpu.memref_slice %arg8[%run_scoped3A_159, %dma_start3A_195, %dma_start3A_196] : memref<2x128x128xf32, #tpu.memory_space<vmem>> -> memref<1x128x128xf32, #tpu.memory_space<vmem>>
      %dma_start3A_198 = tpu.memref_squeeze %dma_start3A_197 : memref<1x128x128xf32, #tpu.memory_space<vmem>> -> memref<128x128xf32, #tpu.memory_space<vmem>>
      tpu.enqueue_dma source(%dma_start3A_198 : memref<128x128xf32, #tpu.memory_space<vmem>>) target(%dma_start3A_194 : memref<128x128xf32, #tpu.memory_space<hbm>>) target_semaphore(%run_scoped3A_184 : memref<!tpu.dma_semaphore, #tpu.memory_space<semaphore_mem>>)
      %dma_wait3A_199 = arith.constant 0 : i32
      %dma_wait3A_200 = arith.constant 0 : i32
      %dma_wait3A_201 = tpu.memref_slice %arg8[%run_scoped3A_159, %dma_wait3A_199, %dma_wait3A_200] : memref<2x128x128xf32, #tpu.memory_space<vmem>> -> memref<1x128x128xf32, #tpu.memory_space<vmem>>
      %dma_wait3A_202 = tpu.memref_squeeze %dma_wait3A_201 : memref<1x128x128xf32, #tpu.memory_space<vmem>> -> memref<128x128xf32, #tpu.memory_space<vmem>>
      %dma_wait3A_203 = arith.constant 0 : i32
      %dma_wait3A_204 = tpu.memref_slice %arg5[%arg0, %add3A_158, %dma_wait3A_203] : memref<2x10240x128xf32, #tpu.memory_space<hbm>> -> memref<1x128x128xf32, #tpu.memory_space<hbm>>
      %dma_wait3A_205 = tpu.memref_squeeze %dma_wait3A_204 : memref<1x128x128xf32, #tpu.memory_space<hbm>> -> memref<128x128xf32, #tpu.memory_space<hbm>>
      %dma_wait3A_206 = arith.constant 0 : i32
      %dma_wait3A_207 = tpu.memref_slice %arg5[%arg0, %add3A_158, %dma_wait3A_206] : memref<2x10240x128xf32, #tpu.memory_space<hbm>> -> memref<1x128x128xf32, #tpu.memory_space<hbm>>
      %dma_wait3A_208 = tpu.memref_squeeze %dma_wait3A_207 : memref<1x128x128xf32, #tpu.memory_space<hbm>> -> memref<128x128xf32, #tpu.memory_space<hbm>>
      %dma_wait3A_209 = arith.constant 0 : i32
      %dma_wait3A_210 = arith.constant 0 : i32
      %dma_wait3A_211 = tpu.memref_slice %arg8[%run_scoped3A_159, %dma_wait3A_209, %dma_wait3A_210] : memref<2x128x128xf32, #tpu.memory_space<vmem>> -> memref<1x128x128xf32, #tpu.memory_space<vmem>>
      %dma_wait3A_212 = tpu.memref_squeeze %dma_wait3A_211 : memref<1x128x128xf32, #tpu.memory_space<vmem>> -> memref<128x128xf32, #tpu.memory_space<vmem>>
      tpu.wait_dma2 semaphore(%run_scoped3A_184 : memref<!tpu.dma_semaphore, #tpu.memory_space<semaphore_mem>>) src(%dma_wait3A_212 : memref<128x128xf32, #tpu.memory_space<vmem>>) dst(%dma_wait3A_208 : memref<128x128xf32, #tpu.memory_space<hbm>>)
      tpu.yield
    }) : () -> ()
    %add3A_160 = arith.constant 128 : i32
    %add3A_161 = arith.addi %mul3A_2, %add3A_160 : i32
    %run_scoped3A_162 = arith.constant 0 : i32
    "tpu.region"() ({
      %run_scoped3A_184 = tpu.sem_alloc : memref<!tpu.dma_semaphore, #tpu.memory_space<semaphore_mem>>
      %dma_start3A_185 = arith.constant 0 : i32
      %dma_start3A_186 = arith.constant 0 : i32
      %dma_start3A_187 = tpu.memref_slice %arg8[%run_scoped3A_162, %dma_start3A_185, %dma_start3A_186] : memref<2x128x128xf32, #tpu.memory_space<vmem>> -> memref<1x128x128xf32, #tpu.memory_space<vmem>>
      %dma_start3A_188 = tpu.memref_squeeze %dma_start3A_187 : memref<1x128x128xf32, #tpu.memory_space<vmem>> -> memref<128x128xf32, #tpu.memory_space<vmem>>
      %dma_start3A_189 = arith.constant 0 : i32
      %dma_start3A_190 = tpu.memref_slice %arg9[%add3A_161, %dma_start3A_189] : memref<10240x128xf32, #tpu.memory_space<vmem_shared>> -> memref<128x128xf32, #tpu.memory_space<vmem_shared>>
      %dma_start3A_191 = arith.constant 0 : i32
      %dma_start3A_192 = arith.constant 0 : i32
      %dma_start3A_193 = tpu.memref_slice %arg8[%run_scoped3A_162, %dma_start3A_191, %dma_start3A_192] : memref<2x128x128xf32, #tpu.memory_space<vmem>> -> memref<1x128x128xf32, #tpu.memory_space<vmem>>
      %dma_start3A_194 = tpu.memref_squeeze %dma_start3A_193 : memref<1x128x128xf32, #tpu.memory_space<vmem>> -> memref<128x128xf32, #tpu.memory_space<vmem>>
      %dma_start3A_195 = arith.constant 0 : i32
      %dma_start3A_196 = tpu.memref_slice %arg9[%add3A_161, %dma_start3A_195] : memref<10240x128xf32, #tpu.memory_space<vmem_shared>> -> memref<128x128xf32, #tpu.memory_space<vmem_shared>>
      tpu.enqueue_dma source(%dma_start3A_196 : memref<128x128xf32, #tpu.memory_space<vmem_shared>>) target(%dma_start3A_194 : memref<128x128xf32, #tpu.memory_space<vmem>>) target_semaphore(%run_scoped3A_184 : memref<!tpu.dma_semaphore, #tpu.memory_space<semaphore_mem>>)
      %dma_wait3A_197 = arith.constant 0 : i32
      %dma_wait3A_198 = arith.constant 0 : i32
      %dma_wait3A_199 = tpu.memref_slice %arg8[%run_scoped3A_162, %dma_wait3A_197, %dma_wait3A_198] : memref<2x128x128xf32, #tpu.memory_space<vmem>> -> memref<1x128x128xf32, #tpu.memory_space<vmem>>
      %dma_wait3A_200 = tpu.memref_squeeze %dma_wait3A_199 : memref<1x128x128xf32, #tpu.memory_space<vmem>> -> memref<128x128xf32, #tpu.memory_space<vmem>>
      %dma_wait3A_201 = arith.constant 0 : i32
      %dma_wait3A_202 = tpu.memref_slice %arg9[%add3A_161, %dma_wait3A_201] : memref<10240x128xf32, #tpu.memory_space<vmem_shared>> -> memref<128x128xf32, #tpu.memory_space<vmem_shared>>
      %dma_wait3A_203 = arith.constant 0 : i32
      %dma_wait3A_204 = arith.constant 0 : i32
      %dma_wait3A_205 = tpu.memref_slice %arg8[%run_scoped3A_162, %dma_wait3A_203, %dma_wait3A_204] : memref<2x128x128xf32, #tpu.memory_space<vmem>> -> memref<1x128x128xf32, #tpu.memory_space<vmem>>
      %dma_wait3A_206 = tpu.memref_squeeze %dma_wait3A_205 : memref<1x128x128xf32, #tpu.memory_space<vmem>> -> memref<128x128xf32, #tpu.memory_space<vmem>>
      %dma_wait3A_207 = arith.constant 0 : i32
      %dma_wait3A_208 = tpu.memref_slice %arg9[%add3A_161, %dma_wait3A_207] : memref<10240x128xf32, #tpu.memory_space<vmem_shared>> -> memref<128x128xf32, #tpu.memory_space<vmem_shared>>
      tpu.wait_dma2 semaphore(%run_scoped3A_184 : memref<!tpu.dma_semaphore, #tpu.memory_space<semaphore_mem>>) src(%dma_wait3A_208 : memref<128x128xf32, #tpu.memory_space<vmem_shared>>) dst(%dma_wait3A_206 : memref<128x128xf32, #tpu.memory_space<vmem>>)
      tpu.yield
    }) : () -> ()
    %add3A_163 = arith.constant 128 : i32
    %add3A_164 = arith.addi %mul3A_2, %add3A_163 : i32
    %run_scoped3A_165 = arith.constant 0 : i32
    "tpu.region"() ({
      %run_scoped3A_184 = tpu.sem_alloc : memref<!tpu.dma_semaphore, #tpu.memory_space<semaphore_mem>>
      %dma_start3A_185 = arith.constant 0 : i32
      %dma_start3A_186 = arith.constant 0 : i32
      %dma_start3A_187 = tpu.memref_slice %arg8[%run_scoped3A_165, %dma_start3A_185, %dma_start3A_186] : memref<2x128x128xf32, #tpu.memory_space<vmem>> -> memref<1x128x128xf32, #tpu.memory_space<vmem>>
      %dma_start3A_188 = tpu.memref_squeeze %dma_start3A_187 : memref<1x128x128xf32, #tpu.memory_space<vmem>> -> memref<128x128xf32, #tpu.memory_space<vmem>>
      %dma_start3A_189 = arith.constant 0 : i32
      %dma_start3A_190 = tpu.memref_slice %arg5[%arg0, %add3A_164, %dma_start3A_189] : memref<2x10240x128xf32, #tpu.memory_space<hbm>> -> memref<1x128x128xf32, #tpu.memory_space<hbm>>
      %dma_start3A_191 = tpu.memref_squeeze %dma_start3A_190 : memref<1x128x128xf32, #tpu.memory_space<hbm>> -> memref<128x128xf32, #tpu.memory_space<hbm>>
      %dma_start3A_192 = arith.constant 0 : i32
      %dma_start3A_193 = tpu.memref_slice %arg5[%arg0, %add3A_164, %dma_start3A_192] : memref<2x10240x128xf32, #tpu.memory_space<hbm>> -> memref<1x128x128xf32, #tpu.memory_space<hbm>>
      %dma_start3A_194 = tpu.memref_squeeze %dma_start3A_193 : memref<1x128x128xf32, #tpu.memory_space<hbm>> -> memref<128x128xf32, #tpu.memory_space<hbm>>
      %dma_start3A_195 = arith.constant 0 : i32
      %dma_start3A_196 = arith.constant 0 : i32
      %dma_start3A_197 = tpu.memref_slice %arg8[%run_scoped3A_165, %dma_start3A_195, %dma_start3A_196] : memref<2x128x128xf32, #tpu.memory_space<vmem>> -> memref<1x128x128xf32, #tpu.memory_space<vmem>>
      %dma_start3A_198 = tpu.memref_squeeze %dma_start3A_197 : memref<1x128x128xf32, #tpu.memory_space<vmem>> -> memref<128x128xf32, #tpu.memory_space<vmem>>
      tpu.enqueue_dma source(%dma_start3A_198 : memref<128x128xf32, #tpu.memory_space<vmem>>) target(%dma_start3A_194 : memref<128x128xf32, #tpu.memory_space<hbm>>) target_semaphore(%run_scoped3A_184 : memref<!tpu.dma_semaphore, #tpu.memory_space<semaphore_mem>>)
      %dma_wait3A_199 = arith.constant 0 : i32
      %dma_wait3A_200 = arith.constant 0 : i32
      %dma_wait3A_201 = tpu.memref_slice %arg8[%run_scoped3A_165, %dma_wait3A_199, %dma_wait3A_200] : memref<2x128x128xf32, #tpu.memory_space<vmem>> -> memref<1x128x128xf32, #tpu.memory_space<vmem>>
      %dma_wait3A_202 = tpu.memref_squeeze %dma_wait3A_201 : memref<1x128x128xf32, #tpu.memory_space<vmem>> -> memref<128x128xf32, #tpu.memory_space<vmem>>
      %dma_wait3A_203 = arith.constant 0 : i32
      %dma_wait3A_204 = tpu.memref_slice %arg5[%arg0, %add3A_164, %dma_wait3A_203] : memref<2x10240x128xf32, #tpu.memory_space<hbm>> -> memref<1x128x128xf32, #tpu.memory_space<hbm>>
      %dma_wait3A_205 = tpu.memref_squeeze %dma_wait3A_204 : memref<1x128x128xf32, #tpu.memory_space<hbm>> -> memref<128x128xf32, #tpu.memory_space<hbm>>
      %dma_wait3A_206 = arith.constant 0 : i32
      %dma_wait3A_207 = tpu.memref_slice %arg5[%arg0, %add3A_164, %dma_wait3A_206] : memref<2x10240x128xf32, #tpu.memory_space<hbm>> -> memref<1x128x128xf32, #tpu.memory_space<hbm>>
      %dma_wait3A_208 = tpu.memref_squeeze %dma_wait3A_207 : memref<1x128x128xf32, #tpu.memory_space<hbm>> -> memref<128x128xf32, #tpu.memory_space<hbm>>
      %dma_wait3A_209 = arith.constant 0 : i32
      %dma_wait3A_210 = arith.constant 0 : i32
      %dma_wait3A_211 = tpu.memref_slice %arg8[%run_scoped3A_165, %dma_wait3A_209, %dma_wait3A_210] : memref<2x128x128xf32, #tpu.memory_space<vmem>> -> memref<1x128x128xf32, #tpu.memory_space<vmem>>
      %dma_wait3A_212 = tpu.memref_squeeze %dma_wait3A_211 : memref<1x128x128xf32, #tpu.memory_space<vmem>> -> memref<128x128xf32, #tpu.memory_space<vmem>>
      tpu.wait_dma2 semaphore(%run_scoped3A_184 : memref<!tpu.dma_semaphore, #tpu.memory_space<semaphore_mem>>) src(%dma_wait3A_212 : memref<128x128xf32, #tpu.memory_space<vmem>>) dst(%dma_wait3A_208 : memref<128x128xf32, #tpu.memory_space<hbm>>)
      tpu.yield
    }) : () -> ()
    %add3A_166 = arith.constant 256 : i32
    %add3A_167 = arith.addi %mul3A_2, %add3A_166 : i32
    %run_scoped3A_168 = arith.constant 0 : i32
    "tpu.region"() ({
      %run_scoped3A_184 = tpu.sem_alloc : memref<!tpu.dma_semaphore, #tpu.memory_space<semaphore_mem>>
      %dma_start3A_185 = arith.constant 0 : i32
      %dma_start3A_186 = arith.constant 0 : i32
      %dma_start3A_187 = tpu.memref_slice %arg8[%run_scoped3A_168, %dma_start3A_185, %dma_start3A_186] : memref<2x128x128xf32, #tpu.memory_space<vmem>> -> memref<1x128x128xf32, #tpu.memory_space<vmem>>
      %dma_start3A_188 = tpu.memref_squeeze %dma_start3A_187 : memref<1x128x128xf32, #tpu.memory_space<vmem>> -> memref<128x128xf32, #tpu.memory_space<vmem>>
      %dma_start3A_189 = arith.constant 0 : i32
      %dma_start3A_190 = tpu.memref_slice %arg9[%add3A_167, %dma_start3A_189] : memref<10240x128xf32, #tpu.memory_space<vmem_shared>> -> memref<128x128xf32, #tpu.memory_space<vmem_shared>>
      %dma_start3A_191 = arith.constant 0 : i32
      %dma_start3A_192 = arith.constant 0 : i32
      %dma_start3A_193 = tpu.memref_slice %arg8[%run_scoped3A_168, %dma_start3A_191, %dma_start3A_192] : memref<2x128x128xf32, #tpu.memory_space<vmem>> -> memref<1x128x128xf32, #tpu.memory_space<vmem>>
      %dma_start3A_194 = tpu.memref_squeeze %dma_start3A_193 : memref<1x128x128xf32, #tpu.memory_space<vmem>> -> memref<128x128xf32, #tpu.memory_space<vmem>>
      %dma_start3A_195 = arith.constant 0 : i32
      %dma_start3A_196 = tpu.memref_slice %arg9[%add3A_167, %dma_start3A_195] : memref<10240x128xf32, #tpu.memory_space<vmem_shared>> -> memref<128x128xf32, #tpu.memory_space<vmem_shared>>
      tpu.enqueue_dma source(%dma_start3A_196 : memref<128x128xf32, #tpu.memory_space<vmem_shared>>) target(%dma_start3A_194 : memref<128x128xf32, #tpu.memory_space<vmem>>) target_semaphore(%run_scoped3A_184 : memref<!tpu.dma_semaphore, #tpu.memory_space<semaphore_mem>>)
      %dma_wait3A_197 = arith.constant 0 : i32
      %dma_wait3A_198 = arith.constant 0 : i32
      %dma_wait3A_199 = tpu.memref_slice %arg8[%run_scoped3A_168, %dma_wait3A_197, %dma_wait3A_198] : memref<2x128x128xf32, #tpu.memory_space<vmem>> -> memref<1x128x128xf32, #tpu.memory_space<vmem>>
      %dma_wait3A_200 = tpu.memref_squeeze %dma_wait3A_199 : memref<1x128x128xf32, #tpu.memory_space<vmem>> -> memref<128x128xf32, #tpu.memory_space<vmem>>
      %dma_wait3A_201 = arith.constant 0 : i32
      %dma_wait3A_202 = tpu.memref_slice %arg9[%add3A_167, %dma_wait3A_201] : memref<10240x128xf32, #tpu.memory_space<vmem_shared>> -> memref<128x128xf32, #tpu.memory_space<vmem_shared>>
      %dma_wait3A_203 = arith.constant 0 : i32
      %dma_wait3A_204 = arith.constant 0 : i32
      %dma_wait3A_205 = tpu.memref_slice %arg8[%run_scoped3A_168, %dma_wait3A_203, %dma_wait3A_204] : memref<2x128x128xf32, #tpu.memory_space<vmem>> -> memref<1x128x128xf32, #tpu.memory_space<vmem>>
      %dma_wait3A_206 = tpu.memref_squeeze %dma_wait3A_205 : memref<1x128x128xf32, #tpu.memory_space<vmem>> -> memref<128x128xf32, #tpu.memory_space<vmem>>
      %dma_wait3A_207 = arith.constant 0 : i32
      %dma_wait3A_208 = tpu.memref_slice %arg9[%add3A_167, %dma_wait3A_207] : memref<10240x128xf32, #tpu.memory_space<vmem_shared>> -> memref<128x128xf32, #tpu.memory_space<vmem_shared>>
      tpu.wait_dma2 semaphore(%run_scoped3A_184 : memref<!tpu.dma_semaphore, #tpu.memory_space<semaphore_mem>>) src(%dma_wait3A_208 : memref<128x128xf32, #tpu.memory_space<vmem_shared>>) dst(%dma_wait3A_206 : memref<128x128xf32, #tpu.memory_space<vmem>>)
      tpu.yield
    }) : () -> ()
    %add3A_169 = arith.constant 256 : i32
    %add3A_170 = arith.addi %mul3A_2, %add3A_169 : i32
    %run_scoped3A_171 = arith.constant 0 : i32
    "tpu.region"() ({
      %run_scoped3A_184 = tpu.sem_alloc : memref<!tpu.dma_semaphore, #tpu.memory_space<semaphore_mem>>
      %dma_start3A_185 = arith.constant 0 : i32
      %dma_start3A_186 = arith.constant 0 : i32
      %dma_start3A_187 = tpu.memref_slice %arg8[%run_scoped3A_171, %dma_start3A_185, %dma_start3A_186] : memref<2x128x128xf32, #tpu.memory_space<vmem>> -> memref<1x128x128xf32, #tpu.memory_space<vmem>>
      %dma_start3A_188 = tpu.memref_squeeze %dma_start3A_187 : memref<1x128x128xf32, #tpu.memory_space<vmem>> -> memref<128x128xf32, #tpu.memory_space<vmem>>
      %dma_start3A_189 = arith.constant 0 : i32
      %dma_start3A_190 = tpu.memref_slice %arg5[%arg0, %add3A_170, %dma_start3A_189] : memref<2x10240x128xf32, #tpu.memory_space<hbm>> -> memref<1x128x128xf32, #tpu.memory_space<hbm>>
      %dma_start3A_191 = tpu.memref_squeeze %dma_start3A_190 : memref<1x128x128xf32, #tpu.memory_space<hbm>> -> memref<128x128xf32, #tpu.memory_space<hbm>>
      %dma_start3A_192 = arith.constant 0 : i32
      %dma_start3A_193 = tpu.memref_slice %arg5[%arg0, %add3A_170, %dma_start3A_192] : memref<2x10240x128xf32, #tpu.memory_space<hbm>> -> memref<1x128x128xf32, #tpu.memory_space<hbm>>
      %dma_start3A_194 = tpu.memref_squeeze %dma_start3A_193 : memref<1x128x128xf32, #tpu.memory_space<hbm>> -> memref<128x128xf32, #tpu.memory_space<hbm>>
      %dma_start3A_195 = arith.constant 0 : i32
      %dma_start3A_196 = arith.constant 0 : i32
      %dma_start3A_197 = tpu.memref_slice %arg8[%run_scoped3A_171, %dma_start3A_195, %dma_start3A_196] : memref<2x128x128xf32, #tpu.memory_space<vmem>> -> memref<1x128x128xf32, #tpu.memory_space<vmem>>
      %dma_start3A_198 = tpu.memref_squeeze %dma_start3A_197 : memref<1x128x128xf32, #tpu.memory_space<vmem>> -> memref<128x128xf32, #tpu.memory_space<vmem>>
      tpu.enqueue_dma source(%dma_start3A_198 : memref<128x128xf32, #tpu.memory_space<vmem>>) target(%dma_start3A_194 : memref<128x128xf32, #tpu.memory_space<hbm>>) target_semaphore(%run_scoped3A_184 : memref<!tpu.dma_semaphore, #tpu.memory_space<semaphore_mem>>)
      %dma_wait3A_199 = arith.constant 0 : i32
      %dma_wait3A_200 = arith.constant 0 : i32
      %dma_wait3A_201 = tpu.memref_slice %arg8[%run_scoped3A_171, %dma_wait3A_199, %dma_wait3A_200] : memref<2x128x128xf32, #tpu.memory_space<vmem>> -> memref<1x128x128xf32, #tpu.memory_space<vmem>>
      %dma_wait3A_202 = tpu.memref_squeeze %dma_wait3A_201 : memref<1x128x128xf32, #tpu.memory_space<vmem>> -> memref<128x128xf32, #tpu.memory_space<vmem>>
      %dma_wait3A_203 = arith.constant 0 : i32
      %dma_wait3A_204 = tpu.memref_slice %arg5[%arg0, %add3A_170, %dma_wait3A_203] : memref<2x10240x128xf32, #tpu.memory_space<hbm>> -> memref<1x128x128xf32, #tpu.memory_space<hbm>>
      %dma_wait3A_205 = tpu.memref_squeeze %dma_wait3A_204 : memref<1x128x128xf32, #tpu.memory_space<hbm>> -> memref<128x128xf32, #tpu.memory_space<hbm>>
      %dma_wait3A_206 = arith.constant 0 : i32
      %dma_wait3A_207 = tpu.memref_slice %arg5[%arg0, %add3A_170, %dma_wait3A_206] : memref<2x10240x128xf32, #tpu.memory_space<hbm>> -> memref<1x128x128xf32, #tpu.memory_space<hbm>>
      %dma_wait3A_208 = tpu.memref_squeeze %dma_wait3A_207 : memref<1x128x128xf32, #tpu.memory_space<hbm>> -> memref<128x128xf32, #tpu.memory_space<hbm>>
      %dma_wait3A_209 = arith.constant 0 : i32
      %dma_wait3A_210 = arith.constant 0 : i32
      %dma_wait3A_211 = tpu.memref_slice %arg8[%run_scoped3A_171, %dma_wait3A_209, %dma_wait3A_210] : memref<2x128x128xf32, #tpu.memory_space<vmem>> -> memref<1x128x128xf32, #tpu.memory_space<vmem>>
      %dma_wait3A_212 = tpu.memref_squeeze %dma_wait3A_211 : memref<1x128x128xf32, #tpu.memory_space<vmem>> -> memref<128x128xf32, #tpu.memory_space<vmem>>
      tpu.wait_dma2 semaphore(%run_scoped3A_184 : memref<!tpu.dma_semaphore, #tpu.memory_space<semaphore_mem>>) src(%dma_wait3A_212 : memref<128x128xf32, #tpu.memory_space<vmem>>) dst(%dma_wait3A_208 : memref<128x128xf32, #tpu.memory_space<hbm>>)
      tpu.yield
    }) : () -> ()
    %add3A_172 = arith.constant 384 : i32
    %add3A_173 = arith.addi %mul3A_2, %add3A_172 : i32
    %run_scoped3A_174 = arith.constant 0 : i32
    "tpu.region"() ({
      %run_scoped3A_184 = tpu.sem_alloc : memref<!tpu.dma_semaphore, #tpu.memory_space<semaphore_mem>>
      %dma_start3A_185 = arith.constant 0 : i32
      %dma_start3A_186 = arith.constant 0 : i32
      %dma_start3A_187 = tpu.memref_slice %arg8[%run_scoped3A_174, %dma_start3A_185, %dma_start3A_186] : memref<2x128x128xf32, #tpu.memory_space<vmem>> -> memref<1x128x128xf32, #tpu.memory_space<vmem>>
      %dma_start3A_188 = tpu.memref_squeeze %dma_start3A_187 : memref<1x128x128xf32, #tpu.memory_space<vmem>> -> memref<128x128xf32, #tpu.memory_space<vmem>>
      %dma_start3A_189 = arith.constant 0 : i32
      %dma_start3A_190 = tpu.memref_slice %arg9[%add3A_173, %dma_start3A_189] : memref<10240x128xf32, #tpu.memory_space<vmem_shared>> -> memref<128x128xf32, #tpu.memory_space<vmem_shared>>
      %dma_start3A_191 = arith.constant 0 : i32
      %dma_start3A_192 = arith.constant 0 : i32
      %dma_start3A_193 = tpu.memref_slice %arg8[%run_scoped3A_174, %dma_start3A_191, %dma_start3A_192] : memref<2x128x128xf32, #tpu.memory_space<vmem>> -> memref<1x128x128xf32, #tpu.memory_space<vmem>>
      %dma_start3A_194 = tpu.memref_squeeze %dma_start3A_193 : memref<1x128x128xf32, #tpu.memory_space<vmem>> -> memref<128x128xf32, #tpu.memory_space<vmem>>
      %dma_start3A_195 = arith.constant 0 : i32
      %dma_start3A_196 = tpu.memref_slice %arg9[%add3A_173, %dma_start3A_195] : memref<10240x128xf32, #tpu.memory_space<vmem_shared>> -> memref<128x128xf32, #tpu.memory_space<vmem_shared>>
      tpu.enqueue_dma source(%dma_start3A_196 : memref<128x128xf32, #tpu.memory_space<vmem_shared>>) target(%dma_start3A_194 : memref<128x128xf32, #tpu.memory_space<vmem>>) target_semaphore(%run_scoped3A_184 : memref<!tpu.dma_semaphore, #tpu.memory_space<semaphore_mem>>)
      %dma_wait3A_197 = arith.constant 0 : i32
      %dma_wait3A_198 = arith.constant 0 : i32
      %dma_wait3A_199 = tpu.memref_slice %arg8[%run_scoped3A_174, %dma_wait3A_197, %dma_wait3A_198] : memref<2x128x128xf32, #tpu.memory_space<vmem>> -> memref<1x128x128xf32, #tpu.memory_space<vmem>>
      %dma_wait3A_200 = tpu.memref_squeeze %dma_wait3A_199 : memref<1x128x128xf32, #tpu.memory_space<vmem>> -> memref<128x128xf32, #tpu.memory_space<vmem>>
      %dma_wait3A_201 = arith.constant 0 : i32
      %dma_wait3A_202 = tpu.memref_slice %arg9[%add3A_173, %dma_wait3A_201] : memref<10240x128xf32, #tpu.memory_space<vmem_shared>> -> memref<128x128xf32, #tpu.memory_space<vmem_shared>>
      %dma_wait3A_203 = arith.constant 0 : i32
      %dma_wait3A_204 = arith.constant 0 : i32
      %dma_wait3A_205 = tpu.memref_slice %arg8[%run_scoped3A_174, %dma_wait3A_203, %dma_wait3A_204] : memref<2x128x128xf32, #tpu.memory_space<vmem>> -> memref<1x128x128xf32, #tpu.memory_space<vmem>>
      %dma_wait3A_206 = tpu.memref_squeeze %dma_wait3A_205 : memref<1x128x128xf32, #tpu.memory_space<vmem>> -> memref<128x128xf32, #tpu.memory_space<vmem>>
      %dma_wait3A_207 = arith.constant 0 : i32
      %dma_wait3A_208 = tpu.memref_slice %arg9[%add3A_173, %dma_wait3A_207] : memref<10240x128xf32, #tpu.memory_space<vmem_shared>> -> memref<128x128xf32, #tpu.memory_space<vmem_shared>>
      tpu.wait_dma2 semaphore(%run_scoped3A_184 : memref<!tpu.dma_semaphore, #tpu.memory_space<semaphore_mem>>) src(%dma_wait3A_208 : memref<128x128xf32, #tpu.memory_space<vmem_shared>>) dst(%dma_wait3A_206 : memref<128x128xf32, #tpu.memory_space<vmem>>)
      tpu.yield
    }) : () -> ()
    %add3A_175 = arith.constant 384 : i32
    %add3A_176 = arith.addi %mul3A_2, %add3A_175 : i32
    %run_scoped3A_177 = arith.constant 0 : i32
    "tpu.region"() ({
      %run_scoped3A_184 = tpu.sem_alloc : memref<!tpu.dma_semaphore, #tpu.memory_space<semaphore_mem>>
      %dma_start3A_185 = arith.constant 0 : i32
      %dma_start3A_186 = arith.constant 0 : i32
      %dma_start3A_187 = tpu.memref_slice %arg8[%run_scoped3A_177, %dma_start3A_185, %dma_start3A_186] : memref<2x128x128xf32, #tpu.memory_space<vmem>> -> memref<1x128x128xf32, #tpu.memory_space<vmem>>
      %dma_start3A_188 = tpu.memref_squeeze %dma_start3A_187 : memref<1x128x128xf32, #tpu.memory_space<vmem>> -> memref<128x128xf32, #tpu.memory_space<vmem>>
      %dma_start3A_189 = arith.constant 0 : i32
      %dma_start3A_190 = tpu.memref_slice %arg5[%arg0, %add3A_176, %dma_start3A_189] : memref<2x10240x128xf32, #tpu.memory_space<hbm>> -> memref<1x128x128xf32, #tpu.memory_space<hbm>>
      %dma_start3A_191 = tpu.memref_squeeze %dma_start3A_190 : memref<1x128x128xf32, #tpu.memory_space<hbm>> -> memref<128x128xf32, #tpu.memory_space<hbm>>
      %dma_start3A_192 = arith.constant 0 : i32
      %dma_start3A_193 = tpu.memref_slice %arg5[%arg0, %add3A_176, %dma_start3A_192] : memref<2x10240x128xf32, #tpu.memory_space<hbm>> -> memref<1x128x128xf32, #tpu.memory_space<hbm>>
      %dma_start3A_194 = tpu.memref_squeeze %dma_start3A_193 : memref<1x128x128xf32, #tpu.memory_space<hbm>> -> memref<128x128xf32, #tpu.memory_space<hbm>>
      %dma_start3A_195 = arith.constant 0 : i32
      %dma_start3A_196 = arith.constant 0 : i32
      %dma_start3A_197 = tpu.memref_slice %arg8[%run_scoped3A_177, %dma_start3A_195, %dma_start3A_196] : memref<2x128x128xf32, #tpu.memory_space<vmem>> -> memref<1x128x128xf32, #tpu.memory_space<vmem>>
      %dma_start3A_198 = tpu.memref_squeeze %dma_start3A_197 : memref<1x128x128xf32, #tpu.memory_space<vmem>> -> memref<128x128xf32, #tpu.memory_space<vmem>>
      tpu.enqueue_dma source(%dma_start3A_198 : memref<128x128xf32, #tpu.memory_space<vmem>>) target(%dma_start3A_194 : memref<128x128xf32, #tpu.memory_space<hbm>>) target_semaphore(%run_scoped3A_184 : memref<!tpu.dma_semaphore, #tpu.memory_space<semaphore_mem>>)
      %dma_wait3A_199 = arith.constant 0 : i32
      %dma_wait3A_200 = arith.constant 0 : i32
      %dma_wait3A_201 = tpu.memref_slice %arg8[%run_scoped3A_177, %dma_wait3A_199, %dma_wait3A_200] : memref<2x128x128xf32, #tpu.memory_space<vmem>> -> memref<1x128x128xf32, #tpu.memory_space<vmem>>
      %dma_wait3A_202 = tpu.memref_squeeze %dma_wait3A_201 : memref<1x128x128xf32, #tpu.memory_space<vmem>> -> memref<128x128xf32, #tpu.memory_space<vmem>>
      %dma_wait3A_203 = arith.constant 0 : i32
      %dma_wait3A_204 = tpu.memref_slice %arg5[%arg0, %add3A_176, %dma_wait3A_203] : memref<2x10240x128xf32, #tpu.memory_space<hbm>> -> memref<1x128x128xf32, #tpu.memory_space<hbm>>
      %dma_wait3A_205 = tpu.memref_squeeze %dma_wait3A_204 : memref<1x128x128xf32, #tpu.memory_space<hbm>> -> memref<128x128xf32, #tpu.memory_space<hbm>>
      %dma_wait3A_206 = arith.constant 0 : i32
      %dma_wait3A_207 = tpu.memref_slice %arg5[%arg0, %add3A_176, %dma_wait3A_206] : memref<2x10240x128xf32, #tpu.memory_space<hbm>> -> memref<1x128x128xf32, #tpu.memory_space<hbm>>
      %dma_wait3A_208 = tpu.memref_squeeze %dma_wait3A_207 : memref<1x128x128xf32, #tpu.memory_space<hbm>> -> memref<128x128xf32, #tpu.memory_space<hbm>>
      %dma_wait3A_209 = arith.constant 0 : i32
      %dma_wait3A_210 = arith.constant 0 : i32
      %dma_wait3A_211 = tpu.memref_slice %arg8[%run_scoped3A_177, %dma_wait3A_209, %dma_wait3A_210] : memref<2x128x128xf32, #tpu.memory_space<vmem>> -> memref<1x128x128xf32, #tpu.memory_space<vmem>>
      %dma_wait3A_212 = tpu.memref_squeeze %dma_wait3A_211 : memref<1x128x128xf32, #tpu.memory_space<vmem>> -> memref<128x128xf32, #tpu.memory_space<vmem>>
      tpu.wait_dma2 semaphore(%run_scoped3A_184 : memref<!tpu.dma_semaphore, #tpu.memory_space<semaphore_mem>>) src(%dma_wait3A_212 : memref<128x128xf32, #tpu.memory_space<vmem>>) dst(%dma_wait3A_208 : memref<128x128xf32, #tpu.memory_space<hbm>>)
      tpu.yield
    }) : () -> ()
    %add3A_178 = arith.constant 512 : i32
    %add3A_179 = arith.addi %mul3A_2, %add3A_178 : i32
    %run_scoped3A_180 = arith.constant 0 : i32
    "tpu.region"() ({
      %run_scoped3A_184 = tpu.sem_alloc : memref<!tpu.dma_semaphore, #tpu.memory_space<semaphore_mem>>
      %dma_start3A_185 = arith.constant 0 : i32
      %dma_start3A_186 = arith.constant 0 : i32
      %dma_start3A_187 = tpu.memref_slice %arg8[%run_scoped3A_180, %dma_start3A_185, %dma_start3A_186] : memref<2x128x128xf32, #tpu.memory_space<vmem>> -> memref<1x128x128xf32, #tpu.memory_space<vmem>>
      %dma_start3A_188 = tpu.memref_squeeze %dma_start3A_187 : memref<1x128x128xf32, #tpu.memory_space<vmem>> -> memref<128x128xf32, #tpu.memory_space<vmem>>
      %dma_start3A_189 = arith.constant 0 : i32
      %dma_start3A_190 = tpu.memref_slice %arg9[%add3A_179, %dma_start3A_189] : memref<10240x128xf32, #tpu.memory_space<vmem_shared>> -> memref<128x128xf32, #tpu.memory_space<vmem_shared>>
      %dma_start3A_191 = arith.constant 0 : i32
      %dma_start3A_192 = arith.constant 0 : i32
      %dma_start3A_193 = tpu.memref_slice %arg8[%run_scoped3A_180, %dma_start3A_191, %dma_start3A_192] : memref<2x128x128xf32, #tpu.memory_space<vmem>> -> memref<1x128x128xf32, #tpu.memory_space<vmem>>
      %dma_start3A_194 = tpu.memref_squeeze %dma_start3A_193 : memref<1x128x128xf32, #tpu.memory_space<vmem>> -> memref<128x128xf32, #tpu.memory_space<vmem>>
      %dma_start3A_195 = arith.constant 0 : i32
      %dma_start3A_196 = tpu.memref_slice %arg9[%add3A_179, %dma_start3A_195] : memref<10240x128xf32, #tpu.memory_space<vmem_shared>> -> memref<128x128xf32, #tpu.memory_space<vmem_shared>>
      tpu.enqueue_dma source(%dma_start3A_196 : memref<128x128xf32, #tpu.memory_space<vmem_shared>>) target(%dma_start3A_194 : memref<128x128xf32, #tpu.memory_space<vmem>>) target_semaphore(%run_scoped3A_184 : memref<!tpu.dma_semaphore, #tpu.memory_space<semaphore_mem>>)
      %dma_wait3A_197 = arith.constant 0 : i32
      %dma_wait3A_198 = arith.constant 0 : i32
      %dma_wait3A_199 = tpu.memref_slice %arg8[%run_scoped3A_180, %dma_wait3A_197, %dma_wait3A_198] : memref<2x128x128xf32, #tpu.memory_space<vmem>> -> memref<1x128x128xf32, #tpu.memory_space<vmem>>
      %dma_wait3A_200 = tpu.memref_squeeze %dma_wait3A_199 : memref<1x128x128xf32, #tpu.memory_space<vmem>> -> memref<128x128xf32, #tpu.memory_space<vmem>>
      %dma_wait3A_201 = arith.constant 0 : i32
      %dma_wait3A_202 = tpu.memref_slice %arg9[%add3A_179, %dma_wait3A_201] : memref<10240x128xf32, #tpu.memory_space<vmem_shared>> -> memref<128x128xf32, #tpu.memory_space<vmem_shared>>
      %dma_wait3A_203 = arith.constant 0 : i32
      %dma_wait3A_204 = arith.constant 0 : i32
      %dma_wait3A_205 = tpu.memref_slice %arg8[%run_scoped3A_180, %dma_wait3A_203, %dma_wait3A_204] : memref<2x128x128xf32, #tpu.memory_space<vmem>> -> memref<1x128x128xf32, #tpu.memory_space<vmem>>
      %dma_wait3A_206 = tpu.memref_squeeze %dma_wait3A_205 : memref<1x128x128xf32, #tpu.memory_space<vmem>> -> memref<128x128xf32, #tpu.memory_space<vmem>>
      %dma_wait3A_207 = arith.constant 0 : i32
      %dma_wait3A_208 = tpu.memref_slice %arg9[%add3A_179, %dma_wait3A_207] : memref<10240x128xf32, #tpu.memory_space<vmem_shared>> -> memref<128x128xf32, #tpu.memory_space<vmem_shared>>
      tpu.wait_dma2 semaphore(%run_scoped3A_184 : memref<!tpu.dma_semaphore, #tpu.memory_space<semaphore_mem>>) src(%dma_wait3A_208 : memref<128x128xf32, #tpu.memory_space<vmem_shared>>) dst(%dma_wait3A_206 : memref<128x128xf32, #tpu.memory_space<vmem>>)
      tpu.yield
    }) : () -> ()
    %add3A_181 = arith.constant 512 : i32
    %add3A_182 = arith.addi %mul3A_2, %add3A_181 : i32
    %run_scoped3A_183 = arith.constant 0 : i32
    "tpu.region"() ({
      %run_scoped3A_184 = tpu.sem_alloc : memref<!tpu.dma_semaphore, #tpu.memory_space<semaphore_mem>>
      %dma_start3A_185 = arith.constant 0 : i32
      %dma_start3A_186 = arith.constant 0 : i32
      %dma_start3A_187 = tpu.memref_slice %arg8[%run_scoped3A_183, %dma_start3A_185, %dma_start3A_186] : memref<2x128x128xf32, #tpu.memory_space<vmem>> -> memref<1x128x128xf32, #tpu.memory_space<vmem>>
      %dma_start3A_188 = tpu.memref_squeeze %dma_start3A_187 : memref<1x128x128xf32, #tpu.memory_space<vmem>> -> memref<128x128xf32, #tpu.memory_space<vmem>>
      %dma_start3A_189 = arith.constant 0 : i32
      %dma_start3A_190 = tpu.memref_slice %arg5[%arg0, %add3A_182, %dma_start3A_189] : memref<2x10240x128xf32, #tpu.memory_space<hbm>> -> memref<1x128x128xf32, #tpu.memory_space<hbm>>
      %dma_start3A_191 = tpu.memref_squeeze %dma_start3A_190 : memref<1x128x128xf32, #tpu.memory_space<hbm>> -> memref<128x128xf32, #tpu.memory_space<hbm>>
      %dma_start3A_192 = arith.constant 0 : i32
      %dma_start3A_193 = tpu.memref_slice %arg5[%arg0, %add3A_182, %dma_start3A_192] : memref<2x10240x128xf32, #tpu.memory_space<hbm>> -> memref<1x128x128xf32, #tpu.memory_space<hbm>>
      %dma_start3A_194 = tpu.memref_squeeze %dma_start3A_193 : memref<1x128x128xf32, #tpu.memory_space<hbm>> -> memref<128x128xf32, #tpu.memory_space<hbm>>
      %dma_start3A_195 = arith.constant 0 : i32
      %dma_start3A_196 = arith.constant 0 : i32
      %dma_start3A_197 = tpu.memref_slice %arg8[%run_scoped3A_183, %dma_start3A_195, %dma_start3A_196] : memref<2x128x128xf32, #tpu.memory_space<vmem>> -> memref<1x128x128xf32, #tpu.memory_space<vmem>>
      %dma_start3A_198 = tpu.memref_squeeze %dma_start3A_197 : memref<1x128x128xf32, #tpu.memory_space<vmem>> -> memref<128x128xf32, #tpu.memory_space<vmem>>
      tpu.enqueue_dma source(%dma_start3A_198 : memref<128x128xf32, #tpu.memory_space<vmem>>) target(%dma_start3A_194 : memref<128x128xf32, #tpu.memory_space<hbm>>) target_semaphore(%run_scoped3A_184 : memref<!tpu.dma_semaphore, #tpu.memory_space<semaphore_mem>>)
      %dma_wait3A_199 = arith.constant 0 : i32
      %dma_wait3A_200 = arith.constant 0 : i32
      %dma_wait3A_201 = tpu.memref_slice %arg8[%run_scoped3A_183, %dma_wait3A_199, %dma_wait3A_200] : memref<2x128x128xf32, #tpu.memory_space<vmem>> -> memref<1x128x128xf32, #tpu.memory_space<vmem>>
      %dma_wait3A_202 = tpu.memref_squeeze %dma_wait3A_201 : memref<1x128x128xf32, #tpu.memory_space<vmem>> -> memref<128x128xf32, #tpu.memory_space<vmem>>
      %dma_wait3A_203 = arith.constant 0 : i32
      %dma_wait3A_204 = tpu.memref_slice %arg5[%arg0, %add3A_182, %dma_wait3A_203] : memref<2x10240x128xf32, #tpu.memory_space<hbm>> -> memref<1x128x128xf32, #tpu.memory_space<hbm>>
      %dma_wait3A_205 = tpu.memref_squeeze %dma_wait3A_204 : memref<1x128x128xf32, #tpu.memory_space<hbm>> -> memref<128x128xf32, #tpu.memory_space<hbm>>
      %dma_wait3A_206 = arith.constant 0 : i32
      %dma_wait3A_207 = tpu.memref_slice %arg5[%arg0, %add3A_182, %dma_wait3A_206] : memref<2x10240x128xf32, #tpu.memory_space<hbm>> -> memref<1x128x128xf32, #tpu.memory_space<hbm>>
      %dma_wait3A_208 = tpu.memref_squeeze %dma_wait3A_207 : memref<1x128x128xf32, #tpu.memory_space<hbm>> -> memref<128x128xf32, #tpu.memory_space<hbm>>
      %dma_wait3A_209 = arith.constant 0 : i32
      %dma_wait3A_210 = arith.constant 0 : i32
      %dma_wait3A_211 = tpu.memref_slice %arg8[%run_scoped3A_183, %dma_wait3A_209, %dma_wait3A_210] : memref<2x128x128xf32, #tpu.memory_space<vmem>> -> memref<1x128x128xf32, #tpu.memory_space<vmem>>
      %dma_wait3A_212 = tpu.memref_squeeze %dma_wait3A_211 : memref<1x128x128xf32, #tpu.memory_space<vmem>> -> memref<128x128xf32, #tpu.memory_space<vmem>>
      tpu.wait_dma2 semaphore(%run_scoped3A_184 : memref<!tpu.dma_semaphore, #tpu.memory_space<semaphore_mem>>) src(%dma_wait3A_212 : memref<128x128xf32, #tpu.memory_space<vmem>>) dst(%dma_wait3A_208 : memref<128x128xf32, #tpu.memory_space<hbm>>)
      tpu.yield
    }) : () -> ()
    return
  }
}

#map = affine_map<(d0, d1) -> (0, 0)>
#map1 = affine_map<(d0, d1) -> (0, 0, 0)>
module attributes {stable_mosaic.version = 14 : i64} {
  func.func @_sc_degree(%arg0: i32, %arg1: i32, %arg2: memref<2560x128xi32, #tpu.memory_space<hbm>>, %arg3: memref<2x10240x16xf32, #tpu.memory_space<hbm>>, %arg4: memref<80x128xi32, #tpu.memory_space<vmem>>, %arg5: memref<128x16xf32, #tpu.memory_space<vmem>>, %arg6: memref<10240x16xf32, #tpu.memory_space<vmem_shared>>) attributes {dimension_semantics = [#tpu.dimension_semantics<core_parallel>, #tpu.dimension_semantics<subcore_parallel>], iteration_bounds = array<i64: 2, 16>, scalar_prefetch = 0 : i64, scratch_operands = 3 : i64, tpu.core_type = #tpu.core_type<sc_vector_subcore>, window_params = [{transform_indices = #map}, {transform_indices = #map1}]} {
    %mul3A = arith.constant 2 : i32
    %mul3A_0 = arith.muli %arg1, %mul3A : i32
    %add3A = arith.addi %mul3A_0, %arg0 : i32
    %mul3A_1 = arith.constant 640 : i32
    %mul3A_2 = arith.muli %arg1, %mul3A_1 : i32
    %scan3A = arith.constant 0 : i32
    %scan3A_3 = arith.constant 0 : i32
    %scan3A_4 = arith.constant 128 : i32
    %scan3A_5 = arith.addi %scan3A_3, %scan3A_4 : i32
    %scan3A_6 = arith.constant 1 : i32
    scf.for %scan3A_53 = %scan3A_3 to %scan3A_5 step %scan3A_6  : i32 {
      %scan3A_54 = arith.constant 0 : i32
      %broadcast_in_dim3A = arith.constant 0.000000e+00 : f32
      %broadcast_in_dim3A_55 = vector.broadcast %broadcast_in_dim3A : f32 to vector<16xf32>
      %mul3A_56 = arith.constant 16 : i32
      %mul3A_57 = arith.muli %scan3A_54, %mul3A_56 : i32
      %swap3A = arith.index_cast %scan3A_53 : i32 to index
      %swap3A_58 = arith.index_cast %mul3A_57 : i32 to index
      %swap3A_59 = tpu.vector_load %arg5[%swap3A, %swap3A_58] {strides = array<i32>} : memref<128x16xf32, #tpu.memory_space<vmem>>, vector<1x16xf32>,
      %swap3A_60 = vector.shape_cast %swap3A_59 : vector<1x16xf32> to vector<16xf32>
      %swap3A_61 = vector.shape_cast %broadcast_in_dim3A_55 : vector<16xf32> to vector<1x16xf32>
      tpu.vector_store %arg5[%swap3A, %swap3A_58], %swap3A_61 {strides = array<i32>} : memref<128x16xf32, #tpu.memory_space<vmem>>, vector<1x16xf32>,
      %scan3A_62 = arith.constant 1 : i32
    }
    %scan3A_7 = arith.constant 128 : i32
    %add3A_8 = arith.constant 0 : i32
    %add3A_9 = arith.addi %mul3A_2, %add3A_8 : i32
    "tpu.region"() ({
      %run_scoped3A = tpu.sem_alloc : memref<!tpu.dma_semaphore, #tpu.memory_space<semaphore_mem>>
      %dma_start3A = arith.constant 0 : i32
      %dma_start3A_53 = tpu.memref_slice %arg6[%add3A_9, %dma_start3A] : memref<10240x16xf32, #tpu.memory_space<vmem_shared>> -> memref<128x16xf32, #tpu.memory_space<vmem_shared>>
      %dma_start3A_54 = arith.constant 0 : i32
      %dma_start3A_55 = tpu.memref_slice %arg6[%add3A_9, %dma_start3A_54] : memref<10240x16xf32, #tpu.memory_space<vmem_shared>> -> memref<128x16xf32, #tpu.memory_space<vmem_shared>>
      tpu.enqueue_dma source(%arg5 : memref<128x16xf32, #tpu.memory_space<vmem>>) target(%dma_start3A_55 : memref<128x16xf32, #tpu.memory_space<vmem_shared>>) target_semaphore(%run_scoped3A : memref<!tpu.dma_semaphore, #tpu.memory_space<semaphore_mem>>)
      %dma_wait3A = arith.constant 0 : i32
      %dma_wait3A_56 = tpu.memref_slice %arg6[%add3A_9, %dma_wait3A] : memref<10240x16xf32, #tpu.memory_space<vmem_shared>> -> memref<128x16xf32, #tpu.memory_space<vmem_shared>>
      %dma_wait3A_57 = arith.constant 0 : i32
      %dma_wait3A_58 = tpu.memref_slice %arg6[%add3A_9, %dma_wait3A_57] : memref<10240x16xf32, #tpu.memory_space<vmem_shared>> -> memref<128x16xf32, #tpu.memory_space<vmem_shared>>
      tpu.wait_dma2 semaphore(%run_scoped3A : memref<!tpu.dma_semaphore, #tpu.memory_space<semaphore_mem>>) src(%arg5 : memref<128x16xf32, #tpu.memory_space<vmem>>) dst(%dma_wait3A_58 : memref<128x16xf32, #tpu.memory_space<vmem_shared>>)
      tpu.yield
    }) : () -> ()
    %add3A_10 = arith.constant 128 : i32
    %add3A_11 = arith.addi %mul3A_2, %add3A_10 : i32
    "tpu.region"() ({
      %run_scoped3A = tpu.sem_alloc : memref<!tpu.dma_semaphore, #tpu.memory_space<semaphore_mem>>
      %dma_start3A = arith.constant 0 : i32
      %dma_start3A_53 = tpu.memref_slice %arg6[%add3A_11, %dma_start3A] : memref<10240x16xf32, #tpu.memory_space<vmem_shared>> -> memref<128x16xf32, #tpu.memory_space<vmem_shared>>
      %dma_start3A_54 = arith.constant 0 : i32
      %dma_start3A_55 = tpu.memref_slice %arg6[%add3A_11, %dma_start3A_54] : memref<10240x16xf32, #tpu.memory_space<vmem_shared>> -> memref<128x16xf32, #tpu.memory_space<vmem_shared>>
      tpu.enqueue_dma source(%arg5 : memref<128x16xf32, #tpu.memory_space<vmem>>) target(%dma_start3A_55 : memref<128x16xf32, #tpu.memory_space<vmem_shared>>) target_semaphore(%run_scoped3A : memref<!tpu.dma_semaphore, #tpu.memory_space<semaphore_mem>>)
      %dma_wait3A = arith.constant 0 : i32
      %dma_wait3A_56 = tpu.memref_slice %arg6[%add3A_11, %dma_wait3A] : memref<10240x16xf32, #tpu.memory_space<vmem_shared>> -> memref<128x16xf32, #tpu.memory_space<vmem_shared>>
      %dma_wait3A_57 = arith.constant 0 : i32
      %dma_wait3A_58 = tpu.memref_slice %arg6[%add3A_11, %dma_wait3A_57] : memref<10240x16xf32, #tpu.memory_space<vmem_shared>> -> memref<128x16xf32, #tpu.memory_space<vmem_shared>>
      tpu.wait_dma2 semaphore(%run_scoped3A : memref<!tpu.dma_semaphore, #tpu.memory_space<semaphore_mem>>) src(%arg5 : memref<128x16xf32, #tpu.memory_space<vmem>>) dst(%dma_wait3A_58 : memref<128x16xf32, #tpu.memory_space<vmem_shared>>)
      tpu.yield
    }) : () -> ()
    %add3A_12 = arith.constant 256 : i32
    %add3A_13 = arith.addi %mul3A_2, %add3A_12 : i32
    "tpu.region"() ({
      %run_scoped3A = tpu.sem_alloc : memref<!tpu.dma_semaphore, #tpu.memory_space<semaphore_mem>>
      %dma_start3A = arith.constant 0 : i32
      %dma_start3A_53 = tpu.memref_slice %arg6[%add3A_13, %dma_start3A] : memref<10240x16xf32, #tpu.memory_space<vmem_shared>> -> memref<128x16xf32, #tpu.memory_space<vmem_shared>>
      %dma_start3A_54 = arith.constant 0 : i32
      %dma_start3A_55 = tpu.memref_slice %arg6[%add3A_13, %dma_start3A_54] : memref<10240x16xf32, #tpu.memory_space<vmem_shared>> -> memref<128x16xf32, #tpu.memory_space<vmem_shared>>
      tpu.enqueue_dma source(%arg5 : memref<128x16xf32, #tpu.memory_space<vmem>>) target(%dma_start3A_55 : memref<128x16xf32, #tpu.memory_space<vmem_shared>>) target_semaphore(%run_scoped3A : memref<!tpu.dma_semaphore, #tpu.memory_space<semaphore_mem>>)
      %dma_wait3A = arith.constant 0 : i32
      %dma_wait3A_56 = tpu.memref_slice %arg6[%add3A_13, %dma_wait3A] : memref<10240x16xf32, #tpu.memory_space<vmem_shared>> -> memref<128x16xf32, #tpu.memory_space<vmem_shared>>
      %dma_wait3A_57 = arith.constant 0 : i32
      %dma_wait3A_58 = tpu.memref_slice %arg6[%add3A_13, %dma_wait3A_57] : memref<10240x16xf32, #tpu.memory_space<vmem_shared>> -> memref<128x16xf32, #tpu.memory_space<vmem_shared>>
      tpu.wait_dma2 semaphore(%run_scoped3A : memref<!tpu.dma_semaphore, #tpu.memory_space<semaphore_mem>>) src(%arg5 : memref<128x16xf32, #tpu.memory_space<vmem>>) dst(%dma_wait3A_58 : memref<128x16xf32, #tpu.memory_space<vmem_shared>>)
      tpu.yield
    }) : () -> ()
    %add3A_14 = arith.constant 384 : i32
    %add3A_15 = arith.addi %mul3A_2, %add3A_14 : i32
    "tpu.region"() ({
      %run_scoped3A = tpu.sem_alloc : memref<!tpu.dma_semaphore, #tpu.memory_space<semaphore_mem>>
      %dma_start3A = arith.constant 0 : i32
      %dma_start3A_53 = tpu.memref_slice %arg6[%add3A_15, %dma_start3A] : memref<10240x16xf32, #tpu.memory_space<vmem_shared>> -> memref<128x16xf32, #tpu.memory_space<vmem_shared>>
      %dma_start3A_54 = arith.constant 0 : i32
      %dma_start3A_55 = tpu.memref_slice %arg6[%add3A_15, %dma_start3A_54] : memref<10240x16xf32, #tpu.memory_space<vmem_shared>> -> memref<128x16xf32, #tpu.memory_space<vmem_shared>>
      tpu.enqueue_dma source(%arg5 : memref<128x16xf32, #tpu.memory_space<vmem>>) target(%dma_start3A_55 : memref<128x16xf32, #tpu.memory_space<vmem_shared>>) target_semaphore(%run_scoped3A : memref<!tpu.dma_semaphore, #tpu.memory_space<semaphore_mem>>)
      %dma_wait3A = arith.constant 0 : i32
      %dma_wait3A_56 = tpu.memref_slice %arg6[%add3A_15, %dma_wait3A] : memref<10240x16xf32, #tpu.memory_space<vmem_shared>> -> memref<128x16xf32, #tpu.memory_space<vmem_shared>>
      %dma_wait3A_57 = arith.constant 0 : i32
      %dma_wait3A_58 = tpu.memref_slice %arg6[%add3A_15, %dma_wait3A_57] : memref<10240x16xf32, #tpu.memory_space<vmem_shared>> -> memref<128x16xf32, #tpu.memory_space<vmem_shared>>
      tpu.wait_dma2 semaphore(%run_scoped3A : memref<!tpu.dma_semaphore, #tpu.memory_space<semaphore_mem>>) src(%arg5 : memref<128x16xf32, #tpu.memory_space<vmem>>) dst(%dma_wait3A_58 : memref<128x16xf32, #tpu.memory_space<vmem_shared>>)
      tpu.yield
    }) : () -> ()
    %add3A_16 = arith.constant 512 : i32
    %add3A_17 = arith.addi %mul3A_2, %add3A_16 : i32
    "tpu.region"() ({
      %run_scoped3A = tpu.sem_alloc : memref<!tpu.dma_semaphore, #tpu.memory_space<semaphore_mem>>
      %dma_start3A = arith.constant 0 : i32
      %dma_start3A_53 = tpu.memref_slice %arg6[%add3A_17, %dma_start3A] : memref<10240x16xf32, #tpu.memory_space<vmem_shared>> -> memref<128x16xf32, #tpu.memory_space<vmem_shared>>
      %dma_start3A_54 = arith.constant 0 : i32
      %dma_start3A_55 = tpu.memref_slice %arg6[%add3A_17, %dma_start3A_54] : memref<10240x16xf32, #tpu.memory_space<vmem_shared>> -> memref<128x16xf32, #tpu.memory_space<vmem_shared>>
      tpu.enqueue_dma source(%arg5 : memref<128x16xf32, #tpu.memory_space<vmem>>) target(%dma_start3A_55 : memref<128x16xf32, #tpu.memory_space<vmem_shared>>) target_semaphore(%run_scoped3A : memref<!tpu.dma_semaphore, #tpu.memory_space<semaphore_mem>>)
      %dma_wait3A = arith.constant 0 : i32
      %dma_wait3A_56 = tpu.memref_slice %arg6[%add3A_17, %dma_wait3A] : memref<10240x16xf32, #tpu.memory_space<vmem_shared>> -> memref<128x16xf32, #tpu.memory_space<vmem_shared>>
      %dma_wait3A_57 = arith.constant 0 : i32
      %dma_wait3A_58 = tpu.memref_slice %arg6[%add3A_17, %dma_wait3A_57] : memref<10240x16xf32, #tpu.memory_space<vmem_shared>> -> memref<128x16xf32, #tpu.memory_space<vmem_shared>>
      tpu.wait_dma2 semaphore(%run_scoped3A : memref<!tpu.dma_semaphore, #tpu.memory_space<semaphore_mem>>) src(%arg5 : memref<128x16xf32, #tpu.memory_space<vmem>>) dst(%dma_wait3A_58 : memref<128x16xf32, #tpu.memory_space<vmem_shared>>)
      tpu.yield
    }) : () -> ()
    %scan3A_18 = arith.constant 0 : i32
    %scan3A_19 = arith.constant 0 : i32
    %scan3A_20 = arith.constant 128 : i32
    %scan3A_21 = arith.addi %scan3A_19, %scan3A_20 : i32
    %scan3A_22 = arith.constant 1 : i32
    scf.for %scan3A_53 = %scan3A_19 to %scan3A_21 step %scan3A_22  : i32 {
      %scan3A_54 = arith.constant 0 : i32
      %broadcast_in_dim3A = arith.constant 1.000000e+00 : f32
      %broadcast_in_dim3A_55 = vector.broadcast %broadcast_in_dim3A : f32 to vector<16xf32>
      %mul3A_56 = arith.constant 16 : i32
      %mul3A_57 = arith.muli %scan3A_54, %mul3A_56 : i32
      %swap3A = arith.index_cast %scan3A_53 : i32 to index
      %swap3A_58 = arith.index_cast %mul3A_57 : i32 to index
      %swap3A_59 = tpu.vector_load %arg5[%swap3A, %swap3A_58] {strides = array<i32>} : memref<128x16xf32, #tpu.memory_space<vmem>>, vector<1x16xf32>,
      %swap3A_60 = vector.shape_cast %swap3A_59 : vector<1x16xf32> to vector<16xf32>
      %swap3A_61 = vector.shape_cast %broadcast_in_dim3A_55 : vector<16xf32> to vector<1x16xf32>
      tpu.vector_store %arg5[%swap3A, %swap3A_58], %swap3A_61 {strides = array<i32>} : memref<128x16xf32, #tpu.memory_space<vmem>>, vector<1x16xf32>,
      %scan3A_62 = arith.constant 1 : i32
    }
    %scan3A_23 = arith.constant 128 : i32
    %mul3A_24 = arith.constant 80 : i32
    %mul3A_25 = arith.muli %add3A, %mul3A_24 : i32
    "tpu.region"() ({
      %run_scoped3A = tpu.sem_alloc : memref<!tpu.dma_semaphore, #tpu.memory_space<semaphore_mem>>
      %dma_start3A = arith.constant 0 : i32
      %dma_start3A_53 = tpu.memref_slice %arg2[%mul3A_25, %dma_start3A] : memref<2560x128xi32, #tpu.memory_space<hbm>> -> memref<80x128xi32, #tpu.memory_space<hbm>>
      %dma_start3A_54 = arith.constant 0 : i32
      %dma_start3A_55 = tpu.memref_slice %arg2[%mul3A_25, %dma_start3A_54] : memref<2560x128xi32, #tpu.memory_space<hbm>> -> memref<80x128xi32, #tpu.memory_space<hbm>>
      tpu.enqueue_dma source(%dma_start3A_55 : memref<80x128xi32, #tpu.memory_space<hbm>>) target(%arg4 : memref<80x128xi32, #tpu.memory_space<vmem>>) target_semaphore(%run_scoped3A : memref<!tpu.dma_semaphore, #tpu.memory_space<semaphore_mem>>)
      %dma_wait3A = arith.constant 0 : i32
      %dma_wait3A_56 = tpu.memref_slice %arg2[%mul3A_25, %dma_wait3A] : memref<2560x128xi32, #tpu.memory_space<hbm>> -> memref<80x128xi32, #tpu.memory_space<hbm>>
      %dma_wait3A_57 = arith.constant 0 : i32
      %dma_wait3A_58 = tpu.memref_slice %arg2[%mul3A_25, %dma_wait3A_57] : memref<2560x128xi32, #tpu.memory_space<hbm>> -> memref<80x128xi32, #tpu.memory_space<hbm>>
      tpu.wait_dma2 semaphore(%run_scoped3A : memref<!tpu.dma_semaphore, #tpu.memory_space<semaphore_mem>>) src(%dma_wait3A_58 : memref<80x128xi32, #tpu.memory_space<hbm>>) dst(%arg4 : memref<80x128xi32, #tpu.memory_space<vmem>>)
      tpu.yield
    }) : () -> ()
    %barrier3A = arith.constant 0 : index
    tpu.barrier barrier_id(%barrier3A)
    %scan3A_26 = arith.constant 0 : i32
    %scan3A_27 = arith.constant 0 : i32
    %scan3A_28 = arith.constant 80 : i32
    %scan3A_29 = arith.addi %scan3A_27, %scan3A_28 : i32
    %scan3A_30 = arith.constant 1 : i32
    scf.for %scan3A_53 = %scan3A_27 to %scan3A_29 step %scan3A_30  : i32 {
      "tpu.region"() ({
        %run_scoped3A = tpu.sem_alloc : memref<!tpu.dma_semaphore, #tpu.memory_space<semaphore_mem>>
        %dma_start3A = arith.constant 0 : i32
        %dma_start3A_54 = tpu.memref_slice %arg4[%scan3A_53, %dma_start3A] : memref<80x128xi32, #tpu.memory_space<vmem>> -> memref<1x128xi32, #tpu.memory_space<vmem>>
        %dma_start3A_55 = tpu.memref_squeeze %dma_start3A_54 : memref<1x128xi32, #tpu.memory_space<vmem>> -> memref<128xi32, #tpu.memory_space<vmem>>
        %dma_start3A_56 = arith.constant 0 : i32
        %dma_start3A_57 = arith.constant 0 : i32
        %dma_start3A_58 = tpu.memref_slice %arg6[%dma_start3A_56, %dma_start3A_57] : memref<10240x16xf32, #tpu.memory_space<vmem_shared>> -> memref<10240x16xf32, #tpu.memory_space<vmem_shared>>
        tpu.enqueue_indirect_dma source(%arg5 : memref<128x16xf32, #tpu.memory_space<vmem>>) target(%dma_start3A_58 : memref<10240x16xf32, #tpu.memory_space<vmem_shared>>) offsets(%dma_start3A_55 : memref<128xi32, #tpu.memory_space<vmem>>) semaphore(%run_scoped3A : memref<!tpu.dma_semaphore, #tpu.memory_space<semaphore_mem>>) {add = true}
        %dma_wait3A = arith.constant 0 : i32
        %dma_wait3A_59 = tpu.memref_slice %arg4[%scan3A_53, %dma_wait3A] : memref<80x128xi32, #tpu.memory_space<vmem>> -> memref<1x128xi32, #tpu.memory_space<vmem>>
        %dma_wait3A_60 = tpu.memref_squeeze %dma_wait3A_59 : memref<1x128xi32, #tpu.memory_space<vmem>> -> memref<128xi32, #tpu.memory_space<vmem>>
        %dma_wait3A_61 = arith.constant 0 : i32
        %dma_wait3A_62 = arith.constant 0 : i32
        %dma_wait3A_63 = tpu.memref_slice %arg6[%dma_wait3A_61, %dma_wait3A_62] : memref<10240x16xf32, #tpu.memory_space<vmem_shared>> -> memref<10240x16xf32, #tpu.memory_space<vmem_shared>>
        tpu.wait_indirect_dma semaphore(%run_scoped3A : memref<!tpu.dma_semaphore, #tpu.memory_space<semaphore_mem>>) src(%arg5 : memref<128x16xf32, #tpu.memory_space<vmem>>) dst(%dma_wait3A_63 : memref<10240x16xf32, #tpu.memory_space<vmem_shared>>)
        tpu.yield
      }) : () -> ()
    }
    %scan3A_31 = arith.constant 80 : i32
    %barrier3A_32 = arith.constant 0 : index
    tpu.barrier barrier_id(%barrier3A_32)
    %add3A_33 = arith.constant 0 : i32
    %add3A_34 = arith.addi %mul3A_2, %add3A_33 : i32
    "tpu.region"() ({
      %run_scoped3A = tpu.sem_alloc : memref<!tpu.dma_semaphore, #tpu.memory_space<semaphore_mem>>
      %dma_start3A = arith.constant 0 : i32
      %dma_start3A_53 = tpu.memref_slice %arg6[%add3A_34, %dma_start3A] : memref<10240x16xf32, #tpu.memory_space<vmem_shared>> -> memref<128x16xf32, #tpu.memory_space<vmem_shared>>
      %dma_start3A_54 = arith.constant 0 : i32
      %dma_start3A_55 = tpu.memref_slice %arg6[%add3A_34, %dma_start3A_54] : memref<10240x16xf32, #tpu.memory_space<vmem_shared>> -> memref<128x16xf32, #tpu.memory_space<vmem_shared>>
      tpu.enqueue_dma source(%dma_start3A_55 : memref<128x16xf32, #tpu.memory_space<vmem_shared>>) target(%arg5 : memref<128x16xf32, #tpu.memory_space<vmem>>) target_semaphore(%run_scoped3A : memref<!tpu.dma_semaphore, #tpu.memory_space<semaphore_mem>>)
      %dma_wait3A = arith.constant 0 : i32
      %dma_wait3A_56 = tpu.memref_slice %arg6[%add3A_34, %dma_wait3A] : memref<10240x16xf32, #tpu.memory_space<vmem_shared>> -> memref<128x16xf32, #tpu.memory_space<vmem_shared>>
      %dma_wait3A_57 = arith.constant 0 : i32
      %dma_wait3A_58 = tpu.memref_slice %arg6[%add3A_34, %dma_wait3A_57] : memref<10240x16xf32, #tpu.memory_space<vmem_shared>> -> memref<128x16xf32, #tpu.memory_space<vmem_shared>>
      tpu.wait_dma2 semaphore(%run_scoped3A : memref<!tpu.dma_semaphore, #tpu.memory_space<semaphore_mem>>) src(%dma_wait3A_58 : memref<128x16xf32, #tpu.memory_space<vmem_shared>>) dst(%arg5 : memref<128x16xf32, #tpu.memory_space<vmem>>)
      tpu.yield
    }) : () -> ()
    %add3A_35 = arith.constant 0 : i32
    %add3A_36 = arith.addi %mul3A_2, %add3A_35 : i32
    "tpu.region"() ({
      %run_scoped3A = tpu.sem_alloc : memref<!tpu.dma_semaphore, #tpu.memory_space<semaphore_mem>>
      %dma_start3A = arith.constant 0 : i32
      %dma_start3A_53 = tpu.memref_slice %arg3[%arg0, %add3A_36, %dma_start3A] : memref<2x10240x16xf32, #tpu.memory_space<hbm>> -> memref<1x128x16xf32, #tpu.memory_space<hbm>>
      %dma_start3A_54 = tpu.memref_squeeze %dma_start3A_53 : memref<1x128x16xf32, #tpu.memory_space<hbm>> -> memref<128x16xf32, #tpu.memory_space<hbm>>
      %dma_start3A_55 = arith.constant 0 : i32
      %dma_start3A_56 = tpu.memref_slice %arg3[%arg0, %add3A_36, %dma_start3A_55] : memref<2x10240x16xf32, #tpu.memory_space<hbm>> -> memref<1x128x16xf32, #tpu.memory_space<hbm>>
      %dma_start3A_57 = tpu.memref_squeeze %dma_start3A_56 : memref<1x128x16xf32, #tpu.memory_space<hbm>> -> memref<128x16xf32, #tpu.memory_space<hbm>>
      tpu.enqueue_dma source(%arg5 : memref<128x16xf32, #tpu.memory_space<vmem>>) target(%dma_start3A_57 : memref<128x16xf32, #tpu.memory_space<hbm>>) target_semaphore(%run_scoped3A : memref<!tpu.dma_semaphore, #tpu.memory_space<semaphore_mem>>)
      %dma_wait3A = arith.constant 0 : i32
      %dma_wait3A_58 = tpu.memref_slice %arg3[%arg0, %add3A_36, %dma_wait3A] : memref<2x10240x16xf32, #tpu.memory_space<hbm>> -> memref<1x128x16xf32, #tpu.memory_space<hbm>>
      %dma_wait3A_59 = tpu.memref_squeeze %dma_wait3A_58 : memref<1x128x16xf32, #tpu.memory_space<hbm>> -> memref<128x16xf32, #tpu.memory_space<hbm>>
      %dma_wait3A_60 = arith.constant 0 : i32
      %dma_wait3A_61 = tpu.memref_slice %arg3[%arg0, %add3A_36, %dma_wait3A_60] : memref<2x10240x16xf32, #tpu.memory_space<hbm>> -> memref<1x128x16xf32, #tpu.memory_space<hbm>>
      %dma_wait3A_62 = tpu.memref_squeeze %dma_wait3A_61 : memref<1x128x16xf32, #tpu.memory_space<hbm>> -> memref<128x16xf32, #tpu.memory_space<hbm>>
      tpu.wait_dma2 semaphore(%run_scoped3A : memref<!tpu.dma_semaphore, #tpu.memory_space<semaphore_mem>>) src(%arg5 : memref<128x16xf32, #tpu.memory_space<vmem>>) dst(%dma_wait3A_62 : memref<128x16xf32, #tpu.memory_space<hbm>>)
      tpu.yield
    }) : () -> ()
    %add3A_37 = arith.constant 128 : i32
    %add3A_38 = arith.addi %mul3A_2, %add3A_37 : i32
    "tpu.region"() ({
      %run_scoped3A = tpu.sem_alloc : memref<!tpu.dma_semaphore, #tpu.memory_space<semaphore_mem>>
      %dma_start3A = arith.constant 0 : i32
      %dma_start3A_53 = tpu.memref_slice %arg6[%add3A_38, %dma_start3A] : memref<10240x16xf32, #tpu.memory_space<vmem_shared>> -> memref<128x16xf32, #tpu.memory_space<vmem_shared>>
      %dma_start3A_54 = arith.constant 0 : i32
      %dma_start3A_55 = tpu.memref_slice %arg6[%add3A_38, %dma_start3A_54] : memref<10240x16xf32, #tpu.memory_space<vmem_shared>> -> memref<128x16xf32, #tpu.memory_space<vmem_shared>>
      tpu.enqueue_dma source(%dma_start3A_55 : memref<128x16xf32, #tpu.memory_space<vmem_shared>>) target(%arg5 : memref<128x16xf32, #tpu.memory_space<vmem>>) target_semaphore(%run_scoped3A : memref<!tpu.dma_semaphore, #tpu.memory_space<semaphore_mem>>)
      %dma_wait3A = arith.constant 0 : i32
      %dma_wait3A_56 = tpu.memref_slice %arg6[%add3A_38, %dma_wait3A] : memref<10240x16xf32, #tpu.memory_space<vmem_shared>> -> memref<128x16xf32, #tpu.memory_space<vmem_shared>>
      %dma_wait3A_57 = arith.constant 0 : i32
      %dma_wait3A_58 = tpu.memref_slice %arg6[%add3A_38, %dma_wait3A_57] : memref<10240x16xf32, #tpu.memory_space<vmem_shared>> -> memref<128x16xf32, #tpu.memory_space<vmem_shared>>
      tpu.wait_dma2 semaphore(%run_scoped3A : memref<!tpu.dma_semaphore, #tpu.memory_space<semaphore_mem>>) src(%dma_wait3A_58 : memref<128x16xf32, #tpu.memory_space<vmem_shared>>) dst(%arg5 : memref<128x16xf32, #tpu.memory_space<vmem>>)
      tpu.yield
    }) : () -> ()
    %add3A_39 = arith.constant 128 : i32
    %add3A_40 = arith.addi %mul3A_2, %add3A_39 : i32
    "tpu.region"() ({
      %run_scoped3A = tpu.sem_alloc : memref<!tpu.dma_semaphore, #tpu.memory_space<semaphore_mem>>
      %dma_start3A = arith.constant 0 : i32
      %dma_start3A_53 = tpu.memref_slice %arg3[%arg0, %add3A_40, %dma_start3A] : memref<2x10240x16xf32, #tpu.memory_space<hbm>> -> memref<1x128x16xf32, #tpu.memory_space<hbm>>
      %dma_start3A_54 = tpu.memref_squeeze %dma_start3A_53 : memref<1x128x16xf32, #tpu.memory_space<hbm>> -> memref<128x16xf32, #tpu.memory_space<hbm>>
      %dma_start3A_55 = arith.constant 0 : i32
      %dma_start3A_56 = tpu.memref_slice %arg3[%arg0, %add3A_40, %dma_start3A_55] : memref<2x10240x16xf32, #tpu.memory_space<hbm>> -> memref<1x128x16xf32, #tpu.memory_space<hbm>>
      %dma_start3A_57 = tpu.memref_squeeze %dma_start3A_56 : memref<1x128x16xf32, #tpu.memory_space<hbm>> -> memref<128x16xf32, #tpu.memory_space<hbm>>
      tpu.enqueue_dma source(%arg5 : memref<128x16xf32, #tpu.memory_space<vmem>>) target(%dma_start3A_57 : memref<128x16xf32, #tpu.memory_space<hbm>>) target_semaphore(%run_scoped3A : memref<!tpu.dma_semaphore, #tpu.memory_space<semaphore_mem>>)
      %dma_wait3A = arith.constant 0 : i32
      %dma_wait3A_58 = tpu.memref_slice %arg3[%arg0, %add3A_40, %dma_wait3A] : memref<2x10240x16xf32, #tpu.memory_space<hbm>> -> memref<1x128x16xf32, #tpu.memory_space<hbm>>
      %dma_wait3A_59 = tpu.memref_squeeze %dma_wait3A_58 : memref<1x128x16xf32, #tpu.memory_space<hbm>> -> memref<128x16xf32, #tpu.memory_space<hbm>>
      %dma_wait3A_60 = arith.constant 0 : i32
      %dma_wait3A_61 = tpu.memref_slice %arg3[%arg0, %add3A_40, %dma_wait3A_60] : memref<2x10240x16xf32, #tpu.memory_space<hbm>> -> memref<1x128x16xf32, #tpu.memory_space<hbm>>
      %dma_wait3A_62 = tpu.memref_squeeze %dma_wait3A_61 : memref<1x128x16xf32, #tpu.memory_space<hbm>> -> memref<128x16xf32, #tpu.memory_space<hbm>>
      tpu.wait_dma2 semaphore(%run_scoped3A : memref<!tpu.dma_semaphore, #tpu.memory_space<semaphore_mem>>) src(%arg5 : memref<128x16xf32, #tpu.memory_space<vmem>>) dst(%dma_wait3A_62 : memref<128x16xf32, #tpu.memory_space<hbm>>)
      tpu.yield
    }) : () -> ()
    %add3A_41 = arith.constant 256 : i32
    %add3A_42 = arith.addi %mul3A_2, %add3A_41 : i32
    "tpu.region"() ({
      %run_scoped3A = tpu.sem_alloc : memref<!tpu.dma_semaphore, #tpu.memory_space<semaphore_mem>>
      %dma_start3A = arith.constant 0 : i32
      %dma_start3A_53 = tpu.memref_slice %arg6[%add3A_42, %dma_start3A] : memref<10240x16xf32, #tpu.memory_space<vmem_shared>> -> memref<128x16xf32, #tpu.memory_space<vmem_shared>>
      %dma_start3A_54 = arith.constant 0 : i32
      %dma_start3A_55 = tpu.memref_slice %arg6[%add3A_42, %dma_start3A_54] : memref<10240x16xf32, #tpu.memory_space<vmem_shared>> -> memref<128x16xf32, #tpu.memory_space<vmem_shared>>
      tpu.enqueue_dma source(%dma_start3A_55 : memref<128x16xf32, #tpu.memory_space<vmem_shared>>) target(%arg5 : memref<128x16xf32, #tpu.memory_space<vmem>>) target_semaphore(%run_scoped3A : memref<!tpu.dma_semaphore, #tpu.memory_space<semaphore_mem>>)
      %dma_wait3A = arith.constant 0 : i32
      %dma_wait3A_56 = tpu.memref_slice %arg6[%add3A_42, %dma_wait3A] : memref<10240x16xf32, #tpu.memory_space<vmem_shared>> -> memref<128x16xf32, #tpu.memory_space<vmem_shared>>
      %dma_wait3A_57 = arith.constant 0 : i32
      %dma_wait3A_58 = tpu.memref_slice %arg6[%add3A_42, %dma_wait3A_57] : memref<10240x16xf32, #tpu.memory_space<vmem_shared>> -> memref<128x16xf32, #tpu.memory_space<vmem_shared>>
      tpu.wait_dma2 semaphore(%run_scoped3A : memref<!tpu.dma_semaphore, #tpu.memory_space<semaphore_mem>>) src(%dma_wait3A_58 : memref<128x16xf32, #tpu.memory_space<vmem_shared>>) dst(%arg5 : memref<128x16xf32, #tpu.memory_space<vmem>>)
      tpu.yield
    }) : () -> ()
    %add3A_43 = arith.constant 256 : i32
    %add3A_44 = arith.addi %mul3A_2, %add3A_43 : i32
    "tpu.region"() ({
      %run_scoped3A = tpu.sem_alloc : memref<!tpu.dma_semaphore, #tpu.memory_space<semaphore_mem>>
      %dma_start3A = arith.constant 0 : i32
      %dma_start3A_53 = tpu.memref_slice %arg3[%arg0, %add3A_44, %dma_start3A] : memref<2x10240x16xf32, #tpu.memory_space<hbm>> -> memref<1x128x16xf32, #tpu.memory_space<hbm>>
      %dma_start3A_54 = tpu.memref_squeeze %dma_start3A_53 : memref<1x128x16xf32, #tpu.memory_space<hbm>> -> memref<128x16xf32, #tpu.memory_space<hbm>>
      %dma_start3A_55 = arith.constant 0 : i32
      %dma_start3A_56 = tpu.memref_slice %arg3[%arg0, %add3A_44, %dma_start3A_55] : memref<2x10240x16xf32, #tpu.memory_space<hbm>> -> memref<1x128x16xf32, #tpu.memory_space<hbm>>
      %dma_start3A_57 = tpu.memref_squeeze %dma_start3A_56 : memref<1x128x16xf32, #tpu.memory_space<hbm>> -> memref<128x16xf32, #tpu.memory_space<hbm>>
      tpu.enqueue_dma source(%arg5 : memref<128x16xf32, #tpu.memory_space<vmem>>) target(%dma_start3A_57 : memref<128x16xf32, #tpu.memory_space<hbm>>) target_semaphore(%run_scoped3A : memref<!tpu.dma_semaphore, #tpu.memory_space<semaphore_mem>>)
      %dma_wait3A = arith.constant 0 : i32
      %dma_wait3A_58 = tpu.memref_slice %arg3[%arg0, %add3A_44, %dma_wait3A] : memref<2x10240x16xf32, #tpu.memory_space<hbm>> -> memref<1x128x16xf32, #tpu.memory_space<hbm>>
      %dma_wait3A_59 = tpu.memref_squeeze %dma_wait3A_58 : memref<1x128x16xf32, #tpu.memory_space<hbm>> -> memref<128x16xf32, #tpu.memory_space<hbm>>
      %dma_wait3A_60 = arith.constant 0 : i32
      %dma_wait3A_61 = tpu.memref_slice %arg3[%arg0, %add3A_44, %dma_wait3A_60] : memref<2x10240x16xf32, #tpu.memory_space<hbm>> -> memref<1x128x16xf32, #tpu.memory_space<hbm>>
      %dma_wait3A_62 = tpu.memref_squeeze %dma_wait3A_61 : memref<1x128x16xf32, #tpu.memory_space<hbm>> -> memref<128x16xf32, #tpu.memory_space<hbm>>
      tpu.wait_dma2 semaphore(%run_scoped3A : memref<!tpu.dma_semaphore, #tpu.memory_space<semaphore_mem>>) src(%arg5 : memref<128x16xf32, #tpu.memory_space<vmem>>) dst(%dma_wait3A_62 : memref<128x16xf32, #tpu.memory_space<hbm>>)
      tpu.yield
    }) : () -> ()
    %add3A_45 = arith.constant 384 : i32
    %add3A_46 = arith.addi %mul3A_2, %add3A_45 : i32
    "tpu.region"() ({
      %run_scoped3A = tpu.sem_alloc : memref<!tpu.dma_semaphore, #tpu.memory_space<semaphore_mem>>
      %dma_start3A = arith.constant 0 : i32
      %dma_start3A_53 = tpu.memref_slice %arg6[%add3A_46, %dma_start3A] : memref<10240x16xf32, #tpu.memory_space<vmem_shared>> -> memref<128x16xf32, #tpu.memory_space<vmem_shared>>
      %dma_start3A_54 = arith.constant 0 : i32
      %dma_start3A_55 = tpu.memref_slice %arg6[%add3A_46, %dma_start3A_54] : memref<10240x16xf32, #tpu.memory_space<vmem_shared>> -> memref<128x16xf32, #tpu.memory_space<vmem_shared>>
      tpu.enqueue_dma source(%dma_start3A_55 : memref<128x16xf32, #tpu.memory_space<vmem_shared>>) target(%arg5 : memref<128x16xf32, #tpu.memory_space<vmem>>) target_semaphore(%run_scoped3A : memref<!tpu.dma_semaphore, #tpu.memory_space<semaphore_mem>>)
      %dma_wait3A = arith.constant 0 : i32
      %dma_wait3A_56 = tpu.memref_slice %arg6[%add3A_46, %dma_wait3A] : memref<10240x16xf32, #tpu.memory_space<vmem_shared>> -> memref<128x16xf32, #tpu.memory_space<vmem_shared>>
      %dma_wait3A_57 = arith.constant 0 : i32
      %dma_wait3A_58 = tpu.memref_slice %arg6[%add3A_46, %dma_wait3A_57] : memref<10240x16xf32, #tpu.memory_space<vmem_shared>> -> memref<128x16xf32, #tpu.memory_space<vmem_shared>>
      tpu.wait_dma2 semaphore(%run_scoped3A : memref<!tpu.dma_semaphore, #tpu.memory_space<semaphore_mem>>) src(%dma_wait3A_58 : memref<128x16xf32, #tpu.memory_space<vmem_shared>>) dst(%arg5 : memref<128x16xf32, #tpu.memory_space<vmem>>)
      tpu.yield
    }) : () -> ()
    %add3A_47 = arith.constant 384 : i32
    %add3A_48 = arith.addi %mul3A_2, %add3A_47 : i32
    "tpu.region"() ({
      %run_scoped3A = tpu.sem_alloc : memref<!tpu.dma_semaphore, #tpu.memory_space<semaphore_mem>>
      %dma_start3A = arith.constant 0 : i32
      %dma_start3A_53 = tpu.memref_slice %arg3[%arg0, %add3A_48, %dma_start3A] : memref<2x10240x16xf32, #tpu.memory_space<hbm>> -> memref<1x128x16xf32, #tpu.memory_space<hbm>>
      %dma_start3A_54 = tpu.memref_squeeze %dma_start3A_53 : memref<1x128x16xf32, #tpu.memory_space<hbm>> -> memref<128x16xf32, #tpu.memory_space<hbm>>
      %dma_start3A_55 = arith.constant 0 : i32
      %dma_start3A_56 = tpu.memref_slice %arg3[%arg0, %add3A_48, %dma_start3A_55] : memref<2x10240x16xf32, #tpu.memory_space<hbm>> -> memref<1x128x16xf32, #tpu.memory_space<hbm>>
      %dma_start3A_57 = tpu.memref_squeeze %dma_start3A_56 : memref<1x128x16xf32, #tpu.memory_space<hbm>> -> memref<128x16xf32, #tpu.memory_space<hbm>>
      tpu.enqueue_dma source(%arg5 : memref<128x16xf32, #tpu.memory_space<vmem>>) target(%dma_start3A_57 : memref<128x16xf32, #tpu.memory_space<hbm>>) target_semaphore(%run_scoped3A : memref<!tpu.dma_semaphore, #tpu.memory_space<semaphore_mem>>)
      %dma_wait3A = arith.constant 0 : i32
      %dma_wait3A_58 = tpu.memref_slice %arg3[%arg0, %add3A_48, %dma_wait3A] : memref<2x10240x16xf32, #tpu.memory_space<hbm>> -> memref<1x128x16xf32, #tpu.memory_space<hbm>>
      %dma_wait3A_59 = tpu.memref_squeeze %dma_wait3A_58 : memref<1x128x16xf32, #tpu.memory_space<hbm>> -> memref<128x16xf32, #tpu.memory_space<hbm>>
      %dma_wait3A_60 = arith.constant 0 : i32
      %dma_wait3A_61 = tpu.memref_slice %arg3[%arg0, %add3A_48, %dma_wait3A_60] : memref<2x10240x16xf32, #tpu.memory_space<hbm>> -> memref<1x128x16xf32, #tpu.memory_space<hbm>>
      %dma_wait3A_62 = tpu.memref_squeeze %dma_wait3A_61 : memref<1x128x16xf32, #tpu.memory_space<hbm>> -> memref<128x16xf32, #tpu.memory_space<hbm>>
      tpu.wait_dma2 semaphore(%run_scoped3A : memref<!tpu.dma_semaphore, #tpu.memory_space<semaphore_mem>>) src(%arg5 : memref<128x16xf32, #tpu.memory_space<vmem>>) dst(%dma_wait3A_62 : memref<128x16xf32, #tpu.memory_space<hbm>>)
      tpu.yield
    }) : () -> ()
    %add3A_49 = arith.constant 512 : i32
    %add3A_50 = arith.addi %mul3A_2, %add3A_49 : i32
    "tpu.region"() ({
      %run_scoped3A = tpu.sem_alloc : memref<!tpu.dma_semaphore, #tpu.memory_space<semaphore_mem>>
      %dma_start3A = arith.constant 0 : i32
      %dma_start3A_53 = tpu.memref_slice %arg6[%add3A_50, %dma_start3A] : memref<10240x16xf32, #tpu.memory_space<vmem_shared>> -> memref<128x16xf32, #tpu.memory_space<vmem_shared>>
      %dma_start3A_54 = arith.constant 0 : i32
      %dma_start3A_55 = tpu.memref_slice %arg6[%add3A_50, %dma_start3A_54] : memref<10240x16xf32, #tpu.memory_space<vmem_shared>> -> memref<128x16xf32, #tpu.memory_space<vmem_shared>>
      tpu.enqueue_dma source(%dma_start3A_55 : memref<128x16xf32, #tpu.memory_space<vmem_shared>>) target(%arg5 : memref<128x16xf32, #tpu.memory_space<vmem>>) target_semaphore(%run_scoped3A : memref<!tpu.dma_semaphore, #tpu.memory_space<semaphore_mem>>)
      %dma_wait3A = arith.constant 0 : i32
      %dma_wait3A_56 = tpu.memref_slice %arg6[%add3A_50, %dma_wait3A] : memref<10240x16xf32, #tpu.memory_space<vmem_shared>> -> memref<128x16xf32, #tpu.memory_space<vmem_shared>>
      %dma_wait3A_57 = arith.constant 0 : i32
      %dma_wait3A_58 = tpu.memref_slice %arg6[%add3A_50, %dma_wait3A_57] : memref<10240x16xf32, #tpu.memory_space<vmem_shared>> -> memref<128x16xf32, #tpu.memory_space<vmem_shared>>
      tpu.wait_dma2 semaphore(%run_scoped3A : memref<!tpu.dma_semaphore, #tpu.memory_space<semaphore_mem>>) src(%dma_wait3A_58 : memref<128x16xf32, #tpu.memory_space<vmem_shared>>) dst(%arg5 : memref<128x16xf32, #tpu.memory_space<vmem>>)
      tpu.yield
    }) : () -> ()
    %add3A_51 = arith.constant 512 : i32
    %add3A_52 = arith.addi %mul3A_2, %add3A_51 : i32
    "tpu.region"() ({
      %run_scoped3A = tpu.sem_alloc : memref<!tpu.dma_semaphore, #tpu.memory_space<semaphore_mem>>
      %dma_start3A = arith.constant 0 : i32
      %dma_start3A_53 = tpu.memref_slice %arg3[%arg0, %add3A_52, %dma_start3A] : memref<2x10240x16xf32, #tpu.memory_space<hbm>> -> memref<1x128x16xf32, #tpu.memory_space<hbm>>
      %dma_start3A_54 = tpu.memref_squeeze %dma_start3A_53 : memref<1x128x16xf32, #tpu.memory_space<hbm>> -> memref<128x16xf32, #tpu.memory_space<hbm>>
      %dma_start3A_55 = arith.constant 0 : i32
      %dma_start3A_56 = tpu.memref_slice %arg3[%arg0, %add3A_52, %dma_start3A_55] : memref<2x10240x16xf32, #tpu.memory_space<hbm>> -> memref<1x128x16xf32, #tpu.memory_space<hbm>>
      %dma_start3A_57 = tpu.memref_squeeze %dma_start3A_56 : memref<1x128x16xf32, #tpu.memory_space<hbm>> -> memref<128x16xf32, #tpu.memory_space<hbm>>
      tpu.enqueue_dma source(%arg5 : memref<128x16xf32, #tpu.memory_space<vmem>>) target(%dma_start3A_57 : memref<128x16xf32, #tpu.memory_space<hbm>>) target_semaphore(%run_scoped3A : memref<!tpu.dma_semaphore, #tpu.memory_space<semaphore_mem>>)
      %dma_wait3A = arith.constant 0 : i32
      %dma_wait3A_58 = tpu.memref_slice %arg3[%arg0, %add3A_52, %dma_wait3A] : memref<2x10240x16xf32, #tpu.memory_space<hbm>> -> memref<1x128x16xf32, #tpu.memory_space<hbm>>
      %dma_wait3A_59 = tpu.memref_squeeze %dma_wait3A_58 : memref<1x128x16xf32, #tpu.memory_space<hbm>> -> memref<128x16xf32, #tpu.memory_space<hbm>>
      %dma_wait3A_60 = arith.constant 0 : i32
      %dma_wait3A_61 = tpu.memref_slice %arg3[%arg0, %add3A_52, %dma_wait3A_60] : memref<2x10240x16xf32, #tpu.memory_space<hbm>> -> memref<1x128x16xf32, #tpu.memory_space<hbm>>
      %dma_wait3A_62 = tpu.memref_squeeze %dma_wait3A_61 : memref<1x128x16xf32, #tpu.memory_space<hbm>> -> memref<128x16xf32, #tpu.memory_space<hbm>>
      tpu.wait_dma2 semaphore(%run_scoped3A : memref<!tpu.dma_semaphore, #tpu.memory_space<semaphore_mem>>) src(%arg5 : memref<128x16xf32, #tpu.memory_space<vmem>>) dst(%dma_wait3A_62 : memref<128x16xf32, #tpu.memory_space<hbm>>)
      tpu.yield
    }) : () -> ()
    return
  }
}

#map = affine_map<(d0, d1) -> (0, 0)>
#map1 = affine_map<(d0, d1) -> (0, 0, 0)>
module attributes {stable_mosaic.version = 14 : i64} {
  func.func @_sc_segsum(%arg0: i32, %arg1: i32, %arg2: memref<10000x128xf32, #tpu.memory_space<hbm>>, %arg3: memref<2560x128xi32, #tpu.memory_space<hbm>>, %arg4: memref<2560x128xi32, #tpu.memory_space<hbm>>, %arg5: memref<2x10240x128xf32, #tpu.memory_space<hbm>>, %arg6: memref<40x128xi32, #tpu.memory_space<vmem>>, %arg7: memref<40x128xi32, #tpu.memory_space<vmem>>, %arg8: memref<2x128x128xf32, #tpu.memory_space<vmem>>, %arg9: memref<10240x128xf32, #tpu.memory_space<vmem_shared>>, %arg10: memref<!tpu.dma_semaphore, #tpu.memory_space<semaphore_mem>>, %arg11: memref<!tpu.dma_semaphore, #tpu.memory_space<semaphore_mem>>) attributes {dimension_semantics = [#tpu.dimension_semantics<core_parallel>, #tpu.dimension_semantics<subcore_parallel>], iteration_bounds = array<i64: 2, 16>, scalar_prefetch = 0 : i64, scratch_operands = 6 : i64, tpu.core_type = #tpu.core_type<sc_vector_subcore>, window_params = [{transform_indices = #map}, {transform_indices = #map}, {transform_indices = #map}, {transform_indices = #map1}]} {
    %mul3A = arith.constant 2 : i32
    %mul3A_0 = arith.muli %arg1, %mul3A : i32
    %add3A = arith.addi %mul3A_0, %arg0 : i32
    %mul3A_1 = arith.constant 640 : i32
    %mul3A_2 = arith.muli %arg1, %mul3A_1 : i32
    %mul3A_3 = arith.constant 80 : i32
    %mul3A_4 = arith.muli %add3A, %mul3A_3 : i32
    %scan3A = arith.constant 0 : i32
    %scan3A_5 = arith.constant 0 : i32
    %scan3A_6 = arith.constant 0 : i32
    %scan3A_7 = arith.constant 128 : i32
    %scan3A_8 = arith.addi %scan3A_6, %scan3A_7 : i32
    %scan3A_9 = arith.constant 1 : i32
    scf.for %scan3A_184 = %scan3A_6 to %scan3A_8 step %scan3A_9  : i32 {
      %scan3A_185 = arith.constant 0 : i32
      %scan3A_186 = arith.constant 8 : i32
      %scan3A_187 = arith.addi %scan3A_185, %scan3A_186 : i32
      %scan3A_188 = arith.constant 1 : i32
      scf.for %scan3A_190 = %scan3A_185 to %scan3A_187 step %scan3A_188  : i32 {
        %broadcast_in_dim3A = arith.constant 0.000000e+00 : f32
        %broadcast_in_dim3A_191 = vector.broadcast %broadcast_in_dim3A : f32 to vector<16xf32>
        %mul3A_192 = arith.constant 16 : i32
        %mul3A_193 = arith.muli %scan3A_190, %mul3A_192 : i32
        %swap3A = arith.constant 0 : i32
        %swap3A_194 = arith.constant 0 : i32
        %swap3A_195 = tpu.memref_slice %arg8[%scan3A_5, %swap3A, %swap3A_194] : memref<2x128x128xf32, #tpu.memory_space<vmem>> -> memref<1x128x128xf32, #tpu.memory_space<vmem>>
        %swap3A_196 = tpu.memref_squeeze %swap3A_195 : memref<1x128x128xf32, #tpu.memory_space<vmem>> -> memref<128x128xf32, #tpu.memory_space<vmem>>
        %swap3A_197 = arith.index_cast %scan3A_184 : i32 to index
        %swap3A_198 = arith.index_cast %mul3A_193 : i32 to index
        %swap3A_199 = tpu.vector_load %swap3A_196[%swap3A_197, %swap3A_198] {strides = array<i32>} : memref<128x128xf32, #tpu.memory_space<vmem>>, vector<1x16xf32>,
        %swap3A_200 = vector.shape_cast %swap3A_199 : vector<1x16xf32> to vector<16xf32>
        %swap3A_201 = vector.shape_cast %broadcast_in_dim3A_191 : vector<16xf32> to vector<1x16xf32>
        tpu.vector_store %swap3A_196[%swap3A_197, %swap3A_198], %swap3A_201 {strides = array<i32>} : memref<128x128xf32, #tpu.memory_space<vmem>>, vector<1x16xf32>,
      }
      %scan3A_189 = arith.constant 8 : i32
    }
    %scan3A_10 = arith.constant 128 : i32
    %add3A_11 = arith.constant 0 : i32
    %add3A_12 = arith.addi %mul3A_2, %add3A_11 : i32
    %run_scoped3A = arith.constant 0 : i32
    "tpu.region"() ({
      %run_scoped3A_184 = tpu.sem_alloc : memref<!tpu.dma_semaphore, #tpu.memory_space<semaphore_mem>>
      %dma_start3A_185 = arith.constant 0 : i32
      %dma_start3A_186 = arith.constant 0 : i32
      %dma_start3A_187 = tpu.memref_slice %arg8[%run_scoped3A, %dma_start3A_185, %dma_start3A_186] : memref<2x128x128xf32, #tpu.memory_space<vmem>> -> memref<1x128x128xf32, #tpu.memory_space<vmem>>
      %dma_start3A_188 = tpu.memref_squeeze %dma_start3A_187 : memref<1x128x128xf32, #tpu.memory_space<vmem>> -> memref<128x128xf32, #tpu.memory_space<vmem>>
      %dma_start3A_189 = arith.constant 0 : i32
      %dma_start3A_190 = tpu.memref_slice %arg9[%add3A_12, %dma_start3A_189] : memref<10240x128xf32, #tpu.memory_space<vmem_shared>> -> memref<128x128xf32, #tpu.memory_space<vmem_shared>>
      %dma_start3A_191 = arith.constant 0 : i32
      %dma_start3A_192 = tpu.memref_slice %arg9[%add3A_12, %dma_start3A_191] : memref<10240x128xf32, #tpu.memory_space<vmem_shared>> -> memref<128x128xf32, #tpu.memory_space<vmem_shared>>
      %dma_start3A_193 = arith.constant 0 : i32
      %dma_start3A_194 = arith.constant 0 : i32
      %dma_start3A_195 = tpu.memref_slice %arg8[%run_scoped3A, %dma_start3A_193, %dma_start3A_194] : memref<2x128x128xf32, #tpu.memory_space<vmem>> -> memref<1x128x128xf32, #tpu.memory_space<vmem>>
      %dma_start3A_196 = tpu.memref_squeeze %dma_start3A_195 : memref<1x128x128xf32, #tpu.memory_space<vmem>> -> memref<128x128xf32, #tpu.memory_space<vmem>>
      tpu.enqueue_dma source(%dma_start3A_196 : memref<128x128xf32, #tpu.memory_space<vmem>>) target(%dma_start3A_192 : memref<128x128xf32, #tpu.memory_space<vmem_shared>>) target_semaphore(%run_scoped3A_184 : memref<!tpu.dma_semaphore, #tpu.memory_space<semaphore_mem>>)
      %dma_wait3A_197 = arith.constant 0 : i32
      %dma_wait3A_198 = arith.constant 0 : i32
      %dma_wait3A_199 = tpu.memref_slice %arg8[%run_scoped3A, %dma_wait3A_197, %dma_wait3A_198] : memref<2x128x128xf32, #tpu.memory_space<vmem>> -> memref<1x128x128xf32, #tpu.memory_space<vmem>>
      %dma_wait3A_200 = tpu.memref_squeeze %dma_wait3A_199 : memref<1x128x128xf32, #tpu.memory_space<vmem>> -> memref<128x128xf32, #tpu.memory_space<vmem>>
      %dma_wait3A_201 = arith.constant 0 : i32
      %dma_wait3A_202 = tpu.memref_slice %arg9[%add3A_12, %dma_wait3A_201] : memref<10240x128xf32, #tpu.memory_space<vmem_shared>> -> memref<128x128xf32, #tpu.memory_space<vmem_shared>>
      %dma_wait3A_203 = arith.constant 0 : i32
      %dma_wait3A_204 = tpu.memref_slice %arg9[%add3A_12, %dma_wait3A_203] : memref<10240x128xf32, #tpu.memory_space<vmem_shared>> -> memref<128x128xf32, #tpu.memory_space<vmem_shared>>
      %dma_wait3A_205 = arith.constant 0 : i32
      %dma_wait3A_206 = arith.constant 0 : i32
      %dma_wait3A_207 = tpu.memref_slice %arg8[%run_scoped3A, %dma_wait3A_205, %dma_wait3A_206] : memref<2x128x128xf32, #tpu.memory_space<vmem>> -> memref<1x128x128xf32, #tpu.memory_space<vmem>>
      %dma_wait3A_208 = tpu.memref_squeeze %dma_wait3A_207 : memref<1x128x128xf32, #tpu.memory_space<vmem>> -> memref<128x128xf32, #tpu.memory_space<vmem>>
      tpu.wait_dma2 semaphore(%run_scoped3A_184 : memref<!tpu.dma_semaphore, #tpu.memory_space<semaphore_mem>>) src(%dma_wait3A_208 : memref<128x128xf32, #tpu.memory_space<vmem>>) dst(%dma_wait3A_204 : memref<128x128xf32, #tpu.memory_space<vmem_shared>>)
      tpu.yield
    }) : () -> ()
    %add3A_13 = arith.constant 128 : i32
    %add3A_14 = arith.addi %mul3A_2, %add3A_13 : i32
    %run_scoped3A_15 = arith.constant 0 : i32
    "tpu.region"() ({
      %run_scoped3A_184 = tpu.sem_alloc : memref<!tpu.dma_semaphore, #tpu.memory_space<semaphore_mem>>
      %dma_start3A_185 = arith.constant 0 : i32
      %dma_start3A_186 = arith.constant 0 : i32
      %dma_start3A_187 = tpu.memref_slice %arg8[%run_scoped3A_15, %dma_start3A_185, %dma_start3A_186] : memref<2x128x128xf32, #tpu.memory_space<vmem>> -> memref<1x128x128xf32, #tpu.memory_space<vmem>>
      %dma_start3A_188 = tpu.memref_squeeze %dma_start3A_187 : memref<1x128x128xf32, #tpu.memory_space<vmem>> -> memref<128x128xf32, #tpu.memory_space<vmem>>
      %dma_start3A_189 = arith.constant 0 : i32
      %dma_start3A_190 = tpu.memref_slice %arg9[%add3A_14, %dma_start3A_189] : memref<10240x128xf32, #tpu.memory_space<vmem_shared>> -> memref<128x128xf32, #tpu.memory_space<vmem_shared>>
      %dma_start3A_191 = arith.constant 0 : i32
      %dma_start3A_192 = tpu.memref_slice %arg9[%add3A_14, %dma_start3A_191] : memref<10240x128xf32, #tpu.memory_space<vmem_shared>> -> memref<128x128xf32, #tpu.memory_space<vmem_shared>>
      %dma_start3A_193 = arith.constant 0 : i32
      %dma_start3A_194 = arith.constant 0 : i32
      %dma_start3A_195 = tpu.memref_slice %arg8[%run_scoped3A_15, %dma_start3A_193, %dma_start3A_194] : memref<2x128x128xf32, #tpu.memory_space<vmem>> -> memref<1x128x128xf32, #tpu.memory_space<vmem>>
      %dma_start3A_196 = tpu.memref_squeeze %dma_start3A_195 : memref<1x128x128xf32, #tpu.memory_space<vmem>> -> memref<128x128xf32, #tpu.memory_space<vmem>>
      tpu.enqueue_dma source(%dma_start3A_196 : memref<128x128xf32, #tpu.memory_space<vmem>>) target(%dma_start3A_192 : memref<128x128xf32, #tpu.memory_space<vmem_shared>>) target_semaphore(%run_scoped3A_184 : memref<!tpu.dma_semaphore, #tpu.memory_space<semaphore_mem>>)
      %dma_wait3A_197 = arith.constant 0 : i32
      %dma_wait3A_198 = arith.constant 0 : i32
      %dma_wait3A_199 = tpu.memref_slice %arg8[%run_scoped3A_15, %dma_wait3A_197, %dma_wait3A_198] : memref<2x128x128xf32, #tpu.memory_space<vmem>> -> memref<1x128x128xf32, #tpu.memory_space<vmem>>
      %dma_wait3A_200 = tpu.memref_squeeze %dma_wait3A_199 : memref<1x128x128xf32, #tpu.memory_space<vmem>> -> memref<128x128xf32, #tpu.memory_space<vmem>>
      %dma_wait3A_201 = arith.constant 0 : i32
      %dma_wait3A_202 = tpu.memref_slice %arg9[%add3A_14, %dma_wait3A_201] : memref<10240x128xf32, #tpu.memory_space<vmem_shared>> -> memref<128x128xf32, #tpu.memory_space<vmem_shared>>
      %dma_wait3A_203 = arith.constant 0 : i32
      %dma_wait3A_204 = tpu.memref_slice %arg9[%add3A_14, %dma_wait3A_203] : memref<10240x128xf32, #tpu.memory_space<vmem_shared>> -> memref<128x128xf32, #tpu.memory_space<vmem_shared>>
      %dma_wait3A_205 = arith.constant 0 : i32
      %dma_wait3A_206 = arith.constant 0 : i32
      %dma_wait3A_207 = tpu.memref_slice %arg8[%run_scoped3A_15, %dma_wait3A_205, %dma_wait3A_206] : memref<2x128x128xf32, #tpu.memory_space<vmem>> -> memref<1x128x128xf32, #tpu.memory_space<vmem>>
      %dma_wait3A_208 = tpu.memref_squeeze %dma_wait3A_207 : memref<1x128x128xf32, #tpu.memory_space<vmem>> -> memref<128x128xf32, #tpu.memory_space<vmem>>
      tpu.wait_dma2 semaphore(%run_scoped3A_184 : memref<!tpu.dma_semaphore, #tpu.memory_space<semaphore_mem>>) src(%dma_wait3A_208 : memref<128x128xf32, #tpu.memory_space<vmem>>) dst(%dma_wait3A_204 : memref<128x128xf32, #tpu.memory_space<vmem_shared>>)
      tpu.yield
    }) : () -> ()
    %add3A_16 = arith.constant 256 : i32
    %add3A_17 = arith.addi %mul3A_2, %add3A_16 : i32
    %run_scoped3A_18 = arith.constant 0 : i32
    "tpu.region"() ({
      %run_scoped3A_184 = tpu.sem_alloc : memref<!tpu.dma_semaphore, #tpu.memory_space<semaphore_mem>>
      %dma_start3A_185 = arith.constant 0 : i32
      %dma_start3A_186 = arith.constant 0 : i32
      %dma_start3A_187 = tpu.memref_slice %arg8[%run_scoped3A_18, %dma_start3A_185, %dma_start3A_186] : memref<2x128x128xf32, #tpu.memory_space<vmem>> -> memref<1x128x128xf32, #tpu.memory_space<vmem>>
      %dma_start3A_188 = tpu.memref_squeeze %dma_start3A_187 : memref<1x128x128xf32, #tpu.memory_space<vmem>> -> memref<128x128xf32, #tpu.memory_space<vmem>>
      %dma_start3A_189 = arith.constant 0 : i32
      %dma_start3A_190 = tpu.memref_slice %arg9[%add3A_17, %dma_start3A_189] : memref<10240x128xf32, #tpu.memory_space<vmem_shared>> -> memref<128x128xf32, #tpu.memory_space<vmem_shared>>
      %dma_start3A_191 = arith.constant 0 : i32
      %dma_start3A_192 = tpu.memref_slice %arg9[%add3A_17, %dma_start3A_191] : memref<10240x128xf32, #tpu.memory_space<vmem_shared>> -> memref<128x128xf32, #tpu.memory_space<vmem_shared>>
      %dma_start3A_193 = arith.constant 0 : i32
      %dma_start3A_194 = arith.constant 0 : i32
      %dma_start3A_195 = tpu.memref_slice %arg8[%run_scoped3A_18, %dma_start3A_193, %dma_start3A_194] : memref<2x128x128xf32, #tpu.memory_space<vmem>> -> memref<1x128x128xf32, #tpu.memory_space<vmem>>
      %dma_start3A_196 = tpu.memref_squeeze %dma_start3A_195 : memref<1x128x128xf32, #tpu.memory_space<vmem>> -> memref<128x128xf32, #tpu.memory_space<vmem>>
      tpu.enqueue_dma source(%dma_start3A_196 : memref<128x128xf32, #tpu.memory_space<vmem>>) target(%dma_start3A_192 : memref<128x128xf32, #tpu.memory_space<vmem_shared>>) target_semaphore(%run_scoped3A_184 : memref<!tpu.dma_semaphore, #tpu.memory_space<semaphore_mem>>)
      %dma_wait3A_197 = arith.constant 0 : i32
      %dma_wait3A_198 = arith.constant 0 : i32
      %dma_wait3A_199 = tpu.memref_slice %arg8[%run_scoped3A_18, %dma_wait3A_197, %dma_wait3A_198] : memref<2x128x128xf32, #tpu.memory_space<vmem>> -> memref<1x128x128xf32, #tpu.memory_space<vmem>>
      %dma_wait3A_200 = tpu.memref_squeeze %dma_wait3A_199 : memref<1x128x128xf32, #tpu.memory_space<vmem>> -> memref<128x128xf32, #tpu.memory_space<vmem>>
      %dma_wait3A_201 = arith.constant 0 : i32
      %dma_wait3A_202 = tpu.memref_slice %arg9[%add3A_17, %dma_wait3A_201] : memref<10240x128xf32, #tpu.memory_space<vmem_shared>> -> memref<128x128xf32, #tpu.memory_space<vmem_shared>>
      %dma_wait3A_203 = arith.constant 0 : i32
      %dma_wait3A_204 = tpu.memref_slice %arg9[%add3A_17, %dma_wait3A_203] : memref<10240x128xf32, #tpu.memory_space<vmem_shared>> -> memref<128x128xf32, #tpu.memory_space<vmem_shared>>
      %dma_wait3A_205 = arith.constant 0 : i32
      %dma_wait3A_206 = arith.constant 0 : i32
      %dma_wait3A_207 = tpu.memref_slice %arg8[%run_scoped3A_18, %dma_wait3A_205, %dma_wait3A_206] : memref<2x128x128xf32, #tpu.memory_space<vmem>> -> memref<1x128x128xf32, #tpu.memory_space<vmem>>
      %dma_wait3A_208 = tpu.memref_squeeze %dma_wait3A_207 : memref<1x128x128xf32, #tpu.memory_space<vmem>> -> memref<128x128xf32, #tpu.memory_space<vmem>>
      tpu.wait_dma2 semaphore(%run_scoped3A_184 : memref<!tpu.dma_semaphore, #tpu.memory_space<semaphore_mem>>) src(%dma_wait3A_208 : memref<128x128xf32, #tpu.memory_space<vmem>>) dst(%dma_wait3A_204 : memref<128x128xf32, #tpu.memory_space<vmem_shared>>)
      tpu.yield
    }) : () -> ()
    %add3A_19 = arith.constant 384 : i32
    %add3A_20 = arith.addi %mul3A_2, %add3A_19 : i32
    %run_scoped3A_21 = arith.constant 0 : i32
    "tpu.region"() ({
      %run_scoped3A_184 = tpu.sem_alloc : memref<!tpu.dma_semaphore, #tpu.memory_space<semaphore_mem>>
      %dma_start3A_185 = arith.constant 0 : i32
      %dma_start3A_186 = arith.constant 0 : i32
      %dma_start3A_187 = tpu.memref_slice %arg8[%run_scoped3A_21, %dma_start3A_185, %dma_start3A_186] : memref<2x128x128xf32, #tpu.memory_space<vmem>> -> memref<1x128x128xf32, #tpu.memory_space<vmem>>
      %dma_start3A_188 = tpu.memref_squeeze %dma_start3A_187 : memref<1x128x128xf32, #tpu.memory_space<vmem>> -> memref<128x128xf32, #tpu.memory_space<vmem>>
      %dma_start3A_189 = arith.constant 0 : i32
      %dma_start3A_190 = tpu.memref_slice %arg9[%add3A_20, %dma_start3A_189] : memref<10240x128xf32, #tpu.memory_space<vmem_shared>> -> memref<128x128xf32, #tpu.memory_space<vmem_shared>>
      %dma_start3A_191 = arith.constant 0 : i32
      %dma_start3A_192 = tpu.memref_slice %arg9[%add3A_20, %dma_start3A_191] : memref<10240x128xf32, #tpu.memory_space<vmem_shared>> -> memref<128x128xf32, #tpu.memory_space<vmem_shared>>
      %dma_start3A_193 = arith.constant 0 : i32
      %dma_start3A_194 = arith.constant 0 : i32
      %dma_start3A_195 = tpu.memref_slice %arg8[%run_scoped3A_21, %dma_start3A_193, %dma_start3A_194] : memref<2x128x128xf32, #tpu.memory_space<vmem>> -> memref<1x128x128xf32, #tpu.memory_space<vmem>>
      %dma_start3A_196 = tpu.memref_squeeze %dma_start3A_195 : memref<1x128x128xf32, #tpu.memory_space<vmem>> -> memref<128x128xf32, #tpu.memory_space<vmem>>
      tpu.enqueue_dma source(%dma_start3A_196 : memref<128x128xf32, #tpu.memory_space<vmem>>) target(%dma_start3A_192 : memref<128x128xf32, #tpu.memory_space<vmem_shared>>) target_semaphore(%run_scoped3A_184 : memref<!tpu.dma_semaphore, #tpu.memory_space<semaphore_mem>>)
      %dma_wait3A_197 = arith.constant 0 : i32
      %dma_wait3A_198 = arith.constant 0 : i32
      %dma_wait3A_199 = tpu.memref_slice %arg8[%run_scoped3A_21, %dma_wait3A_197, %dma_wait3A_198] : memref<2x128x128xf32, #tpu.memory_space<vmem>> -> memref<1x128x128xf32, #tpu.memory_space<vmem>>
      %dma_wait3A_200 = tpu.memref_squeeze %dma_wait3A_199 : memref<1x128x128xf32, #tpu.memory_space<vmem>> -> memref<128x128xf32, #tpu.memory_space<vmem>>
      %dma_wait3A_201 = arith.constant 0 : i32
      %dma_wait3A_202 = tpu.memref_slice %arg9[%add3A_20, %dma_wait3A_201] : memref<10240x128xf32, #tpu.memory_space<vmem_shared>> -> memref<128x128xf32, #tpu.memory_space<vmem_shared>>
      %dma_wait3A_203 = arith.constant 0 : i32
      %dma_wait3A_204 = tpu.memref_slice %arg9[%add3A_20, %dma_wait3A_203] : memref<10240x128xf32, #tpu.memory_space<vmem_shared>> -> memref<128x128xf32, #tpu.memory_space<vmem_shared>>
      %dma_wait3A_205 = arith.constant 0 : i32
      %dma_wait3A_206 = arith.constant 0 : i32
      %dma_wait3A_207 = tpu.memref_slice %arg8[%run_scoped3A_21, %dma_wait3A_205, %dma_wait3A_206] : memref<2x128x128xf32, #tpu.memory_space<vmem>> -> memref<1x128x128xf32, #tpu.memory_space<vmem>>
      %dma_wait3A_208 = tpu.memref_squeeze %dma_wait3A_207 : memref<1x128x128xf32, #tpu.memory_space<vmem>> -> memref<128x128xf32, #tpu.memory_space<vmem>>
      tpu.wait_dma2 semaphore(%run_scoped3A_184 : memref<!tpu.dma_semaphore, #tpu.memory_space<semaphore_mem>>) src(%dma_wait3A_208 : memref<128x128xf32, #tpu.memory_space<vmem>>) dst(%dma_wait3A_204 : memref<128x128xf32, #tpu.memory_space<vmem_shared>>)
      tpu.yield
    }) : () -> ()
    %add3A_22 = arith.constant 512 : i32
    %add3A_23 = arith.addi %mul3A_2, %add3A_22 : i32
    %run_scoped3A_24 = arith.constant 0 : i32
    "tpu.region"() ({
      %run_scoped3A_184 = tpu.sem_alloc : memref<!tpu.dma_semaphore, #tpu.memory_space<semaphore_mem>>
      %dma_start3A_185 = arith.constant 0 : i32
      %dma_start3A_186 = arith.constant 0 : i32
      %dma_start3A_187 = tpu.memref_slice %arg8[%run_scoped3A_24, %dma_start3A_185, %dma_start3A_186] : memref<2x128x128xf32, #tpu.memory_space<vmem>> -> memref<1x128x128xf32, #tpu.memory_space<vmem>>
      %dma_start3A_188 = tpu.memref_squeeze %dma_start3A_187 : memref<1x128x128xf32, #tpu.memory_space<vmem>> -> memref<128x128xf32, #tpu.memory_space<vmem>>
      %dma_start3A_189 = arith.constant 0 : i32
      %dma_start3A_190 = tpu.memref_slice %arg9[%add3A_23, %dma_start3A_189] : memref<10240x128xf32, #tpu.memory_space<vmem_shared>> -> memref<128x128xf32, #tpu.memory_space<vmem_shared>>
      %dma_start3A_191 = arith.constant 0 : i32
      %dma_start3A_192 = tpu.memref_slice %arg9[%add3A_23, %dma_start3A_191] : memref<10240x128xf32, #tpu.memory_space<vmem_shared>> -> memref<128x128xf32, #tpu.memory_space<vmem_shared>>
      %dma_start3A_193 = arith.constant 0 : i32
      %dma_start3A_194 = arith.constant 0 : i32
      %dma_start3A_195 = tpu.memref_slice %arg8[%run_scoped3A_24, %dma_start3A_193, %dma_start3A_194] : memref<2x128x128xf32, #tpu.memory_space<vmem>> -> memref<1x128x128xf32, #tpu.memory_space<vmem>>
      %dma_start3A_196 = tpu.memref_squeeze %dma_start3A_195 : memref<1x128x128xf32, #tpu.memory_space<vmem>> -> memref<128x128xf32, #tpu.memory_space<vmem>>
      tpu.enqueue_dma source(%dma_start3A_196 : memref<128x128xf32, #tpu.memory_space<vmem>>) target(%dma_start3A_192 : memref<128x128xf32, #tpu.memory_space<vmem_shared>>) target_semaphore(%run_scoped3A_184 : memref<!tpu.dma_semaphore, #tpu.memory_space<semaphore_mem>>)
      %dma_wait3A_197 = arith.constant 0 : i32
      %dma_wait3A_198 = arith.constant 0 : i32
      %dma_wait3A_199 = tpu.memref_slice %arg8[%run_scoped3A_24, %dma_wait3A_197, %dma_wait3A_198] : memref<2x128x128xf32, #tpu.memory_space<vmem>> -> memref<1x128x128xf32, #tpu.memory_space<vmem>>
      %dma_wait3A_200 = tpu.memref_squeeze %dma_wait3A_199 : memref<1x128x128xf32, #tpu.memory_space<vmem>> -> memref<128x128xf32, #tpu.memory_space<vmem>>
      %dma_wait3A_201 = arith.constant 0 : i32
      %dma_wait3A_202 = tpu.memref_slice %arg9[%add3A_23, %dma_wait3A_201] : memref<10240x128xf32, #tpu.memory_space<vmem_shared>> -> memref<128x128xf32, #tpu.memory_space<vmem_shared>>
      %dma_wait3A_203 = arith.constant 0 : i32
      %dma_wait3A_204 = tpu.memref_slice %arg9[%add3A_23, %dma_wait3A_203] : memref<10240x128xf32, #tpu.memory_space<vmem_shared>> -> memref<128x128xf32, #tpu.memory_space<vmem_shared>>
      %dma_wait3A_205 = arith.constant 0 : i32
      %dma_wait3A_206 = arith.constant 0 : i32
      %dma_wait3A_207 = tpu.memref_slice %arg8[%run_scoped3A_24, %dma_wait3A_205, %dma_wait3A_206] : memref<2x128x128xf32, #tpu.memory_space<vmem>> -> memref<1x128x128xf32, #tpu.memory_space<vmem>>
      %dma_wait3A_208 = tpu.memref_squeeze %dma_wait3A_207 : memref<1x128x128xf32, #tpu.memory_space<vmem>> -> memref<128x128xf32, #tpu.memory_space<vmem>>
      tpu.wait_dma2 semaphore(%run_scoped3A_184 : memref<!tpu.dma_semaphore, #tpu.memory_space<semaphore_mem>>) src(%dma_wait3A_208 : memref<128x128xf32, #tpu.memory_space<vmem>>) dst(%dma_wait3A_204 : memref<128x128xf32, #tpu.memory_space<vmem_shared>>)
      tpu.yield
    }) : () -> ()
    %barrier3A = arith.constant 0 : index
    tpu.barrier barrier_id(%barrier3A)
    "tpu.region"() ({
      %run_scoped3A_184 = tpu.sem_alloc : memref<!tpu.dma_semaphore, #tpu.memory_space<semaphore_mem>>
      %dma_start3A_185 = arith.constant 0 : i32
      %dma_start3A_186 = tpu.memref_slice %arg3[%mul3A_4, %dma_start3A_185] : memref<2560x128xi32, #tpu.memory_space<hbm>> -> memref<40x128xi32, #tpu.memory_space<hbm>>
      %dma_start3A_187 = arith.constant 0 : i32
      %dma_start3A_188 = tpu.memref_slice %arg3[%mul3A_4, %dma_start3A_187] : memref<2560x128xi32, #tpu.memory_space<hbm>> -> memref<40x128xi32, #tpu.memory_space<hbm>>
      tpu.enqueue_dma source(%dma_start3A_188 : memref<40x128xi32, #tpu.memory_space<hbm>>) target(%arg6 : memref<40x128xi32, #tpu.memory_space<vmem>>) target_semaphore(%run_scoped3A_184 : memref<!tpu.dma_semaphore, #tpu.memory_space<semaphore_mem>>)
      %dma_wait3A_189 = arith.constant 0 : i32
      %dma_wait3A_190 = tpu.memref_slice %arg3[%mul3A_4, %dma_wait3A_189] : memref<2560x128xi32, #tpu.memory_space<hbm>> -> memref<40x128xi32, #tpu.memory_space<hbm>>
      %dma_wait3A_191 = arith.constant 0 : i32
      %dma_wait3A_192 = tpu.memref_slice %arg3[%mul3A_4, %dma_wait3A_191] : memref<2560x128xi32, #tpu.memory_space<hbm>> -> memref<40x128xi32, #tpu.memory_space<hbm>>
      tpu.wait_dma2 semaphore(%run_scoped3A_184 : memref<!tpu.dma_semaphore, #tpu.memory_space<semaphore_mem>>) src(%dma_wait3A_192 : memref<40x128xi32, #tpu.memory_space<hbm>>) dst(%arg6 : memref<40x128xi32, #tpu.memory_space<vmem>>)
      tpu.yield
    }) : () -> ()
    "tpu.region"() ({
      %run_scoped3A_184 = tpu.sem_alloc : memref<!tpu.dma_semaphore, #tpu.memory_space<semaphore_mem>>
      %dma_start3A_185 = arith.constant 0 : i32
      %dma_start3A_186 = tpu.memref_slice %arg4[%mul3A_4, %dma_start3A_185] : memref<2560x128xi32, #tpu.memory_space<hbm>> -> memref<40x128xi32, #tpu.memory_space<hbm>>
      %dma_start3A_187 = arith.constant 0 : i32
      %dma_start3A_188 = tpu.memref_slice %arg4[%mul3A_4, %dma_start3A_187] : memref<2560x128xi32, #tpu.memory_space<hbm>> -> memref<40x128xi32, #tpu.memory_space<hbm>>
      tpu.enqueue_dma source(%dma_start3A_188 : memref<40x128xi32, #tpu.memory_space<hbm>>) target(%arg7 : memref<40x128xi32, #tpu.memory_space<vmem>>) target_semaphore(%run_scoped3A_184 : memref<!tpu.dma_semaphore, #tpu.memory_space<semaphore_mem>>)
      %dma_wait3A_189 = arith.constant 0 : i32
      %dma_wait3A_190 = tpu.memref_slice %arg4[%mul3A_4, %dma_wait3A_189] : memref<2560x128xi32, #tpu.memory_space<hbm>> -> memref<40x128xi32, #tpu.memory_space<hbm>>
      %dma_wait3A_191 = arith.constant 0 : i32
      %dma_wait3A_192 = tpu.memref_slice %arg4[%mul3A_4, %dma_wait3A_191] : memref<2560x128xi32, #tpu.memory_space<hbm>> -> memref<40x128xi32, #tpu.memory_space<hbm>>
      tpu.wait_dma2 semaphore(%run_scoped3A_184 : memref<!tpu.dma_semaphore, #tpu.memory_space<semaphore_mem>>) src(%dma_wait3A_192 : memref<40x128xi32, #tpu.memory_space<hbm>>) dst(%arg7 : memref<40x128xi32, #tpu.memory_space<vmem>>)
      tpu.yield
    }) : () -> ()
    %dma_start3A = arith.constant 0 : i32
    %dma_start3A_25 = arith.constant 0 : i32
    %dma_start3A_26 = arith.constant 0 : i32
    %dma_start3A_27 = arith.constant 0 : i32
    %dma_start3A_28 = tpu.memref_slice %arg8[%dma_start3A_25, %dma_start3A_26, %dma_start3A_27] : memref<2x128x128xf32, #tpu.memory_space<vmem>> -> memref<1x128x128xf32, #tpu.memory_space<vmem>>
    %dma_start3A_29 = tpu.memref_squeeze %dma_start3A_28 : memref<1x128x128xf32, #tpu.memory_space<vmem>> -> memref<128x128xf32, #tpu.memory_space<vmem>>
    %dma_start3A_30 = arith.constant 0 : i32
    %dma_start3A_31 = tpu.memref_slice %arg6[%dma_start3A, %dma_start3A_30] : memref<40x128xi32, #tpu.memory_space<vmem>> -> memref<1x128xi32, #tpu.memory_space<vmem>>
    %dma_start3A_32 = tpu.memref_squeeze %dma_start3A_31 : memref<1x128xi32, #tpu.memory_space<vmem>> -> memref<128xi32, #tpu.memory_space<vmem>>
    %dma_start3A_33 = arith.constant 0 : i32
    %dma_start3A_34 = arith.constant 0 : i32
    %dma_start3A_35 = tpu.memref_slice %arg2[%dma_start3A_33, %dma_start3A_34] : memref<10000x128xf32, #tpu.memory_space<hbm>> -> memref<10000x128xf32, #tpu.memory_space<hbm>>
    tpu.enqueue_indirect_dma source(%dma_start3A_35 : memref<10000x128xf32, #tpu.memory_space<hbm>>) target(%dma_start3A_29 : memref<128x128xf32, #tpu.memory_space<vmem>>) offsets(%dma_start3A_32 : memref<128xi32, #tpu.memory_space<vmem>>) semaphore(%arg10 : memref<!tpu.dma_semaphore, #tpu.memory_space<semaphore_mem>>)
    %dma_start3A_36 = arith.constant 1 : i32
    %dma_start3A_37 = arith.constant 1 : i32
    %dma_start3A_38 = arith.constant 0 : i32
    %dma_start3A_39 = arith.constant 0 : i32
    %dma_start3A_40 = tpu.memref_slice %arg8[%dma_start3A_37, %dma_start3A_38, %dma_start3A_39] : memref<2x128x128xf32, #tpu.memory_space<vmem>> -> memref<1x128x128xf32, #tpu.memory_space<vmem>>
    %dma_start3A_41 = tpu.memref_squeeze %dma_start3A_40 : memref<1x128x128xf32, #tpu.memory_space<vmem>> -> memref<128x128xf32, #tpu.memory_space<vmem>>
    %dma_start3A_42 = arith.constant 0 : i32
    %dma_start3A_43 = tpu.memref_slice %arg6[%dma_start3A_36, %dma_start3A_42] : memref<40x128xi32, #tpu.memory_space<vmem>> -> memref<1x128xi32, #tpu.memory_space<vmem>>
    %dma_start3A_44 = tpu.memref_squeeze %dma_start3A_43 : memref<1x128xi32, #tpu.memory_space<vmem>> -> memref<128xi32, #tpu.memory_space<vmem>>
    %dma_start3A_45 = arith.constant 0 : i32
    %dma_start3A_46 = arith.constant 0 : i32
    %dma_start3A_47 = tpu.memref_slice %arg2[%dma_start3A_45, %dma_start3A_46] : memref<10000x128xf32, #tpu.memory_space<hbm>> -> memref<10000x128xf32, #tpu.memory_space<hbm>>
    tpu.enqueue_indirect_dma source(%dma_start3A_47 : memref<10000x128xf32, #tpu.memory_space<hbm>>) target(%dma_start3A_41 : memref<128x128xf32, #tpu.memory_space<vmem>>) offsets(%dma_start3A_44 : memref<128xi32, #tpu.memory_space<vmem>>) semaphore(%arg11 : memref<!tpu.dma_semaphore, #tpu.memory_space<semaphore_mem>>)
    %scan3A_48 = arith.constant 0 : i32
    %scan3A_49 = arith.constant 1 : i32
    %scan3A_50 = arith.constant 19 : i32
    %scan3A_51 = arith.addi %scan3A_49, %scan3A_50 : i32
    %scan3A_52 = arith.constant 1 : i32
    scf.for %scan3A_184 = %scan3A_49 to %scan3A_51 step %scan3A_52  : i32 {
      %mul3A_185 = arith.constant 2 : i32
      %mul3A_186 = arith.muli %scan3A_184, %mul3A_185 : i32
      %dma_wait3A_187 = arith.constant 0 : i32
      %dma_wait3A_188 = arith.constant 0 : i32
      %dma_wait3A_189 = arith.constant 0 : i32
      %dma_wait3A_190 = tpu.memref_slice %arg8[%dma_wait3A_187, %dma_wait3A_188, %dma_wait3A_189] : memref<2x128x128xf32, #tpu.memory_space<vmem>> -> memref<1x128x128xf32, #tpu.memory_space<vmem>>
      %dma_wait3A_191 = tpu.memref_squeeze %dma_wait3A_190 : memref<1x128x128xf32, #tpu.memory_space<vmem>> -> memref<128x128xf32, #tpu.memory_space<vmem>>
      %dma_wait3A_192 = arith.constant 0 : i32
      %dma_wait3A_193 = arith.constant 0 : i32
      %dma_wait3A_194 = tpu.memref_slice %arg2[%dma_wait3A_192, %dma_wait3A_193] : memref<10000x128xf32, #tpu.memory_space<hbm>> -> memref<128x128xf32, #tpu.memory_space<hbm>>
      %dma_wait3A_195 = arith.constant 0 : i32
      %dma_wait3A_196 = arith.constant 0 : i32
      %dma_wait3A_197 = tpu.memref_slice %arg8[%dma_wait3A_187, %dma_wait3A_195, %dma_wait3A_196] : memref<2x128x128xf32, #tpu.memory_space<vmem>> -> memref<1x128x128xf32, #tpu.memory_space<vmem>>
      %dma_wait3A_198 = tpu.memref_squeeze %dma_wait3A_197 : memref<1x128x128xf32, #tpu.memory_space<vmem>> -> memref<128x128xf32, #tpu.memory_space<vmem>>
      %dma_wait3A_199 = arith.constant 0 : i32
      %dma_wait3A_200 = arith.constant 0 : i32
      %dma_wait3A_201 = tpu.memref_slice %arg2[%dma_wait3A_199, %dma_wait3A_200] : memref<10000x128xf32, #tpu.memory_space<hbm>> -> memref<128x128xf32, #tpu.memory_space<hbm>>
      tpu.wait_dma2 semaphore(%arg10 : memref<!tpu.dma_semaphore, #tpu.memory_space<semaphore_mem>>) src(%dma_wait3A_201 : memref<128x128xf32, #tpu.memory_space<hbm>>) dst(%dma_wait3A_198 : memref<128x128xf32, #tpu.memory_space<vmem>>)
      %sub3A = arith.constant 2 : i32
      %sub3A_202 = arith.subi %mul3A_186, %sub3A : i32
      %add3A_203 = arith.constant 0 : i32
      %add3A_204 = arith.addi %sub3A_202, %add3A_203 : i32
      %run_scoped3A_205 = arith.constant 0 : i32
      "tpu.region"() ({
        %run_scoped3A_252 = tpu.sem_alloc : memref<!tpu.dma_semaphore, #tpu.memory_space<semaphore_mem>>
        %dma_start3A_253 = arith.constant 0 : i32
        %dma_start3A_254 = arith.constant 0 : i32
        %dma_start3A_255 = tpu.memref_slice %arg8[%run_scoped3A_205, %dma_start3A_253, %dma_start3A_254] : memref<2x128x128xf32, #tpu.memory_space<vmem>> -> memref<1x128x128xf32, #tpu.memory_space<vmem>>
        %dma_start3A_256 = tpu.memref_squeeze %dma_start3A_255 : memref<1x128x128xf32, #tpu.memory_space<vmem>> -> memref<128x128xf32, #tpu.memory_space<vmem>>
        %dma_start3A_257 = arith.constant 0 : i32
        %dma_start3A_258 = tpu.memref_slice %arg7[%add3A_204, %dma_start3A_257] : memref<40x128xi32, #tpu.memory_space<vmem>> -> memref<1x128xi32, #tpu.memory_space<vmem>>
        %dma_start3A_259 = tpu.memref_squeeze %dma_start3A_258 : memref<1x128xi32, #tpu.memory_space<vmem>> -> memref<128xi32, #tpu.memory_space<vmem>>
        %dma_start3A_260 = arith.constant 0 : i32
        %dma_start3A_261 = arith.constant 0 : i32
        %dma_start3A_262 = tpu.memref_slice %arg9[%dma_start3A_260, %dma_start3A_261] : memref<10240x128xf32, #tpu.memory_space<vmem_shared>> -> memref<10240x128xf32, #tpu.memory_space<vmem_shared>>
        tpu.enqueue_indirect_dma source(%dma_start3A_256 : memref<128x128xf32, #tpu.memory_space<vmem>>) target(%dma_start3A_262 : memref<10240x128xf32, #tpu.memory_space<vmem_shared>>) offsets(%dma_start3A_259 : memref<128xi32, #tpu.memory_space<vmem>>) semaphore(%run_scoped3A_252 : memref<!tpu.dma_semaphore, #tpu.memory_space<semaphore_mem>>) {add = true}
        %dma_wait3A_263 = arith.constant 0 : i32
        %dma_wait3A_264 = arith.constant 0 : i32
        %dma_wait3A_265 = tpu.memref_slice %arg8[%run_scoped3A_205, %dma_wait3A_263, %dma_wait3A_264] : memref<2x128x128xf32, #tpu.memory_space<vmem>> -> memref<1x128x128xf32, #tpu.memory_space<vmem>>
        %dma_wait3A_266 = tpu.memref_squeeze %dma_wait3A_265 : memref<1x128x128xf32, #tpu.memory_space<vmem>> -> memref<128x128xf32, #tpu.memory_space<vmem>>
        %dma_wait3A_267 = arith.constant 0 : i32
        %dma_wait3A_268 = tpu.memref_slice %arg7[%add3A_204, %dma_wait3A_267] : memref<40x128xi32, #tpu.memory_space<vmem>> -> memref<1x128xi32, #tpu.memory_space<vmem>>
        %dma_wait3A_269 = tpu.memref_squeeze %dma_wait3A_268 : memref<1x128xi32, #tpu.memory_space<vmem>> -> memref<128xi32, #tpu.memory_space<vmem>>
        %dma_wait3A_270 = arith.constant 0 : i32
        %dma_wait3A_271 = arith.constant 0 : i32
        %dma_wait3A_272 = tpu.memref_slice %arg9[%dma_wait3A_270, %dma_wait3A_271] : memref<10240x128xf32, #tpu.memory_space<vmem_shared>> -> memref<10240x128xf32, #tpu.memory_space<vmem_shared>>
        tpu.wait_indirect_dma semaphore(%run_scoped3A_252 : memref<!tpu.dma_semaphore, #tpu.memory_space<semaphore_mem>>) src(%dma_wait3A_266 : memref<128x128xf32, #tpu.memory_space<vmem>>) dst(%dma_wait3A_272 : memref<10240x128xf32, #tpu.memory_space<vmem_shared>>)
        tpu.yield
      }) : () -> ()
      %add3A_206 = arith.constant 0 : i32
      %add3A_207 = arith.addi %mul3A_186, %add3A_206 : i32
      %dma_start3A_208 = arith.constant 0 : i32
      %dma_start3A_209 = arith.constant 0 : i32
      %dma_start3A_210 = arith.constant 0 : i32
      %dma_start3A_211 = tpu.memref_slice %arg8[%dma_start3A_208, %dma_start3A_209, %dma_start3A_210] : memref<2x128x128xf32, #tpu.memory_space<vmem>> -> memref<1x128x128xf32, #tpu.memory_space<vmem>>
      %dma_start3A_212 = tpu.memref_squeeze %dma_start3A_211 : memref<1x128x128xf32, #tpu.memory_space<vmem>> -> memref<128x128xf32, #tpu.memory_space<vmem>>
      %dma_start3A_213 = arith.constant 0 : i32
      %dma_start3A_214 = tpu.memref_slice %arg6[%add3A_207, %dma_start3A_213] : memref<40x128xi32, #tpu.memory_space<vmem>> -> memref<1x128xi32, #tpu.memory_space<vmem>>
      %dma_start3A_215 = tpu.memref_squeeze %dma_start3A_214 : memref<1x128xi32, #tpu.memory_space<vmem>> -> memref<128xi32, #tpu.memory_space<vmem>>
      %dma_start3A_216 = arith.constant 0 : i32
      %dma_start3A_217 = arith.constant 0 : i32
      %dma_start3A_218 = tpu.memref_slice %arg2[%dma_start3A_216, %dma_start3A_217] : memref<10000x128xf32, #tpu.memory_space<hbm>> -> memref<10000x128xf32, #tpu.memory_space<hbm>>
      tpu.enqueue_indirect_dma source(%dma_start3A_218 : memref<10000x128xf32, #tpu.memory_space<hbm>>) target(%dma_start3A_212 : memref<128x128xf32, #tpu.memory_space<vmem>>) offsets(%dma_start3A_215 : memref<128xi32, #tpu.memory_space<vmem>>) semaphore(%arg10 : memref<!tpu.dma_semaphore, #tpu.memory_space<semaphore_mem>>)
      %dma_wait3A_219 = arith.constant 1 : i32
      %dma_wait3A_220 = arith.constant 0 : i32
      %dma_wait3A_221 = arith.constant 0 : i32
      %dma_wait3A_222 = tpu.memref_slice %arg8[%dma_wait3A_219, %dma_wait3A_220, %dma_wait3A_221] : memref<2x128x128xf32, #tpu.memory_space<vmem>> -> memref<1x128x128xf32, #tpu.memory_space<vmem>>
      %dma_wait3A_223 = tpu.memref_squeeze %dma_wait3A_222 : memref<1x128x128xf32, #tpu.memory_space<vmem>> -> memref<128x128xf32, #tpu.memory_space<vmem>>
      %dma_wait3A_224 = arith.constant 0 : i32
      %dma_wait3A_225 = arith.constant 0 : i32
      %dma_wait3A_226 = tpu.memref_slice %arg2[%dma_wait3A_224, %dma_wait3A_225] : memref<10000x128xf32, #tpu.memory_space<hbm>> -> memref<128x128xf32, #tpu.memory_space<hbm>>
      %dma_wait3A_227 = arith.constant 0 : i32
      %dma_wait3A_228 = arith.constant 0 : i32
      %dma_wait3A_229 = tpu.memref_slice %arg8[%dma_wait3A_219, %dma_wait3A_227, %dma_wait3A_228] : memref<2x128x128xf32, #tpu.memory_space<vmem>> -> memref<1x128x128xf32, #tpu.memory_space<vmem>>
      %dma_wait3A_230 = tpu.memref_squeeze %dma_wait3A_229 : memref<1x128x128xf32, #tpu.memory_space<vmem>> -> memref<128x128xf32, #tpu.memory_space<vmem>>
      %dma_wait3A_231 = arith.constant 0 : i32
      %dma_wait3A_232 = arith.constant 0 : i32
      %dma_wait3A_233 = tpu.memref_slice %arg2[%dma_wait3A_231, %dma_wait3A_232] : memref<10000x128xf32, #tpu.memory_space<hbm>> -> memref<128x128xf32, #tpu.memory_space<hbm>>
      tpu.wait_dma2 semaphore(%arg11 : memref<!tpu.dma_semaphore, #tpu.memory_space<semaphore_mem>>) src(%dma_wait3A_233 : memref<128x128xf32, #tpu.memory_space<hbm>>) dst(%dma_wait3A_230 : memref<128x128xf32, #tpu.memory_space<vmem>>)
      %sub3A_234 = arith.constant 2 : i32
      %sub3A_235 = arith.subi %mul3A_186, %sub3A_234 : i32
      %add3A_236 = arith.constant 1 : i32
      %add3A_237 = arith.addi %sub3A_235, %add3A_236 : i32
      %run_scoped3A_238 = arith.constant 1 : i32
      "tpu.region"() ({
        %run_scoped3A_252 = tpu.sem_alloc : memref<!tpu.dma_semaphore, #tpu.memory_space<semaphore_mem>>
        %dma_start3A_253 = arith.constant 0 : i32
        %dma_start3A_254 = arith.constant 0 : i32
        %dma_start3A_255 = tpu.memref_slice %arg8[%run_scoped3A_238, %dma_start3A_253, %dma_start3A_254] : memref<2x128x128xf32, #tpu.memory_space<vmem>> -> memref<1x128x128xf32, #tpu.memory_space<vmem>>
        %dma_start3A_256 = tpu.memref_squeeze %dma_start3A_255 : memref<1x128x128xf32, #tpu.memory_space<vmem>> -> memref<128x128xf32, #tpu.memory_space<vmem>>
        %dma_start3A_257 = arith.constant 0 : i32
        %dma_start3A_258 = tpu.memref_slice %arg7[%add3A_237, %dma_start3A_257] : memref<40x128xi32, #tpu.memory_space<vmem>> -> memref<1x128xi32, #tpu.memory_space<vmem>>
        %dma_start3A_259 = tpu.memref_squeeze %dma_start3A_258 : memref<1x128xi32, #tpu.memory_space<vmem>> -> memref<128xi32, #tpu.memory_space<vmem>>
        %dma_start3A_260 = arith.constant 0 : i32
        %dma_start3A_261 = arith.constant 0 : i32
        %dma_start3A_262 = tpu.memref_slice %arg9[%dma_start3A_260, %dma_start3A_261] : memref<10240x128xf32, #tpu.memory_space<vmem_shared>> -> memref<10240x128xf32, #tpu.memory_space<vmem_shared>>
        tpu.enqueue_indirect_dma source(%dma_start3A_256 : memref<128x128xf32, #tpu.memory_space<vmem>>) target(%dma_start3A_262 : memref<10240x128xf32, #tpu.memory_space<vmem_shared>>) offsets(%dma_start3A_259 : memref<128xi32, #tpu.memory_space<vmem>>) semaphore(%run_scoped3A_252 : memref<!tpu.dma_semaphore, #tpu.memory_space<semaphore_mem>>) {add = true}
        %dma_wait3A_263 = arith.constant 0 : i32
        %dma_wait3A_264 = arith.constant 0 : i32
        %dma_wait3A_265 = tpu.memref_slice %arg8[%run_scoped3A_238, %dma_wait3A_263, %dma_wait3A_264] : memref<2x128x128xf32, #tpu.memory_space<vmem>> -> memref<1x128x128xf32, #tpu.memory_space<vmem>>
        %dma_wait3A_266 = tpu.memref_squeeze %dma_wait3A_265 : memref<1x128x128xf32, #tpu.memory_space<vmem>> -> memref<128x128xf32, #tpu.memory_space<vmem>>
        %dma_wait3A_267 = arith.constant 0 : i32
        %dma_wait3A_268 = tpu.memref_slice %arg7[%add3A_237, %dma_wait3A_267] : memref<40x128xi32, #tpu.memory_space<vmem>> -> memref<1x128xi32, #tpu.memory_space<vmem>>
        %dma_wait3A_269 = tpu.memref_squeeze %dma_wait3A_268 : memref<1x128xi32, #tpu.memory_space<vmem>> -> memref<128xi32, #tpu.memory_space<vmem>>
        %dma_wait3A_270 = arith.constant 0 : i32
        %dma_wait3A_271 = arith.constant 0 : i32
        %dma_wait3A_272 = tpu.memref_slice %arg9[%dma_wait3A_270, %dma_wait3A_271] : memref<10240x128xf32, #tpu.memory_space<vmem_shared>> -> memref<10240x128xf32, #tpu.memory_space<vmem_shared>>
        tpu.wait_indirect_dma semaphore(%run_scoped3A_252 : memref<!tpu.dma_semaphore, #tpu.memory_space<semaphore_mem>>) src(%dma_wait3A_266 : memref<128x128xf32, #tpu.memory_space<vmem>>) dst(%dma_wait3A_272 : memref<10240x128xf32, #tpu.memory_space<vmem_shared>>)
        tpu.yield
      }) : () -> ()
      %add3A_239 = arith.constant 1 : i32
      %add3A_240 = arith.addi %mul3A_186, %add3A_239 : i32
      %dma_start3A_241 = arith.constant 1 : i32
      %dma_start3A_242 = arith.constant 0 : i32
      %dma_start3A_243 = arith.constant 0 : i32
      %dma_start3A_244 = tpu.memref_slice %arg8[%dma_start3A_241, %dma_start3A_242, %dma_start3A_243] : memref<2x128x128xf32, #tpu.memory_space<vmem>> -> memref<1x128x128xf32, #tpu.memory_space<vmem>>
      %dma_start3A_245 = tpu.memref_squeeze %dma_start3A_244 : memref<1x128x128xf32, #tpu.memory_space<vmem>> -> memref<128x128xf32, #tpu.memory_space<vmem>>
      %dma_start3A_246 = arith.constant 0 : i32
      %dma_start3A_247 = tpu.memref_slice %arg6[%add3A_240, %dma_start3A_246] : memref<40x128xi32, #tpu.memory_space<vmem>> -> memref<1x128xi32, #tpu.memory_space<vmem>>
      %dma_start3A_248 = tpu.memref_squeeze %dma_start3A_247 : memref<1x128xi32, #tpu.memory_space<vmem>> -> memref<128xi32, #tpu.memory_space<vmem>>
      %dma_start3A_249 = arith.constant 0 : i32
      %dma_start3A_250 = arith.constant 0 : i32
      %dma_start3A_251 = tpu.memref_slice %arg2[%dma_start3A_249, %dma_start3A_250] : memref<10000x128xf32, #tpu.memory_space<hbm>> -> memref<10000x128xf32, #tpu.memory_space<hbm>>
      tpu.enqueue_indirect_dma source(%dma_start3A_251 : memref<10000x128xf32, #tpu.memory_space<hbm>>) target(%dma_start3A_245 : memref<128x128xf32, #tpu.memory_space<vmem>>) offsets(%dma_start3A_248 : memref<128xi32, #tpu.memory_space<vmem>>) semaphore(%arg11 : memref<!tpu.dma_semaphore, #tpu.memory_space<semaphore_mem>>)
    }
    %scan3A_53 = arith.constant 19 : i32
    %dma_wait3A = arith.constant 0 : i32
    %dma_wait3A_54 = arith.constant 0 : i32
    %dma_wait3A_55 = arith.constant 0 : i32
    %dma_wait3A_56 = tpu.memref_slice %arg8[%dma_wait3A, %dma_wait3A_54, %dma_wait3A_55] : memref<2x128x128xf32, #tpu.memory_space<vmem>> -> memref<1x128x128xf32, #tpu.memory_space<vmem>>
    %dma_wait3A_57 = tpu.memref_squeeze %dma_wait3A_56 : memref<1x128x128xf32, #tpu.memory_space<vmem>> -> memref<128x128xf32, #tpu.memory_space<vmem>>
    %dma_wait3A_58 = arith.constant 0 : i32
    %dma_wait3A_59 = arith.constant 0 : i32
    %dma_wait3A_60 = tpu.memref_slice %arg2[%dma_wait3A_58, %dma_wait3A_59] : memref<10000x128xf32, #tpu.memory_space<hbm>> -> memref<128x128xf32, #tpu.memory_space<hbm>>
    %dma_wait3A_61 = arith.constant 0 : i32
    %dma_wait3A_62 = arith.constant 0 : i32
    %dma_wait3A_63 = tpu.memref_slice %arg8[%dma_wait3A, %dma_wait3A_61, %dma_wait3A_62] : memref<2x128x128xf32, #tpu.memory_space<vmem>> -> memref<1x128x128xf32, #tpu.memory_space<vmem>>
    %dma_wait3A_64 = tpu.memref_squeeze %dma_wait3A_63 : memref<1x128x128xf32, #tpu.memory_space<vmem>> -> memref<128x128xf32, #tpu.memory_space<vmem>>
    %dma_wait3A_65 = arith.constant 0 : i32
    %dma_wait3A_66 = arith.constant 0 : i32
    %dma_wait3A_67 = tpu.memref_slice %arg2[%dma_wait3A_65, %dma_wait3A_66] : memref<10000x128xf32, #tpu.memory_space<hbm>> -> memref<128x128xf32, #tpu.memory_space<hbm>>
    tpu.wait_dma2 semaphore(%arg10 : memref<!tpu.dma_semaphore, #tpu.memory_space<semaphore_mem>>) src(%dma_wait3A_67 : memref<128x128xf32, #tpu.memory_space<hbm>>) dst(%dma_wait3A_64 : memref<128x128xf32, #tpu.memory_space<vmem>>)
    %run_scoped3A_68 = arith.constant 0 : i32
    %run_scoped3A_69 = arith.constant 38 : i32
    "tpu.region"() ({
      %run_scoped3A_184 = tpu.sem_alloc : memref<!tpu.dma_semaphore, #tpu.memory_space<semaphore_mem>>
      %dma_start3A_185 = arith.constant 0 : i32
      %dma_start3A_186 = arith.constant 0 : i32
      %dma_start3A_187 = tpu.memref_slice %arg8[%run_scoped3A_68, %dma_start3A_185, %dma_start3A_186] : memref<2x128x128xf32, #tpu.memory_space<vmem>> -> memref<1x128x128xf32, #tpu.memory_space<vmem>>
      %dma_start3A_188 = tpu.memref_squeeze %dma_start3A_187 : memref<1x128x128xf32, #tpu.memory_space<vmem>> -> memref<128x128xf32, #tpu.memory_space<vmem>>
      %dma_start3A_189 = arith.constant 0 : i32
      %dma_start3A_190 = tpu.memref_slice %arg7[%run_scoped3A_69, %dma_start3A_189] : memref<40x128xi32, #tpu.memory_space<vmem>> -> memref<1x128xi32, #tpu.memory_space<vmem>>
      %dma_start3A_191 = tpu.memref_squeeze %dma_start3A_190 : memref<1x128xi32, #tpu.memory_space<vmem>> -> memref<128xi32, #tpu.memory_space<vmem>>
      %dma_start3A_192 = arith.constant 0 : i32
      %dma_start3A_193 = arith.constant 0 : i32
      %dma_start3A_194 = tpu.memref_slice %arg9[%dma_start3A_192, %dma_start3A_193] : memref<10240x128xf32, #tpu.memory_space<vmem_shared>> -> memref<10240x128xf32, #tpu.memory_space<vmem_shared>>
      tpu.enqueue_indirect_dma source(%dma_start3A_188 : memref<128x128xf32, #tpu.memory_space<vmem>>) target(%dma_start3A_194 : memref<10240x128xf32, #tpu.memory_space<vmem_shared>>) offsets(%dma_start3A_191 : memref<128xi32, #tpu.memory_space<vmem>>) semaphore(%run_scoped3A_184 : memref<!tpu.dma_semaphore, #tpu.memory_space<semaphore_mem>>) {add = true}
      %dma_wait3A_195 = arith.constant 0 : i32
      %dma_wait3A_196 = arith.constant 0 : i32
      %dma_wait3A_197 = tpu.memref_slice %arg8[%run_scoped3A_68, %dma_wait3A_195, %dma_wait3A_196] : memref<2x128x128xf32, #tpu.memory_space<vmem>> -> memref<1x128x128xf32, #tpu.memory_space<vmem>>
      %dma_wait3A_198 = tpu.memref_squeeze %dma_wait3A_197 : memref<1x128x128xf32, #tpu.memory_space<vmem>> -> memref<128x128xf32, #tpu.memory_space<vmem>>
      %dma_wait3A_199 = arith.constant 0 : i32
      %dma_wait3A_200 = tpu.memref_slice %arg7[%run_scoped3A_69, %dma_wait3A_199] : memref<40x128xi32, #tpu.memory_space<vmem>> -> memref<1x128xi32, #tpu.memory_space<vmem>>
      %dma_wait3A_201 = tpu.memref_squeeze %dma_wait3A_200 : memref<1x128xi32, #tpu.memory_space<vmem>> -> memref<128xi32, #tpu.memory_space<vmem>>
      %dma_wait3A_202 = arith.constant 0 : i32
      %dma_wait3A_203 = arith.constant 0 : i32
      %dma_wait3A_204 = tpu.memref_slice %arg9[%dma_wait3A_202, %dma_wait3A_203] : memref<10240x128xf32, #tpu.memory_space<vmem_shared>> -> memref<10240x128xf32, #tpu.memory_space<vmem_shared>>
      tpu.wait_indirect_dma semaphore(%run_scoped3A_184 : memref<!tpu.dma_semaphore, #tpu.memory_space<semaphore_mem>>) src(%dma_wait3A_198 : memref<128x128xf32, #tpu.memory_space<vmem>>) dst(%dma_wait3A_204 : memref<10240x128xf32, #tpu.memory_space<vmem_shared>>)
      tpu.yield
    }) : () -> ()
    %dma_wait3A_70 = arith.constant 1 : i32
    %dma_wait3A_71 = arith.constant 0 : i32
    %dma_wait3A_72 = arith.constant 0 : i32
    %dma_wait3A_73 = tpu.memref_slice %arg8[%dma_wait3A_70, %dma_wait3A_71, %dma_wait3A_72] : memref<2x128x128xf32, #tpu.memory_space<vmem>> -> memref<1x128x128xf32, #tpu.memory_space<vmem>>
    %dma_wait3A_74 = tpu.memref_squeeze %dma_wait3A_73 : memref<1x128x128xf32, #tpu.memory_space<vmem>> -> memref<128x128xf32, #tpu.memory_space<vmem>>
    %dma_wait3A_75 = arith.constant 0 : i32
    %dma_wait3A_76 = arith.constant 0 : i32
    %dma_wait3A_77 = tpu.memref_slice %arg2[%dma_wait3A_75, %dma_wait3A_76] : memref<10000x128xf32, #tpu.memory_space<hbm>> -> memref<128x128xf32, #tpu.memory_space<hbm>>
    %dma_wait3A_78 = arith.constant 0 : i32
    %dma_wait3A_79 = arith.constant 0 : i32
    %dma_wait3A_80 = tpu.memref_slice %arg8[%dma_wait3A_70, %dma_wait3A_78, %dma_wait3A_79] : memref<2x128x128xf32, #tpu.memory_space<vmem>> -> memref<1x128x128xf32, #tpu.memory_space<vmem>>
    %dma_wait3A_81 = tpu.memref_squeeze %dma_wait3A_80 : memref<1x128x128xf32, #tpu.memory_space<vmem>> -> memref<128x128xf32, #tpu.memory_space<vmem>>
    %dma_wait3A_82 = arith.constant 0 : i32
    %dma_wait3A_83 = arith.constant 0 : i32
    %dma_wait3A_84 = tpu.memref_slice %arg2[%dma_wait3A_82, %dma_wait3A_83] : memref<10000x128xf32, #tpu.memory_space<hbm>> -> memref<128x128xf32, #tpu.memory_space<hbm>>
    tpu.wait_dma2 semaphore(%arg11 : memref<!tpu.dma_semaphore, #tpu.memory_space<semaphore_mem>>) src(%dma_wait3A_84 : memref<128x128xf32, #tpu.memory_space<hbm>>) dst(%dma_wait3A_81 : memref<128x128xf32, #tpu.memory_space<vmem>>)
    %run_scoped3A_85 = arith.constant 1 : i32
    %run_scoped3A_86 = arith.constant 39 : i32
    "tpu.region"() ({
      %run_scoped3A_184 = tpu.sem_alloc : memref<!tpu.dma_semaphore, #tpu.memory_space<semaphore_mem>>
      %dma_start3A_185 = arith.constant 0 : i32
      %dma_start3A_186 = arith.constant 0 : i32
      %dma_start3A_187 = tpu.memref_slice %arg8[%run_scoped3A_85, %dma_start3A_185, %dma_start3A_186] : memref<2x128x128xf32, #tpu.memory_space<vmem>> -> memref<1x128x128xf32, #tpu.memory_space<vmem>>
      %dma_start3A_188 = tpu.memref_squeeze %dma_start3A_187 : memref<1x128x128xf32, #tpu.memory_space<vmem>> -> memref<128x128xf32, #tpu.memory_space<vmem>>
      %dma_start3A_189 = arith.constant 0 : i32
      %dma_start3A_190 = tpu.memref_slice %arg7[%run_scoped3A_86, %dma_start3A_189] : memref<40x128xi32, #tpu.memory_space<vmem>> -> memref<1x128xi32, #tpu.memory_space<vmem>>
      %dma_start3A_191 = tpu.memref_squeeze %dma_start3A_190 : memref<1x128xi32, #tpu.memory_space<vmem>> -> memref<128xi32, #tpu.memory_space<vmem>>
      %dma_start3A_192 = arith.constant 0 : i32
      %dma_start3A_193 = arith.constant 0 : i32
      %dma_start3A_194 = tpu.memref_slice %arg9[%dma_start3A_192, %dma_start3A_193] : memref<10240x128xf32, #tpu.memory_space<vmem_shared>> -> memref<10240x128xf32, #tpu.memory_space<vmem_shared>>
      tpu.enqueue_indirect_dma source(%dma_start3A_188 : memref<128x128xf32, #tpu.memory_space<vmem>>) target(%dma_start3A_194 : memref<10240x128xf32, #tpu.memory_space<vmem_shared>>) offsets(%dma_start3A_191 : memref<128xi32, #tpu.memory_space<vmem>>) semaphore(%run_scoped3A_184 : memref<!tpu.dma_semaphore, #tpu.memory_space<semaphore_mem>>) {add = true}
      %dma_wait3A_195 = arith.constant 0 : i32
      %dma_wait3A_196 = arith.constant 0 : i32
      %dma_wait3A_197 = tpu.memref_slice %arg8[%run_scoped3A_85, %dma_wait3A_195, %dma_wait3A_196] : memref<2x128x128xf32, #tpu.memory_space<vmem>> -> memref<1x128x128xf32, #tpu.memory_space<vmem>>
      %dma_wait3A_198 = tpu.memref_squeeze %dma_wait3A_197 : memref<1x128x128xf32, #tpu.memory_space<vmem>> -> memref<128x128xf32, #tpu.memory_space<vmem>>
      %dma_wait3A_199 = arith.constant 0 : i32
      %dma_wait3A_200 = tpu.memref_slice %arg7[%run_scoped3A_86, %dma_wait3A_199] : memref<40x128xi32, #tpu.memory_space<vmem>> -> memref<1x128xi32, #tpu.memory_space<vmem>>
      %dma_wait3A_201 = tpu.memref_squeeze %dma_wait3A_200 : memref<1x128xi32, #tpu.memory_space<vmem>> -> memref<128xi32, #tpu.memory_space<vmem>>
      %dma_wait3A_202 = arith.constant 0 : i32
      %dma_wait3A_203 = arith.constant 0 : i32
      %dma_wait3A_204 = tpu.memref_slice %arg9[%dma_wait3A_202, %dma_wait3A_203] : memref<10240x128xf32, #tpu.memory_space<vmem_shared>> -> memref<10240x128xf32, #tpu.memory_space<vmem_shared>>
      tpu.wait_indirect_dma semaphore(%run_scoped3A_184 : memref<!tpu.dma_semaphore, #tpu.memory_space<semaphore_mem>>) src(%dma_wait3A_198 : memref<128x128xf32, #tpu.memory_space<vmem>>) dst(%dma_wait3A_204 : memref<10240x128xf32, #tpu.memory_space<vmem_shared>>)
      tpu.yield
    }) : () -> ()
    %add3A_87 = arith.constant 40 : i32
    %add3A_88 = arith.addi %mul3A_4, %add3A_87 : i32
    "tpu.region"() ({
      %run_scoped3A_184 = tpu.sem_alloc : memref<!tpu.dma_semaphore, #tpu.memory_space<semaphore_mem>>
      %dma_start3A_185 = arith.constant 0 : i32
      %dma_start3A_186 = tpu.memref_slice %arg3[%add3A_88, %dma_start3A_185] : memref<2560x128xi32, #tpu.memory_space<hbm>> -> memref<40x128xi32, #tpu.memory_space<hbm>>
      %dma_start3A_187 = arith.constant 0 : i32
      %dma_start3A_188 = tpu.memref_slice %arg3[%add3A_88, %dma_start3A_187] : memref<2560x128xi32, #tpu.memory_space<hbm>> -> memref<40x128xi32, #tpu.memory_space<hbm>>
      tpu.enqueue_dma source(%dma_start3A_188 : memref<40x128xi32, #tpu.memory_space<hbm>>) target(%arg6 : memref<40x128xi32, #tpu.memory_space<vmem>>) target_semaphore(%run_scoped3A_184 : memref<!tpu.dma_semaphore, #tpu.memory_space<semaphore_mem>>)
      %dma_wait3A_189 = arith.constant 0 : i32
      %dma_wait3A_190 = tpu.memref_slice %arg3[%add3A_88, %dma_wait3A_189] : memref<2560x128xi32, #tpu.memory_space<hbm>> -> memref<40x128xi32, #tpu.memory_space<hbm>>
      %dma_wait3A_191 = arith.constant 0 : i32
      %dma_wait3A_192 = tpu.memref_slice %arg3[%add3A_88, %dma_wait3A_191] : memref<2560x128xi32, #tpu.memory_space<hbm>> -> memref<40x128xi32, #tpu.memory_space<hbm>>
      tpu.wait_dma2 semaphore(%run_scoped3A_184 : memref<!tpu.dma_semaphore, #tpu.memory_space<semaphore_mem>>) src(%dma_wait3A_192 : memref<40x128xi32, #tpu.memory_space<hbm>>) dst(%arg6 : memref<40x128xi32, #tpu.memory_space<vmem>>)
      tpu.yield
    }) : () -> ()
    "tpu.region"() ({
      %run_scoped3A_184 = tpu.sem_alloc : memref<!tpu.dma_semaphore, #tpu.memory_space<semaphore_mem>>
      %dma_start3A_185 = arith.constant 0 : i32
      %dma_start3A_186 = tpu.memref_slice %arg4[%add3A_88, %dma_start3A_185] : memref<2560x128xi32, #tpu.memory_space<hbm>> -> memref<40x128xi32, #tpu.memory_space<hbm>>
      %dma_start3A_187 = arith.constant 0 : i32
      %dma_start3A_188 = tpu.memref_slice %arg4[%add3A_88, %dma_start3A_187] : memref<2560x128xi32, #tpu.memory_space<hbm>> -> memref<40x128xi32, #tpu.memory_space<hbm>>
      tpu.enqueue_dma source(%dma_start3A_188 : memref<40x128xi32, #tpu.memory_space<hbm>>) target(%arg7 : memref<40x128xi32, #tpu.memory_space<vmem>>) target_semaphore(%run_scoped3A_184 : memref<!tpu.dma_semaphore, #tpu.memory_space<semaphore_mem>>)
      %dma_wait3A_189 = arith.constant 0 : i32
      %dma_wait3A_190 = tpu.memref_slice %arg4[%add3A_88, %dma_wait3A_189] : memref<2560x128xi32, #tpu.memory_space<hbm>> -> memref<40x128xi32, #tpu.memory_space<hbm>>
      %dma_wait3A_191 = arith.constant 0 : i32
      %dma_wait3A_192 = tpu.memref_slice %arg4[%add3A_88, %dma_wait3A_191] : memref<2560x128xi32, #tpu.memory_space<hbm>> -> memref<40x128xi32, #tpu.memory_space<hbm>>
      tpu.wait_dma2 semaphore(%run_scoped3A_184 : memref<!tpu.dma_semaphore, #tpu.memory_space<semaphore_mem>>) src(%dma_wait3A_192 : memref<40x128xi32, #tpu.memory_space<hbm>>) dst(%arg7 : memref<40x128xi32, #tpu.memory_space<vmem>>)
      tpu.yield
    }) : () -> ()
    %dma_start3A_89 = arith.constant 0 : i32
    %dma_start3A_90 = arith.constant 0 : i32
    %dma_start3A_91 = arith.constant 0 : i32
    %dma_start3A_92 = arith.constant 0 : i32
    %dma_start3A_93 = tpu.memref_slice %arg8[%dma_start3A_90, %dma_start3A_91, %dma_start3A_92] : memref<2x128x128xf32, #tpu.memory_space<vmem>> -> memref<1x128x128xf32, #tpu.memory_space<vmem>>
    %dma_start3A_94 = tpu.memref_squeeze %dma_start3A_93 : memref<1x128x128xf32, #tpu.memory_space<vmem>> -> memref<128x128xf32, #tpu.memory_space<vmem>>
    %dma_start3A_95 = arith.constant 0 : i32
    %dma_start3A_96 = tpu.memref_slice %arg6[%dma_start3A_89, %dma_start3A_95] : memref<40x128xi32, #tpu.memory_space<vmem>> -> memref<1x128xi32, #tpu.memory_space<vmem>>
    %dma_start3A_97 = tpu.memref_squeeze %dma_start3A_96 : memref<1x128xi32, #tpu.memory_space<vmem>> -> memref<128xi32, #tpu.memory_space<vmem>>
    %dma_start3A_98 = arith.constant 0 : i32
    %dma_start3A_99 = arith.constant 0 : i32
    %dma_start3A_100 = tpu.memref_slice %arg2[%dma_start3A_98, %dma_start3A_99] : memref<10000x128xf32, #tpu.memory_space<hbm>> -> memref<10000x128xf32, #tpu.memory_space<hbm>>
    tpu.enqueue_indirect_dma source(%dma_start3A_100 : memref<10000x128xf32, #tpu.memory_space<hbm>>) target(%dma_start3A_94 : memref<128x128xf32, #tpu.memory_space<vmem>>) offsets(%dma_start3A_97 : memref<128xi32, #tpu.memory_space<vmem>>) semaphore(%arg10 : memref<!tpu.dma_semaphore, #tpu.memory_space<semaphore_mem>>)
    %dma_start3A_101 = arith.constant 1 : i32
    %dma_start3A_102 = arith.constant 1 : i32
    %dma_start3A_103 = arith.constant 0 : i32
    %dma_start3A_104 = arith.constant 0 : i32
    %dma_start3A_105 = tpu.memref_slice %arg8[%dma_start3A_102, %dma_start3A_103, %dma_start3A_104] : memref<2x128x128xf32, #tpu.memory_space<vmem>> -> memref<1x128x128xf32, #tpu.memory_space<vmem>>
    %dma_start3A_106 = tpu.memref_squeeze %dma_start3A_105 : memref<1x128x128xf32, #tpu.memory_space<vmem>> -> memref<128x128xf32, #tpu.memory_space<vmem>>
    %dma_start3A_107 = arith.constant 0 : i32
    %dma_start3A_108 = tpu.memref_slice %arg6[%dma_start3A_101, %dma_start3A_107] : memref<40x128xi32, #tpu.memory_space<vmem>> -> memref<1x128xi32, #tpu.memory_space<vmem>>
    %dma_start3A_109 = tpu.memref_squeeze %dma_start3A_108 : memref<1x128xi32, #tpu.memory_space<vmem>> -> memref<128xi32, #tpu.memory_space<vmem>>
    %dma_start3A_110 = arith.constant 0 : i32
    %dma_start3A_111 = arith.constant 0 : i32
    %dma_start3A_112 = tpu.memref_slice %arg2[%dma_start3A_110, %dma_start3A_111] : memref<10000x128xf32, #tpu.memory_space<hbm>> -> memref<10000x128xf32, #tpu.memory_space<hbm>>
    tpu.enqueue_indirect_dma source(%dma_start3A_112 : memref<10000x128xf32, #tpu.memory_space<hbm>>) target(%dma_start3A_106 : memref<128x128xf32, #tpu.memory_space<vmem>>) offsets(%dma_start3A_109 : memref<128xi32, #tpu.memory_space<vmem>>) semaphore(%arg11 : memref<!tpu.dma_semaphore, #tpu.memory_space<semaphore_mem>>)
    %scan3A_113 = arith.constant 0 : i32
    %scan3A_114 = arith.constant 1 : i32
    %scan3A_115 = arith.constant 19 : i32
    %scan3A_116 = arith.addi %scan3A_114, %scan3A_115 : i32
    %scan3A_117 = arith.constant 1 : i32
    scf.for %scan3A_184 = %scan3A_114 to %scan3A_116 step %scan3A_117  : i32 {
      %mul3A_185 = arith.constant 2 : i32
      %mul3A_186 = arith.muli %scan3A_184, %mul3A_185 : i32
      %dma_wait3A_187 = arith.constant 0 : i32
      %dma_wait3A_188 = arith.constant 0 : i32
      %dma_wait3A_189 = arith.constant 0 : i32
      %dma_wait3A_190 = tpu.memref_slice %arg8[%dma_wait3A_187, %dma_wait3A_188, %dma_wait3A_189] : memref<2x128x128xf32, #tpu.memory_space<vmem>> -> memref<1x128x128xf32, #tpu.memory_space<vmem>>
      %dma_wait3A_191 = tpu.memref_squeeze %dma_wait3A_190 : memref<1x128x128xf32, #tpu.memory_space<vmem>> -> memref<128x128xf32, #tpu.memory_space<vmem>>
      %dma_wait3A_192 = arith.constant 0 : i32
      %dma_wait3A_193 = arith.constant 0 : i32
      %dma_wait3A_194 = tpu.memref_slice %arg2[%dma_wait3A_192, %dma_wait3A_193] : memref<10000x128xf32, #tpu.memory_space<hbm>> -> memref<128x128xf32, #tpu.memory_space<hbm>>
      %dma_wait3A_195 = arith.constant 0 : i32
      %dma_wait3A_196 = arith.constant 0 : i32
      %dma_wait3A_197 = tpu.memref_slice %arg8[%dma_wait3A_187, %dma_wait3A_195, %dma_wait3A_196] : memref<2x128x128xf32, #tpu.memory_space<vmem>> -> memref<1x128x128xf32, #tpu.memory_space<vmem>>
      %dma_wait3A_198 = tpu.memref_squeeze %dma_wait3A_197 : memref<1x128x128xf32, #tpu.memory_space<vmem>> -> memref<128x128xf32, #tpu.memory_space<vmem>>
      %dma_wait3A_199 = arith.constant 0 : i32
      %dma_wait3A_200 = arith.constant 0 : i32
      %dma_wait3A_201 = tpu.memref_slice %arg2[%dma_wait3A_199, %dma_wait3A_200] : memref<10000x128xf32, #tpu.memory_space<hbm>> -> memref<128x128xf32, #tpu.memory_space<hbm>>
      tpu.wait_dma2 semaphore(%arg10 : memref<!tpu.dma_semaphore, #tpu.memory_space<semaphore_mem>>) src(%dma_wait3A_201 : memref<128x128xf32, #tpu.memory_space<hbm>>) dst(%dma_wait3A_198 : memref<128x128xf32, #tpu.memory_space<vmem>>)
      %sub3A = arith.constant 2 : i32
      %sub3A_202 = arith.subi %mul3A_186, %sub3A : i32
      %add3A_203 = arith.constant 0 : i32
      %add3A_204 = arith.addi %sub3A_202, %add3A_203 : i32
      %run_scoped3A_205 = arith.constant 0 : i32
      "tpu.region"() ({
        %run_scoped3A_252 = tpu.sem_alloc : memref<!tpu.dma_semaphore, #tpu.memory_space<semaphore_mem>>
        %dma_start3A_253 = arith.constant 0 : i32
        %dma_start3A_254 = arith.constant 0 : i32
        %dma_start3A_255 = tpu.memref_slice %arg8[%run_scoped3A_205, %dma_start3A_253, %dma_start3A_254] : memref<2x128x128xf32, #tpu.memory_space<vmem>> -> memref<1x128x128xf32, #tpu.memory_space<vmem>>
        %dma_start3A_256 = tpu.memref_squeeze %dma_start3A_255 : memref<1x128x128xf32, #tpu.memory_space<vmem>> -> memref<128x128xf32, #tpu.memory_space<vmem>>
        %dma_start3A_257 = arith.constant 0 : i32
        %dma_start3A_258 = tpu.memref_slice %arg7[%add3A_204, %dma_start3A_257] : memref<40x128xi32, #tpu.memory_space<vmem>> -> memref<1x128xi32, #tpu.memory_space<vmem>>
        %dma_start3A_259 = tpu.memref_squeeze %dma_start3A_258 : memref<1x128xi32, #tpu.memory_space<vmem>> -> memref<128xi32, #tpu.memory_space<vmem>>
        %dma_start3A_260 = arith.constant 0 : i32
        %dma_start3A_261 = arith.constant 0 : i32
        %dma_start3A_262 = tpu.memref_slice %arg9[%dma_start3A_260, %dma_start3A_261] : memref<10240x128xf32, #tpu.memory_space<vmem_shared>> -> memref<10240x128xf32, #tpu.memory_space<vmem_shared>>
        tpu.enqueue_indirect_dma source(%dma_start3A_256 : memref<128x128xf32, #tpu.memory_space<vmem>>) target(%dma_start3A_262 : memref<10240x128xf32, #tpu.memory_space<vmem_shared>>) offsets(%dma_start3A_259 : memref<128xi32, #tpu.memory_space<vmem>>) semaphore(%run_scoped3A_252 : memref<!tpu.dma_semaphore, #tpu.memory_space<semaphore_mem>>) {add = true}
        %dma_wait3A_263 = arith.constant 0 : i32
        %dma_wait3A_264 = arith.constant 0 : i32
        %dma_wait3A_265 = tpu.memref_slice %arg8[%run_scoped3A_205, %dma_wait3A_263, %dma_wait3A_264] : memref<2x128x128xf32, #tpu.memory_space<vmem>> -> memref<1x128x128xf32, #tpu.memory_space<vmem>>
        %dma_wait3A_266 = tpu.memref_squeeze %dma_wait3A_265 : memref<1x128x128xf32, #tpu.memory_space<vmem>> -> memref<128x128xf32, #tpu.memory_space<vmem>>
        %dma_wait3A_267 = arith.constant 0 : i32
        %dma_wait3A_268 = tpu.memref_slice %arg7[%add3A_204, %dma_wait3A_267] : memref<40x128xi32, #tpu.memory_space<vmem>> -> memref<1x128xi32, #tpu.memory_space<vmem>>
        %dma_wait3A_269 = tpu.memref_squeeze %dma_wait3A_268 : memref<1x128xi32, #tpu.memory_space<vmem>> -> memref<128xi32, #tpu.memory_space<vmem>>
        %dma_wait3A_270 = arith.constant 0 : i32
        %dma_wait3A_271 = arith.constant 0 : i32
        %dma_wait3A_272 = tpu.memref_slice %arg9[%dma_wait3A_270, %dma_wait3A_271] : memref<10240x128xf32, #tpu.memory_space<vmem_shared>> -> memref<10240x128xf32, #tpu.memory_space<vmem_shared>>
        tpu.wait_indirect_dma semaphore(%run_scoped3A_252 : memref<!tpu.dma_semaphore, #tpu.memory_space<semaphore_mem>>) src(%dma_wait3A_266 : memref<128x128xf32, #tpu.memory_space<vmem>>) dst(%dma_wait3A_272 : memref<10240x128xf32, #tpu.memory_space<vmem_shared>>)
        tpu.yield
      }) : () -> ()
      %add3A_206 = arith.constant 0 : i32
      %add3A_207 = arith.addi %mul3A_186, %add3A_206 : i32
      %dma_start3A_208 = arith.constant 0 : i32
      %dma_start3A_209 = arith.constant 0 : i32
      %dma_start3A_210 = arith.constant 0 : i32
      %dma_start3A_211 = tpu.memref_slice %arg8[%dma_start3A_208, %dma_start3A_209, %dma_start3A_210] : memref<2x128x128xf32, #tpu.memory_space<vmem>> -> memref<1x128x128xf32, #tpu.memory_space<vmem>>
      %dma_start3A_212 = tpu.memref_squeeze %dma_start3A_211 : memref<1x128x128xf32, #tpu.memory_space<vmem>> -> memref<128x128xf32, #tpu.memory_space<vmem>>
      %dma_start3A_213 = arith.constant 0 : i32
      %dma_start3A_214 = tpu.memref_slice %arg6[%add3A_207, %dma_start3A_213] : memref<40x128xi32, #tpu.memory_space<vmem>> -> memref<1x128xi32, #tpu.memory_space<vmem>>
      %dma_start3A_215 = tpu.memref_squeeze %dma_start3A_214 : memref<1x128xi32, #tpu.memory_space<vmem>> -> memref<128xi32, #tpu.memory_space<vmem>>
      %dma_start3A_216 = arith.constant 0 : i32
      %dma_start3A_217 = arith.constant 0 : i32
      %dma_start3A_218 = tpu.memref_slice %arg2[%dma_start3A_216, %dma_start3A_217] : memref<10000x128xf32, #tpu.memory_space<hbm>> -> memref<10000x128xf32, #tpu.memory_space<hbm>>
      tpu.enqueue_indirect_dma source(%dma_start3A_218 : memref<10000x128xf32, #tpu.memory_space<hbm>>) target(%dma_start3A_212 : memref<128x128xf32, #tpu.memory_space<vmem>>) offsets(%dma_start3A_215 : memref<128xi32, #tpu.memory_space<vmem>>) semaphore(%arg10 : memref<!tpu.dma_semaphore, #tpu.memory_space<semaphore_mem>>)
      %dma_wait3A_219 = arith.constant 1 : i32
      %dma_wait3A_220 = arith.constant 0 : i32
      %dma_wait3A_221 = arith.constant 0 : i32
      %dma_wait3A_222 = tpu.memref_slice %arg8[%dma_wait3A_219, %dma_wait3A_220, %dma_wait3A_221] : memref<2x128x128xf32, #tpu.memory_space<vmem>> -> memref<1x128x128xf32, #tpu.memory_space<vmem>>
      %dma_wait3A_223 = tpu.memref_squeeze %dma_wait3A_222 : memref<1x128x128xf32, #tpu.memory_space<vmem>> -> memref<128x128xf32, #tpu.memory_space<vmem>>
      %dma_wait3A_224 = arith.constant 0 : i32
      %dma_wait3A_225 = arith.constant 0 : i32
      %dma_wait3A_226 = tpu.memref_slice %arg2[%dma_wait3A_224, %dma_wait3A_225] : memref<10000x128xf32, #tpu.memory_space<hbm>> -> memref<128x128xf32, #tpu.memory_space<hbm>>
      %dma_wait3A_227 = arith.constant 0 : i32
      %dma_wait3A_228 = arith.constant 0 : i32
      %dma_wait3A_229 = tpu.memref_slice %arg8[%dma_wait3A_219, %dma_wait3A_227, %dma_wait3A_228] : memref<2x128x128xf32, #tpu.memory_space<vmem>> -> memref<1x128x128xf32, #tpu.memory_space<vmem>>
      %dma_wait3A_230 = tpu.memref_squeeze %dma_wait3A_229 : memref<1x128x128xf32, #tpu.memory_space<vmem>> -> memref<128x128xf32, #tpu.memory_space<vmem>>
      %dma_wait3A_231 = arith.constant 0 : i32
      %dma_wait3A_232 = arith.constant 0 : i32
      %dma_wait3A_233 = tpu.memref_slice %arg2[%dma_wait3A_231, %dma_wait3A_232] : memref<10000x128xf32, #tpu.memory_space<hbm>> -> memref<128x128xf32, #tpu.memory_space<hbm>>
      tpu.wait_dma2 semaphore(%arg11 : memref<!tpu.dma_semaphore, #tpu.memory_space<semaphore_mem>>) src(%dma_wait3A_233 : memref<128x128xf32, #tpu.memory_space<hbm>>) dst(%dma_wait3A_230 : memref<128x128xf32, #tpu.memory_space<vmem>>)
      %sub3A_234 = arith.constant 2 : i32
      %sub3A_235 = arith.subi %mul3A_186, %sub3A_234 : i32
      %add3A_236 = arith.constant 1 : i32
      %add3A_237 = arith.addi %sub3A_235, %add3A_236 : i32
      %run_scoped3A_238 = arith.constant 1 : i32
      "tpu.region"() ({
        %run_scoped3A_252 = tpu.sem_alloc : memref<!tpu.dma_semaphore, #tpu.memory_space<semaphore_mem>>
        %dma_start3A_253 = arith.constant 0 : i32
        %dma_start3A_254 = arith.constant 0 : i32
        %dma_start3A_255 = tpu.memref_slice %arg8[%run_scoped3A_238, %dma_start3A_253, %dma_start3A_254] : memref<2x128x128xf32, #tpu.memory_space<vmem>> -> memref<1x128x128xf32, #tpu.memory_space<vmem>>
        %dma_start3A_256 = tpu.memref_squeeze %dma_start3A_255 : memref<1x128x128xf32, #tpu.memory_space<vmem>> -> memref<128x128xf32, #tpu.memory_space<vmem>>
        %dma_start3A_257 = arith.constant 0 : i32
        %dma_start3A_258 = tpu.memref_slice %arg7[%add3A_237, %dma_start3A_257] : memref<40x128xi32, #tpu.memory_space<vmem>> -> memref<1x128xi32, #tpu.memory_space<vmem>>
        %dma_start3A_259 = tpu.memref_squeeze %dma_start3A_258 : memref<1x128xi32, #tpu.memory_space<vmem>> -> memref<128xi32, #tpu.memory_space<vmem>>
        %dma_start3A_260 = arith.constant 0 : i32
        %dma_start3A_261 = arith.constant 0 : i32
        %dma_start3A_262 = tpu.memref_slice %arg9[%dma_start3A_260, %dma_start3A_261] : memref<10240x128xf32, #tpu.memory_space<vmem_shared>> -> memref<10240x128xf32, #tpu.memory_space<vmem_shared>>
        tpu.enqueue_indirect_dma source(%dma_start3A_256 : memref<128x128xf32, #tpu.memory_space<vmem>>) target(%dma_start3A_262 : memref<10240x128xf32, #tpu.memory_space<vmem_shared>>) offsets(%dma_start3A_259 : memref<128xi32, #tpu.memory_space<vmem>>) semaphore(%run_scoped3A_252 : memref<!tpu.dma_semaphore, #tpu.memory_space<semaphore_mem>>) {add = true}
        %dma_wait3A_263 = arith.constant 0 : i32
        %dma_wait3A_264 = arith.constant 0 : i32
        %dma_wait3A_265 = tpu.memref_slice %arg8[%run_scoped3A_238, %dma_wait3A_263, %dma_wait3A_264] : memref<2x128x128xf32, #tpu.memory_space<vmem>> -> memref<1x128x128xf32, #tpu.memory_space<vmem>>
        %dma_wait3A_266 = tpu.memref_squeeze %dma_wait3A_265 : memref<1x128x128xf32, #tpu.memory_space<vmem>> -> memref<128x128xf32, #tpu.memory_space<vmem>>
        %dma_wait3A_267 = arith.constant 0 : i32
        %dma_wait3A_268 = tpu.memref_slice %arg7[%add3A_237, %dma_wait3A_267] : memref<40x128xi32, #tpu.memory_space<vmem>> -> memref<1x128xi32, #tpu.memory_space<vmem>>
        %dma_wait3A_269 = tpu.memref_squeeze %dma_wait3A_268 : memref<1x128xi32, #tpu.memory_space<vmem>> -> memref<128xi32, #tpu.memory_space<vmem>>
        %dma_wait3A_270 = arith.constant 0 : i32
        %dma_wait3A_271 = arith.constant 0 : i32
        %dma_wait3A_272 = tpu.memref_slice %arg9[%dma_wait3A_270, %dma_wait3A_271] : memref<10240x128xf32, #tpu.memory_space<vmem_shared>> -> memref<10240x128xf32, #tpu.memory_space<vmem_shared>>
        tpu.wait_indirect_dma semaphore(%run_scoped3A_252 : memref<!tpu.dma_semaphore, #tpu.memory_space<semaphore_mem>>) src(%dma_wait3A_266 : memref<128x128xf32, #tpu.memory_space<vmem>>) dst(%dma_wait3A_272 : memref<10240x128xf32, #tpu.memory_space<vmem_shared>>)
        tpu.yield
      }) : () -> ()
      %add3A_239 = arith.constant 1 : i32
      %add3A_240 = arith.addi %mul3A_186, %add3A_239 : i32
      %dma_start3A_241 = arith.constant 1 : i32
      %dma_start3A_242 = arith.constant 0 : i32
      %dma_start3A_243 = arith.constant 0 : i32
      %dma_start3A_244 = tpu.memref_slice %arg8[%dma_start3A_241, %dma_start3A_242, %dma_start3A_243] : memref<2x128x128xf32, #tpu.memory_space<vmem>> -> memref<1x128x128xf32, #tpu.memory_space<vmem>>
      %dma_start3A_245 = tpu.memref_squeeze %dma_start3A_244 : memref<1x128x128xf32, #tpu.memory_space<vmem>> -> memref<128x128xf32, #tpu.memory_space<vmem>>
      %dma_start3A_246 = arith.constant 0 : i32
      %dma_start3A_247 = tpu.memref_slice %arg6[%add3A_240, %dma_start3A_246] : memref<40x128xi32, #tpu.memory_space<vmem>> -> memref<1x128xi32, #tpu.memory_space<vmem>>
      %dma_start3A_248 = tpu.memref_squeeze %dma_start3A_247 : memref<1x128xi32, #tpu.memory_space<vmem>> -> memref<128xi32, #tpu.memory_space<vmem>>
      %dma_start3A_249 = arith.constant 0 : i32
      %dma_start3A_250 = arith.constant 0 : i32
      %dma_start3A_251 = tpu.memref_slice %arg2[%dma_start3A_249, %dma_start3A_250] : memref<10000x128xf32, #tpu.memory_space<hbm>> -> memref<10000x128xf32, #tpu.memory_space<hbm>>
      tpu.enqueue_indirect_dma source(%dma_start3A_251 : memref<10000x128xf32, #tpu.memory_space<hbm>>) target(%dma_start3A_245 : memref<128x128xf32, #tpu.memory_space<vmem>>) offsets(%dma_start3A_248 : memref<128xi32, #tpu.memory_space<vmem>>) semaphore(%arg11 : memref<!tpu.dma_semaphore, #tpu.memory_space<semaphore_mem>>)
    }
    %scan3A_118 = arith.constant 19 : i32
    %dma_wait3A_119 = arith.constant 0 : i32
    %dma_wait3A_120 = arith.constant 0 : i32
    %dma_wait3A_121 = arith.constant 0 : i32
    %dma_wait3A_122 = tpu.memref_slice %arg8[%dma_wait3A_119, %dma_wait3A_120, %dma_wait3A_121] : memref<2x128x128xf32, #tpu.memory_space<vmem>> -> memref<1x128x128xf32, #tpu.memory_space<vmem>>
    %dma_wait3A_123 = tpu.memref_squeeze %dma_wait3A_122 : memref<1x128x128xf32, #tpu.memory_space<vmem>> -> memref<128x128xf32, #tpu.memory_space<vmem>>
    %dma_wait3A_124 = arith.constant 0 : i32
    %dma_wait3A_125 = arith.constant 0 : i32
    %dma_wait3A_126 = tpu.memref_slice %arg2[%dma_wait3A_124, %dma_wait3A_125] : memref<10000x128xf32, #tpu.memory_space<hbm>> -> memref<128x128xf32, #tpu.memory_space<hbm>>
    %dma_wait3A_127 = arith.constant 0 : i32
    %dma_wait3A_128 = arith.constant 0 : i32
    %dma_wait3A_129 = tpu.memref_slice %arg8[%dma_wait3A_119, %dma_wait3A_127, %dma_wait3A_128] : memref<2x128x128xf32, #tpu.memory_space<vmem>> -> memref<1x128x128xf32, #tpu.memory_space<vmem>>
    %dma_wait3A_130 = tpu.memref_squeeze %dma_wait3A_129 : memref<1x128x128xf32, #tpu.memory_space<vmem>> -> memref<128x128xf32, #tpu.memory_space<vmem>>
    %dma_wait3A_131 = arith.constant 0 : i32
    %dma_wait3A_132 = arith.constant 0 : i32
    %dma_wait3A_133 = tpu.memref_slice %arg2[%dma_wait3A_131, %dma_wait3A_132] : memref<10000x128xf32, #tpu.memory_space<hbm>> -> memref<128x128xf32, #tpu.memory_space<hbm>>
    tpu.wait_dma2 semaphore(%arg10 : memref<!tpu.dma_semaphore, #tpu.memory_space<semaphore_mem>>) src(%dma_wait3A_133 : memref<128x128xf32, #tpu.memory_space<hbm>>) dst(%dma_wait3A_130 : memref<128x128xf32, #tpu.memory_space<vmem>>)
    %run_scoped3A_134 = arith.constant 0 : i32
    %run_scoped3A_135 = arith.constant 38 : i32
    "tpu.region"() ({
      %run_scoped3A_184 = tpu.sem_alloc : memref<!tpu.dma_semaphore, #tpu.memory_space<semaphore_mem>>
      %dma_start3A_185 = arith.constant 0 : i32
      %dma_start3A_186 = arith.constant 0 : i32
      %dma_start3A_187 = tpu.memref_slice %arg8[%run_scoped3A_134, %dma_start3A_185, %dma_start3A_186] : memref<2x128x128xf32, #tpu.memory_space<vmem>> -> memref<1x128x128xf32, #tpu.memory_space<vmem>>
      %dma_start3A_188 = tpu.memref_squeeze %dma_start3A_187 : memref<1x128x128xf32, #tpu.memory_space<vmem>> -> memref<128x128xf32, #tpu.memory_space<vmem>>
      %dma_start3A_189 = arith.constant 0 : i32
      %dma_start3A_190 = tpu.memref_slice %arg7[%run_scoped3A_135, %dma_start3A_189] : memref<40x128xi32, #tpu.memory_space<vmem>> -> memref<1x128xi32, #tpu.memory_space<vmem>>
      %dma_start3A_191 = tpu.memref_squeeze %dma_start3A_190 : memref<1x128xi32, #tpu.memory_space<vmem>> -> memref<128xi32, #tpu.memory_space<vmem>>
      %dma_start3A_192 = arith.constant 0 : i32
      %dma_start3A_193 = arith.constant 0 : i32
      %dma_start3A_194 = tpu.memref_slice %arg9[%dma_start3A_192, %dma_start3A_193] : memref<10240x128xf32, #tpu.memory_space<vmem_shared>> -> memref<10240x128xf32, #tpu.memory_space<vmem_shared>>
      tpu.enqueue_indirect_dma source(%dma_start3A_188 : memref<128x128xf32, #tpu.memory_space<vmem>>) target(%dma_start3A_194 : memref<10240x128xf32, #tpu.memory_space<vmem_shared>>) offsets(%dma_start3A_191 : memref<128xi32, #tpu.memory_space<vmem>>) semaphore(%run_scoped3A_184 : memref<!tpu.dma_semaphore, #tpu.memory_space<semaphore_mem>>) {add = true}
      %dma_wait3A_195 = arith.constant 0 : i32
      %dma_wait3A_196 = arith.constant 0 : i32
      %dma_wait3A_197 = tpu.memref_slice %arg8[%run_scoped3A_134, %dma_wait3A_195, %dma_wait3A_196] : memref<2x128x128xf32, #tpu.memory_space<vmem>> -> memref<1x128x128xf32, #tpu.memory_space<vmem>>
      %dma_wait3A_198 = tpu.memref_squeeze %dma_wait3A_197 : memref<1x128x128xf32, #tpu.memory_space<vmem>> -> memref<128x128xf32, #tpu.memory_space<vmem>>
      %dma_wait3A_199 = arith.constant 0 : i32
      %dma_wait3A_200 = tpu.memref_slice %arg7[%run_scoped3A_135, %dma_wait3A_199] : memref<40x128xi32, #tpu.memory_space<vmem>> -> memref<1x128xi32, #tpu.memory_space<vmem>>
      %dma_wait3A_201 = tpu.memref_squeeze %dma_wait3A_200 : memref<1x128xi32, #tpu.memory_space<vmem>> -> memref<128xi32, #tpu.memory_space<vmem>>
      %dma_wait3A_202 = arith.constant 0 : i32
      %dma_wait3A_203 = arith.constant 0 : i32
      %dma_wait3A_204 = tpu.memref_slice %arg9[%dma_wait3A_202, %dma_wait3A_203] : memref<10240x128xf32, #tpu.memory_space<vmem_shared>> -> memref<10240x128xf32, #tpu.memory_space<vmem_shared>>
      tpu.wait_indirect_dma semaphore(%run_scoped3A_184 : memref<!tpu.dma_semaphore, #tpu.memory_space<semaphore_mem>>) src(%dma_wait3A_198 : memref<128x128xf32, #tpu.memory_space<vmem>>) dst(%dma_wait3A_204 : memref<10240x128xf32, #tpu.memory_space<vmem_shared>>)
      tpu.yield
    }) : () -> ()
    %dma_wait3A_136 = arith.constant 1 : i32
    %dma_wait3A_137 = arith.constant 0 : i32
    %dma_wait3A_138 = arith.constant 0 : i32
    %dma_wait3A_139 = tpu.memref_slice %arg8[%dma_wait3A_136, %dma_wait3A_137, %dma_wait3A_138] : memref<2x128x128xf32, #tpu.memory_space<vmem>> -> memref<1x128x128xf32, #tpu.memory_space<vmem>>
    %dma_wait3A_140 = tpu.memref_squeeze %dma_wait3A_139 : memref<1x128x128xf32, #tpu.memory_space<vmem>> -> memref<128x128xf32, #tpu.memory_space<vmem>>
    %dma_wait3A_141 = arith.constant 0 : i32
    %dma_wait3A_142 = arith.constant 0 : i32
    %dma_wait3A_143 = tpu.memref_slice %arg2[%dma_wait3A_141, %dma_wait3A_142] : memref<10000x128xf32, #tpu.memory_space<hbm>> -> memref<128x128xf32, #tpu.memory_space<hbm>>
    %dma_wait3A_144 = arith.constant 0 : i32
    %dma_wait3A_145 = arith.constant 0 : i32
    %dma_wait3A_146 = tpu.memref_slice %arg8[%dma_wait3A_136, %dma_wait3A_144, %dma_wait3A_145] : memref<2x128x128xf32, #tpu.memory_space<vmem>> -> memref<1x128x128xf32, #tpu.memory_space<vmem>>
    %dma_wait3A_147 = tpu.memref_squeeze %dma_wait3A_146 : memref<1x128x128xf32, #tpu.memory_space<vmem>> -> memref<128x128xf32, #tpu.memory_space<vmem>>
    %dma_wait3A_148 = arith.constant 0 : i32
    %dma_wait3A_149 = arith.constant 0 : i32
    %dma_wait3A_150 = tpu.memref_slice %arg2[%dma_wait3A_148, %dma_wait3A_149] : memref<10000x128xf32, #tpu.memory_space<hbm>> -> memref<128x128xf32, #tpu.memory_space<hbm>>
    tpu.wait_dma2 semaphore(%arg11 : memref<!tpu.dma_semaphore, #tpu.memory_space<semaphore_mem>>) src(%dma_wait3A_150 : memref<128x128xf32, #tpu.memory_space<hbm>>) dst(%dma_wait3A_147 : memref<128x128xf32, #tpu.memory_space<vmem>>)
    %run_scoped3A_151 = arith.constant 1 : i32
    %run_scoped3A_152 = arith.constant 39 : i32
    "tpu.region"() ({
      %run_scoped3A_184 = tpu.sem_alloc : memref<!tpu.dma_semaphore, #tpu.memory_space<semaphore_mem>>
      %dma_start3A_185 = arith.constant 0 : i32
      %dma_start3A_186 = arith.constant 0 : i32
      %dma_start3A_187 = tpu.memref_slice %arg8[%run_scoped3A_151, %dma_start3A_185, %dma_start3A_186] : memref<2x128x128xf32, #tpu.memory_space<vmem>> -> memref<1x128x128xf32, #tpu.memory_space<vmem>>
      %dma_start3A_188 = tpu.memref_squeeze %dma_start3A_187 : memref<1x128x128xf32, #tpu.memory_space<vmem>> -> memref<128x128xf32, #tpu.memory_space<vmem>>
      %dma_start3A_189 = arith.constant 0 : i32
      %dma_start3A_190 = tpu.memref_slice %arg7[%run_scoped3A_152, %dma_start3A_189] : memref<40x128xi32, #tpu.memory_space<vmem>> -> memref<1x128xi32, #tpu.memory_space<vmem>>
      %dma_start3A_191 = tpu.memref_squeeze %dma_start3A_190 : memref<1x128xi32, #tpu.memory_space<vmem>> -> memref<128xi32, #tpu.memory_space<vmem>>
      %dma_start3A_192 = arith.constant 0 : i32
      %dma_start3A_193 = arith.constant 0 : i32
      %dma_start3A_194 = tpu.memref_slice %arg9[%dma_start3A_192, %dma_start3A_193] : memref<10240x128xf32, #tpu.memory_space<vmem_shared>> -> memref<10240x128xf32, #tpu.memory_space<vmem_shared>>
      tpu.enqueue_indirect_dma source(%dma_start3A_188 : memref<128x128xf32, #tpu.memory_space<vmem>>) target(%dma_start3A_194 : memref<10240x128xf32, #tpu.memory_space<vmem_shared>>) offsets(%dma_start3A_191 : memref<128xi32, #tpu.memory_space<vmem>>) semaphore(%run_scoped3A_184 : memref<!tpu.dma_semaphore, #tpu.memory_space<semaphore_mem>>) {add = true}
      %dma_wait3A_195 = arith.constant 0 : i32
      %dma_wait3A_196 = arith.constant 0 : i32
      %dma_wait3A_197 = tpu.memref_slice %arg8[%run_scoped3A_151, %dma_wait3A_195, %dma_wait3A_196] : memref<2x128x128xf32, #tpu.memory_space<vmem>> -> memref<1x128x128xf32, #tpu.memory_space<vmem>>
      %dma_wait3A_198 = tpu.memref_squeeze %dma_wait3A_197 : memref<1x128x128xf32, #tpu.memory_space<vmem>> -> memref<128x128xf32, #tpu.memory_space<vmem>>
      %dma_wait3A_199 = arith.constant 0 : i32
      %dma_wait3A_200 = tpu.memref_slice %arg7[%run_scoped3A_152, %dma_wait3A_199] : memref<40x128xi32, #tpu.memory_space<vmem>> -> memref<1x128xi32, #tpu.memory_space<vmem>>
      %dma_wait3A_201 = tpu.memref_squeeze %dma_wait3A_200 : memref<1x128xi32, #tpu.memory_space<vmem>> -> memref<128xi32, #tpu.memory_space<vmem>>
      %dma_wait3A_202 = arith.constant 0 : i32
      %dma_wait3A_203 = arith.constant 0 : i32
      %dma_wait3A_204 = tpu.memref_slice %arg9[%dma_wait3A_202, %dma_wait3A_203] : memref<10240x128xf32, #tpu.memory_space<vmem_shared>> -> memref<10240x128xf32, #tpu.memory_space<vmem_shared>>
      tpu.wait_indirect_dma semaphore(%run_scoped3A_184 : memref<!tpu.dma_semaphore, #tpu.memory_space<semaphore_mem>>) src(%dma_wait3A_198 : memref<128x128xf32, #tpu.memory_space<vmem>>) dst(%dma_wait3A_204 : memref<10240x128xf32, #tpu.memory_space<vmem_shared>>)
      tpu.yield
    }) : () -> ()
    %barrier3A_153 = arith.constant 0 : index
    tpu.barrier barrier_id(%barrier3A_153)
    %add3A_154 = arith.constant 0 : i32
    %add3A_155 = arith.addi %mul3A_2, %add3A_154 : i32
    %run_scoped3A_156 = arith.constant 0 : i32
    "tpu.region"() ({
      %run_scoped3A_184 = tpu.sem_alloc : memref<!tpu.dma_semaphore, #tpu.memory_space<semaphore_mem>>
      %dma_start3A_185 = arith.constant 0 : i32
      %dma_start3A_186 = arith.constant 0 : i32
      %dma_start3A_187 = tpu.memref_slice %arg8[%run_scoped3A_156, %dma_start3A_185, %dma_start3A_186] : memref<2x128x128xf32, #tpu.memory_space<vmem>> -> memref<1x128x128xf32, #tpu.memory_space<vmem>>
      %dma_start3A_188 = tpu.memref_squeeze %dma_start3A_187 : memref<1x128x128xf32, #tpu.memory_space<vmem>> -> memref<128x128xf32, #tpu.memory_space<vmem>>
      %dma_start3A_189 = arith.constant 0 : i32
      %dma_start3A_190 = tpu.memref_slice %arg9[%add3A_155, %dma_start3A_189] : memref<10240x128xf32, #tpu.memory_space<vmem_shared>> -> memref<128x128xf32, #tpu.memory_space<vmem_shared>>
      %dma_start3A_191 = arith.constant 0 : i32
      %dma_start3A_192 = arith.constant 0 : i32
      %dma_start3A_193 = tpu.memref_slice %arg8[%run_scoped3A_156, %dma_start3A_191, %dma_start3A_192] : memref<2x128x128xf32, #tpu.memory_space<vmem>> -> memref<1x128x128xf32, #tpu.memory_space<vmem>>
      %dma_start3A_194 = tpu.memref_squeeze %dma_start3A_193 : memref<1x128x128xf32, #tpu.memory_space<vmem>> -> memref<128x128xf32, #tpu.memory_space<vmem>>
      %dma_start3A_195 = arith.constant 0 : i32
      %dma_start3A_196 = tpu.memref_slice %arg9[%add3A_155, %dma_start3A_195] : memref<10240x128xf32, #tpu.memory_space<vmem_shared>> -> memref<128x128xf32, #tpu.memory_space<vmem_shared>>
      tpu.enqueue_dma source(%dma_start3A_196 : memref<128x128xf32, #tpu.memory_space<vmem_shared>>) target(%dma_start3A_194 : memref<128x128xf32, #tpu.memory_space<vmem>>) target_semaphore(%run_scoped3A_184 : memref<!tpu.dma_semaphore, #tpu.memory_space<semaphore_mem>>)
      %dma_wait3A_197 = arith.constant 0 : i32
      %dma_wait3A_198 = arith.constant 0 : i32
      %dma_wait3A_199 = tpu.memref_slice %arg8[%run_scoped3A_156, %dma_wait3A_197, %dma_wait3A_198] : memref<2x128x128xf32, #tpu.memory_space<vmem>> -> memref<1x128x128xf32, #tpu.memory_space<vmem>>
      %dma_wait3A_200 = tpu.memref_squeeze %dma_wait3A_199 : memref<1x128x128xf32, #tpu.memory_space<vmem>> -> memref<128x128xf32, #tpu.memory_space<vmem>>
      %dma_wait3A_201 = arith.constant 0 : i32
      %dma_wait3A_202 = tpu.memref_slice %arg9[%add3A_155, %dma_wait3A_201] : memref<10240x128xf32, #tpu.memory_space<vmem_shared>> -> memref<128x128xf32, #tpu.memory_space<vmem_shared>>
      %dma_wait3A_203 = arith.constant 0 : i32
      %dma_wait3A_204 = arith.constant 0 : i32
      %dma_wait3A_205 = tpu.memref_slice %arg8[%run_scoped3A_156, %dma_wait3A_203, %dma_wait3A_204] : memref<2x128x128xf32, #tpu.memory_space<vmem>> -> memref<1x128x128xf32, #tpu.memory_space<vmem>>
      %dma_wait3A_206 = tpu.memref_squeeze %dma_wait3A_205 : memref<1x128x128xf32, #tpu.memory_space<vmem>> -> memref<128x128xf32, #tpu.memory_space<vmem>>
      %dma_wait3A_207 = arith.constant 0 : i32
      %dma_wait3A_208 = tpu.memref_slice %arg9[%add3A_155, %dma_wait3A_207] : memref<10240x128xf32, #tpu.memory_space<vmem_shared>> -> memref<128x128xf32, #tpu.memory_space<vmem_shared>>
      tpu.wait_dma2 semaphore(%run_scoped3A_184 : memref<!tpu.dma_semaphore, #tpu.memory_space<semaphore_mem>>) src(%dma_wait3A_208 : memref<128x128xf32, #tpu.memory_space<vmem_shared>>) dst(%dma_wait3A_206 : memref<128x128xf32, #tpu.memory_space<vmem>>)
      tpu.yield
    }) : () -> ()
    %add3A_157 = arith.constant 0 : i32
    %add3A_158 = arith.addi %mul3A_2, %add3A_157 : i32
    %run_scoped3A_159 = arith.constant 0 : i32
    "tpu.region"() ({
      %run_scoped3A_184 = tpu.sem_alloc : memref<!tpu.dma_semaphore, #tpu.memory_space<semaphore_mem>>
      %dma_start3A_185 = arith.constant 0 : i32
      %dma_start3A_186 = arith.constant 0 : i32
      %dma_start3A_187 = tpu.memref_slice %arg8[%run_scoped3A_159, %dma_start3A_185, %dma_start3A_186] : memref<2x128x128xf32, #tpu.memory_space<vmem>> -> memref<1x128x128xf32, #tpu.memory_space<vmem>>
      %dma_start3A_188 = tpu.memref_squeeze %dma_start3A_187 : memref<1x128x128xf32, #tpu.memory_space<vmem>> -> memref<128x128xf32, #tpu.memory_space<vmem>>
      %dma_start3A_189 = arith.constant 0 : i32
      %dma_start3A_190 = tpu.memref_slice %arg5[%arg0, %add3A_158, %dma_start3A_189] : memref<2x10240x128xf32, #tpu.memory_space<hbm>> -> memref<1x128x128xf32, #tpu.memory_space<hbm>>
      %dma_start3A_191 = tpu.memref_squeeze %dma_start3A_190 : memref<1x128x128xf32, #tpu.memory_space<hbm>> -> memref<128x128xf32, #tpu.memory_space<hbm>>
      %dma_start3A_192 = arith.constant 0 : i32
      %dma_start3A_193 = tpu.memref_slice %arg5[%arg0, %add3A_158, %dma_start3A_192] : memref<2x10240x128xf32, #tpu.memory_space<hbm>> -> memref<1x128x128xf32, #tpu.memory_space<hbm>>
      %dma_start3A_194 = tpu.memref_squeeze %dma_start3A_193 : memref<1x128x128xf32, #tpu.memory_space<hbm>> -> memref<128x128xf32, #tpu.memory_space<hbm>>
      %dma_start3A_195 = arith.constant 0 : i32
      %dma_start3A_196 = arith.constant 0 : i32
      %dma_start3A_197 = tpu.memref_slice %arg8[%run_scoped3A_159, %dma_start3A_195, %dma_start3A_196] : memref<2x128x128xf32, #tpu.memory_space<vmem>> -> memref<1x128x128xf32, #tpu.memory_space<vmem>>
      %dma_start3A_198 = tpu.memref_squeeze %dma_start3A_197 : memref<1x128x128xf32, #tpu.memory_space<vmem>> -> memref<128x128xf32, #tpu.memory_space<vmem>>
      tpu.enqueue_dma source(%dma_start3A_198 : memref<128x128xf32, #tpu.memory_space<vmem>>) target(%dma_start3A_194 : memref<128x128xf32, #tpu.memory_space<hbm>>) target_semaphore(%run_scoped3A_184 : memref<!tpu.dma_semaphore, #tpu.memory_space<semaphore_mem>>)
      %dma_wait3A_199 = arith.constant 0 : i32
      %dma_wait3A_200 = arith.constant 0 : i32
      %dma_wait3A_201 = tpu.memref_slice %arg8[%run_scoped3A_159, %dma_wait3A_199, %dma_wait3A_200] : memref<2x128x128xf32, #tpu.memory_space<vmem>> -> memref<1x128x128xf32, #tpu.memory_space<vmem>>
      %dma_wait3A_202 = tpu.memref_squeeze %dma_wait3A_201 : memref<1x128x128xf32, #tpu.memory_space<vmem>> -> memref<128x128xf32, #tpu.memory_space<vmem>>
      %dma_wait3A_203 = arith.constant 0 : i32
      %dma_wait3A_204 = tpu.memref_slice %arg5[%arg0, %add3A_158, %dma_wait3A_203] : memref<2x10240x128xf32, #tpu.memory_space<hbm>> -> memref<1x128x128xf32, #tpu.memory_space<hbm>>
      %dma_wait3A_205 = tpu.memref_squeeze %dma_wait3A_204 : memref<1x128x128xf32, #tpu.memory_space<hbm>> -> memref<128x128xf32, #tpu.memory_space<hbm>>
      %dma_wait3A_206 = arith.constant 0 : i32
      %dma_wait3A_207 = tpu.memref_slice %arg5[%arg0, %add3A_158, %dma_wait3A_206] : memref<2x10240x128xf32, #tpu.memory_space<hbm>> -> memref<1x128x128xf32, #tpu.memory_space<hbm>>
      %dma_wait3A_208 = tpu.memref_squeeze %dma_wait3A_207 : memref<1x128x128xf32, #tpu.memory_space<hbm>> -> memref<128x128xf32, #tpu.memory_space<hbm>>
      %dma_wait3A_209 = arith.constant 0 : i32
      %dma_wait3A_210 = arith.constant 0 : i32
      %dma_wait3A_211 = tpu.memref_slice %arg8[%run_scoped3A_159, %dma_wait3A_209, %dma_wait3A_210] : memref<2x128x128xf32, #tpu.memory_space<vmem>> -> memref<1x128x128xf32, #tpu.memory_space<vmem>>
      %dma_wait3A_212 = tpu.memref_squeeze %dma_wait3A_211 : memref<1x128x128xf32, #tpu.memory_space<vmem>> -> memref<128x128xf32, #tpu.memory_space<vmem>>
      tpu.wait_dma2 semaphore(%run_scoped3A_184 : memref<!tpu.dma_semaphore, #tpu.memory_space<semaphore_mem>>) src(%dma_wait3A_212 : memref<128x128xf32, #tpu.memory_space<vmem>>) dst(%dma_wait3A_208 : memref<128x128xf32, #tpu.memory_space<hbm>>)
      tpu.yield
    }) : () -> ()
    %add3A_160 = arith.constant 128 : i32
    %add3A_161 = arith.addi %mul3A_2, %add3A_160 : i32
    %run_scoped3A_162 = arith.constant 0 : i32
    "tpu.region"() ({
      %run_scoped3A_184 = tpu.sem_alloc : memref<!tpu.dma_semaphore, #tpu.memory_space<semaphore_mem>>
      %dma_start3A_185 = arith.constant 0 : i32
      %dma_start3A_186 = arith.constant 0 : i32
      %dma_start3A_187 = tpu.memref_slice %arg8[%run_scoped3A_162, %dma_start3A_185, %dma_start3A_186] : memref<2x128x128xf32, #tpu.memory_space<vmem>> -> memref<1x128x128xf32, #tpu.memory_space<vmem>>
      %dma_start3A_188 = tpu.memref_squeeze %dma_start3A_187 : memref<1x128x128xf32, #tpu.memory_space<vmem>> -> memref<128x128xf32, #tpu.memory_space<vmem>>
      %dma_start3A_189 = arith.constant 0 : i32
      %dma_start3A_190 = tpu.memref_slice %arg9[%add3A_161, %dma_start3A_189] : memref<10240x128xf32, #tpu.memory_space<vmem_shared>> -> memref<128x128xf32, #tpu.memory_space<vmem_shared>>
      %dma_start3A_191 = arith.constant 0 : i32
      %dma_start3A_192 = arith.constant 0 : i32
      %dma_start3A_193 = tpu.memref_slice %arg8[%run_scoped3A_162, %dma_start3A_191, %dma_start3A_192] : memref<2x128x128xf32, #tpu.memory_space<vmem>> -> memref<1x128x128xf32, #tpu.memory_space<vmem>>
      %dma_start3A_194 = tpu.memref_squeeze %dma_start3A_193 : memref<1x128x128xf32, #tpu.memory_space<vmem>> -> memref<128x128xf32, #tpu.memory_space<vmem>>
      %dma_start3A_195 = arith.constant 0 : i32
      %dma_start3A_196 = tpu.memref_slice %arg9[%add3A_161, %dma_start3A_195] : memref<10240x128xf32, #tpu.memory_space<vmem_shared>> -> memref<128x128xf32, #tpu.memory_space<vmem_shared>>
      tpu.enqueue_dma source(%dma_start3A_196 : memref<128x128xf32, #tpu.memory_space<vmem_shared>>) target(%dma_start3A_194 : memref<128x128xf32, #tpu.memory_space<vmem>>) target_semaphore(%run_scoped3A_184 : memref<!tpu.dma_semaphore, #tpu.memory_space<semaphore_mem>>)
      %dma_wait3A_197 = arith.constant 0 : i32
      %dma_wait3A_198 = arith.constant 0 : i32
      %dma_wait3A_199 = tpu.memref_slice %arg8[%run_scoped3A_162, %dma_wait3A_197, %dma_wait3A_198] : memref<2x128x128xf32, #tpu.memory_space<vmem>> -> memref<1x128x128xf32, #tpu.memory_space<vmem>>
      %dma_wait3A_200 = tpu.memref_squeeze %dma_wait3A_199 : memref<1x128x128xf32, #tpu.memory_space<vmem>> -> memref<128x128xf32, #tpu.memory_space<vmem>>
      %dma_wait3A_201 = arith.constant 0 : i32
      %dma_wait3A_202 = tpu.memref_slice %arg9[%add3A_161, %dma_wait3A_201] : memref<10240x128xf32, #tpu.memory_space<vmem_shared>> -> memref<128x128xf32, #tpu.memory_space<vmem_shared>>
      %dma_wait3A_203 = arith.constant 0 : i32
      %dma_wait3A_204 = arith.constant 0 : i32
      %dma_wait3A_205 = tpu.memref_slice %arg8[%run_scoped3A_162, %dma_wait3A_203, %dma_wait3A_204] : memref<2x128x128xf32, #tpu.memory_space<vmem>> -> memref<1x128x128xf32, #tpu.memory_space<vmem>>
      %dma_wait3A_206 = tpu.memref_squeeze %dma_wait3A_205 : memref<1x128x128xf32, #tpu.memory_space<vmem>> -> memref<128x128xf32, #tpu.memory_space<vmem>>
      %dma_wait3A_207 = arith.constant 0 : i32
      %dma_wait3A_208 = tpu.memref_slice %arg9[%add3A_161, %dma_wait3A_207] : memref<10240x128xf32, #tpu.memory_space<vmem_shared>> -> memref<128x128xf32, #tpu.memory_space<vmem_shared>>
      tpu.wait_dma2 semaphore(%run_scoped3A_184 : memref<!tpu.dma_semaphore, #tpu.memory_space<semaphore_mem>>) src(%dma_wait3A_208 : memref<128x128xf32, #tpu.memory_space<vmem_shared>>) dst(%dma_wait3A_206 : memref<128x128xf32, #tpu.memory_space<vmem>>)
      tpu.yield
    }) : () -> ()
    %add3A_163 = arith.constant 128 : i32
    %add3A_164 = arith.addi %mul3A_2, %add3A_163 : i32
    %run_scoped3A_165 = arith.constant 0 : i32
    "tpu.region"() ({
      %run_scoped3A_184 = tpu.sem_alloc : memref<!tpu.dma_semaphore, #tpu.memory_space<semaphore_mem>>
      %dma_start3A_185 = arith.constant 0 : i32
      %dma_start3A_186 = arith.constant 0 : i32
      %dma_start3A_187 = tpu.memref_slice %arg8[%run_scoped3A_165, %dma_start3A_185, %dma_start3A_186] : memref<2x128x128xf32, #tpu.memory_space<vmem>> -> memref<1x128x128xf32, #tpu.memory_space<vmem>>
      %dma_start3A_188 = tpu.memref_squeeze %dma_start3A_187 : memref<1x128x128xf32, #tpu.memory_space<vmem>> -> memref<128x128xf32, #tpu.memory_space<vmem>>
      %dma_start3A_189 = arith.constant 0 : i32
      %dma_start3A_190 = tpu.memref_slice %arg5[%arg0, %add3A_164, %dma_start3A_189] : memref<2x10240x128xf32, #tpu.memory_space<hbm>> -> memref<1x128x128xf32, #tpu.memory_space<hbm>>
      %dma_start3A_191 = tpu.memref_squeeze %dma_start3A_190 : memref<1x128x128xf32, #tpu.memory_space<hbm>> -> memref<128x128xf32, #tpu.memory_space<hbm>>
      %dma_start3A_192 = arith.constant 0 : i32
      %dma_start3A_193 = tpu.memref_slice %arg5[%arg0, %add3A_164, %dma_start3A_192] : memref<2x10240x128xf32, #tpu.memory_space<hbm>> -> memref<1x128x128xf32, #tpu.memory_space<hbm>>
      %dma_start3A_194 = tpu.memref_squeeze %dma_start3A_193 : memref<1x128x128xf32, #tpu.memory_space<hbm>> -> memref<128x128xf32, #tpu.memory_space<hbm>>
      %dma_start3A_195 = arith.constant 0 : i32
      %dma_start3A_196 = arith.constant 0 : i32
      %dma_start3A_197 = tpu.memref_slice %arg8[%run_scoped3A_165, %dma_start3A_195, %dma_start3A_196] : memref<2x128x128xf32, #tpu.memory_space<vmem>> -> memref<1x128x128xf32, #tpu.memory_space<vmem>>
      %dma_start3A_198 = tpu.memref_squeeze %dma_start3A_197 : memref<1x128x128xf32, #tpu.memory_space<vmem>> -> memref<128x128xf32, #tpu.memory_space<vmem>>
      tpu.enqueue_dma source(%dma_start3A_198 : memref<128x128xf32, #tpu.memory_space<vmem>>) target(%dma_start3A_194 : memref<128x128xf32, #tpu.memory_space<hbm>>) target_semaphore(%run_scoped3A_184 : memref<!tpu.dma_semaphore, #tpu.memory_space<semaphore_mem>>)
      %dma_wait3A_199 = arith.constant 0 : i32
      %dma_wait3A_200 = arith.constant 0 : i32
      %dma_wait3A_201 = tpu.memref_slice %arg8[%run_scoped3A_165, %dma_wait3A_199, %dma_wait3A_200] : memref<2x128x128xf32, #tpu.memory_space<vmem>> -> memref<1x128x128xf32, #tpu.memory_space<vmem>>
      %dma_wait3A_202 = tpu.memref_squeeze %dma_wait3A_201 : memref<1x128x128xf32, #tpu.memory_space<vmem>> -> memref<128x128xf32, #tpu.memory_space<vmem>>
      %dma_wait3A_203 = arith.constant 0 : i32
      %dma_wait3A_204 = tpu.memref_slice %arg5[%arg0, %add3A_164, %dma_wait3A_203] : memref<2x10240x128xf32, #tpu.memory_space<hbm>> -> memref<1x128x128xf32, #tpu.memory_space<hbm>>
      %dma_wait3A_205 = tpu.memref_squeeze %dma_wait3A_204 : memref<1x128x128xf32, #tpu.memory_space<hbm>> -> memref<128x128xf32, #tpu.memory_space<hbm>>
      %dma_wait3A_206 = arith.constant 0 : i32
      %dma_wait3A_207 = tpu.memref_slice %arg5[%arg0, %add3A_164, %dma_wait3A_206] : memref<2x10240x128xf32, #tpu.memory_space<hbm>> -> memref<1x128x128xf32, #tpu.memory_space<hbm>>
      %dma_wait3A_208 = tpu.memref_squeeze %dma_wait3A_207 : memref<1x128x128xf32, #tpu.memory_space<hbm>> -> memref<128x128xf32, #tpu.memory_space<hbm>>
      %dma_wait3A_209 = arith.constant 0 : i32
      %dma_wait3A_210 = arith.constant 0 : i32
      %dma_wait3A_211 = tpu.memref_slice %arg8[%run_scoped3A_165, %dma_wait3A_209, %dma_wait3A_210] : memref<2x128x128xf32, #tpu.memory_space<vmem>> -> memref<1x128x128xf32, #tpu.memory_space<vmem>>
      %dma_wait3A_212 = tpu.memref_squeeze %dma_wait3A_211 : memref<1x128x128xf32, #tpu.memory_space<vmem>> -> memref<128x128xf32, #tpu.memory_space<vmem>>
      tpu.wait_dma2 semaphore(%run_scoped3A_184 : memref<!tpu.dma_semaphore, #tpu.memory_space<semaphore_mem>>) src(%dma_wait3A_212 : memref<128x128xf32, #tpu.memory_space<vmem>>) dst(%dma_wait3A_208 : memref<128x128xf32, #tpu.memory_space<hbm>>)
      tpu.yield
    }) : () -> ()
    %add3A_166 = arith.constant 256 : i32
    %add3A_167 = arith.addi %mul3A_2, %add3A_166 : i32
    %run_scoped3A_168 = arith.constant 0 : i32
    "tpu.region"() ({
      %run_scoped3A_184 = tpu.sem_alloc : memref<!tpu.dma_semaphore, #tpu.memory_space<semaphore_mem>>
      %dma_start3A_185 = arith.constant 0 : i32
      %dma_start3A_186 = arith.constant 0 : i32
      %dma_start3A_187 = tpu.memref_slice %arg8[%run_scoped3A_168, %dma_start3A_185, %dma_start3A_186] : memref<2x128x128xf32, #tpu.memory_space<vmem>> -> memref<1x128x128xf32, #tpu.memory_space<vmem>>
      %dma_start3A_188 = tpu.memref_squeeze %dma_start3A_187 : memref<1x128x128xf32, #tpu.memory_space<vmem>> -> memref<128x128xf32, #tpu.memory_space<vmem>>
      %dma_start3A_189 = arith.constant 0 : i32
      %dma_start3A_190 = tpu.memref_slice %arg9[%add3A_167, %dma_start3A_189] : memref<10240x128xf32, #tpu.memory_space<vmem_shared>> -> memref<128x128xf32, #tpu.memory_space<vmem_shared>>
      %dma_start3A_191 = arith.constant 0 : i32
      %dma_start3A_192 = arith.constant 0 : i32
      %dma_start3A_193 = tpu.memref_slice %arg8[%run_scoped3A_168, %dma_start3A_191, %dma_start3A_192] : memref<2x128x128xf32, #tpu.memory_space<vmem>> -> memref<1x128x128xf32, #tpu.memory_space<vmem>>
      %dma_start3A_194 = tpu.memref_squeeze %dma_start3A_193 : memref<1x128x128xf32, #tpu.memory_space<vmem>> -> memref<128x128xf32, #tpu.memory_space<vmem>>
      %dma_start3A_195 = arith.constant 0 : i32
      %dma_start3A_196 = tpu.memref_slice %arg9[%add3A_167, %dma_start3A_195] : memref<10240x128xf32, #tpu.memory_space<vmem_shared>> -> memref<128x128xf32, #tpu.memory_space<vmem_shared>>
      tpu.enqueue_dma source(%dma_start3A_196 : memref<128x128xf32, #tpu.memory_space<vmem_shared>>) target(%dma_start3A_194 : memref<128x128xf32, #tpu.memory_space<vmem>>) target_semaphore(%run_scoped3A_184 : memref<!tpu.dma_semaphore, #tpu.memory_space<semaphore_mem>>)
      %dma_wait3A_197 = arith.constant 0 : i32
      %dma_wait3A_198 = arith.constant 0 : i32
      %dma_wait3A_199 = tpu.memref_slice %arg8[%run_scoped3A_168, %dma_wait3A_197, %dma_wait3A_198] : memref<2x128x128xf32, #tpu.memory_space<vmem>> -> memref<1x128x128xf32, #tpu.memory_space<vmem>>
      %dma_wait3A_200 = tpu.memref_squeeze %dma_wait3A_199 : memref<1x128x128xf32, #tpu.memory_space<vmem>> -> memref<128x128xf32, #tpu.memory_space<vmem>>
      %dma_wait3A_201 = arith.constant 0 : i32
      %dma_wait3A_202 = tpu.memref_slice %arg9[%add3A_167, %dma_wait3A_201] : memref<10240x128xf32, #tpu.memory_space<vmem_shared>> -> memref<128x128xf32, #tpu.memory_space<vmem_shared>>
      %dma_wait3A_203 = arith.constant 0 : i32
      %dma_wait3A_204 = arith.constant 0 : i32
      %dma_wait3A_205 = tpu.memref_slice %arg8[%run_scoped3A_168, %dma_wait3A_203, %dma_wait3A_204] : memref<2x128x128xf32, #tpu.memory_space<vmem>> -> memref<1x128x128xf32, #tpu.memory_space<vmem>>
      %dma_wait3A_206 = tpu.memref_squeeze %dma_wait3A_205 : memref<1x128x128xf32, #tpu.memory_space<vmem>> -> memref<128x128xf32, #tpu.memory_space<vmem>>
      %dma_wait3A_207 = arith.constant 0 : i32
      %dma_wait3A_208 = tpu.memref_slice %arg9[%add3A_167, %dma_wait3A_207] : memref<10240x128xf32, #tpu.memory_space<vmem_shared>> -> memref<128x128xf32, #tpu.memory_space<vmem_shared>>
      tpu.wait_dma2 semaphore(%run_scoped3A_184 : memref<!tpu.dma_semaphore, #tpu.memory_space<semaphore_mem>>) src(%dma_wait3A_208 : memref<128x128xf32, #tpu.memory_space<vmem_shared>>) dst(%dma_wait3A_206 : memref<128x128xf32, #tpu.memory_space<vmem>>)
      tpu.yield
    }) : () -> ()
    %add3A_169 = arith.constant 256 : i32
    %add3A_170 = arith.addi %mul3A_2, %add3A_169 : i32
    %run_scoped3A_171 = arith.constant 0 : i32
    "tpu.region"() ({
      %run_scoped3A_184 = tpu.sem_alloc : memref<!tpu.dma_semaphore, #tpu.memory_space<semaphore_mem>>
      %dma_start3A_185 = arith.constant 0 : i32
      %dma_start3A_186 = arith.constant 0 : i32
      %dma_start3A_187 = tpu.memref_slice %arg8[%run_scoped3A_171, %dma_start3A_185, %dma_start3A_186] : memref<2x128x128xf32, #tpu.memory_space<vmem>> -> memref<1x128x128xf32, #tpu.memory_space<vmem>>
      %dma_start3A_188 = tpu.memref_squeeze %dma_start3A_187 : memref<1x128x128xf32, #tpu.memory_space<vmem>> -> memref<128x128xf32, #tpu.memory_space<vmem>>
      %dma_start3A_189 = arith.constant 0 : i32
      %dma_start3A_190 = tpu.memref_slice %arg5[%arg0, %add3A_170, %dma_start3A_189] : memref<2x10240x128xf32, #tpu.memory_space<hbm>> -> memref<1x128x128xf32, #tpu.memory_space<hbm>>
      %dma_start3A_191 = tpu.memref_squeeze %dma_start3A_190 : memref<1x128x128xf32, #tpu.memory_space<hbm>> -> memref<128x128xf32, #tpu.memory_space<hbm>>
      %dma_start3A_192 = arith.constant 0 : i32
      %dma_start3A_193 = tpu.memref_slice %arg5[%arg0, %add3A_170, %dma_start3A_192] : memref<2x10240x128xf32, #tpu.memory_space<hbm>> -> memref<1x128x128xf32, #tpu.memory_space<hbm>>
      %dma_start3A_194 = tpu.memref_squeeze %dma_start3A_193 : memref<1x128x128xf32, #tpu.memory_space<hbm>> -> memref<128x128xf32, #tpu.memory_space<hbm>>
      %dma_start3A_195 = arith.constant 0 : i32
      %dma_start3A_196 = arith.constant 0 : i32
      %dma_start3A_197 = tpu.memref_slice %arg8[%run_scoped3A_171, %dma_start3A_195, %dma_start3A_196] : memref<2x128x128xf32, #tpu.memory_space<vmem>> -> memref<1x128x128xf32, #tpu.memory_space<vmem>>
      %dma_start3A_198 = tpu.memref_squeeze %dma_start3A_197 : memref<1x128x128xf32, #tpu.memory_space<vmem>> -> memref<128x128xf32, #tpu.memory_space<vmem>>
      tpu.enqueue_dma source(%dma_start3A_198 : memref<128x128xf32, #tpu.memory_space<vmem>>) target(%dma_start3A_194 : memref<128x128xf32, #tpu.memory_space<hbm>>) target_semaphore(%run_scoped3A_184 : memref<!tpu.dma_semaphore, #tpu.memory_space<semaphore_mem>>)
      %dma_wait3A_199 = arith.constant 0 : i32
      %dma_wait3A_200 = arith.constant 0 : i32
      %dma_wait3A_201 = tpu.memref_slice %arg8[%run_scoped3A_171, %dma_wait3A_199, %dma_wait3A_200] : memref<2x128x128xf32, #tpu.memory_space<vmem>> -> memref<1x128x128xf32, #tpu.memory_space<vmem>>
      %dma_wait3A_202 = tpu.memref_squeeze %dma_wait3A_201 : memref<1x128x128xf32, #tpu.memory_space<vmem>> -> memref<128x128xf32, #tpu.memory_space<vmem>>
      %dma_wait3A_203 = arith.constant 0 : i32
      %dma_wait3A_204 = tpu.memref_slice %arg5[%arg0, %add3A_170, %dma_wait3A_203] : memref<2x10240x128xf32, #tpu.memory_space<hbm>> -> memref<1x128x128xf32, #tpu.memory_space<hbm>>
      %dma_wait3A_205 = tpu.memref_squeeze %dma_wait3A_204 : memref<1x128x128xf32, #tpu.memory_space<hbm>> -> memref<128x128xf32, #tpu.memory_space<hbm>>
      %dma_wait3A_206 = arith.constant 0 : i32
      %dma_wait3A_207 = tpu.memref_slice %arg5[%arg0, %add3A_170, %dma_wait3A_206] : memref<2x10240x128xf32, #tpu.memory_space<hbm>> -> memref<1x128x128xf32, #tpu.memory_space<hbm>>
      %dma_wait3A_208 = tpu.memref_squeeze %dma_wait3A_207 : memref<1x128x128xf32, #tpu.memory_space<hbm>> -> memref<128x128xf32, #tpu.memory_space<hbm>>
      %dma_wait3A_209 = arith.constant 0 : i32
      %dma_wait3A_210 = arith.constant 0 : i32
      %dma_wait3A_211 = tpu.memref_slice %arg8[%run_scoped3A_171, %dma_wait3A_209, %dma_wait3A_210] : memref<2x128x128xf32, #tpu.memory_space<vmem>> -> memref<1x128x128xf32, #tpu.memory_space<vmem>>
      %dma_wait3A_212 = tpu.memref_squeeze %dma_wait3A_211 : memref<1x128x128xf32, #tpu.memory_space<vmem>> -> memref<128x128xf32, #tpu.memory_space<vmem>>
      tpu.wait_dma2 semaphore(%run_scoped3A_184 : memref<!tpu.dma_semaphore, #tpu.memory_space<semaphore_mem>>) src(%dma_wait3A_212 : memref<128x128xf32, #tpu.memory_space<vmem>>) dst(%dma_wait3A_208 : memref<128x128xf32, #tpu.memory_space<hbm>>)
      tpu.yield
    }) : () -> ()
    %add3A_172 = arith.constant 384 : i32
    %add3A_173 = arith.addi %mul3A_2, %add3A_172 : i32
    %run_scoped3A_174 = arith.constant 0 : i32
    "tpu.region"() ({
      %run_scoped3A_184 = tpu.sem_alloc : memref<!tpu.dma_semaphore, #tpu.memory_space<semaphore_mem>>
      %dma_start3A_185 = arith.constant 0 : i32
      %dma_start3A_186 = arith.constant 0 : i32
      %dma_start3A_187 = tpu.memref_slice %arg8[%run_scoped3A_174, %dma_start3A_185, %dma_start3A_186] : memref<2x128x128xf32, #tpu.memory_space<vmem>> -> memref<1x128x128xf32, #tpu.memory_space<vmem>>
      %dma_start3A_188 = tpu.memref_squeeze %dma_start3A_187 : memref<1x128x128xf32, #tpu.memory_space<vmem>> -> memref<128x128xf32, #tpu.memory_space<vmem>>
      %dma_start3A_189 = arith.constant 0 : i32
      %dma_start3A_190 = tpu.memref_slice %arg9[%add3A_173, %dma_start3A_189] : memref<10240x128xf32, #tpu.memory_space<vmem_shared>> -> memref<128x128xf32, #tpu.memory_space<vmem_shared>>
      %dma_start3A_191 = arith.constant 0 : i32
      %dma_start3A_192 = arith.constant 0 : i32
      %dma_start3A_193 = tpu.memref_slice %arg8[%run_scoped3A_174, %dma_start3A_191, %dma_start3A_192] : memref<2x128x128xf32, #tpu.memory_space<vmem>> -> memref<1x128x128xf32, #tpu.memory_space<vmem>>
      %dma_start3A_194 = tpu.memref_squeeze %dma_start3A_193 : memref<1x128x128xf32, #tpu.memory_space<vmem>> -> memref<128x128xf32, #tpu.memory_space<vmem>>
      %dma_start3A_195 = arith.constant 0 : i32
      %dma_start3A_196 = tpu.memref_slice %arg9[%add3A_173, %dma_start3A_195] : memref<10240x128xf32, #tpu.memory_space<vmem_shared>> -> memref<128x128xf32, #tpu.memory_space<vmem_shared>>
      tpu.enqueue_dma source(%dma_start3A_196 : memref<128x128xf32, #tpu.memory_space<vmem_shared>>) target(%dma_start3A_194 : memref<128x128xf32, #tpu.memory_space<vmem>>) target_semaphore(%run_scoped3A_184 : memref<!tpu.dma_semaphore, #tpu.memory_space<semaphore_mem>>)
      %dma_wait3A_197 = arith.constant 0 : i32
      %dma_wait3A_198 = arith.constant 0 : i32
      %dma_wait3A_199 = tpu.memref_slice %arg8[%run_scoped3A_174, %dma_wait3A_197, %dma_wait3A_198] : memref<2x128x128xf32, #tpu.memory_space<vmem>> -> memref<1x128x128xf32, #tpu.memory_space<vmem>>
      %dma_wait3A_200 = tpu.memref_squeeze %dma_wait3A_199 : memref<1x128x128xf32, #tpu.memory_space<vmem>> -> memref<128x128xf32, #tpu.memory_space<vmem>>
      %dma_wait3A_201 = arith.constant 0 : i32
      %dma_wait3A_202 = tpu.memref_slice %arg9[%add3A_173, %dma_wait3A_201] : memref<10240x128xf32, #tpu.memory_space<vmem_shared>> -> memref<128x128xf32, #tpu.memory_space<vmem_shared>>
      %dma_wait3A_203 = arith.constant 0 : i32
      %dma_wait3A_204 = arith.constant 0 : i32
      %dma_wait3A_205 = tpu.memref_slice %arg8[%run_scoped3A_174, %dma_wait3A_203, %dma_wait3A_204] : memref<2x128x128xf32, #tpu.memory_space<vmem>> -> memref<1x128x128xf32, #tpu.memory_space<vmem>>
      %dma_wait3A_206 = tpu.memref_squeeze %dma_wait3A_205 : memref<1x128x128xf32, #tpu.memory_space<vmem>> -> memref<128x128xf32, #tpu.memory_space<vmem>>
      %dma_wait3A_207 = arith.constant 0 : i32
      %dma_wait3A_208 = tpu.memref_slice %arg9[%add3A_173, %dma_wait3A_207] : memref<10240x128xf32, #tpu.memory_space<vmem_shared>> -> memref<128x128xf32, #tpu.memory_space<vmem_shared>>
      tpu.wait_dma2 semaphore(%run_scoped3A_184 : memref<!tpu.dma_semaphore, #tpu.memory_space<semaphore_mem>>) src(%dma_wait3A_208 : memref<128x128xf32, #tpu.memory_space<vmem_shared>>) dst(%dma_wait3A_206 : memref<128x128xf32, #tpu.memory_space<vmem>>)
      tpu.yield
    }) : () -> ()
    %add3A_175 = arith.constant 384 : i32
    %add3A_176 = arith.addi %mul3A_2, %add3A_175 : i32
    %run_scoped3A_177 = arith.constant 0 : i32
    "tpu.region"() ({
      %run_scoped3A_184 = tpu.sem_alloc : memref<!tpu.dma_semaphore, #tpu.memory_space<semaphore_mem>>
      %dma_start3A_185 = arith.constant 0 : i32
      %dma_start3A_186 = arith.constant 0 : i32
      %dma_start3A_187 = tpu.memref_slice %arg8[%run_scoped3A_177, %dma_start3A_185, %dma_start3A_186] : memref<2x128x128xf32, #tpu.memory_space<vmem>> -> memref<1x128x128xf32, #tpu.memory_space<vmem>>
      %dma_start3A_188 = tpu.memref_squeeze %dma_start3A_187 : memref<1x128x128xf32, #tpu.memory_space<vmem>> -> memref<128x128xf32, #tpu.memory_space<vmem>>
      %dma_start3A_189 = arith.constant 0 : i32
      %dma_start3A_190 = tpu.memref_slice %arg5[%arg0, %add3A_176, %dma_start3A_189] : memref<2x10240x128xf32, #tpu.memory_space<hbm>> -> memref<1x128x128xf32, #tpu.memory_space<hbm>>
      %dma_start3A_191 = tpu.memref_squeeze %dma_start3A_190 : memref<1x128x128xf32, #tpu.memory_space<hbm>> -> memref<128x128xf32, #tpu.memory_space<hbm>>
      %dma_start3A_192 = arith.constant 0 : i32
      %dma_start3A_193 = tpu.memref_slice %arg5[%arg0, %add3A_176, %dma_start3A_192] : memref<2x10240x128xf32, #tpu.memory_space<hbm>> -> memref<1x128x128xf32, #tpu.memory_space<hbm>>
      %dma_start3A_194 = tpu.memref_squeeze %dma_start3A_193 : memref<1x128x128xf32, #tpu.memory_space<hbm>> -> memref<128x128xf32, #tpu.memory_space<hbm>>
      %dma_start3A_195 = arith.constant 0 : i32
      %dma_start3A_196 = arith.constant 0 : i32
      %dma_start3A_197 = tpu.memref_slice %arg8[%run_scoped3A_177, %dma_start3A_195, %dma_start3A_196] : memref<2x128x128xf32, #tpu.memory_space<vmem>> -> memref<1x128x128xf32, #tpu.memory_space<vmem>>
      %dma_start3A_198 = tpu.memref_squeeze %dma_start3A_197 : memref<1x128x128xf32, #tpu.memory_space<vmem>> -> memref<128x128xf32, #tpu.memory_space<vmem>>
      tpu.enqueue_dma source(%dma_start3A_198 : memref<128x128xf32, #tpu.memory_space<vmem>>) target(%dma_start3A_194 : memref<128x128xf32, #tpu.memory_space<hbm>>) target_semaphore(%run_scoped3A_184 : memref<!tpu.dma_semaphore, #tpu.memory_space<semaphore_mem>>)
      %dma_wait3A_199 = arith.constant 0 : i32
      %dma_wait3A_200 = arith.constant 0 : i32
      %dma_wait3A_201 = tpu.memref_slice %arg8[%run_scoped3A_177, %dma_wait3A_199, %dma_wait3A_200] : memref<2x128x128xf32, #tpu.memory_space<vmem>> -> memref<1x128x128xf32, #tpu.memory_space<vmem>>
      %dma_wait3A_202 = tpu.memref_squeeze %dma_wait3A_201 : memref<1x128x128xf32, #tpu.memory_space<vmem>> -> memref<128x128xf32, #tpu.memory_space<vmem>>
      %dma_wait3A_203 = arith.constant 0 : i32
      %dma_wait3A_204 = tpu.memref_slice %arg5[%arg0, %add3A_176, %dma_wait3A_203] : memref<2x10240x128xf32, #tpu.memory_space<hbm>> -> memref<1x128x128xf32, #tpu.memory_space<hbm>>
      %dma_wait3A_205 = tpu.memref_squeeze %dma_wait3A_204 : memref<1x128x128xf32, #tpu.memory_space<hbm>> -> memref<128x128xf32, #tpu.memory_space<hbm>>
      %dma_wait3A_206 = arith.constant 0 : i32
      %dma_wait3A_207 = tpu.memref_slice %arg5[%arg0, %add3A_176, %dma_wait3A_206] : memref<2x10240x128xf32, #tpu.memory_space<hbm>> -> memref<1x128x128xf32, #tpu.memory_space<hbm>>
      %dma_wait3A_208 = tpu.memref_squeeze %dma_wait3A_207 : memref<1x128x128xf32, #tpu.memory_space<hbm>> -> memref<128x128xf32, #tpu.memory_space<hbm>>
      %dma_wait3A_209 = arith.constant 0 : i32
      %dma_wait3A_210 = arith.constant 0 : i32
      %dma_wait3A_211 = tpu.memref_slice %arg8[%run_scoped3A_177, %dma_wait3A_209, %dma_wait3A_210] : memref<2x128x128xf32, #tpu.memory_space<vmem>> -> memref<1x128x128xf32, #tpu.memory_space<vmem>>
      %dma_wait3A_212 = tpu.memref_squeeze %dma_wait3A_211 : memref<1x128x128xf32, #tpu.memory_space<vmem>> -> memref<128x128xf32, #tpu.memory_space<vmem>>
      tpu.wait_dma2 semaphore(%run_scoped3A_184 : memref<!tpu.dma_semaphore, #tpu.memory_space<semaphore_mem>>) src(%dma_wait3A_212 : memref<128x128xf32, #tpu.memory_space<vmem>>) dst(%dma_wait3A_208 : memref<128x128xf32, #tpu.memory_space<hbm>>)
      tpu.yield
    }) : () -> ()
    %add3A_178 = arith.constant 512 : i32
    %add3A_179 = arith.addi %mul3A_2, %add3A_178 : i32
    %run_scoped3A_180 = arith.constant 0 : i32
    "tpu.region"() ({
      %run_scoped3A_184 = tpu.sem_alloc : memref<!tpu.dma_semaphore, #tpu.memory_space<semaphore_mem>>
      %dma_start3A_185 = arith.constant 0 : i32
      %dma_start3A_186 = arith.constant 0 : i32
      %dma_start3A_187 = tpu.memref_slice %arg8[%run_scoped3A_180, %dma_start3A_185, %dma_start3A_186] : memref<2x128x128xf32, #tpu.memory_space<vmem>> -> memref<1x128x128xf32, #tpu.memory_space<vmem>>
      %dma_start3A_188 = tpu.memref_squeeze %dma_start3A_187 : memref<1x128x128xf32, #tpu.memory_space<vmem>> -> memref<128x128xf32, #tpu.memory_space<vmem>>
      %dma_start3A_189 = arith.constant 0 : i32
      %dma_start3A_190 = tpu.memref_slice %arg9[%add3A_179, %dma_start3A_189] : memref<10240x128xf32, #tpu.memory_space<vmem_shared>> -> memref<128x128xf32, #tpu.memory_space<vmem_shared>>
      %dma_start3A_191 = arith.constant 0 : i32
      %dma_start3A_192 = arith.constant 0 : i32
      %dma_start3A_193 = tpu.memref_slice %arg8[%run_scoped3A_180, %dma_start3A_191, %dma_start3A_192] : memref<2x128x128xf32, #tpu.memory_space<vmem>> -> memref<1x128x128xf32, #tpu.memory_space<vmem>>
      %dma_start3A_194 = tpu.memref_squeeze %dma_start3A_193 : memref<1x128x128xf32, #tpu.memory_space<vmem>> -> memref<128x128xf32, #tpu.memory_space<vmem>>
      %dma_start3A_195 = arith.constant 0 : i32
      %dma_start3A_196 = tpu.memref_slice %arg9[%add3A_179, %dma_start3A_195] : memref<10240x128xf32, #tpu.memory_space<vmem_shared>> -> memref<128x128xf32, #tpu.memory_space<vmem_shared>>
      tpu.enqueue_dma source(%dma_start3A_196 : memref<128x128xf32, #tpu.memory_space<vmem_shared>>) target(%dma_start3A_194 : memref<128x128xf32, #tpu.memory_space<vmem>>) target_semaphore(%run_scoped3A_184 : memref<!tpu.dma_semaphore, #tpu.memory_space<semaphore_mem>>)
      %dma_wait3A_197 = arith.constant 0 : i32
      %dma_wait3A_198 = arith.constant 0 : i32
      %dma_wait3A_199 = tpu.memref_slice %arg8[%run_scoped3A_180, %dma_wait3A_197, %dma_wait3A_198] : memref<2x128x128xf32, #tpu.memory_space<vmem>> -> memref<1x128x128xf32, #tpu.memory_space<vmem>>
      %dma_wait3A_200 = tpu.memref_squeeze %dma_wait3A_199 : memref<1x128x128xf32, #tpu.memory_space<vmem>> -> memref<128x128xf32, #tpu.memory_space<vmem>>
      %dma_wait3A_201 = arith.constant 0 : i32
      %dma_wait3A_202 = tpu.memref_slice %arg9[%add3A_179, %dma_wait3A_201] : memref<10240x128xf32, #tpu.memory_space<vmem_shared>> -> memref<128x128xf32, #tpu.memory_space<vmem_shared>>
      %dma_wait3A_203 = arith.constant 0 : i32
      %dma_wait3A_204 = arith.constant 0 : i32
      %dma_wait3A_205 = tpu.memref_slice %arg8[%run_scoped3A_180, %dma_wait3A_203, %dma_wait3A_204] : memref<2x128x128xf32, #tpu.memory_space<vmem>> -> memref<1x128x128xf32, #tpu.memory_space<vmem>>
      %dma_wait3A_206 = tpu.memref_squeeze %dma_wait3A_205 : memref<1x128x128xf32, #tpu.memory_space<vmem>> -> memref<128x128xf32, #tpu.memory_space<vmem>>
      %dma_wait3A_207 = arith.constant 0 : i32
      %dma_wait3A_208 = tpu.memref_slice %arg9[%add3A_179, %dma_wait3A_207] : memref<10240x128xf32, #tpu.memory_space<vmem_shared>> -> memref<128x128xf32, #tpu.memory_space<vmem_shared>>
      tpu.wait_dma2 semaphore(%run_scoped3A_184 : memref<!tpu.dma_semaphore, #tpu.memory_space<semaphore_mem>>) src(%dma_wait3A_208 : memref<128x128xf32, #tpu.memory_space<vmem_shared>>) dst(%dma_wait3A_206 : memref<128x128xf32, #tpu.memory_space<vmem>>)
      tpu.yield
    }) : () -> ()
    %add3A_181 = arith.constant 512 : i32
    %add3A_182 = arith.addi %mul3A_2, %add3A_181 : i32
    %run_scoped3A_183 = arith.constant 0 : i32
    "tpu.region"() ({
      %run_scoped3A_184 = tpu.sem_alloc : memref<!tpu.dma_semaphore, #tpu.memory_space<semaphore_mem>>
      %dma_start3A_185 = arith.constant 0 : i32
      %dma_start3A_186 = arith.constant 0 : i32
      %dma_start3A_187 = tpu.memref_slice %arg8[%run_scoped3A_183, %dma_start3A_185, %dma_start3A_186] : memref<2x128x128xf32, #tpu.memory_space<vmem>> -> memref<1x128x128xf32, #tpu.memory_space<vmem>>
      %dma_start3A_188 = tpu.memref_squeeze %dma_start3A_187 : memref<1x128x128xf32, #tpu.memory_space<vmem>> -> memref<128x128xf32, #tpu.memory_space<vmem>>
      %dma_start3A_189 = arith.constant 0 : i32
      %dma_start3A_190 = tpu.memref_slice %arg5[%arg0, %add3A_182, %dma_start3A_189] : memref<2x10240x128xf32, #tpu.memory_space<hbm>> -> memref<1x128x128xf32, #tpu.memory_space<hbm>>
      %dma_start3A_191 = tpu.memref_squeeze %dma_start3A_190 : memref<1x128x128xf32, #tpu.memory_space<hbm>> -> memref<128x128xf32, #tpu.memory_space<hbm>>
      %dma_start3A_192 = arith.constant 0 : i32
      %dma_start3A_193 = tpu.memref_slice %arg5[%arg0, %add3A_182, %dma_start3A_192] : memref<2x10240x128xf32, #tpu.memory_space<hbm>> -> memref<1x128x128xf32, #tpu.memory_space<hbm>>
      %dma_start3A_194 = tpu.memref_squeeze %dma_start3A_193 : memref<1x128x128xf32, #tpu.memory_space<hbm>> -> memref<128x128xf32, #tpu.memory_space<hbm>>
      %dma_start3A_195 = arith.constant 0 : i32
      %dma_start3A_196 = arith.constant 0 : i32
      %dma_start3A_197 = tpu.memref_slice %arg8[%run_scoped3A_183, %dma_start3A_195, %dma_start3A_196] : memref<2x128x128xf32, #tpu.memory_space<vmem>> -> memref<1x128x128xf32, #tpu.memory_space<vmem>>
      %dma_start3A_198 = tpu.memref_squeeze %dma_start3A_197 : memref<1x128x128xf32, #tpu.memory_space<vmem>> -> memref<128x128xf32, #tpu.memory_space<vmem>>
      tpu.enqueue_dma source(%dma_start3A_198 : memref<128x128xf32, #tpu.memory_space<vmem>>) target(%dma_start3A_194 : memref<128x128xf32, #tpu.memory_space<hbm>>) target_semaphore(%run_scoped3A_184 : memref<!tpu.dma_semaphore, #tpu.memory_space<semaphore_mem>>)
      %dma_wait3A_199 = arith.constant 0 : i32
      %dma_wait3A_200 = arith.constant 0 : i32
      %dma_wait3A_201 = tpu.memref_slice %arg8[%run_scoped3A_183, %dma_wait3A_199, %dma_wait3A_200] : memref<2x128x128xf32, #tpu.memory_space<vmem>> -> memref<1x128x128xf32, #tpu.memory_space<vmem>>
      %dma_wait3A_202 = tpu.memref_squeeze %dma_wait3A_201 : memref<1x128x128xf32, #tpu.memory_space<vmem>> -> memref<128x128xf32, #tpu.memory_space<vmem>>
      %dma_wait3A_203 = arith.constant 0 : i32
      %dma_wait3A_204 = tpu.memref_slice %arg5[%arg0, %add3A_182, %dma_wait3A_203] : memref<2x10240x128xf32, #tpu.memory_space<hbm>> -> memref<1x128x128xf32, #tpu.memory_space<hbm>>
      %dma_wait3A_205 = tpu.memref_squeeze %dma_wait3A_204 : memref<1x128x128xf32, #tpu.memory_space<hbm>> -> memref<128x128xf32, #tpu.memory_space<hbm>>
      %dma_wait3A_206 = arith.constant 0 : i32
      %dma_wait3A_207 = tpu.memref_slice %arg5[%arg0, %add3A_182, %dma_wait3A_206] : memref<2x10240x128xf32, #tpu.memory_space<hbm>> -> memref<1x128x128xf32, #tpu.memory_space<hbm>>
      %dma_wait3A_208 = tpu.memref_squeeze %dma_wait3A_207 : memref<1x128x128xf32, #tpu.memory_space<hbm>> -> memref<128x128xf32, #tpu.memory_space<hbm>>
      %dma_wait3A_209 = arith.constant 0 : i32
      %dma_wait3A_210 = arith.constant 0 : i32
      %dma_wait3A_211 = tpu.memref_slice %arg8[%run_scoped3A_183, %dma_wait3A_209, %dma_wait3A_210] : memref<2x128x128xf32, #tpu.memory_space<vmem>> -> memref<1x128x128xf32, #tpu.memory_space<vmem>>
      %dma_wait3A_212 = tpu.memref_squeeze %dma_wait3A_211 : memref<1x128x128xf32, #tpu.memory_space<vmem>> -> memref<128x128xf32, #tpu.memory_space<vmem>>
      tpu.wait_dma2 semaphore(%run_scoped3A_184 : memref<!tpu.dma_semaphore, #tpu.memory_space<semaphore_mem>>) src(%dma_wait3A_212 : memref<128x128xf32, #tpu.memory_space<vmem>>) dst(%dma_wait3A_208 : memref<128x128xf32, #tpu.memory_space<hbm>>)
      tpu.yield
    }) : () -> ()
    return
  }
}

module attributes {stable_mosaic.version = 14 : i64} {
  func.func @_tc_y_body(%arg0: i32, %arg1: memref<1000x128xf32, #tpu.memory_space<vmem>>, %arg2: memref<128x128xf32, #tpu.memory_space<vmem>>, %arg3: memref<2x1000x16xf32, #tpu.memory_space<vmem>>, %arg4: memref<1000x128xf32, #tpu.memory_space<vmem>>) attributes {dimension_semantics = [#tpu.dimension_semantics<arbitrary>], iteration_bounds = array<i64: 10>, scalar_prefetch = 0 : i64, scratch_operands = 0 : i64, tpu.core_type = #tpu.core_type<tc>, window_params = [{transform_indices = @transform_0, window_bounds = array<i64: 1000, 128>}, {pipeline_mode = #tpu.pipeline_mode<synchronous>, transform_indices = @transform_1, window_bounds = array<i64: 128, 128>}, {transform_indices = @transform_2, window_bounds = array<i64: 2, 1000, 16>}, {transform_indices = @transform_3, window_bounds = array<i64: 1000, 128>}]} {
    %get3A = arith.constant 0 : index
    %get3A_0 = arith.constant 0 : index
    %get3A_1 = arith.constant 0 : index
    %get3A_2 = vector.load %arg3[%get3A, %get3A_0, %get3A_1] : memref<2x1000x16xf32, #tpu.memory_space<vmem>>, vector<1x1000x16xf32>
    %get3A_3 = vector.shape_cast %get3A_2 : vector<1x1000x16xf32> to vector<1000x16xf32>
    %slice3A = vector.extract_strided_slice %get3A_3 {offsets = [0, 0], sizes = [1000, 1], strides = [1, 1]} : vector<1000x16xf32> to vector<1000x1xf32>
    %get3A_4 = arith.constant 1 : index
    %get3A_5 = arith.constant 0 : index
    %get3A_6 = arith.constant 0 : index
    %get3A_7 = vector.load %arg3[%get3A_4, %get3A_5, %get3A_6] : memref<2x1000x16xf32, #tpu.memory_space<vmem>>, vector<1x1000x16xf32>
    %get3A_8 = vector.shape_cast %get3A_7 : vector<1x1000x16xf32> to vector<1000x16xf32>
    %slice3A_9 = vector.extract_strided_slice %get3A_8 {offsets = [0, 0], sizes = [1000, 1], strides = [1, 1]} : vector<1000x16xf32> to vector<1000x1xf32>
    %add3A = arith.addf %slice3A, %slice3A_9 : vector<1000x1xf32>
    %add3A_10 = arith.constant 1.000000e+00 : f32
    %add3A_11 = vector.broadcast %add3A_10 : f32 to vector<1000x1xf32>
    %add3A_12 = arith.addf %add3A, %add3A_11 : vector<1000x1xf32>
    %rsqrt3A = math.rsqrt %add3A_12 : vector<1000x1xf32>
    %get3A_13 = arith.constant 0 : index
    %get3A_14 = arith.constant 0 : index
    %get3A_15 = vector.load %arg1[%get3A_13, %get3A_14] : memref<1000x128xf32, #tpu.memory_space<vmem>>, vector<1000x128xf32>
    %get3A_16 = arith.constant 0 : index
    %get3A_17 = arith.constant 0 : index
    %get3A_18 = vector.load %arg2[%get3A_16, %get3A_17] : memref<128x128xf32, #tpu.memory_space<vmem>>, vector<128x128xf32>
    %dot_general3A = arith.constant dense<0.000000e+00> : vector<1000x128xf32>
    %dot_general3A_19 = tpu.matmul %get3A_15, %get3A_18, %dot_general3A {dimension_numbers = #tpu.dot_dimension_numbers<[1], [0], [0], [1], [0, 0, 1, 1], [], []>, transpose_lhs_hint = false} : vector<1000x128xf32>, vector<128x128xf32>, vector<1000x128xf32> -> vector<1000x128xf32>
    %mul3A = vector.broadcast %rsqrt3A : vector<1000x1xf32> to vector<1000x128xf32>
    %mul3A_20 = arith.mulf %dot_general3A_19, %mul3A : vector<1000x128xf32>
    %swap3A = arith.constant 0 : index
    %swap3A_21 = arith.constant 0 : index
    %swap3A_22 = vector.load %arg4[%swap3A, %swap3A_21] : memref<1000x128xf32, #tpu.memory_space<vmem>>, vector<1000x128xf32>
    tpu.vector_store %arg4[%swap3A, %swap3A_21], %mul3A_20 {strides = array<i32>} : memref<1000x128xf32, #tpu.memory_space<vmem>>, vector<1000x128xf32>,
    return
  }
  func.func @transform_0(%arg0: i32) -> (i32, i32) {
    %c0_i32 = arith.constant 0 : i32
    %c0_i32_0 = arith.constant 0 : i32
    return %arg0, %c0_i32 : i32, i32
  }
  func.func @transform_1(%arg0: i32) -> (i32, i32) {
    %c0_i32 = arith.constant 0 : i32
    %c0_i32_0 = arith.constant 0 : i32
    %c0_i32_1 = arith.constant 0 : i32
    return %c0_i32, %c0_i32_0 : i32, i32
  }
  func.func @transform_2(%arg0: i32) -> (i32, i32, i32) {
    %c0_i32 = arith.constant 0 : i32
    %c0_i32_0 = arith.constant 0 : i32
    %c0_i32_1 = arith.constant 0 : i32
    return %c0_i32, %arg0, %c0_i32_0 : i32, i32, i32
  }
  func.func @transform_3(%arg0: i32) -> (i32, i32) {
    %c0_i32 = arith.constant 0 : i32
    %c0_i32_0 = arith.constant 0 : i32
    return %arg0, %c0_i32 : i32, i32
  }
}

module attributes {stable_mosaic.version = 14 : i64} {
  func.func @_tc_combine_body(%arg0: i32, %arg1: memref<2x1000x128xf32, #tpu.memory_space<vmem>>, %arg2: memref<1000x128xf32, #tpu.memory_space<vmem>>, %arg3: memref<2x1000x16xf32, #tpu.memory_space<vmem>>, %arg4: memref<1x128xf32, #tpu.memory_space<vmem>>, %arg5: memref<128x128xf32, #tpu.memory_space<vmem>>, %arg6: memref<1000x128xf32, #tpu.memory_space<vmem>>) attributes {dimension_semantics = [#tpu.dimension_semantics<arbitrary>], iteration_bounds = array<i64: 10>, scalar_prefetch = 0 : i64, scratch_operands = 0 : i64, tpu.core_type = #tpu.core_type<tc>, window_params = [{transform_indices = @transform_0, window_bounds = array<i64: 2, 1000, 128>}, {transform_indices = @transform_1, window_bounds = array<i64: 1000, 128>}, {transform_indices = @transform_2, window_bounds = array<i64: 2, 1000, 16>}, {pipeline_mode = #tpu.pipeline_mode<synchronous>, transform_indices = @transform_3, window_bounds = array<i64: 1, 128>}, {pipeline_mode = #tpu.pipeline_mode<synchronous>, transform_indices = @transform_4, window_bounds = array<i64: 128, 128>}, {transform_indices = @transform_5, window_bounds = array<i64: 1000, 128>}]} {
    %get3A = arith.constant 0 : index
    %get3A_0 = arith.constant 0 : index
    %get3A_1 = arith.constant 0 : index
    %get3A_2 = vector.load %arg3[%get3A, %get3A_0, %get3A_1] : memref<2x1000x16xf32, #tpu.memory_space<vmem>>, vector<1x1000x16xf32>
    %get3A_3 = vector.shape_cast %get3A_2 : vector<1x1000x16xf32> to vector<1000x16xf32>
    %slice3A = vector.extract_strided_slice %get3A_3 {offsets = [0, 0], sizes = [1000, 1], strides = [1, 1]} : vector<1000x16xf32> to vector<1000x1xf32>
    %get3A_4 = arith.constant 1 : index
    %get3A_5 = arith.constant 0 : index
    %get3A_6 = arith.constant 0 : index
    %get3A_7 = vector.load %arg3[%get3A_4, %get3A_5, %get3A_6] : memref<2x1000x16xf32, #tpu.memory_space<vmem>>, vector<1x1000x16xf32>
    %get3A_8 = vector.shape_cast %get3A_7 : vector<1x1000x16xf32> to vector<1000x16xf32>
    %slice3A_9 = vector.extract_strided_slice %get3A_8 {offsets = [0, 0], sizes = [1000, 1], strides = [1, 1]} : vector<1000x16xf32> to vector<1000x1xf32>
    %add3A = arith.addf %slice3A, %slice3A_9 : vector<1000x1xf32>
    %add3A_10 = arith.constant 1.000000e+00 : f32
    %add3A_11 = vector.broadcast %add3A_10 : f32 to vector<1000x1xf32>
    %add3A_12 = arith.addf %add3A, %add3A_11 : vector<1000x1xf32>
    %rsqrt3A = math.rsqrt %add3A_12 : vector<1000x1xf32>
    %get3A_13 = arith.constant 0 : index
    %get3A_14 = arith.constant 0 : index
    %get3A_15 = arith.constant 0 : index
    %get3A_16 = vector.load %arg1[%get3A_13, %get3A_14, %get3A_15] : memref<2x1000x128xf32, #tpu.memory_space<vmem>>, vector<1x1000x128xf32>
    %get3A_17 = vector.shape_cast %get3A_16 : vector<1x1000x128xf32> to vector<1000x128xf32>
    %get3A_18 = arith.constant 1 : index
    %get3A_19 = arith.constant 0 : index
    %get3A_20 = arith.constant 0 : index
    %get3A_21 = vector.load %arg1[%get3A_18, %get3A_19, %get3A_20] : memref<2x1000x128xf32, #tpu.memory_space<vmem>>, vector<1x1000x128xf32>
    %get3A_22 = vector.shape_cast %get3A_21 : vector<1x1000x128xf32> to vector<1000x128xf32>
    %add3A_23 = arith.addf %get3A_17, %get3A_22 : vector<1000x128xf32>
    %get3A_24 = arith.constant 0 : index
    %get3A_25 = arith.constant 0 : index
    %get3A_26 = vector.load %arg2[%get3A_24, %get3A_25] : memref<1000x128xf32, #tpu.memory_space<vmem>>, vector<1000x128xf32>
    %add3A_27 = arith.addf %add3A_23, %get3A_26 : vector<1000x128xf32>
    %mul3A = vector.broadcast %rsqrt3A : vector<1000x1xf32> to vector<1000x128xf32>
    %mul3A_28 = arith.mulf %mul3A, %add3A_27 : vector<1000x128xf32>
    %get3A_29 = arith.constant 0 : index
    %get3A_30 = arith.constant 0 : index
    %get3A_31 = vector.load %arg4[%get3A_29, %get3A_30] : memref<1x128xf32, #tpu.memory_space<vmem>>, vector<1x128xf32>
    %add3A_32 = vector.broadcast %get3A_31 : vector<1x128xf32> to vector<1000x128xf32>
    %add3A_33 = arith.addf %mul3A_28, %add3A_32 : vector<1000x128xf32>
    %max3A = arith.constant 0.000000e+00 : f32
    %max3A_34 = vector.broadcast %max3A : f32 to vector<1000x128xf32>
    %max3A_35 = arith.maximumf %add3A_33, %max3A_34 : vector<1000x128xf32>
    %get3A_36 = arith.constant 0 : index
    %get3A_37 = arith.constant 0 : index
    %get3A_38 = vector.load %arg5[%get3A_36, %get3A_37] : memref<128x128xf32, #tpu.memory_space<vmem>>, vector<128x128xf32>
    %dot_general3A = arith.constant dense<0.000000e+00> : vector<1000x128xf32>
    %dot_general3A_39 = tpu.matmul %max3A_35, %get3A_38, %dot_general3A {dimension_numbers = #tpu.dot_dimension_numbers<[1], [0], [0], [1], [0, 0, 1, 1], [], []>, transpose_lhs_hint = false} : vector<1000x128xf32>, vector<128x128xf32>, vector<1000x128xf32> -> vector<1000x128xf32>
    %mul3A_40 = vector.broadcast %rsqrt3A : vector<1000x1xf32> to vector<1000x128xf32>
    %mul3A_41 = arith.mulf %dot_general3A_39, %mul3A_40 : vector<1000x128xf32>
    %swap3A = arith.constant 0 : index
    %swap3A_42 = arith.constant 0 : index
    %swap3A_43 = vector.load %arg6[%swap3A, %swap3A_42] : memref<1000x128xf32, #tpu.memory_space<vmem>>, vector<1000x128xf32>
    tpu.vector_store %arg6[%swap3A, %swap3A_42], %mul3A_41 {strides = array<i32>} : memref<1000x128xf32, #tpu.memory_space<vmem>>, vector<1000x128xf32>,
    return
  }
  func.func @transform_0(%arg0: i32) -> (i32, i32, i32) {
    %c0_i32 = arith.constant 0 : i32
    %c0_i32_0 = arith.constant 0 : i32
    %c0_i32_1 = arith.constant 0 : i32
    return %c0_i32, %arg0, %c0_i32_0 : i32, i32, i32
  }
  func.func @transform_1(%arg0: i32) -> (i32, i32) {
    %c0_i32 = arith.constant 0 : i32
    %c0_i32_0 = arith.constant 0 : i32
    return %arg0, %c0_i32 : i32, i32
  }
  func.func @transform_2(%arg0: i32) -> (i32, i32, i32) {
    %c0_i32 = arith.constant 0 : i32
    %c0_i32_0 = arith.constant 0 : i32
    %c0_i32_1 = arith.constant 0 : i32
    return %c0_i32, %arg0, %c0_i32_0 : i32, i32, i32
  }
  func.func @transform_3(%arg0: i32) -> (i32, i32) {
    %c0_i32 = arith.constant 0 : i32
    %c0_i32_0 = arith.constant 0 : i32
    %c0_i32_1 = arith.constant 0 : i32
    return %c0_i32, %c0_i32_0 : i32, i32
  }
  func.func @transform_4(%arg0: i32) -> (i32, i32) {
    %c0_i32 = arith.constant 0 : i32
    %c0_i32_0 = arith.constant 0 : i32
    %c0_i32_1 = arith.constant 0 : i32
    return %c0_i32, %c0_i32_0 : i32, i32
  }
  func.func @transform_5(%arg0: i32) -> (i32, i32) {
    %c0_i32 = arith.constant 0 : i32
    %c0_i32_0 = arith.constant 0 : i32
    return %arg0, %c0_i32 : i32, i32
  }
}

module attributes {stable_mosaic.version = 14 : i64} {
  func.func @_tc_lstm_body(%arg0: i32, %arg1: memref<1000x320xf32, #tpu.memory_space<vmem>>, %arg2: memref<16x256xf32, #tpu.memory_space<vmem>>, %arg3: memref<64x256xf32, #tpu.memory_space<vmem>>, %arg4: memref<1x256xf32, #tpu.memory_space<vmem>>, %arg5: memref<64x256xf32, #tpu.memory_space<vmem>>, %arg6: memref<64x256xf32, #tpu.memory_space<vmem>>, %arg7: memref<1x256xf32, #tpu.memory_space<vmem>>, %arg8: memref<1000x1xf32, #tpu.memory_space<vmem>>, %arg9: memref<1000x1280xf32, #tpu.memory_space<vmem>>) attributes {dimension_semantics = [#tpu.dimension_semantics<arbitrary>], iteration_bounds = array<i64: 10>, scalar_prefetch = 0 : i64, scratch_operands = 1 : i64, tpu.core_type = #tpu.core_type<tc>, window_params = [{transform_indices = @transform_0, window_bounds = array<i64: 1000, 320>}, {pipeline_mode = #tpu.pipeline_mode<synchronous>, transform_indices = @transform_1, window_bounds = array<i64: 16, 256>}, {pipeline_mode = #tpu.pipeline_mode<synchronous>, transform_indices = @transform_2, window_bounds = array<i64: 64, 256>}, {pipeline_mode = #tpu.pipeline_mode<synchronous>, transform_indices = @transform_3, window_bounds = array<i64: 1, 256>}, {pipeline_mode = #tpu.pipeline_mode<synchronous>, transform_indices = @transform_4, window_bounds = array<i64: 64, 256>}, {pipeline_mode = #tpu.pipeline_mode<synchronous>, transform_indices = @transform_5, window_bounds = array<i64: 64, 256>}, {pipeline_mode = #tpu.pipeline_mode<synchronous>, transform_indices = @transform_6, window_bounds = array<i64: 1, 256>}, {transform_indices = @transform_7, window_bounds = array<i64: 1000, 1>}]} {
    %broadcast_in_dim3A = arith.constant 0.000000e+00 : f32
    %broadcast_in_dim3A_0 = vector.broadcast %broadcast_in_dim3A : f32 to vector<1000x64xf32>
    %broadcast_in_dim3A_1 = arith.constant 0.000000e+00 : f32
    %broadcast_in_dim3A_2 = vector.broadcast %broadcast_in_dim3A_1 : f32 to vector<1000x64xf32>
    %get3A = arith.constant 0 : index
    %get3A_3 = arith.constant 0 : index
    %get3A_4 = vector.load %arg4[%get3A, %get3A_3] : memref<1x256xf32, #tpu.memory_space<vmem>>, vector<1x256xf32>
    %get3A_5 = arith.constant 0 : index
    %get3A_6 = arith.constant 0 : index
    %get3A_7 = vector.load %arg2[%get3A_5, %get3A_6] : memref<16x256xf32, #tpu.memory_space<vmem>>, vector<16x256xf32>
    %get3A_8 = arith.constant 0 : index
    %get3A_9 = arith.constant 0 : index
    %get3A_10 = vector.load %arg3[%get3A_8, %get3A_9] : memref<64x256xf32, #tpu.memory_space<vmem>>, vector<64x256xf32>
    %get3A_11 = arith.constant 0 : index
    %get3A_12 = arith.constant 0 : index
    %get3A_13 = vector.load %arg1[%get3A_11, %get3A_12] : memref<1000x320xf32, #tpu.memory_space<vmem>>, vector<1000x16xf32>
    %dot_general3A = arith.constant dense<0.000000e+00> : vector<1000x256xf32>
    %dot_general3A_14 = tpu.matmul %get3A_13, %get3A_7, %dot_general3A {dimension_numbers = #tpu.dot_dimension_numbers<[1], [0], [0], [1], [0, 0, 1, 1], [], []>, transpose_lhs_hint = false} : vector<1000x16xf32>, vector<16x256xf32>, vector<1000x256xf32> -> vector<1000x256xf32>
    %dot_general3A_15 = arith.constant dense<0.000000e+00> : vector<1000x256xf32>
    %dot_general3A_16 = tpu.matmul %broadcast_in_dim3A_0, %get3A_10, %dot_general3A_15 {dimension_numbers = #tpu.dot_dimension_numbers<[1], [0], [0], [1], [0, 0, 1, 1], [], []>, transpose_lhs_hint = false} : vector<1000x64xf32>, vector<64x256xf32>, vector<1000x256xf32> -> vector<1000x256xf32>
    %add3A = arith.addf %dot_general3A_14, %dot_general3A_16 : vector<1000x256xf32>
    %add3A_17 = vector.broadcast %get3A_4 : vector<1x256xf32> to vector<1000x256xf32>
    %add3A_18 = arith.addf %add3A, %add3A_17 : vector<1000x256xf32>
    %slice3A = vector.extract_strided_slice %add3A_18 {offsets = [0, 0], sizes = [1000, 64], strides = [1, 1]} : vector<1000x256xf32> to vector<1000x64xf32>
    %logistic3A = arith.negf %slice3A : vector<1000x64xf32>
    %logistic3A_19 = math.exp %logistic3A : vector<1000x64xf32>
    %logistic3A_20 = arith.constant 1.000000e+00 : f32
    %logistic3A_21 = vector.broadcast %logistic3A_20 : f32 to vector<1000x64xf32>
    %logistic3A_22 = arith.addf %logistic3A_21, %logistic3A_19 : vector<1000x64xf32>
    %logistic3A_23 = arith.divf %logistic3A_21, %logistic3A_22 : vector<1000x64xf32>
    %slice3A_24 = vector.extract_strided_slice %add3A_18 {offsets = [0, 64], sizes = [1000, 64], strides = [1, 1]} : vector<1000x256xf32> to vector<1000x64xf32>
    %logistic3A_25 = arith.negf %slice3A_24 : vector<1000x64xf32>
    %logistic3A_26 = math.exp %logistic3A_25 : vector<1000x64xf32>
    %logistic3A_27 = arith.constant 1.000000e+00 : f32
    %logistic3A_28 = vector.broadcast %logistic3A_27 : f32 to vector<1000x64xf32>
    %logistic3A_29 = arith.addf %logistic3A_28, %logistic3A_26 : vector<1000x64xf32>
    %logistic3A_30 = arith.divf %logistic3A_28, %logistic3A_29 : vector<1000x64xf32>
    %slice3A_31 = vector.extract_strided_slice %add3A_18 {offsets = [0, 128], sizes = [1000, 64], strides = [1, 1]} : vector<1000x256xf32> to vector<1000x64xf32>
    %tanh3A = math.tanh %slice3A_31 : vector<1000x64xf32>
    %slice3A_32 = vector.extract_strided_slice %add3A_18 {offsets = [0, 192], sizes = [1000, 64], strides = [1, 1]} : vector<1000x256xf32> to vector<1000x64xf32>
    %logistic3A_33 = arith.negf %slice3A_32 : vector<1000x64xf32>
    %logistic3A_34 = math.exp %logistic3A_33 : vector<1000x64xf32>
    %logistic3A_35 = arith.constant 1.000000e+00 : f32
    %logistic3A_36 = vector.broadcast %logistic3A_35 : f32 to vector<1000x64xf32>
    %logistic3A_37 = arith.addf %logistic3A_36, %logistic3A_34 : vector<1000x64xf32>
    %logistic3A_38 = arith.divf %logistic3A_36, %logistic3A_37 : vector<1000x64xf32>
    %mul3A = arith.mulf %logistic3A_30, %broadcast_in_dim3A_2 : vector<1000x64xf32>
    %mul3A_39 = arith.mulf %logistic3A_23, %tanh3A : vector<1000x64xf32>
    %add3A_40 = arith.addf %mul3A, %mul3A_39 : vector<1000x64xf32>
    %tanh3A_41 = math.tanh %add3A_40 : vector<1000x64xf32>
    %mul3A_42 = arith.mulf %logistic3A_38, %tanh3A_41 : vector<1000x64xf32>
    %swap3A = arith.constant 0 : index
    %swap3A_43 = arith.constant 0 : index
    %swap3A_44 = vector.load %arg9[%swap3A, %swap3A_43] : memref<1000x1280xf32, #tpu.memory_space<vmem>>, vector<1000x64xf32>
    tpu.vector_store %arg9[%swap3A, %swap3A_43], %mul3A_42 {strides = array<i32>} : memref<1000x1280xf32, #tpu.memory_space<vmem>>, vector<1000x64xf32>,
    %get3A_45 = arith.constant 0 : index
    %get3A_46 = arith.constant 16 : index
    %get3A_47 = vector.load %arg1[%get3A_45, %get3A_46] : memref<1000x320xf32, #tpu.memory_space<vmem>>, vector<1000x16xf32>
    %dot_general3A_48 = arith.constant dense<0.000000e+00> : vector<1000x256xf32>
    %dot_general3A_49 = tpu.matmul %get3A_47, %get3A_7, %dot_general3A_48 {dimension_numbers = #tpu.dot_dimension_numbers<[1], [0], [0], [1], [0, 0, 1, 1], [], []>, transpose_lhs_hint = false} : vector<1000x16xf32>, vector<16x256xf32>, vector<1000x256xf32> -> vector<1000x256xf32>
    %dot_general3A_50 = arith.constant dense<0.000000e+00> : vector<1000x256xf32>
    %dot_general3A_51 = tpu.matmul %mul3A_42, %get3A_10, %dot_general3A_50 {dimension_numbers = #tpu.dot_dimension_numbers<[1], [0], [0], [1], [0, 0, 1, 1], [], []>, transpose_lhs_hint = false} : vector<1000x64xf32>, vector<64x256xf32>, vector<1000x256xf32> -> vector<1000x256xf32>
    %add3A_52 = arith.addf %dot_general3A_49, %dot_general3A_51 : vector<1000x256xf32>
    %add3A_53 = vector.broadcast %get3A_4 : vector<1x256xf32> to vector<1000x256xf32>
    %add3A_54 = arith.addf %add3A_52, %add3A_53 : vector<1000x256xf32>
    %slice3A_55 = vector.extract_strided_slice %add3A_54 {offsets = [0, 0], sizes = [1000, 64], strides = [1, 1]} : vector<1000x256xf32> to vector<1000x64xf32>
    %logistic3A_56 = arith.negf %slice3A_55 : vector<1000x64xf32>
    %logistic3A_57 = math.exp %logistic3A_56 : vector<1000x64xf32>
    %logistic3A_58 = arith.constant 1.000000e+00 : f32
    %logistic3A_59 = vector.broadcast %logistic3A_58 : f32 to vector<1000x64xf32>
    %logistic3A_60 = arith.addf %logistic3A_59, %logistic3A_57 : vector<1000x64xf32>
    %logistic3A_61 = arith.divf %logistic3A_59, %logistic3A_60 : vector<1000x64xf32>
    %slice3A_62 = vector.extract_strided_slice %add3A_54 {offsets = [0, 64], sizes = [1000, 64], strides = [1, 1]} : vector<1000x256xf32> to vector<1000x64xf32>
    %logistic3A_63 = arith.negf %slice3A_62 : vector<1000x64xf32>
    %logistic3A_64 = math.exp %logistic3A_63 : vector<1000x64xf32>
    %logistic3A_65 = arith.constant 1.000000e+00 : f32
    %logistic3A_66 = vector.broadcast %logistic3A_65 : f32 to vector<1000x64xf32>
    %logistic3A_67 = arith.addf %logistic3A_66, %logistic3A_64 : vector<1000x64xf32>
    %logistic3A_68 = arith.divf %logistic3A_66, %logistic3A_67 : vector<1000x64xf32>
    %slice3A_69 = vector.extract_strided_slice %add3A_54 {offsets = [0, 128], sizes = [1000, 64], strides = [1, 1]} : vector<1000x256xf32> to vector<1000x64xf32>
    %tanh3A_70 = math.tanh %slice3A_69 : vector<1000x64xf32>
    %slice3A_71 = vector.extract_strided_slice %add3A_54 {offsets = [0, 192], sizes = [1000, 64], strides = [1, 1]} : vector<1000x256xf32> to vector<1000x64xf32>
    %logistic3A_72 = arith.negf %slice3A_71 : vector<1000x64xf32>
    %logistic3A_73 = math.exp %logistic3A_72 : vector<1000x64xf32>
    %logistic3A_74 = arith.constant 1.000000e+00 : f32
    %logistic3A_75 = vector.broadcast %logistic3A_74 : f32 to vector<1000x64xf32>
    %logistic3A_76 = arith.addf %logistic3A_75, %logistic3A_73 : vector<1000x64xf32>
    %logistic3A_77 = arith.divf %logistic3A_75, %logistic3A_76 : vector<1000x64xf32>
    %mul3A_78 = arith.mulf %logistic3A_68, %add3A_40 : vector<1000x64xf32>
    %mul3A_79 = arith.mulf %logistic3A_61, %tanh3A_70 : vector<1000x64xf32>
    %add3A_80 = arith.addf %mul3A_78, %mul3A_79 : vector<1000x64xf32>
    %tanh3A_81 = math.tanh %add3A_80 : vector<1000x64xf32>
    %mul3A_82 = arith.mulf %logistic3A_77, %tanh3A_81 : vector<1000x64xf32>
    %swap3A_83 = arith.constant 0 : index
    %swap3A_84 = arith.constant 64 : index
    %swap3A_85 = vector.load %arg9[%swap3A_83, %swap3A_84] : memref<1000x1280xf32, #tpu.memory_space<vmem>>, vector<1000x64xf32>
    tpu.vector_store %arg9[%swap3A_83, %swap3A_84], %mul3A_82 {strides = array<i32>} : memref<1000x1280xf32, #tpu.memory_space<vmem>>, vector<1000x64xf32>,
    %get3A_86 = arith.constant 0 : index
    %get3A_87 = arith.constant 32 : index
    %get3A_88 = vector.load %arg1[%get3A_86, %get3A_87] : memref<1000x320xf32, #tpu.memory_space<vmem>>, vector<1000x16xf32>
    %dot_general3A_89 = arith.constant dense<0.000000e+00> : vector<1000x256xf32>
    %dot_general3A_90 = tpu.matmul %get3A_88, %get3A_7, %dot_general3A_89 {dimension_numbers = #tpu.dot_dimension_numbers<[1], [0], [0], [1], [0, 0, 1, 1], [], []>, transpose_lhs_hint = false} : vector<1000x16xf32>, vector<16x256xf32>, vector<1000x256xf32> -> vector<1000x256xf32>
    %dot_general3A_91 = arith.constant dense<0.000000e+00> : vector<1000x256xf32>
    %dot_general3A_92 = tpu.matmul %mul3A_82, %get3A_10, %dot_general3A_91 {dimension_numbers = #tpu.dot_dimension_numbers<[1], [0], [0], [1], [0, 0, 1, 1], [], []>, transpose_lhs_hint = false} : vector<1000x64xf32>, vector<64x256xf32>, vector<1000x256xf32> -> vector<1000x256xf32>
    %add3A_93 = arith.addf %dot_general3A_90, %dot_general3A_92 : vector<1000x256xf32>
    %add3A_94 = vector.broadcast %get3A_4 : vector<1x256xf32> to vector<1000x256xf32>
    %add3A_95 = arith.addf %add3A_93, %add3A_94 : vector<1000x256xf32>
    %slice3A_96 = vector.extract_strided_slice %add3A_95 {offsets = [0, 0], sizes = [1000, 64], strides = [1, 1]} : vector<1000x256xf32> to vector<1000x64xf32>
    %logistic3A_97 = arith.negf %slice3A_96 : vector<1000x64xf32>
    %logistic3A_98 = math.exp %logistic3A_97 : vector<1000x64xf32>
    %logistic3A_99 = arith.constant 1.000000e+00 : f32
    %logistic3A_100 = vector.broadcast %logistic3A_99 : f32 to vector<1000x64xf32>
    %logistic3A_101 = arith.addf %logistic3A_100, %logistic3A_98 : vector<1000x64xf32>
    %logistic3A_102 = arith.divf %logistic3A_100, %logistic3A_101 : vector<1000x64xf32>
    %slice3A_103 = vector.extract_strided_slice %add3A_95 {offsets = [0, 64], sizes = [1000, 64], strides = [1, 1]} : vector<1000x256xf32> to vector<1000x64xf32>
    %logistic3A_104 = arith.negf %slice3A_103 : vector<1000x64xf32>
    %logistic3A_105 = math.exp %logistic3A_104 : vector<1000x64xf32>
    %logistic3A_106 = arith.constant 1.000000e+00 : f32
    %logistic3A_107 = vector.broadcast %logistic3A_106 : f32 to vector<1000x64xf32>
    %logistic3A_108 = arith.addf %logistic3A_107, %logistic3A_105 : vector<1000x64xf32>
    %logistic3A_109 = arith.divf %logistic3A_107, %logistic3A_108 : vector<1000x64xf32>
    %slice3A_110 = vector.extract_strided_slice %add3A_95 {offsets = [0, 128], sizes = [1000, 64], strides = [1, 1]} : vector<1000x256xf32> to vector<1000x64xf32>
    %tanh3A_111 = math.tanh %slice3A_110 : vector<1000x64xf32>
    %slice3A_112 = vector.extract_strided_slice %add3A_95 {offsets = [0, 192], sizes = [1000, 64], strides = [1, 1]} : vector<1000x256xf32> to vector<1000x64xf32>
    %logistic3A_113 = arith.negf %slice3A_112 : vector<1000x64xf32>
    %logistic3A_114 = math.exp %logistic3A_113 : vector<1000x64xf32>
    %logistic3A_115 = arith.constant 1.000000e+00 : f32
    %logistic3A_116 = vector.broadcast %logistic3A_115 : f32 to vector<1000x64xf32>
    %logistic3A_117 = arith.addf %logistic3A_116, %logistic3A_114 : vector<1000x64xf32>
    %logistic3A_118 = arith.divf %logistic3A_116, %logistic3A_117 : vector<1000x64xf32>
    %mul3A_119 = arith.mulf %logistic3A_109, %add3A_80 : vector<1000x64xf32>
    %mul3A_120 = arith.mulf %logistic3A_102, %tanh3A_111 : vector<1000x64xf32>
    %add3A_121 = arith.addf %mul3A_119, %mul3A_120 : vector<1000x64xf32>
    %tanh3A_122 = math.tanh %add3A_121 : vector<1000x64xf32>
    %mul3A_123 = arith.mulf %logistic3A_118, %tanh3A_122 : vector<1000x64xf32>
    %swap3A_124 = arith.constant 0 : index
    %swap3A_125 = arith.constant 128 : index
    %swap3A_126 = vector.load %arg9[%swap3A_124, %swap3A_125] : memref<1000x1280xf32, #tpu.memory_space<vmem>>, vector<1000x64xf32>
    tpu.vector_store %arg9[%swap3A_124, %swap3A_125], %mul3A_123 {strides = array<i32>} : memref<1000x1280xf32, #tpu.memory_space<vmem>>, vector<1000x64xf32>,
    %get3A_127 = arith.constant 0 : index
    %get3A_128 = arith.constant 48 : index
    %get3A_129 = vector.load %arg1[%get3A_127, %get3A_128] : memref<1000x320xf32, #tpu.memory_space<vmem>>, vector<1000x16xf32>
    %dot_general3A_130 = arith.constant dense<0.000000e+00> : vector<1000x256xf32>
    %dot_general3A_131 = tpu.matmul %get3A_129, %get3A_7, %dot_general3A_130 {dimension_numbers = #tpu.dot_dimension_numbers<[1], [0], [0], [1], [0, 0, 1, 1], [], []>, transpose_lhs_hint = false} : vector<1000x16xf32>, vector<16x256xf32>, vector<1000x256xf32> -> vector<1000x256xf32>
    %dot_general3A_132 = arith.constant dense<0.000000e+00> : vector<1000x256xf32>
    %dot_general3A_133 = tpu.matmul %mul3A_123, %get3A_10, %dot_general3A_132 {dimension_numbers = #tpu.dot_dimension_numbers<[1], [0], [0], [1], [0, 0, 1, 1], [], []>, transpose_lhs_hint = false} : vector<1000x64xf32>, vector<64x256xf32>, vector<1000x256xf32> -> vector<1000x256xf32>
    %add3A_134 = arith.addf %dot_general3A_131, %dot_general3A_133 : vector<1000x256xf32>
    %add3A_135 = vector.broadcast %get3A_4 : vector<1x256xf32> to vector<1000x256xf32>
    %add3A_136 = arith.addf %add3A_134, %add3A_135 : vector<1000x256xf32>
    %slice3A_137 = vector.extract_strided_slice %add3A_136 {offsets = [0, 0], sizes = [1000, 64], strides = [1, 1]} : vector<1000x256xf32> to vector<1000x64xf32>
    %logistic3A_138 = arith.negf %slice3A_137 : vector<1000x64xf32>
    %logistic3A_139 = math.exp %logistic3A_138 : vector<1000x64xf32>
    %logistic3A_140 = arith.constant 1.000000e+00 : f32
    %logistic3A_141 = vector.broadcast %logistic3A_140 : f32 to vector<1000x64xf32>
    %logistic3A_142 = arith.addf %logistic3A_141, %logistic3A_139 : vector<1000x64xf32>
    %logistic3A_143 = arith.divf %logistic3A_141, %logistic3A_142 : vector<1000x64xf32>
    %slice3A_144 = vector.extract_strided_slice %add3A_136 {offsets = [0, 64], sizes = [1000, 64], strides = [1, 1]} : vector<1000x256xf32> to vector<1000x64xf32>
    %logistic3A_145 = arith.negf %slice3A_144 : vector<1000x64xf32>
    %logistic3A_146 = math.exp %logistic3A_145 : vector<1000x64xf32>
    %logistic3A_147 = arith.constant 1.000000e+00 : f32
    %logistic3A_148 = vector.broadcast %logistic3A_147 : f32 to vector<1000x64xf32>
    %logistic3A_149 = arith.addf %logistic3A_148, %logistic3A_146 : vector<1000x64xf32>
    %logistic3A_150 = arith.divf %logistic3A_148, %logistic3A_149 : vector<1000x64xf32>
    %slice3A_151 = vector.extract_strided_slice %add3A_136 {offsets = [0, 128], sizes = [1000, 64], strides = [1, 1]} : vector<1000x256xf32> to vector<1000x64xf32>
    %tanh3A_152 = math.tanh %slice3A_151 : vector<1000x64xf32>
    %slice3A_153 = vector.extract_strided_slice %add3A_136 {offsets = [0, 192], sizes = [1000, 64], strides = [1, 1]} : vector<1000x256xf32> to vector<1000x64xf32>
    %logistic3A_154 = arith.negf %slice3A_153 : vector<1000x64xf32>
    %logistic3A_155 = math.exp %logistic3A_154 : vector<1000x64xf32>
    %logistic3A_156 = arith.constant 1.000000e+00 : f32
    %logistic3A_157 = vector.broadcast %logistic3A_156 : f32 to vector<1000x64xf32>
    %logistic3A_158 = arith.addf %logistic3A_157, %logistic3A_155 : vector<1000x64xf32>
    %logistic3A_159 = arith.divf %logistic3A_157, %logistic3A_158 : vector<1000x64xf32>
    %mul3A_160 = arith.mulf %logistic3A_150, %add3A_121 : vector<1000x64xf32>
    %mul3A_161 = arith.mulf %logistic3A_143, %tanh3A_152 : vector<1000x64xf32>
    %add3A_162 = arith.addf %mul3A_160, %mul3A_161 : vector<1000x64xf32>
    %tanh3A_163 = math.tanh %add3A_162 : vector<1000x64xf32>
    %mul3A_164 = arith.mulf %logistic3A_159, %tanh3A_163 : vector<1000x64xf32>
    %swap3A_165 = arith.constant 0 : index
    %swap3A_166 = arith.constant 192 : index
    %swap3A_167 = vector.load %arg9[%swap3A_165, %swap3A_166] : memref<1000x1280xf32, #tpu.memory_space<vmem>>, vector<1000x64xf32>
    tpu.vector_store %arg9[%swap3A_165, %swap3A_166], %mul3A_164 {strides = array<i32>} : memref<1000x1280xf32, #tpu.memory_space<vmem>>, vector<1000x64xf32>,
    %get3A_168 = arith.constant 0 : index
    %get3A_169 = arith.constant 64 : index
    %get3A_170 = vector.load %arg1[%get3A_168, %get3A_169] : memref<1000x320xf32, #tpu.memory_space<vmem>>, vector<1000x16xf32>
    %dot_general3A_171 = arith.constant dense<0.000000e+00> : vector<1000x256xf32>
    %dot_general3A_172 = tpu.matmul %get3A_170, %get3A_7, %dot_general3A_171 {dimension_numbers = #tpu.dot_dimension_numbers<[1], [0], [0], [1], [0, 0, 1, 1], [], []>, transpose_lhs_hint = false} : vector<1000x16xf32>, vector<16x256xf32>, vector<1000x256xf32> -> vector<1000x256xf32>
    %dot_general3A_173 = arith.constant dense<0.000000e+00> : vector<1000x256xf32>
    %dot_general3A_174 = tpu.matmul %mul3A_164, %get3A_10, %dot_general3A_173 {dimension_numbers = #tpu.dot_dimension_numbers<[1], [0], [0], [1], [0, 0, 1, 1], [], []>, transpose_lhs_hint = false} : vector<1000x64xf32>, vector<64x256xf32>, vector<1000x256xf32> -> vector<1000x256xf32>
    %add3A_175 = arith.addf %dot_general3A_172, %dot_general3A_174 : vector<1000x256xf32>
    %add3A_176 = vector.broadcast %get3A_4 : vector<1x256xf32> to vector<1000x256xf32>
    %add3A_177 = arith.addf %add3A_175, %add3A_176 : vector<1000x256xf32>
    %slice3A_178 = vector.extract_strided_slice %add3A_177 {offsets = [0, 0], sizes = [1000, 64], strides = [1, 1]} : vector<1000x256xf32> to vector<1000x64xf32>
    %logistic3A_179 = arith.negf %slice3A_178 : vector<1000x64xf32>
    %logistic3A_180 = math.exp %logistic3A_179 : vector<1000x64xf32>
    %logistic3A_181 = arith.constant 1.000000e+00 : f32
    %logistic3A_182 = vector.broadcast %logistic3A_181 : f32 to vector<1000x64xf32>
    %logistic3A_183 = arith.addf %logistic3A_182, %logistic3A_180 : vector<1000x64xf32>
    %logistic3A_184 = arith.divf %logistic3A_182, %logistic3A_183 : vector<1000x64xf32>
    %slice3A_185 = vector.extract_strided_slice %add3A_177 {offsets = [0, 64], sizes = [1000, 64], strides = [1, 1]} : vector<1000x256xf32> to vector<1000x64xf32>
    %logistic3A_186 = arith.negf %slice3A_185 : vector<1000x64xf32>
    %logistic3A_187 = math.exp %logistic3A_186 : vector<1000x64xf32>
    %logistic3A_188 = arith.constant 1.000000e+00 : f32
    %logistic3A_189 = vector.broadcast %logistic3A_188 : f32 to vector<1000x64xf32>
    %logistic3A_190 = arith.addf %logistic3A_189, %logistic3A_187 : vector<1000x64xf32>
    %logistic3A_191 = arith.divf %logistic3A_189, %logistic3A_190 : vector<1000x64xf32>
    %slice3A_192 = vector.extract_strided_slice %add3A_177 {offsets = [0, 128], sizes = [1000, 64], strides = [1, 1]} : vector<1000x256xf32> to vector<1000x64xf32>
    %tanh3A_193 = math.tanh %slice3A_192 : vector<1000x64xf32>
    %slice3A_194 = vector.extract_strided_slice %add3A_177 {offsets = [0, 192], sizes = [1000, 64], strides = [1, 1]} : vector<1000x256xf32> to vector<1000x64xf32>
    %logistic3A_195 = arith.negf %slice3A_194 : vector<1000x64xf32>
    %logistic3A_196 = math.exp %logistic3A_195 : vector<1000x64xf32>
    %logistic3A_197 = arith.constant 1.000000e+00 : f32
    %logistic3A_198 = vector.broadcast %logistic3A_197 : f32 to vector<1000x64xf32>
    %logistic3A_199 = arith.addf %logistic3A_198, %logistic3A_196 : vector<1000x64xf32>
    %logistic3A_200 = arith.divf %logistic3A_198, %logistic3A_199 : vector<1000x64xf32>
    %mul3A_201 = arith.mulf %logistic3A_191, %add3A_162 : vector<1000x64xf32>
    %mul3A_202 = arith.mulf %logistic3A_184, %tanh3A_193 : vector<1000x64xf32>
    %add3A_203 = arith.addf %mul3A_201, %mul3A_202 : vector<1000x64xf32>
    %tanh3A_204 = math.tanh %add3A_203 : vector<1000x64xf32>
    %mul3A_205 = arith.mulf %logistic3A_200, %tanh3A_204 : vector<1000x64xf32>
    %swap3A_206 = arith.constant 0 : index
    %swap3A_207 = arith.constant 256 : index
    %swap3A_208 = vector.load %arg9[%swap3A_206, %swap3A_207] : memref<1000x1280xf32, #tpu.memory_space<vmem>>, vector<1000x64xf32>
    tpu.vector_store %arg9[%swap3A_206, %swap3A_207], %mul3A_205 {strides = array<i32>} : memref<1000x1280xf32, #tpu.memory_space<vmem>>, vector<1000x64xf32>,
    %get3A_209 = arith.constant 0 : index
    %get3A_210 = arith.constant 80 : index
    %get3A_211 = vector.load %arg1[%get3A_209, %get3A_210] : memref<1000x320xf32, #tpu.memory_space<vmem>>, vector<1000x16xf32>
    %dot_general3A_212 = arith.constant dense<0.000000e+00> : vector<1000x256xf32>
    %dot_general3A_213 = tpu.matmul %get3A_211, %get3A_7, %dot_general3A_212 {dimension_numbers = #tpu.dot_dimension_numbers<[1], [0], [0], [1], [0, 0, 1, 1], [], []>, transpose_lhs_hint = false} : vector<1000x16xf32>, vector<16x256xf32>, vector<1000x256xf32> -> vector<1000x256xf32>
    %dot_general3A_214 = arith.constant dense<0.000000e+00> : vector<1000x256xf32>
    %dot_general3A_215 = tpu.matmul %mul3A_205, %get3A_10, %dot_general3A_214 {dimension_numbers = #tpu.dot_dimension_numbers<[1], [0], [0], [1], [0, 0, 1, 1], [], []>, transpose_lhs_hint = false} : vector<1000x64xf32>, vector<64x256xf32>, vector<1000x256xf32> -> vector<1000x256xf32>
    %add3A_216 = arith.addf %dot_general3A_213, %dot_general3A_215 : vector<1000x256xf32>
    %add3A_217 = vector.broadcast %get3A_4 : vector<1x256xf32> to vector<1000x256xf32>
    %add3A_218 = arith.addf %add3A_216, %add3A_217 : vector<1000x256xf32>
    %slice3A_219 = vector.extract_strided_slice %add3A_218 {offsets = [0, 0], sizes = [1000, 64], strides = [1, 1]} : vector<1000x256xf32> to vector<1000x64xf32>
    %logistic3A_220 = arith.negf %slice3A_219 : vector<1000x64xf32>
    %logistic3A_221 = math.exp %logistic3A_220 : vector<1000x64xf32>
    %logistic3A_222 = arith.constant 1.000000e+00 : f32
    %logistic3A_223 = vector.broadcast %logistic3A_222 : f32 to vector<1000x64xf32>
    %logistic3A_224 = arith.addf %logistic3A_223, %logistic3A_221 : vector<1000x64xf32>
    %logistic3A_225 = arith.divf %logistic3A_223, %logistic3A_224 : vector<1000x64xf32>
    %slice3A_226 = vector.extract_strided_slice %add3A_218 {offsets = [0, 64], sizes = [1000, 64], strides = [1, 1]} : vector<1000x256xf32> to vector<1000x64xf32>
    %logistic3A_227 = arith.negf %slice3A_226 : vector<1000x64xf32>
    %logistic3A_228 = math.exp %logistic3A_227 : vector<1000x64xf32>
    %logistic3A_229 = arith.constant 1.000000e+00 : f32
    %logistic3A_230 = vector.broadcast %logistic3A_229 : f32 to vector<1000x64xf32>
    %logistic3A_231 = arith.addf %logistic3A_230, %logistic3A_228 : vector<1000x64xf32>
    %logistic3A_232 = arith.divf %logistic3A_230, %logistic3A_231 : vector<1000x64xf32>
    %slice3A_233 = vector.extract_strided_slice %add3A_218 {offsets = [0, 128], sizes = [1000, 64], strides = [1, 1]} : vector<1000x256xf32> to vector<1000x64xf32>
    %tanh3A_234 = math.tanh %slice3A_233 : vector<1000x64xf32>
    %slice3A_235 = vector.extract_strided_slice %add3A_218 {offsets = [0, 192], sizes = [1000, 64], strides = [1, 1]} : vector<1000x256xf32> to vector<1000x64xf32>
    %logistic3A_236 = arith.negf %slice3A_235 : vector<1000x64xf32>
    %logistic3A_237 = math.exp %logistic3A_236 : vector<1000x64xf32>
    %logistic3A_238 = arith.constant 1.000000e+00 : f32
    %logistic3A_239 = vector.broadcast %logistic3A_238 : f32 to vector<1000x64xf32>
    %logistic3A_240 = arith.addf %logistic3A_239, %logistic3A_237 : vector<1000x64xf32>
    %logistic3A_241 = arith.divf %logistic3A_239, %logistic3A_240 : vector<1000x64xf32>
    %mul3A_242 = arith.mulf %logistic3A_232, %add3A_203 : vector<1000x64xf32>
    %mul3A_243 = arith.mulf %logistic3A_225, %tanh3A_234 : vector<1000x64xf32>
    %add3A_244 = arith.addf %mul3A_242, %mul3A_243 : vector<1000x64xf32>
    %tanh3A_245 = math.tanh %add3A_244 : vector<1000x64xf32>
    %mul3A_246 = arith.mulf %logistic3A_241, %tanh3A_245 : vector<1000x64xf32>
    %swap3A_247 = arith.constant 0 : index
    %swap3A_248 = arith.constant 320 : index
    %swap3A_249 = vector.load %arg9[%swap3A_247, %swap3A_248] : memref<1000x1280xf32, #tpu.memory_space<vmem>>, vector<1000x64xf32>
    tpu.vector_store %arg9[%swap3A_247, %swap3A_248], %mul3A_246 {strides = array<i32>} : memref<1000x1280xf32, #tpu.memory_space<vmem>>, vector<1000x64xf32>,
    %get3A_250 = arith.constant 0 : index
    %get3A_251 = arith.constant 96 : index
    %get3A_252 = vector.load %arg1[%get3A_250, %get3A_251] : memref<1000x320xf32, #tpu.memory_space<vmem>>, vector<1000x16xf32>
    %dot_general3A_253 = arith.constant dense<0.000000e+00> : vector<1000x256xf32>
    %dot_general3A_254 = tpu.matmul %get3A_252, %get3A_7, %dot_general3A_253 {dimension_numbers = #tpu.dot_dimension_numbers<[1], [0], [0], [1], [0, 0, 1, 1], [], []>, transpose_lhs_hint = false} : vector<1000x16xf32>, vector<16x256xf32>, vector<1000x256xf32> -> vector<1000x256xf32>
    %dot_general3A_255 = arith.constant dense<0.000000e+00> : vector<1000x256xf32>
    %dot_general3A_256 = tpu.matmul %mul3A_246, %get3A_10, %dot_general3A_255 {dimension_numbers = #tpu.dot_dimension_numbers<[1], [0], [0], [1], [0, 0, 1, 1], [], []>, transpose_lhs_hint = false} : vector<1000x64xf32>, vector<64x256xf32>, vector<1000x256xf32> -> vector<1000x256xf32>
    %add3A_257 = arith.addf %dot_general3A_254, %dot_general3A_256 : vector<1000x256xf32>
    %add3A_258 = vector.broadcast %get3A_4 : vector<1x256xf32> to vector<1000x256xf32>
    %add3A_259 = arith.addf %add3A_257, %add3A_258 : vector<1000x256xf32>
    %slice3A_260 = vector.extract_strided_slice %add3A_259 {offsets = [0, 0], sizes = [1000, 64], strides = [1, 1]} : vector<1000x256xf32> to vector<1000x64xf32>
    %logistic3A_261 = arith.negf %slice3A_260 : vector<1000x64xf32>
    %logistic3A_262 = math.exp %logistic3A_261 : vector<1000x64xf32>
    %logistic3A_263 = arith.constant 1.000000e+00 : f32
    %logistic3A_264 = vector.broadcast %logistic3A_263 : f32 to vector<1000x64xf32>
    %logistic3A_265 = arith.addf %logistic3A_264, %logistic3A_262 : vector<1000x64xf32>
    %logistic3A_266 = arith.divf %logistic3A_264, %logistic3A_265 : vector<1000x64xf32>
    %slice3A_267 = vector.extract_strided_slice %add3A_259 {offsets = [0, 64], sizes = [1000, 64], strides = [1, 1]} : vector<1000x256xf32> to vector<1000x64xf32>
    %logistic3A_268 = arith.negf %slice3A_267 : vector<1000x64xf32>
    %logistic3A_269 = math.exp %logistic3A_268 : vector<1000x64xf32>
    %logistic3A_270 = arith.constant 1.000000e+00 : f32
    %logistic3A_271 = vector.broadcast %logistic3A_270 : f32 to vector<1000x64xf32>
    %logistic3A_272 = arith.addf %logistic3A_271, %logistic3A_269 : vector<1000x64xf32>
    %logistic3A_273 = arith.divf %logistic3A_271, %logistic3A_272 : vector<1000x64xf32>
    %slice3A_274 = vector.extract_strided_slice %add3A_259 {offsets = [0, 128], sizes = [1000, 64], strides = [1, 1]} : vector<1000x256xf32> to vector<1000x64xf32>
    %tanh3A_275 = math.tanh %slice3A_274 : vector<1000x64xf32>
    %slice3A_276 = vector.extract_strided_slice %add3A_259 {offsets = [0, 192], sizes = [1000, 64], strides = [1, 1]} : vector<1000x256xf32> to vector<1000x64xf32>
    %logistic3A_277 = arith.negf %slice3A_276 : vector<1000x64xf32>
    %logistic3A_278 = math.exp %logistic3A_277 : vector<1000x64xf32>
    %logistic3A_279 = arith.constant 1.000000e+00 : f32
    %logistic3A_280 = vector.broadcast %logistic3A_279 : f32 to vector<1000x64xf32>
    %logistic3A_281 = arith.addf %logistic3A_280, %logistic3A_278 : vector<1000x64xf32>
    %logistic3A_282 = arith.divf %logistic3A_280, %logistic3A_281 : vector<1000x64xf32>
    %mul3A_283 = arith.mulf %logistic3A_273, %add3A_244 : vector<1000x64xf32>
    %mul3A_284 = arith.mulf %logistic3A_266, %tanh3A_275 : vector<1000x64xf32>
    %add3A_285 = arith.addf %mul3A_283, %mul3A_284 : vector<1000x64xf32>
    %tanh3A_286 = math.tanh %add3A_285 : vector<1000x64xf32>
    %mul3A_287 = arith.mulf %logistic3A_282, %tanh3A_286 : vector<1000x64xf32>
    %swap3A_288 = arith.constant 0 : index
    %swap3A_289 = arith.constant 384 : index
    %swap3A_290 = vector.load %arg9[%swap3A_288, %swap3A_289] : memref<1000x1280xf32, #tpu.memory_space<vmem>>, vector<1000x64xf32>
    tpu.vector_store %arg9[%swap3A_288, %swap3A_289], %mul3A_287 {strides = array<i32>} : memref<1000x1280xf32, #tpu.memory_space<vmem>>, vector<1000x64xf32>,
    %get3A_291 = arith.constant 0 : index
    %get3A_292 = arith.constant 112 : index
    %get3A_293 = vector.load %arg1[%get3A_291, %get3A_292] : memref<1000x320xf32, #tpu.memory_space<vmem>>, vector<1000x16xf32>
    %dot_general3A_294 = arith.constant dense<0.000000e+00> : vector<1000x256xf32>
    %dot_general3A_295 = tpu.matmul %get3A_293, %get3A_7, %dot_general3A_294 {dimension_numbers = #tpu.dot_dimension_numbers<[1], [0], [0], [1], [0, 0, 1, 1], [], []>, transpose_lhs_hint = false} : vector<1000x16xf32>, vector<16x256xf32>, vector<1000x256xf32> -> vector<1000x256xf32>
    %dot_general3A_296 = arith.constant dense<0.000000e+00> : vector<1000x256xf32>
    %dot_general3A_297 = tpu.matmul %mul3A_287, %get3A_10, %dot_general3A_296 {dimension_numbers = #tpu.dot_dimension_numbers<[1], [0], [0], [1], [0, 0, 1, 1], [], []>, transpose_lhs_hint = false} : vector<1000x64xf32>, vector<64x256xf32>, vector<1000x256xf32> -> vector<1000x256xf32>
    %add3A_298 = arith.addf %dot_general3A_295, %dot_general3A_297 : vector<1000x256xf32>
    %add3A_299 = vector.broadcast %get3A_4 : vector<1x256xf32> to vector<1000x256xf32>
    %add3A_300 = arith.addf %add3A_298, %add3A_299 : vector<1000x256xf32>
    %slice3A_301 = vector.extract_strided_slice %add3A_300 {offsets = [0, 0], sizes = [1000, 64], strides = [1, 1]} : vector<1000x256xf32> to vector<1000x64xf32>
    %logistic3A_302 = arith.negf %slice3A_301 : vector<1000x64xf32>
    %logistic3A_303 = math.exp %logistic3A_302 : vector<1000x64xf32>
    %logistic3A_304 = arith.constant 1.000000e+00 : f32
    %logistic3A_305 = vector.broadcast %logistic3A_304 : f32 to vector<1000x64xf32>
    %logistic3A_306 = arith.addf %logistic3A_305, %logistic3A_303 : vector<1000x64xf32>
    %logistic3A_307 = arith.divf %logistic3A_305, %logistic3A_306 : vector<1000x64xf32>
    %slice3A_308 = vector.extract_strided_slice %add3A_300 {offsets = [0, 64], sizes = [1000, 64], strides = [1, 1]} : vector<1000x256xf32> to vector<1000x64xf32>
    %logistic3A_309 = arith.negf %slice3A_308 : vector<1000x64xf32>
    %logistic3A_310 = math.exp %logistic3A_309 : vector<1000x64xf32>
    %logistic3A_311 = arith.constant 1.000000e+00 : f32
    %logistic3A_312 = vector.broadcast %logistic3A_311 : f32 to vector<1000x64xf32>
    %logistic3A_313 = arith.addf %logistic3A_312, %logistic3A_310 : vector<1000x64xf32>
    %logistic3A_314 = arith.divf %logistic3A_312, %logistic3A_313 : vector<1000x64xf32>
    %slice3A_315 = vector.extract_strided_slice %add3A_300 {offsets = [0, 128], sizes = [1000, 64], strides = [1, 1]} : vector<1000x256xf32> to vector<1000x64xf32>
    %tanh3A_316 = math.tanh %slice3A_315 : vector<1000x64xf32>
    %slice3A_317 = vector.extract_strided_slice %add3A_300 {offsets = [0, 192], sizes = [1000, 64], strides = [1, 1]} : vector<1000x256xf32> to vector<1000x64xf32>
    %logistic3A_318 = arith.negf %slice3A_317 : vector<1000x64xf32>
    %logistic3A_319 = math.exp %logistic3A_318 : vector<1000x64xf32>
    %logistic3A_320 = arith.constant 1.000000e+00 : f32
    %logistic3A_321 = vector.broadcast %logistic3A_320 : f32 to vector<1000x64xf32>
    %logistic3A_322 = arith.addf %logistic3A_321, %logistic3A_319 : vector<1000x64xf32>
    %logistic3A_323 = arith.divf %logistic3A_321, %logistic3A_322 : vector<1000x64xf32>
    %mul3A_324 = arith.mulf %logistic3A_314, %add3A_285 : vector<1000x64xf32>
    %mul3A_325 = arith.mulf %logistic3A_307, %tanh3A_316 : vector<1000x64xf32>
    %add3A_326 = arith.addf %mul3A_324, %mul3A_325 : vector<1000x64xf32>
    %tanh3A_327 = math.tanh %add3A_326 : vector<1000x64xf32>
    %mul3A_328 = arith.mulf %logistic3A_323, %tanh3A_327 : vector<1000x64xf32>
    %swap3A_329 = arith.constant 0 : index
    %swap3A_330 = arith.constant 448 : index
    %swap3A_331 = vector.load %arg9[%swap3A_329, %swap3A_330] : memref<1000x1280xf32, #tpu.memory_space<vmem>>, vector<1000x64xf32>
    tpu.vector_store %arg9[%swap3A_329, %swap3A_330], %mul3A_328 {strides = array<i32>} : memref<1000x1280xf32, #tpu.memory_space<vmem>>, vector<1000x64xf32>,
    %get3A_332 = arith.constant 0 : index
    %get3A_333 = arith.constant 128 : index
    %get3A_334 = vector.load %arg1[%get3A_332, %get3A_333] : memref<1000x320xf32, #tpu.memory_space<vmem>>, vector<1000x16xf32>
    %dot_general3A_335 = arith.constant dense<0.000000e+00> : vector<1000x256xf32>
    %dot_general3A_336 = tpu.matmul %get3A_334, %get3A_7, %dot_general3A_335 {dimension_numbers = #tpu.dot_dimension_numbers<[1], [0], [0], [1], [0, 0, 1, 1], [], []>, transpose_lhs_hint = false} : vector<1000x16xf32>, vector<16x256xf32>, vector<1000x256xf32> -> vector<1000x256xf32>
    %dot_general3A_337 = arith.constant dense<0.000000e+00> : vector<1000x256xf32>
    %dot_general3A_338 = tpu.matmul %mul3A_328, %get3A_10, %dot_general3A_337 {dimension_numbers = #tpu.dot_dimension_numbers<[1], [0], [0], [1], [0, 0, 1, 1], [], []>, transpose_lhs_hint = false} : vector<1000x64xf32>, vector<64x256xf32>, vector<1000x256xf32> -> vector<1000x256xf32>
    %add3A_339 = arith.addf %dot_general3A_336, %dot_general3A_338 : vector<1000x256xf32>
    %add3A_340 = vector.broadcast %get3A_4 : vector<1x256xf32> to vector<1000x256xf32>
    %add3A_341 = arith.addf %add3A_339, %add3A_340 : vector<1000x256xf32>
    %slice3A_342 = vector.extract_strided_slice %add3A_341 {offsets = [0, 0], sizes = [1000, 64], strides = [1, 1]} : vector<1000x256xf32> to vector<1000x64xf32>
    %logistic3A_343 = arith.negf %slice3A_342 : vector<1000x64xf32>
    %logistic3A_344 = math.exp %logistic3A_343 : vector<1000x64xf32>
    %logistic3A_345 = arith.constant 1.000000e+00 : f32
    %logistic3A_346 = vector.broadcast %logistic3A_345 : f32 to vector<1000x64xf32>
    %logistic3A_347 = arith.addf %logistic3A_346, %logistic3A_344 : vector<1000x64xf32>
    %logistic3A_348 = arith.divf %logistic3A_346, %logistic3A_347 : vector<1000x64xf32>
    %slice3A_349 = vector.extract_strided_slice %add3A_341 {offsets = [0, 64], sizes = [1000, 64], strides = [1, 1]} : vector<1000x256xf32> to vector<1000x64xf32>
    %logistic3A_350 = arith.negf %slice3A_349 : vector<1000x64xf32>
    %logistic3A_351 = math.exp %logistic3A_350 : vector<1000x64xf32>
    %logistic3A_352 = arith.constant 1.000000e+00 : f32
    %logistic3A_353 = vector.broadcast %logistic3A_352 : f32 to vector<1000x64xf32>
    %logistic3A_354 = arith.addf %logistic3A_353, %logistic3A_351 : vector<1000x64xf32>
    %logistic3A_355 = arith.divf %logistic3A_353, %logistic3A_354 : vector<1000x64xf32>
    %slice3A_356 = vector.extract_strided_slice %add3A_341 {offsets = [0, 128], sizes = [1000, 64], strides = [1, 1]} : vector<1000x256xf32> to vector<1000x64xf32>
    %tanh3A_357 = math.tanh %slice3A_356 : vector<1000x64xf32>
    %slice3A_358 = vector.extract_strided_slice %add3A_341 {offsets = [0, 192], sizes = [1000, 64], strides = [1, 1]} : vector<1000x256xf32> to vector<1000x64xf32>
    %logistic3A_359 = arith.negf %slice3A_358 : vector<1000x64xf32>
    %logistic3A_360 = math.exp %logistic3A_359 : vector<1000x64xf32>
    %logistic3A_361 = arith.constant 1.000000e+00 : f32
    %logistic3A_362 = vector.broadcast %logistic3A_361 : f32 to vector<1000x64xf32>
    %logistic3A_363 = arith.addf %logistic3A_362, %logistic3A_360 : vector<1000x64xf32>
    %logistic3A_364 = arith.divf %logistic3A_362, %logistic3A_363 : vector<1000x64xf32>
    %mul3A_365 = arith.mulf %logistic3A_355, %add3A_326 : vector<1000x64xf32>
    %mul3A_366 = arith.mulf %logistic3A_348, %tanh3A_357 : vector<1000x64xf32>
    %add3A_367 = arith.addf %mul3A_365, %mul3A_366 : vector<1000x64xf32>
    %tanh3A_368 = math.tanh %add3A_367 : vector<1000x64xf32>
    %mul3A_369 = arith.mulf %logistic3A_364, %tanh3A_368 : vector<1000x64xf32>
    %swap3A_370 = arith.constant 0 : index
    %swap3A_371 = arith.constant 512 : index
    %swap3A_372 = vector.load %arg9[%swap3A_370, %swap3A_371] : memref<1000x1280xf32, #tpu.memory_space<vmem>>, vector<1000x64xf32>
    tpu.vector_store %arg9[%swap3A_370, %swap3A_371], %mul3A_369 {strides = array<i32>} : memref<1000x1280xf32, #tpu.memory_space<vmem>>, vector<1000x64xf32>,
    %get3A_373 = arith.constant 0 : index
    %get3A_374 = arith.constant 144 : index
    %get3A_375 = vector.load %arg1[%get3A_373, %get3A_374] : memref<1000x320xf32, #tpu.memory_space<vmem>>, vector<1000x16xf32>
    %dot_general3A_376 = arith.constant dense<0.000000e+00> : vector<1000x256xf32>
    %dot_general3A_377 = tpu.matmul %get3A_375, %get3A_7, %dot_general3A_376 {dimension_numbers = #tpu.dot_dimension_numbers<[1], [0], [0], [1], [0, 0, 1, 1], [], []>, transpose_lhs_hint = false} : vector<1000x16xf32>, vector<16x256xf32>, vector<1000x256xf32> -> vector<1000x256xf32>
    %dot_general3A_378 = arith.constant dense<0.000000e+00> : vector<1000x256xf32>
    %dot_general3A_379 = tpu.matmul %mul3A_369, %get3A_10, %dot_general3A_378 {dimension_numbers = #tpu.dot_dimension_numbers<[1], [0], [0], [1], [0, 0, 1, 1], [], []>, transpose_lhs_hint = false} : vector<1000x64xf32>, vector<64x256xf32>, vector<1000x256xf32> -> vector<1000x256xf32>
    %add3A_380 = arith.addf %dot_general3A_377, %dot_general3A_379 : vector<1000x256xf32>
    %add3A_381 = vector.broadcast %get3A_4 : vector<1x256xf32> to vector<1000x256xf32>
    %add3A_382 = arith.addf %add3A_380, %add3A_381 : vector<1000x256xf32>
    %slice3A_383 = vector.extract_strided_slice %add3A_382 {offsets = [0, 0], sizes = [1000, 64], strides = [1, 1]} : vector<1000x256xf32> to vector<1000x64xf32>
    %logistic3A_384 = arith.negf %slice3A_383 : vector<1000x64xf32>
    %logistic3A_385 = math.exp %logistic3A_384 : vector<1000x64xf32>
    %logistic3A_386 = arith.constant 1.000000e+00 : f32
    %logistic3A_387 = vector.broadcast %logistic3A_386 : f32 to vector<1000x64xf32>
    %logistic3A_388 = arith.addf %logistic3A_387, %logistic3A_385 : vector<1000x64xf32>
    %logistic3A_389 = arith.divf %logistic3A_387, %logistic3A_388 : vector<1000x64xf32>
    %slice3A_390 = vector.extract_strided_slice %add3A_382 {offsets = [0, 64], sizes = [1000, 64], strides = [1, 1]} : vector<1000x256xf32> to vector<1000x64xf32>
    %logistic3A_391 = arith.negf %slice3A_390 : vector<1000x64xf32>
    %logistic3A_392 = math.exp %logistic3A_391 : vector<1000x64xf32>
    %logistic3A_393 = arith.constant 1.000000e+00 : f32
    %logistic3A_394 = vector.broadcast %logistic3A_393 : f32 to vector<1000x64xf32>
    %logistic3A_395 = arith.addf %logistic3A_394, %logistic3A_392 : vector<1000x64xf32>
    %logistic3A_396 = arith.divf %logistic3A_394, %logistic3A_395 : vector<1000x64xf32>
    %slice3A_397 = vector.extract_strided_slice %add3A_382 {offsets = [0, 128], sizes = [1000, 64], strides = [1, 1]} : vector<1000x256xf32> to vector<1000x64xf32>
    %tanh3A_398 = math.tanh %slice3A_397 : vector<1000x64xf32>
    %slice3A_399 = vector.extract_strided_slice %add3A_382 {offsets = [0, 192], sizes = [1000, 64], strides = [1, 1]} : vector<1000x256xf32> to vector<1000x64xf32>
    %logistic3A_400 = arith.negf %slice3A_399 : vector<1000x64xf32>
    %logistic3A_401 = math.exp %logistic3A_400 : vector<1000x64xf32>
    %logistic3A_402 = arith.constant 1.000000e+00 : f32
    %logistic3A_403 = vector.broadcast %logistic3A_402 : f32 to vector<1000x64xf32>
    %logistic3A_404 = arith.addf %logistic3A_403, %logistic3A_401 : vector<1000x64xf32>
    %logistic3A_405 = arith.divf %logistic3A_403, %logistic3A_404 : vector<1000x64xf32>
    %mul3A_406 = arith.mulf %logistic3A_396, %add3A_367 : vector<1000x64xf32>
    %mul3A_407 = arith.mulf %logistic3A_389, %tanh3A_398 : vector<1000x64xf32>
    %add3A_408 = arith.addf %mul3A_406, %mul3A_407 : vector<1000x64xf32>
    %tanh3A_409 = math.tanh %add3A_408 : vector<1000x64xf32>
    %mul3A_410 = arith.mulf %logistic3A_405, %tanh3A_409 : vector<1000x64xf32>
    %swap3A_411 = arith.constant 0 : index
    %swap3A_412 = arith.constant 576 : index
    %swap3A_413 = vector.load %arg9[%swap3A_411, %swap3A_412] : memref<1000x1280xf32, #tpu.memory_space<vmem>>, vector<1000x64xf32>
    tpu.vector_store %arg9[%swap3A_411, %swap3A_412], %mul3A_410 {strides = array<i32>} : memref<1000x1280xf32, #tpu.memory_space<vmem>>, vector<1000x64xf32>,
    %get3A_414 = arith.constant 0 : index
    %get3A_415 = arith.constant 160 : index
    %get3A_416 = vector.load %arg1[%get3A_414, %get3A_415] : memref<1000x320xf32, #tpu.memory_space<vmem>>, vector<1000x16xf32>
    %dot_general3A_417 = arith.constant dense<0.000000e+00> : vector<1000x256xf32>
    %dot_general3A_418 = tpu.matmul %get3A_416, %get3A_7, %dot_general3A_417 {dimension_numbers = #tpu.dot_dimension_numbers<[1], [0], [0], [1], [0, 0, 1, 1], [], []>, transpose_lhs_hint = false} : vector<1000x16xf32>, vector<16x256xf32>, vector<1000x256xf32> -> vector<1000x256xf32>
    %dot_general3A_419 = arith.constant dense<0.000000e+00> : vector<1000x256xf32>
    %dot_general3A_420 = tpu.matmul %mul3A_410, %get3A_10, %dot_general3A_419 {dimension_numbers = #tpu.dot_dimension_numbers<[1], [0], [0], [1], [0, 0, 1, 1], [], []>, transpose_lhs_hint = false} : vector<1000x64xf32>, vector<64x256xf32>, vector<1000x256xf32> -> vector<1000x256xf32>
    %add3A_421 = arith.addf %dot_general3A_418, %dot_general3A_420 : vector<1000x256xf32>
    %add3A_422 = vector.broadcast %get3A_4 : vector<1x256xf32> to vector<1000x256xf32>
    %add3A_423 = arith.addf %add3A_421, %add3A_422 : vector<1000x256xf32>
    %slice3A_424 = vector.extract_strided_slice %add3A_423 {offsets = [0, 0], sizes = [1000, 64], strides = [1, 1]} : vector<1000x256xf32> to vector<1000x64xf32>
    %logistic3A_425 = arith.negf %slice3A_424 : vector<1000x64xf32>
    %logistic3A_426 = math.exp %logistic3A_425 : vector<1000x64xf32>
    %logistic3A_427 = arith.constant 1.000000e+00 : f32
    %logistic3A_428 = vector.broadcast %logistic3A_427 : f32 to vector<1000x64xf32>
    %logistic3A_429 = arith.addf %logistic3A_428, %logistic3A_426 : vector<1000x64xf32>
    %logistic3A_430 = arith.divf %logistic3A_428, %logistic3A_429 : vector<1000x64xf32>
    %slice3A_431 = vector.extract_strided_slice %add3A_423 {offsets = [0, 64], sizes = [1000, 64], strides = [1, 1]} : vector<1000x256xf32> to vector<1000x64xf32>
    %logistic3A_432 = arith.negf %slice3A_431 : vector<1000x64xf32>
    %logistic3A_433 = math.exp %logistic3A_432 : vector<1000x64xf32>
    %logistic3A_434 = arith.constant 1.000000e+00 : f32
    %logistic3A_435 = vector.broadcast %logistic3A_434 : f32 to vector<1000x64xf32>
    %logistic3A_436 = arith.addf %logistic3A_435, %logistic3A_433 : vector<1000x64xf32>
    %logistic3A_437 = arith.divf %logistic3A_435, %logistic3A_436 : vector<1000x64xf32>
    %slice3A_438 = vector.extract_strided_slice %add3A_423 {offsets = [0, 128], sizes = [1000, 64], strides = [1, 1]} : vector<1000x256xf32> to vector<1000x64xf32>
    %tanh3A_439 = math.tanh %slice3A_438 : vector<1000x64xf32>
    %slice3A_440 = vector.extract_strided_slice %add3A_423 {offsets = [0, 192], sizes = [1000, 64], strides = [1, 1]} : vector<1000x256xf32> to vector<1000x64xf32>
    %logistic3A_441 = arith.negf %slice3A_440 : vector<1000x64xf32>
    %logistic3A_442 = math.exp %logistic3A_441 : vector<1000x64xf32>
    %logistic3A_443 = arith.constant 1.000000e+00 : f32
    %logistic3A_444 = vector.broadcast %logistic3A_443 : f32 to vector<1000x64xf32>
    %logistic3A_445 = arith.addf %logistic3A_444, %logistic3A_442 : vector<1000x64xf32>
    %logistic3A_446 = arith.divf %logistic3A_444, %logistic3A_445 : vector<1000x64xf32>
    %mul3A_447 = arith.mulf %logistic3A_437, %add3A_408 : vector<1000x64xf32>
    %mul3A_448 = arith.mulf %logistic3A_430, %tanh3A_439 : vector<1000x64xf32>
    %add3A_449 = arith.addf %mul3A_447, %mul3A_448 : vector<1000x64xf32>
    %tanh3A_450 = math.tanh %add3A_449 : vector<1000x64xf32>
    %mul3A_451 = arith.mulf %logistic3A_446, %tanh3A_450 : vector<1000x64xf32>
    %swap3A_452 = arith.constant 0 : index
    %swap3A_453 = arith.constant 640 : index
    %swap3A_454 = vector.load %arg9[%swap3A_452, %swap3A_453] : memref<1000x1280xf32, #tpu.memory_space<vmem>>, vector<1000x64xf32>
    tpu.vector_store %arg9[%swap3A_452, %swap3A_453], %mul3A_451 {strides = array<i32>} : memref<1000x1280xf32, #tpu.memory_space<vmem>>, vector<1000x64xf32>,
    %get3A_455 = arith.constant 0 : index
    %get3A_456 = arith.constant 176 : index
    %get3A_457 = vector.load %arg1[%get3A_455, %get3A_456] : memref<1000x320xf32, #tpu.memory_space<vmem>>, vector<1000x16xf32>
    %dot_general3A_458 = arith.constant dense<0.000000e+00> : vector<1000x256xf32>
    %dot_general3A_459 = tpu.matmul %get3A_457, %get3A_7, %dot_general3A_458 {dimension_numbers = #tpu.dot_dimension_numbers<[1], [0], [0], [1], [0, 0, 1, 1], [], []>, transpose_lhs_hint = false} : vector<1000x16xf32>, vector<16x256xf32>, vector<1000x256xf32> -> vector<1000x256xf32>
    %dot_general3A_460 = arith.constant dense<0.000000e+00> : vector<1000x256xf32>
    %dot_general3A_461 = tpu.matmul %mul3A_451, %get3A_10, %dot_general3A_460 {dimension_numbers = #tpu.dot_dimension_numbers<[1], [0], [0], [1], [0, 0, 1, 1], [], []>, transpose_lhs_hint = false} : vector<1000x64xf32>, vector<64x256xf32>, vector<1000x256xf32> -> vector<1000x256xf32>
    %add3A_462 = arith.addf %dot_general3A_459, %dot_general3A_461 : vector<1000x256xf32>
    %add3A_463 = vector.broadcast %get3A_4 : vector<1x256xf32> to vector<1000x256xf32>
    %add3A_464 = arith.addf %add3A_462, %add3A_463 : vector<1000x256xf32>
    %slice3A_465 = vector.extract_strided_slice %add3A_464 {offsets = [0, 0], sizes = [1000, 64], strides = [1, 1]} : vector<1000x256xf32> to vector<1000x64xf32>
    %logistic3A_466 = arith.negf %slice3A_465 : vector<1000x64xf32>
    %logistic3A_467 = math.exp %logistic3A_466 : vector<1000x64xf32>
    %logistic3A_468 = arith.constant 1.000000e+00 : f32
    %logistic3A_469 = vector.broadcast %logistic3A_468 : f32 to vector<1000x64xf32>
    %logistic3A_470 = arith.addf %logistic3A_469, %logistic3A_467 : vector<1000x64xf32>
    %logistic3A_471 = arith.divf %logistic3A_469, %logistic3A_470 : vector<1000x64xf32>
    %slice3A_472 = vector.extract_strided_slice %add3A_464 {offsets = [0, 64], sizes = [1000, 64], strides = [1, 1]} : vector<1000x256xf32> to vector<1000x64xf32>
    %logistic3A_473 = arith.negf %slice3A_472 : vector<1000x64xf32>
    %logistic3A_474 = math.exp %logistic3A_473 : vector<1000x64xf32>
    %logistic3A_475 = arith.constant 1.000000e+00 : f32
    %logistic3A_476 = vector.broadcast %logistic3A_475 : f32 to vector<1000x64xf32>
    %logistic3A_477 = arith.addf %logistic3A_476, %logistic3A_474 : vector<1000x64xf32>
    %logistic3A_478 = arith.divf %logistic3A_476, %logistic3A_477 : vector<1000x64xf32>
    %slice3A_479 = vector.extract_strided_slice %add3A_464 {offsets = [0, 128], sizes = [1000, 64], strides = [1, 1]} : vector<1000x256xf32> to vector<1000x64xf32>
    %tanh3A_480 = math.tanh %slice3A_479 : vector<1000x64xf32>
    %slice3A_481 = vector.extract_strided_slice %add3A_464 {offsets = [0, 192], sizes = [1000, 64], strides = [1, 1]} : vector<1000x256xf32> to vector<1000x64xf32>
    %logistic3A_482 = arith.negf %slice3A_481 : vector<1000x64xf32>
    %logistic3A_483 = math.exp %logistic3A_482 : vector<1000x64xf32>
    %logistic3A_484 = arith.constant 1.000000e+00 : f32
    %logistic3A_485 = vector.broadcast %logistic3A_484 : f32 to vector<1000x64xf32>
    %logistic3A_486 = arith.addf %logistic3A_485, %logistic3A_483 : vector<1000x64xf32>
    %logistic3A_487 = arith.divf %logistic3A_485, %logistic3A_486 : vector<1000x64xf32>
    %mul3A_488 = arith.mulf %logistic3A_478, %add3A_449 : vector<1000x64xf32>
    %mul3A_489 = arith.mulf %logistic3A_471, %tanh3A_480 : vector<1000x64xf32>
    %add3A_490 = arith.addf %mul3A_488, %mul3A_489 : vector<1000x64xf32>
    %tanh3A_491 = math.tanh %add3A_490 : vector<1000x64xf32>
    %mul3A_492 = arith.mulf %logistic3A_487, %tanh3A_491 : vector<1000x64xf32>
    %swap3A_493 = arith.constant 0 : index
    %swap3A_494 = arith.constant 704 : index
    %swap3A_495 = vector.load %arg9[%swap3A_493, %swap3A_494] : memref<1000x1280xf32, #tpu.memory_space<vmem>>, vector<1000x64xf32>
    tpu.vector_store %arg9[%swap3A_493, %swap3A_494], %mul3A_492 {strides = array<i32>} : memref<1000x1280xf32, #tpu.memory_space<vmem>>, vector<1000x64xf32>,
    %get3A_496 = arith.constant 0 : index
    %get3A_497 = arith.constant 192 : index
    %get3A_498 = vector.load %arg1[%get3A_496, %get3A_497] : memref<1000x320xf32, #tpu.memory_space<vmem>>, vector<1000x16xf32>
    %dot_general3A_499 = arith.constant dense<0.000000e+00> : vector<1000x256xf32>
    %dot_general3A_500 = tpu.matmul %get3A_498, %get3A_7, %dot_general3A_499 {dimension_numbers = #tpu.dot_dimension_numbers<[1], [0], [0], [1], [0, 0, 1, 1], [], []>, transpose_lhs_hint = false} : vector<1000x16xf32>, vector<16x256xf32>, vector<1000x256xf32> -> vector<1000x256xf32>
    %dot_general3A_501 = arith.constant dense<0.000000e+00> : vector<1000x256xf32>
    %dot_general3A_502 = tpu.matmul %mul3A_492, %get3A_10, %dot_general3A_501 {dimension_numbers = #tpu.dot_dimension_numbers<[1], [0], [0], [1], [0, 0, 1, 1], [], []>, transpose_lhs_hint = false} : vector<1000x64xf32>, vector<64x256xf32>, vector<1000x256xf32> -> vector<1000x256xf32>
    %add3A_503 = arith.addf %dot_general3A_500, %dot_general3A_502 : vector<1000x256xf32>
    %add3A_504 = vector.broadcast %get3A_4 : vector<1x256xf32> to vector<1000x256xf32>
    %add3A_505 = arith.addf %add3A_503, %add3A_504 : vector<1000x256xf32>
    %slice3A_506 = vector.extract_strided_slice %add3A_505 {offsets = [0, 0], sizes = [1000, 64], strides = [1, 1]} : vector<1000x256xf32> to vector<1000x64xf32>
    %logistic3A_507 = arith.negf %slice3A_506 : vector<1000x64xf32>
    %logistic3A_508 = math.exp %logistic3A_507 : vector<1000x64xf32>
    %logistic3A_509 = arith.constant 1.000000e+00 : f32
    %logistic3A_510 = vector.broadcast %logistic3A_509 : f32 to vector<1000x64xf32>
    %logistic3A_511 = arith.addf %logistic3A_510, %logistic3A_508 : vector<1000x64xf32>
    %logistic3A_512 = arith.divf %logistic3A_510, %logistic3A_511 : vector<1000x64xf32>
    %slice3A_513 = vector.extract_strided_slice %add3A_505 {offsets = [0, 64], sizes = [1000, 64], strides = [1, 1]} : vector<1000x256xf32> to vector<1000x64xf32>
    %logistic3A_514 = arith.negf %slice3A_513 : vector<1000x64xf32>
    %logistic3A_515 = math.exp %logistic3A_514 : vector<1000x64xf32>
    %logistic3A_516 = arith.constant 1.000000e+00 : f32
    %logistic3A_517 = vector.broadcast %logistic3A_516 : f32 to vector<1000x64xf32>
    %logistic3A_518 = arith.addf %logistic3A_517, %logistic3A_515 : vector<1000x64xf32>
    %logistic3A_519 = arith.divf %logistic3A_517, %logistic3A_518 : vector<1000x64xf32>
    %slice3A_520 = vector.extract_strided_slice %add3A_505 {offsets = [0, 128], sizes = [1000, 64], strides = [1, 1]} : vector<1000x256xf32> to vector<1000x64xf32>
    %tanh3A_521 = math.tanh %slice3A_520 : vector<1000x64xf32>
    %slice3A_522 = vector.extract_strided_slice %add3A_505 {offsets = [0, 192], sizes = [1000, 64], strides = [1, 1]} : vector<1000x256xf32> to vector<1000x64xf32>
    %logistic3A_523 = arith.negf %slice3A_522 : vector<1000x64xf32>
    %logistic3A_524 = math.exp %logistic3A_523 : vector<1000x64xf32>
    %logistic3A_525 = arith.constant 1.000000e+00 : f32
    %logistic3A_526 = vector.broadcast %logistic3A_525 : f32 to vector<1000x64xf32>
    %logistic3A_527 = arith.addf %logistic3A_526, %logistic3A_524 : vector<1000x64xf32>
    %logistic3A_528 = arith.divf %logistic3A_526, %logistic3A_527 : vector<1000x64xf32>
    %mul3A_529 = arith.mulf %logistic3A_519, %add3A_490 : vector<1000x64xf32>
    %mul3A_530 = arith.mulf %logistic3A_512, %tanh3A_521 : vector<1000x64xf32>
    %add3A_531 = arith.addf %mul3A_529, %mul3A_530 : vector<1000x64xf32>
    %tanh3A_532 = math.tanh %add3A_531 : vector<1000x64xf32>
    %mul3A_533 = arith.mulf %logistic3A_528, %tanh3A_532 : vector<1000x64xf32>
    %swap3A_534 = arith.constant 0 : index
    %swap3A_535 = arith.constant 768 : index
    %swap3A_536 = vector.load %arg9[%swap3A_534, %swap3A_535] : memref<1000x1280xf32, #tpu.memory_space<vmem>>, vector<1000x64xf32>
    tpu.vector_store %arg9[%swap3A_534, %swap3A_535], %mul3A_533 {strides = array<i32>} : memref<1000x1280xf32, #tpu.memory_space<vmem>>, vector<1000x64xf32>,
    %get3A_537 = arith.constant 0 : index
    %get3A_538 = arith.constant 208 : index
    %get3A_539 = vector.load %arg1[%get3A_537, %get3A_538] : memref<1000x320xf32, #tpu.memory_space<vmem>>, vector<1000x16xf32>
    %dot_general3A_540 = arith.constant dense<0.000000e+00> : vector<1000x256xf32>
    %dot_general3A_541 = tpu.matmul %get3A_539, %get3A_7, %dot_general3A_540 {dimension_numbers = #tpu.dot_dimension_numbers<[1], [0], [0], [1], [0, 0, 1, 1], [], []>, transpose_lhs_hint = false} : vector<1000x16xf32>, vector<16x256xf32>, vector<1000x256xf32> -> vector<1000x256xf32>
    %dot_general3A_542 = arith.constant dense<0.000000e+00> : vector<1000x256xf32>
    %dot_general3A_543 = tpu.matmul %mul3A_533, %get3A_10, %dot_general3A_542 {dimension_numbers = #tpu.dot_dimension_numbers<[1], [0], [0], [1], [0, 0, 1, 1], [], []>, transpose_lhs_hint = false} : vector<1000x64xf32>, vector<64x256xf32>, vector<1000x256xf32> -> vector<1000x256xf32>
    %add3A_544 = arith.addf %dot_general3A_541, %dot_general3A_543 : vector<1000x256xf32>
    %add3A_545 = vector.broadcast %get3A_4 : vector<1x256xf32> to vector<1000x256xf32>
    %add3A_546 = arith.addf %add3A_544, %add3A_545 : vector<1000x256xf32>
    %slice3A_547 = vector.extract_strided_slice %add3A_546 {offsets = [0, 0], sizes = [1000, 64], strides = [1, 1]} : vector<1000x256xf32> to vector<1000x64xf32>
    %logistic3A_548 = arith.negf %slice3A_547 : vector<1000x64xf32>
    %logistic3A_549 = math.exp %logistic3A_548 : vector<1000x64xf32>
    %logistic3A_550 = arith.constant 1.000000e+00 : f32
    %logistic3A_551 = vector.broadcast %logistic3A_550 : f32 to vector<1000x64xf32>
    %logistic3A_552 = arith.addf %logistic3A_551, %logistic3A_549 : vector<1000x64xf32>
    %logistic3A_553 = arith.divf %logistic3A_551, %logistic3A_552 : vector<1000x64xf32>
    %slice3A_554 = vector.extract_strided_slice %add3A_546 {offsets = [0, 64], sizes = [1000, 64], strides = [1, 1]} : vector<1000x256xf32> to vector<1000x64xf32>
    %logistic3A_555 = arith.negf %slice3A_554 : vector<1000x64xf32>
    %logistic3A_556 = math.exp %logistic3A_555 : vector<1000x64xf32>
    %logistic3A_557 = arith.constant 1.000000e+00 : f32
    %logistic3A_558 = vector.broadcast %logistic3A_557 : f32 to vector<1000x64xf32>
    %logistic3A_559 = arith.addf %logistic3A_558, %logistic3A_556 : vector<1000x64xf32>
    %logistic3A_560 = arith.divf %logistic3A_558, %logistic3A_559 : vector<1000x64xf32>
    %slice3A_561 = vector.extract_strided_slice %add3A_546 {offsets = [0, 128], sizes = [1000, 64], strides = [1, 1]} : vector<1000x256xf32> to vector<1000x64xf32>
    %tanh3A_562 = math.tanh %slice3A_561 : vector<1000x64xf32>
    %slice3A_563 = vector.extract_strided_slice %add3A_546 {offsets = [0, 192], sizes = [1000, 64], strides = [1, 1]} : vector<1000x256xf32> to vector<1000x64xf32>
    %logistic3A_564 = arith.negf %slice3A_563 : vector<1000x64xf32>
    %logistic3A_565 = math.exp %logistic3A_564 : vector<1000x64xf32>
    %logistic3A_566 = arith.constant 1.000000e+00 : f32
    %logistic3A_567 = vector.broadcast %logistic3A_566 : f32 to vector<1000x64xf32>
    %logistic3A_568 = arith.addf %logistic3A_567, %logistic3A_565 : vector<1000x64xf32>
    %logistic3A_569 = arith.divf %logistic3A_567, %logistic3A_568 : vector<1000x64xf32>
    %mul3A_570 = arith.mulf %logistic3A_560, %add3A_531 : vector<1000x64xf32>
    %mul3A_571 = arith.mulf %logistic3A_553, %tanh3A_562 : vector<1000x64xf32>
    %add3A_572 = arith.addf %mul3A_570, %mul3A_571 : vector<1000x64xf32>
    %tanh3A_573 = math.tanh %add3A_572 : vector<1000x64xf32>
    %mul3A_574 = arith.mulf %logistic3A_569, %tanh3A_573 : vector<1000x64xf32>
    %swap3A_575 = arith.constant 0 : index
    %swap3A_576 = arith.constant 832 : index
    %swap3A_577 = vector.load %arg9[%swap3A_575, %swap3A_576] : memref<1000x1280xf32, #tpu.memory_space<vmem>>, vector<1000x64xf32>
    tpu.vector_store %arg9[%swap3A_575, %swap3A_576], %mul3A_574 {strides = array<i32>} : memref<1000x1280xf32, #tpu.memory_space<vmem>>, vector<1000x64xf32>,
    %get3A_578 = arith.constant 0 : index
    %get3A_579 = arith.constant 224 : index
    %get3A_580 = vector.load %arg1[%get3A_578, %get3A_579] : memref<1000x320xf32, #tpu.memory_space<vmem>>, vector<1000x16xf32>
    %dot_general3A_581 = arith.constant dense<0.000000e+00> : vector<1000x256xf32>
    %dot_general3A_582 = tpu.matmul %get3A_580, %get3A_7, %dot_general3A_581 {dimension_numbers = #tpu.dot_dimension_numbers<[1], [0], [0], [1], [0, 0, 1, 1], [], []>, transpose_lhs_hint = false} : vector<1000x16xf32>, vector<16x256xf32>, vector<1000x256xf32> -> vector<1000x256xf32>
    %dot_general3A_583 = arith.constant dense<0.000000e+00> : vector<1000x256xf32>
    %dot_general3A_584 = tpu.matmul %mul3A_574, %get3A_10, %dot_general3A_583 {dimension_numbers = #tpu.dot_dimension_numbers<[1], [0], [0], [1], [0, 0, 1, 1], [], []>, transpose_lhs_hint = false} : vector<1000x64xf32>, vector<64x256xf32>, vector<1000x256xf32> -> vector<1000x256xf32>
    %add3A_585 = arith.addf %dot_general3A_582, %dot_general3A_584 : vector<1000x256xf32>
    %add3A_586 = vector.broadcast %get3A_4 : vector<1x256xf32> to vector<1000x256xf32>
    %add3A_587 = arith.addf %add3A_585, %add3A_586 : vector<1000x256xf32>
    %slice3A_588 = vector.extract_strided_slice %add3A_587 {offsets = [0, 0], sizes = [1000, 64], strides = [1, 1]} : vector<1000x256xf32> to vector<1000x64xf32>
    %logistic3A_589 = arith.negf %slice3A_588 : vector<1000x64xf32>
    %logistic3A_590 = math.exp %logistic3A_589 : vector<1000x64xf32>
    %logistic3A_591 = arith.constant 1.000000e+00 : f32
    %logistic3A_592 = vector.broadcast %logistic3A_591 : f32 to vector<1000x64xf32>
    %logistic3A_593 = arith.addf %logistic3A_592, %logistic3A_590 : vector<1000x64xf32>
    %logistic3A_594 = arith.divf %logistic3A_592, %logistic3A_593 : vector<1000x64xf32>
    %slice3A_595 = vector.extract_strided_slice %add3A_587 {offsets = [0, 64], sizes = [1000, 64], strides = [1, 1]} : vector<1000x256xf32> to vector<1000x64xf32>
    %logistic3A_596 = arith.negf %slice3A_595 : vector<1000x64xf32>
    %logistic3A_597 = math.exp %logistic3A_596 : vector<1000x64xf32>
    %logistic3A_598 = arith.constant 1.000000e+00 : f32
    %logistic3A_599 = vector.broadcast %logistic3A_598 : f32 to vector<1000x64xf32>
    %logistic3A_600 = arith.addf %logistic3A_599, %logistic3A_597 : vector<1000x64xf32>
    %logistic3A_601 = arith.divf %logistic3A_599, %logistic3A_600 : vector<1000x64xf32>
    %slice3A_602 = vector.extract_strided_slice %add3A_587 {offsets = [0, 128], sizes = [1000, 64], strides = [1, 1]} : vector<1000x256xf32> to vector<1000x64xf32>
    %tanh3A_603 = math.tanh %slice3A_602 : vector<1000x64xf32>
    %slice3A_604 = vector.extract_strided_slice %add3A_587 {offsets = [0, 192], sizes = [1000, 64], strides = [1, 1]} : vector<1000x256xf32> to vector<1000x64xf32>
    %logistic3A_605 = arith.negf %slice3A_604 : vector<1000x64xf32>
    %logistic3A_606 = math.exp %logistic3A_605 : vector<1000x64xf32>
    %logistic3A_607 = arith.constant 1.000000e+00 : f32
    %logistic3A_608 = vector.broadcast %logistic3A_607 : f32 to vector<1000x64xf32>
    %logistic3A_609 = arith.addf %logistic3A_608, %logistic3A_606 : vector<1000x64xf32>
    %logistic3A_610 = arith.divf %logistic3A_608, %logistic3A_609 : vector<1000x64xf32>
    %mul3A_611 = arith.mulf %logistic3A_601, %add3A_572 : vector<1000x64xf32>
    %mul3A_612 = arith.mulf %logistic3A_594, %tanh3A_603 : vector<1000x64xf32>
    %add3A_613 = arith.addf %mul3A_611, %mul3A_612 : vector<1000x64xf32>
    %tanh3A_614 = math.tanh %add3A_613 : vector<1000x64xf32>
    %mul3A_615 = arith.mulf %logistic3A_610, %tanh3A_614 : vector<1000x64xf32>
    %swap3A_616 = arith.constant 0 : index
    %swap3A_617 = arith.constant 896 : index
    %swap3A_618 = vector.load %arg9[%swap3A_616, %swap3A_617] : memref<1000x1280xf32, #tpu.memory_space<vmem>>, vector<1000x64xf32>
    tpu.vector_store %arg9[%swap3A_616, %swap3A_617], %mul3A_615 {strides = array<i32>} : memref<1000x1280xf32, #tpu.memory_space<vmem>>, vector<1000x64xf32>,
    %get3A_619 = arith.constant 0 : index
    %get3A_620 = arith.constant 240 : index
    %get3A_621 = vector.load %arg1[%get3A_619, %get3A_620] : memref<1000x320xf32, #tpu.memory_space<vmem>>, vector<1000x16xf32>
    %dot_general3A_622 = arith.constant dense<0.000000e+00> : vector<1000x256xf32>
    %dot_general3A_623 = tpu.matmul %get3A_621, %get3A_7, %dot_general3A_622 {dimension_numbers = #tpu.dot_dimension_numbers<[1], [0], [0], [1], [0, 0, 1, 1], [], []>, transpose_lhs_hint = false} : vector<1000x16xf32>, vector<16x256xf32>, vector<1000x256xf32> -> vector<1000x256xf32>
    %dot_general3A_624 = arith.constant dense<0.000000e+00> : vector<1000x256xf32>
    %dot_general3A_625 = tpu.matmul %mul3A_615, %get3A_10, %dot_general3A_624 {dimension_numbers = #tpu.dot_dimension_numbers<[1], [0], [0], [1], [0, 0, 1, 1], [], []>, transpose_lhs_hint = false} : vector<1000x64xf32>, vector<64x256xf32>, vector<1000x256xf32> -> vector<1000x256xf32>
    %add3A_626 = arith.addf %dot_general3A_623, %dot_general3A_625 : vector<1000x256xf32>
    %add3A_627 = vector.broadcast %get3A_4 : vector<1x256xf32> to vector<1000x256xf32>
    %add3A_628 = arith.addf %add3A_626, %add3A_627 : vector<1000x256xf32>
    %slice3A_629 = vector.extract_strided_slice %add3A_628 {offsets = [0, 0], sizes = [1000, 64], strides = [1, 1]} : vector<1000x256xf32> to vector<1000x64xf32>
    %logistic3A_630 = arith.negf %slice3A_629 : vector<1000x64xf32>
    %logistic3A_631 = math.exp %logistic3A_630 : vector<1000x64xf32>
    %logistic3A_632 = arith.constant 1.000000e+00 : f32
    %logistic3A_633 = vector.broadcast %logistic3A_632 : f32 to vector<1000x64xf32>
    %logistic3A_634 = arith.addf %logistic3A_633, %logistic3A_631 : vector<1000x64xf32>
    %logistic3A_635 = arith.divf %logistic3A_633, %logistic3A_634 : vector<1000x64xf32>
    %slice3A_636 = vector.extract_strided_slice %add3A_628 {offsets = [0, 64], sizes = [1000, 64], strides = [1, 1]} : vector<1000x256xf32> to vector<1000x64xf32>
    %logistic3A_637 = arith.negf %slice3A_636 : vector<1000x64xf32>
    %logistic3A_638 = math.exp %logistic3A_637 : vector<1000x64xf32>
    %logistic3A_639 = arith.constant 1.000000e+00 : f32
    %logistic3A_640 = vector.broadcast %logistic3A_639 : f32 to vector<1000x64xf32>
    %logistic3A_641 = arith.addf %logistic3A_640, %logistic3A_638 : vector<1000x64xf32>
    %logistic3A_642 = arith.divf %logistic3A_640, %logistic3A_641 : vector<1000x64xf32>
    %slice3A_643 = vector.extract_strided_slice %add3A_628 {offsets = [0, 128], sizes = [1000, 64], strides = [1, 1]} : vector<1000x256xf32> to vector<1000x64xf32>
    %tanh3A_644 = math.tanh %slice3A_643 : vector<1000x64xf32>
    %slice3A_645 = vector.extract_strided_slice %add3A_628 {offsets = [0, 192], sizes = [1000, 64], strides = [1, 1]} : vector<1000x256xf32> to vector<1000x64xf32>
    %logistic3A_646 = arith.negf %slice3A_645 : vector<1000x64xf32>
    %logistic3A_647 = math.exp %logistic3A_646 : vector<1000x64xf32>
    %logistic3A_648 = arith.constant 1.000000e+00 : f32
    %logistic3A_649 = vector.broadcast %logistic3A_648 : f32 to vector<1000x64xf32>
    %logistic3A_650 = arith.addf %logistic3A_649, %logistic3A_647 : vector<1000x64xf32>
    %logistic3A_651 = arith.divf %logistic3A_649, %logistic3A_650 : vector<1000x64xf32>
    %mul3A_652 = arith.mulf %logistic3A_642, %add3A_613 : vector<1000x64xf32>
    %mul3A_653 = arith.mulf %logistic3A_635, %tanh3A_644 : vector<1000x64xf32>
    %add3A_654 = arith.addf %mul3A_652, %mul3A_653 : vector<1000x64xf32>
    %tanh3A_655 = math.tanh %add3A_654 : vector<1000x64xf32>
    %mul3A_656 = arith.mulf %logistic3A_651, %tanh3A_655 : vector<1000x64xf32>
    %swap3A_657 = arith.constant 0 : index
    %swap3A_658 = arith.constant 960 : index
    %swap3A_659 = vector.load %arg9[%swap3A_657, %swap3A_658] : memref<1000x1280xf32, #tpu.memory_space<vmem>>, vector<1000x64xf32>
    tpu.vector_store %arg9[%swap3A_657, %swap3A_658], %mul3A_656 {strides = array<i32>} : memref<1000x1280xf32, #tpu.memory_space<vmem>>, vector<1000x64xf32>,
    %get3A_660 = arith.constant 0 : index
    %get3A_661 = arith.constant 256 : index
    %get3A_662 = vector.load %arg1[%get3A_660, %get3A_661] : memref<1000x320xf32, #tpu.memory_space<vmem>>, vector<1000x16xf32>
    %dot_general3A_663 = arith.constant dense<0.000000e+00> : vector<1000x256xf32>
    %dot_general3A_664 = tpu.matmul %get3A_662, %get3A_7, %dot_general3A_663 {dimension_numbers = #tpu.dot_dimension_numbers<[1], [0], [0], [1], [0, 0, 1, 1], [], []>, transpose_lhs_hint = false} : vector<1000x16xf32>, vector<16x256xf32>, vector<1000x256xf32> -> vector<1000x256xf32>
    %dot_general3A_665 = arith.constant dense<0.000000e+00> : vector<1000x256xf32>
    %dot_general3A_666 = tpu.matmul %mul3A_656, %get3A_10, %dot_general3A_665 {dimension_numbers = #tpu.dot_dimension_numbers<[1], [0], [0], [1], [0, 0, 1, 1], [], []>, transpose_lhs_hint = false} : vector<1000x64xf32>, vector<64x256xf32>, vector<1000x256xf32> -> vector<1000x256xf32>
    %add3A_667 = arith.addf %dot_general3A_664, %dot_general3A_666 : vector<1000x256xf32>
    %add3A_668 = vector.broadcast %get3A_4 : vector<1x256xf32> to vector<1000x256xf32>
    %add3A_669 = arith.addf %add3A_667, %add3A_668 : vector<1000x256xf32>
    %slice3A_670 = vector.extract_strided_slice %add3A_669 {offsets = [0, 0], sizes = [1000, 64], strides = [1, 1]} : vector<1000x256xf32> to vector<1000x64xf32>
    %logistic3A_671 = arith.negf %slice3A_670 : vector<1000x64xf32>
    %logistic3A_672 = math.exp %logistic3A_671 : vector<1000x64xf32>
    %logistic3A_673 = arith.constant 1.000000e+00 : f32
    %logistic3A_674 = vector.broadcast %logistic3A_673 : f32 to vector<1000x64xf32>
    %logistic3A_675 = arith.addf %logistic3A_674, %logistic3A_672 : vector<1000x64xf32>
    %logistic3A_676 = arith.divf %logistic3A_674, %logistic3A_675 : vector<1000x64xf32>
    %slice3A_677 = vector.extract_strided_slice %add3A_669 {offsets = [0, 64], sizes = [1000, 64], strides = [1, 1]} : vector<1000x256xf32> to vector<1000x64xf32>
    %logistic3A_678 = arith.negf %slice3A_677 : vector<1000x64xf32>
    %logistic3A_679 = math.exp %logistic3A_678 : vector<1000x64xf32>
    %logistic3A_680 = arith.constant 1.000000e+00 : f32
    %logistic3A_681 = vector.broadcast %logistic3A_680 : f32 to vector<1000x64xf32>
    %logistic3A_682 = arith.addf %logistic3A_681, %logistic3A_679 : vector<1000x64xf32>
    %logistic3A_683 = arith.divf %logistic3A_681, %logistic3A_682 : vector<1000x64xf32>
    %slice3A_684 = vector.extract_strided_slice %add3A_669 {offsets = [0, 128], sizes = [1000, 64], strides = [1, 1]} : vector<1000x256xf32> to vector<1000x64xf32>
    %tanh3A_685 = math.tanh %slice3A_684 : vector<1000x64xf32>
    %slice3A_686 = vector.extract_strided_slice %add3A_669 {offsets = [0, 192], sizes = [1000, 64], strides = [1, 1]} : vector<1000x256xf32> to vector<1000x64xf32>
    %logistic3A_687 = arith.negf %slice3A_686 : vector<1000x64xf32>
    %logistic3A_688 = math.exp %logistic3A_687 : vector<1000x64xf32>
    %logistic3A_689 = arith.constant 1.000000e+00 : f32
    %logistic3A_690 = vector.broadcast %logistic3A_689 : f32 to vector<1000x64xf32>
    %logistic3A_691 = arith.addf %logistic3A_690, %logistic3A_688 : vector<1000x64xf32>
    %logistic3A_692 = arith.divf %logistic3A_690, %logistic3A_691 : vector<1000x64xf32>
    %mul3A_693 = arith.mulf %logistic3A_683, %add3A_654 : vector<1000x64xf32>
    %mul3A_694 = arith.mulf %logistic3A_676, %tanh3A_685 : vector<1000x64xf32>
    %add3A_695 = arith.addf %mul3A_693, %mul3A_694 : vector<1000x64xf32>
    %tanh3A_696 = math.tanh %add3A_695 : vector<1000x64xf32>
    %mul3A_697 = arith.mulf %logistic3A_692, %tanh3A_696 : vector<1000x64xf32>
    %swap3A_698 = arith.constant 0 : index
    %swap3A_699 = arith.constant 1024 : index
    %swap3A_700 = vector.load %arg9[%swap3A_698, %swap3A_699] : memref<1000x1280xf32, #tpu.memory_space<vmem>>, vector<1000x64xf32>
    tpu.vector_store %arg9[%swap3A_698, %swap3A_699], %mul3A_697 {strides = array<i32>} : memref<1000x1280xf32, #tpu.memory_space<vmem>>, vector<1000x64xf32>,
    %get3A_701 = arith.constant 0 : index
    %get3A_702 = arith.constant 272 : index
    %get3A_703 = vector.load %arg1[%get3A_701, %get3A_702] : memref<1000x320xf32, #tpu.memory_space<vmem>>, vector<1000x16xf32>
    %dot_general3A_704 = arith.constant dense<0.000000e+00> : vector<1000x256xf32>
    %dot_general3A_705 = tpu.matmul %get3A_703, %get3A_7, %dot_general3A_704 {dimension_numbers = #tpu.dot_dimension_numbers<[1], [0], [0], [1], [0, 0, 1, 1], [], []>, transpose_lhs_hint = false} : vector<1000x16xf32>, vector<16x256xf32>, vector<1000x256xf32> -> vector<1000x256xf32>
    %dot_general3A_706 = arith.constant dense<0.000000e+00> : vector<1000x256xf32>
    %dot_general3A_707 = tpu.matmul %mul3A_697, %get3A_10, %dot_general3A_706 {dimension_numbers = #tpu.dot_dimension_numbers<[1], [0], [0], [1], [0, 0, 1, 1], [], []>, transpose_lhs_hint = false} : vector<1000x64xf32>, vector<64x256xf32>, vector<1000x256xf32> -> vector<1000x256xf32>
    %add3A_708 = arith.addf %dot_general3A_705, %dot_general3A_707 : vector<1000x256xf32>
    %add3A_709 = vector.broadcast %get3A_4 : vector<1x256xf32> to vector<1000x256xf32>
    %add3A_710 = arith.addf %add3A_708, %add3A_709 : vector<1000x256xf32>
    %slice3A_711 = vector.extract_strided_slice %add3A_710 {offsets = [0, 0], sizes = [1000, 64], strides = [1, 1]} : vector<1000x256xf32> to vector<1000x64xf32>
    %logistic3A_712 = arith.negf %slice3A_711 : vector<1000x64xf32>
    %logistic3A_713 = math.exp %logistic3A_712 : vector<1000x64xf32>
    %logistic3A_714 = arith.constant 1.000000e+00 : f32
    %logistic3A_715 = vector.broadcast %logistic3A_714 : f32 to vector<1000x64xf32>
    %logistic3A_716 = arith.addf %logistic3A_715, %logistic3A_713 : vector<1000x64xf32>
    %logistic3A_717 = arith.divf %logistic3A_715, %logistic3A_716 : vector<1000x64xf32>
    %slice3A_718 = vector.extract_strided_slice %add3A_710 {offsets = [0, 64], sizes = [1000, 64], strides = [1, 1]} : vector<1000x256xf32> to vector<1000x64xf32>
    %logistic3A_719 = arith.negf %slice3A_718 : vector<1000x64xf32>
    %logistic3A_720 = math.exp %logistic3A_719 : vector<1000x64xf32>
    %logistic3A_721 = arith.constant 1.000000e+00 : f32
    %logistic3A_722 = vector.broadcast %logistic3A_721 : f32 to vector<1000x64xf32>
    %logistic3A_723 = arith.addf %logistic3A_722, %logistic3A_720 : vector<1000x64xf32>
    %logistic3A_724 = arith.divf %logistic3A_722, %logistic3A_723 : vector<1000x64xf32>
    %slice3A_725 = vector.extract_strided_slice %add3A_710 {offsets = [0, 128], sizes = [1000, 64], strides = [1, 1]} : vector<1000x256xf32> to vector<1000x64xf32>
    %tanh3A_726 = math.tanh %slice3A_725 : vector<1000x64xf32>
    %slice3A_727 = vector.extract_strided_slice %add3A_710 {offsets = [0, 192], sizes = [1000, 64], strides = [1, 1]} : vector<1000x256xf32> to vector<1000x64xf32>
    %logistic3A_728 = arith.negf %slice3A_727 : vector<1000x64xf32>
    %logistic3A_729 = math.exp %logistic3A_728 : vector<1000x64xf32>
    %logistic3A_730 = arith.constant 1.000000e+00 : f32
    %logistic3A_731 = vector.broadcast %logistic3A_730 : f32 to vector<1000x64xf32>
    %logistic3A_732 = arith.addf %logistic3A_731, %logistic3A_729 : vector<1000x64xf32>
    %logistic3A_733 = arith.divf %logistic3A_731, %logistic3A_732 : vector<1000x64xf32>
    %mul3A_734 = arith.mulf %logistic3A_724, %add3A_695 : vector<1000x64xf32>
    %mul3A_735 = arith.mulf %logistic3A_717, %tanh3A_726 : vector<1000x64xf32>
    %add3A_736 = arith.addf %mul3A_734, %mul3A_735 : vector<1000x64xf32>
    %tanh3A_737 = math.tanh %add3A_736 : vector<1000x64xf32>
    %mul3A_738 = arith.mulf %logistic3A_733, %tanh3A_737 : vector<1000x64xf32>
    %swap3A_739 = arith.constant 0 : index
    %swap3A_740 = arith.constant 1088 : index
    %swap3A_741 = vector.load %arg9[%swap3A_739, %swap3A_740] : memref<1000x1280xf32, #tpu.memory_space<vmem>>, vector<1000x64xf32>
    tpu.vector_store %arg9[%swap3A_739, %swap3A_740], %mul3A_738 {strides = array<i32>} : memref<1000x1280xf32, #tpu.memory_space<vmem>>, vector<1000x64xf32>,
    %get3A_742 = arith.constant 0 : index
    %get3A_743 = arith.constant 288 : index
    %get3A_744 = vector.load %arg1[%get3A_742, %get3A_743] : memref<1000x320xf32, #tpu.memory_space<vmem>>, vector<1000x16xf32>
    %dot_general3A_745 = arith.constant dense<0.000000e+00> : vector<1000x256xf32>
    %dot_general3A_746 = tpu.matmul %get3A_744, %get3A_7, %dot_general3A_745 {dimension_numbers = #tpu.dot_dimension_numbers<[1], [0], [0], [1], [0, 0, 1, 1], [], []>, transpose_lhs_hint = false} : vector<1000x16xf32>, vector<16x256xf32>, vector<1000x256xf32> -> vector<1000x256xf32>
    %dot_general3A_747 = arith.constant dense<0.000000e+00> : vector<1000x256xf32>
    %dot_general3A_748 = tpu.matmul %mul3A_738, %get3A_10, %dot_general3A_747 {dimension_numbers = #tpu.dot_dimension_numbers<[1], [0], [0], [1], [0, 0, 1, 1], [], []>, transpose_lhs_hint = false} : vector<1000x64xf32>, vector<64x256xf32>, vector<1000x256xf32> -> vector<1000x256xf32>
    %add3A_749 = arith.addf %dot_general3A_746, %dot_general3A_748 : vector<1000x256xf32>
    %add3A_750 = vector.broadcast %get3A_4 : vector<1x256xf32> to vector<1000x256xf32>
    %add3A_751 = arith.addf %add3A_749, %add3A_750 : vector<1000x256xf32>
    %slice3A_752 = vector.extract_strided_slice %add3A_751 {offsets = [0, 0], sizes = [1000, 64], strides = [1, 1]} : vector<1000x256xf32> to vector<1000x64xf32>
    %logistic3A_753 = arith.negf %slice3A_752 : vector<1000x64xf32>
    %logistic3A_754 = math.exp %logistic3A_753 : vector<1000x64xf32>
    %logistic3A_755 = arith.constant 1.000000e+00 : f32
    %logistic3A_756 = vector.broadcast %logistic3A_755 : f32 to vector<1000x64xf32>
    %logistic3A_757 = arith.addf %logistic3A_756, %logistic3A_754 : vector<1000x64xf32>
    %logistic3A_758 = arith.divf %logistic3A_756, %logistic3A_757 : vector<1000x64xf32>
    %slice3A_759 = vector.extract_strided_slice %add3A_751 {offsets = [0, 64], sizes = [1000, 64], strides = [1, 1]} : vector<1000x256xf32> to vector<1000x64xf32>
    %logistic3A_760 = arith.negf %slice3A_759 : vector<1000x64xf32>
    %logistic3A_761 = math.exp %logistic3A_760 : vector<1000x64xf32>
    %logistic3A_762 = arith.constant 1.000000e+00 : f32
    %logistic3A_763 = vector.broadcast %logistic3A_762 : f32 to vector<1000x64xf32>
    %logistic3A_764 = arith.addf %logistic3A_763, %logistic3A_761 : vector<1000x64xf32>
    %logistic3A_765 = arith.divf %logistic3A_763, %logistic3A_764 : vector<1000x64xf32>
    %slice3A_766 = vector.extract_strided_slice %add3A_751 {offsets = [0, 128], sizes = [1000, 64], strides = [1, 1]} : vector<1000x256xf32> to vector<1000x64xf32>
    %tanh3A_767 = math.tanh %slice3A_766 : vector<1000x64xf32>
    %slice3A_768 = vector.extract_strided_slice %add3A_751 {offsets = [0, 192], sizes = [1000, 64], strides = [1, 1]} : vector<1000x256xf32> to vector<1000x64xf32>
    %logistic3A_769 = arith.negf %slice3A_768 : vector<1000x64xf32>
    %logistic3A_770 = math.exp %logistic3A_769 : vector<1000x64xf32>
    %logistic3A_771 = arith.constant 1.000000e+00 : f32
    %logistic3A_772 = vector.broadcast %logistic3A_771 : f32 to vector<1000x64xf32>
    %logistic3A_773 = arith.addf %logistic3A_772, %logistic3A_770 : vector<1000x64xf32>
    %logistic3A_774 = arith.divf %logistic3A_772, %logistic3A_773 : vector<1000x64xf32>
    %mul3A_775 = arith.mulf %logistic3A_765, %add3A_736 : vector<1000x64xf32>
    %mul3A_776 = arith.mulf %logistic3A_758, %tanh3A_767 : vector<1000x64xf32>
    %add3A_777 = arith.addf %mul3A_775, %mul3A_776 : vector<1000x64xf32>
    %tanh3A_778 = math.tanh %add3A_777 : vector<1000x64xf32>
    %mul3A_779 = arith.mulf %logistic3A_774, %tanh3A_778 : vector<1000x64xf32>
    %swap3A_780 = arith.constant 0 : index
    %swap3A_781 = arith.constant 1152 : index
    %swap3A_782 = vector.load %arg9[%swap3A_780, %swap3A_781] : memref<1000x1280xf32, #tpu.memory_space<vmem>>, vector<1000x64xf32>
    tpu.vector_store %arg9[%swap3A_780, %swap3A_781], %mul3A_779 {strides = array<i32>} : memref<1000x1280xf32, #tpu.memory_space<vmem>>, vector<1000x64xf32>,
    %get3A_783 = arith.constant 0 : index
    %get3A_784 = arith.constant 304 : index
    %get3A_785 = vector.load %arg1[%get3A_783, %get3A_784] : memref<1000x320xf32, #tpu.memory_space<vmem>>, vector<1000x16xf32>
    %dot_general3A_786 = arith.constant dense<0.000000e+00> : vector<1000x256xf32>
    %dot_general3A_787 = tpu.matmul %get3A_785, %get3A_7, %dot_general3A_786 {dimension_numbers = #tpu.dot_dimension_numbers<[1], [0], [0], [1], [0, 0, 1, 1], [], []>, transpose_lhs_hint = false} : vector<1000x16xf32>, vector<16x256xf32>, vector<1000x256xf32> -> vector<1000x256xf32>
    %dot_general3A_788 = arith.constant dense<0.000000e+00> : vector<1000x256xf32>
    %dot_general3A_789 = tpu.matmul %mul3A_779, %get3A_10, %dot_general3A_788 {dimension_numbers = #tpu.dot_dimension_numbers<[1], [0], [0], [1], [0, 0, 1, 1], [], []>, transpose_lhs_hint = false} : vector<1000x64xf32>, vector<64x256xf32>, vector<1000x256xf32> -> vector<1000x256xf32>
    %add3A_790 = arith.addf %dot_general3A_787, %dot_general3A_789 : vector<1000x256xf32>
    %add3A_791 = vector.broadcast %get3A_4 : vector<1x256xf32> to vector<1000x256xf32>
    %add3A_792 = arith.addf %add3A_790, %add3A_791 : vector<1000x256xf32>
    %slice3A_793 = vector.extract_strided_slice %add3A_792 {offsets = [0, 0], sizes = [1000, 64], strides = [1, 1]} : vector<1000x256xf32> to vector<1000x64xf32>
    %logistic3A_794 = arith.negf %slice3A_793 : vector<1000x64xf32>
    %logistic3A_795 = math.exp %logistic3A_794 : vector<1000x64xf32>
    %logistic3A_796 = arith.constant 1.000000e+00 : f32
    %logistic3A_797 = vector.broadcast %logistic3A_796 : f32 to vector<1000x64xf32>
    %logistic3A_798 = arith.addf %logistic3A_797, %logistic3A_795 : vector<1000x64xf32>
    %logistic3A_799 = arith.divf %logistic3A_797, %logistic3A_798 : vector<1000x64xf32>
    %slice3A_800 = vector.extract_strided_slice %add3A_792 {offsets = [0, 64], sizes = [1000, 64], strides = [1, 1]} : vector<1000x256xf32> to vector<1000x64xf32>
    %logistic3A_801 = arith.negf %slice3A_800 : vector<1000x64xf32>
    %logistic3A_802 = math.exp %logistic3A_801 : vector<1000x64xf32>
    %logistic3A_803 = arith.constant 1.000000e+00 : f32
    %logistic3A_804 = vector.broadcast %logistic3A_803 : f32 to vector<1000x64xf32>
    %logistic3A_805 = arith.addf %logistic3A_804, %logistic3A_802 : vector<1000x64xf32>
    %logistic3A_806 = arith.divf %logistic3A_804, %logistic3A_805 : vector<1000x64xf32>
    %slice3A_807 = vector.extract_strided_slice %add3A_792 {offsets = [0, 128], sizes = [1000, 64], strides = [1, 1]} : vector<1000x256xf32> to vector<1000x64xf32>
    %tanh3A_808 = math.tanh %slice3A_807 : vector<1000x64xf32>
    %slice3A_809 = vector.extract_strided_slice %add3A_792 {offsets = [0, 192], sizes = [1000, 64], strides = [1, 1]} : vector<1000x256xf32> to vector<1000x64xf32>
    %logistic3A_810 = arith.negf %slice3A_809 : vector<1000x64xf32>
    %logistic3A_811 = math.exp %logistic3A_810 : vector<1000x64xf32>
    %logistic3A_812 = arith.constant 1.000000e+00 : f32
    %logistic3A_813 = vector.broadcast %logistic3A_812 : f32 to vector<1000x64xf32>
    %logistic3A_814 = arith.addf %logistic3A_813, %logistic3A_811 : vector<1000x64xf32>
    %logistic3A_815 = arith.divf %logistic3A_813, %logistic3A_814 : vector<1000x64xf32>
    %mul3A_816 = arith.mulf %logistic3A_806, %add3A_777 : vector<1000x64xf32>
    %mul3A_817 = arith.mulf %logistic3A_799, %tanh3A_808 : vector<1000x64xf32>
    %add3A_818 = arith.addf %mul3A_816, %mul3A_817 : vector<1000x64xf32>
    %tanh3A_819 = math.tanh %add3A_818 : vector<1000x64xf32>
    %mul3A_820 = arith.mulf %logistic3A_815, %tanh3A_819 : vector<1000x64xf32>
    %swap3A_821 = arith.constant 0 : index
    %swap3A_822 = arith.constant 1216 : index
    %swap3A_823 = vector.load %arg9[%swap3A_821, %swap3A_822] : memref<1000x1280xf32, #tpu.memory_space<vmem>>, vector<1000x64xf32>
    tpu.vector_store %arg9[%swap3A_821, %swap3A_822], %mul3A_820 {strides = array<i32>} : memref<1000x1280xf32, #tpu.memory_space<vmem>>, vector<1000x64xf32>,
    %broadcast_in_dim3A_824 = arith.constant 0.000000e+00 : f32
    %broadcast_in_dim3A_825 = vector.broadcast %broadcast_in_dim3A_824 : f32 to vector<1000x64xf32>
    %broadcast_in_dim3A_826 = arith.constant 0.000000e+00 : f32
    %broadcast_in_dim3A_827 = vector.broadcast %broadcast_in_dim3A_826 : f32 to vector<1000x64xf32>
    %get3A_828 = arith.constant 0 : index
    %get3A_829 = arith.constant 0 : index
    %get3A_830 = vector.load %arg7[%get3A_828, %get3A_829] : memref<1x256xf32, #tpu.memory_space<vmem>>, vector<1x256xf32>
    %get3A_831 = arith.constant 0 : index
    %get3A_832 = arith.constant 0 : index
    %get3A_833 = vector.load %arg5[%get3A_831, %get3A_832] : memref<64x256xf32, #tpu.memory_space<vmem>>, vector<64x256xf32>
    %get3A_834 = arith.constant 0 : index
    %get3A_835 = arith.constant 0 : index
    %get3A_836 = vector.load %arg6[%get3A_834, %get3A_835] : memref<64x256xf32, #tpu.memory_space<vmem>>, vector<64x256xf32>
    %get3A_837 = arith.constant 0 : index
    %get3A_838 = arith.constant 0 : index
    %get3A_839 = vector.load %arg9[%get3A_837, %get3A_838] : memref<1000x1280xf32, #tpu.memory_space<vmem>>, vector<1000x64xf32>
    %dot_general3A_840 = arith.constant dense<0.000000e+00> : vector<1000x256xf32>
    %dot_general3A_841 = tpu.matmul %get3A_839, %get3A_833, %dot_general3A_840 {dimension_numbers = #tpu.dot_dimension_numbers<[1], [0], [0], [1], [0, 0, 1, 1], [], []>, transpose_lhs_hint = false} : vector<1000x64xf32>, vector<64x256xf32>, vector<1000x256xf32> -> vector<1000x256xf32>
    %dot_general3A_842 = arith.constant dense<0.000000e+00> : vector<1000x256xf32>
    %dot_general3A_843 = tpu.matmul %broadcast_in_dim3A_825, %get3A_836, %dot_general3A_842 {dimension_numbers = #tpu.dot_dimension_numbers<[1], [0], [0], [1], [0, 0, 1, 1], [], []>, transpose_lhs_hint = false} : vector<1000x64xf32>, vector<64x256xf32>, vector<1000x256xf32> -> vector<1000x256xf32>
    %add3A_844 = arith.addf %dot_general3A_841, %dot_general3A_843 : vector<1000x256xf32>
    %add3A_845 = vector.broadcast %get3A_830 : vector<1x256xf32> to vector<1000x256xf32>
    %add3A_846 = arith.addf %add3A_844, %add3A_845 : vector<1000x256xf32>
    %slice3A_847 = vector.extract_strided_slice %add3A_846 {offsets = [0, 0], sizes = [1000, 64], strides = [1, 1]} : vector<1000x256xf32> to vector<1000x64xf32>
    %logistic3A_848 = arith.negf %slice3A_847 : vector<1000x64xf32>
    %logistic3A_849 = math.exp %logistic3A_848 : vector<1000x64xf32>
    %logistic3A_850 = arith.constant 1.000000e+00 : f32
    %logistic3A_851 = vector.broadcast %logistic3A_850 : f32 to vector<1000x64xf32>
    %logistic3A_852 = arith.addf %logistic3A_851, %logistic3A_849 : vector<1000x64xf32>
    %logistic3A_853 = arith.divf %logistic3A_851, %logistic3A_852 : vector<1000x64xf32>
    %slice3A_854 = vector.extract_strided_slice %add3A_846 {offsets = [0, 64], sizes = [1000, 64], strides = [1, 1]} : vector<1000x256xf32> to vector<1000x64xf32>
    %logistic3A_855 = arith.negf %slice3A_854 : vector<1000x64xf32>
    %logistic3A_856 = math.exp %logistic3A_855 : vector<1000x64xf32>
    %logistic3A_857 = arith.constant 1.000000e+00 : f32
    %logistic3A_858 = vector.broadcast %logistic3A_857 : f32 to vector<1000x64xf32>
    %logistic3A_859 = arith.addf %logistic3A_858, %logistic3A_856 : vector<1000x64xf32>
    %logistic3A_860 = arith.divf %logistic3A_858, %logistic3A_859 : vector<1000x64xf32>
    %slice3A_861 = vector.extract_strided_slice %add3A_846 {offsets = [0, 128], sizes = [1000, 64], strides = [1, 1]} : vector<1000x256xf32> to vector<1000x64xf32>
    %tanh3A_862 = math.tanh %slice3A_861 : vector<1000x64xf32>
    %slice3A_863 = vector.extract_strided_slice %add3A_846 {offsets = [0, 192], sizes = [1000, 64], strides = [1, 1]} : vector<1000x256xf32> to vector<1000x64xf32>
    %logistic3A_864 = arith.negf %slice3A_863 : vector<1000x64xf32>
    %logistic3A_865 = math.exp %logistic3A_864 : vector<1000x64xf32>
    %logistic3A_866 = arith.constant 1.000000e+00 : f32
    %logistic3A_867 = vector.broadcast %logistic3A_866 : f32 to vector<1000x64xf32>
    %logistic3A_868 = arith.addf %logistic3A_867, %logistic3A_865 : vector<1000x64xf32>
    %logistic3A_869 = arith.divf %logistic3A_867, %logistic3A_868 : vector<1000x64xf32>
    %mul3A_870 = arith.mulf %logistic3A_860, %broadcast_in_dim3A_827 : vector<1000x64xf32>
    %mul3A_871 = arith.mulf %logistic3A_853, %tanh3A_862 : vector<1000x64xf32>
    %add3A_872 = arith.addf %mul3A_870, %mul3A_871 : vector<1000x64xf32>
    %tanh3A_873 = math.tanh %add3A_872 : vector<1000x64xf32>
    %mul3A_874 = arith.mulf %logistic3A_869, %tanh3A_873 : vector<1000x64xf32>
    %get3A_875 = arith.constant 0 : index
    %get3A_876 = arith.constant 64 : index
    %get3A_877 = vector.load %arg9[%get3A_875, %get3A_876] : memref<1000x1280xf32, #tpu.memory_space<vmem>>, vector<1000x64xf32>
    %dot_general3A_878 = arith.constant dense<0.000000e+00> : vector<1000x256xf32>
    %dot_general3A_879 = tpu.matmul %get3A_877, %get3A_833, %dot_general3A_878 {dimension_numbers = #tpu.dot_dimension_numbers<[1], [0], [0], [1], [0, 0, 1, 1], [], []>, transpose_lhs_hint = false} : vector<1000x64xf32>, vector<64x256xf32>, vector<1000x256xf32> -> vector<1000x256xf32>
    %dot_general3A_880 = arith.constant dense<0.000000e+00> : vector<1000x256xf32>
    %dot_general3A_881 = tpu.matmul %mul3A_874, %get3A_836, %dot_general3A_880 {dimension_numbers = #tpu.dot_dimension_numbers<[1], [0], [0], [1], [0, 0, 1, 1], [], []>, transpose_lhs_hint = false} : vector<1000x64xf32>, vector<64x256xf32>, vector<1000x256xf32> -> vector<1000x256xf32>
    %add3A_882 = arith.addf %dot_general3A_879, %dot_general3A_881 : vector<1000x256xf32>
    %add3A_883 = vector.broadcast %get3A_830 : vector<1x256xf32> to vector<1000x256xf32>
    %add3A_884 = arith.addf %add3A_882, %add3A_883 : vector<1000x256xf32>
    %slice3A_885 = vector.extract_strided_slice %add3A_884 {offsets = [0, 0], sizes = [1000, 64], strides = [1, 1]} : vector<1000x256xf32> to vector<1000x64xf32>
    %logistic3A_886 = arith.negf %slice3A_885 : vector<1000x64xf32>
    %logistic3A_887 = math.exp %logistic3A_886 : vector<1000x64xf32>
    %logistic3A_888 = arith.constant 1.000000e+00 : f32
    %logistic3A_889 = vector.broadcast %logistic3A_888 : f32 to vector<1000x64xf32>
    %logistic3A_890 = arith.addf %logistic3A_889, %logistic3A_887 : vector<1000x64xf32>
    %logistic3A_891 = arith.divf %logistic3A_889, %logistic3A_890 : vector<1000x64xf32>
    %slice3A_892 = vector.extract_strided_slice %add3A_884 {offsets = [0, 64], sizes = [1000, 64], strides = [1, 1]} : vector<1000x256xf32> to vector<1000x64xf32>
    %logistic3A_893 = arith.negf %slice3A_892 : vector<1000x64xf32>
    %logistic3A_894 = math.exp %logistic3A_893 : vector<1000x64xf32>
    %logistic3A_895 = arith.constant 1.000000e+00 : f32
    %logistic3A_896 = vector.broadcast %logistic3A_895 : f32 to vector<1000x64xf32>
    %logistic3A_897 = arith.addf %logistic3A_896, %logistic3A_894 : vector<1000x64xf32>
    %logistic3A_898 = arith.divf %logistic3A_896, %logistic3A_897 : vector<1000x64xf32>
    %slice3A_899 = vector.extract_strided_slice %add3A_884 {offsets = [0, 128], sizes = [1000, 64], strides = [1, 1]} : vector<1000x256xf32> to vector<1000x64xf32>
    %tanh3A_900 = math.tanh %slice3A_899 : vector<1000x64xf32>
    %slice3A_901 = vector.extract_strided_slice %add3A_884 {offsets = [0, 192], sizes = [1000, 64], strides = [1, 1]} : vector<1000x256xf32> to vector<1000x64xf32>
    %logistic3A_902 = arith.negf %slice3A_901 : vector<1000x64xf32>
    %logistic3A_903 = math.exp %logistic3A_902 : vector<1000x64xf32>
    %logistic3A_904 = arith.constant 1.000000e+00 : f32
    %logistic3A_905 = vector.broadcast %logistic3A_904 : f32 to vector<1000x64xf32>
    %logistic3A_906 = arith.addf %logistic3A_905, %logistic3A_903 : vector<1000x64xf32>
    %logistic3A_907 = arith.divf %logistic3A_905, %logistic3A_906 : vector<1000x64xf32>
    %mul3A_908 = arith.mulf %logistic3A_898, %add3A_872 : vector<1000x64xf32>
    %mul3A_909 = arith.mulf %logistic3A_891, %tanh3A_900 : vector<1000x64xf32>
    %add3A_910 = arith.addf %mul3A_908, %mul3A_909 : vector<1000x64xf32>
    %tanh3A_911 = math.tanh %add3A_910 : vector<1000x64xf32>
    %mul3A_912 = arith.mulf %logistic3A_907, %tanh3A_911 : vector<1000x64xf32>
    %get3A_913 = arith.constant 0 : index
    %get3A_914 = arith.constant 128 : index
    %get3A_915 = vector.load %arg9[%get3A_913, %get3A_914] : memref<1000x1280xf32, #tpu.memory_space<vmem>>, vector<1000x64xf32>
    %dot_general3A_916 = arith.constant dense<0.000000e+00> : vector<1000x256xf32>
    %dot_general3A_917 = tpu.matmul %get3A_915, %get3A_833, %dot_general3A_916 {dimension_numbers = #tpu.dot_dimension_numbers<[1], [0], [0], [1], [0, 0, 1, 1], [], []>, transpose_lhs_hint = false} : vector<1000x64xf32>, vector<64x256xf32>, vector<1000x256xf32> -> vector<1000x256xf32>
    %dot_general3A_918 = arith.constant dense<0.000000e+00> : vector<1000x256xf32>
    %dot_general3A_919 = tpu.matmul %mul3A_912, %get3A_836, %dot_general3A_918 {dimension_numbers = #tpu.dot_dimension_numbers<[1], [0], [0], [1], [0, 0, 1, 1], [], []>, transpose_lhs_hint = false} : vector<1000x64xf32>, vector<64x256xf32>, vector<1000x256xf32> -> vector<1000x256xf32>
    %add3A_920 = arith.addf %dot_general3A_917, %dot_general3A_919 : vector<1000x256xf32>
    %add3A_921 = vector.broadcast %get3A_830 : vector<1x256xf32> to vector<1000x256xf32>
    %add3A_922 = arith.addf %add3A_920, %add3A_921 : vector<1000x256xf32>
    %slice3A_923 = vector.extract_strided_slice %add3A_922 {offsets = [0, 0], sizes = [1000, 64], strides = [1, 1]} : vector<1000x256xf32> to vector<1000x64xf32>
    %logistic3A_924 = arith.negf %slice3A_923 : vector<1000x64xf32>
    %logistic3A_925 = math.exp %logistic3A_924 : vector<1000x64xf32>
    %logistic3A_926 = arith.constant 1.000000e+00 : f32
    %logistic3A_927 = vector.broadcast %logistic3A_926 : f32 to vector<1000x64xf32>
    %logistic3A_928 = arith.addf %logistic3A_927, %logistic3A_925 : vector<1000x64xf32>
    %logistic3A_929 = arith.divf %logistic3A_927, %logistic3A_928 : vector<1000x64xf32>
    %slice3A_930 = vector.extract_strided_slice %add3A_922 {offsets = [0, 64], sizes = [1000, 64], strides = [1, 1]} : vector<1000x256xf32> to vector<1000x64xf32>
    %logistic3A_931 = arith.negf %slice3A_930 : vector<1000x64xf32>
    %logistic3A_932 = math.exp %logistic3A_931 : vector<1000x64xf32>
    %logistic3A_933 = arith.constant 1.000000e+00 : f32
    %logistic3A_934 = vector.broadcast %logistic3A_933 : f32 to vector<1000x64xf32>
    %logistic3A_935 = arith.addf %logistic3A_934, %logistic3A_932 : vector<1000x64xf32>
    %logistic3A_936 = arith.divf %logistic3A_934, %logistic3A_935 : vector<1000x64xf32>
    %slice3A_937 = vector.extract_strided_slice %add3A_922 {offsets = [0, 128], sizes = [1000, 64], strides = [1, 1]} : vector<1000x256xf32> to vector<1000x64xf32>
    %tanh3A_938 = math.tanh %slice3A_937 : vector<1000x64xf32>
    %slice3A_939 = vector.extract_strided_slice %add3A_922 {offsets = [0, 192], sizes = [1000, 64], strides = [1, 1]} : vector<1000x256xf32> to vector<1000x64xf32>
    %logistic3A_940 = arith.negf %slice3A_939 : vector<1000x64xf32>
    %logistic3A_941 = math.exp %logistic3A_940 : vector<1000x64xf32>
    %logistic3A_942 = arith.constant 1.000000e+00 : f32
    %logistic3A_943 = vector.broadcast %logistic3A_942 : f32 to vector<1000x64xf32>
    %logistic3A_944 = arith.addf %logistic3A_943, %logistic3A_941 : vector<1000x64xf32>
    %logistic3A_945 = arith.divf %logistic3A_943, %logistic3A_944 : vector<1000x64xf32>
    %mul3A_946 = arith.mulf %logistic3A_936, %add3A_910 : vector<1000x64xf32>
    %mul3A_947 = arith.mulf %logistic3A_929, %tanh3A_938 : vector<1000x64xf32>
    %add3A_948 = arith.addf %mul3A_946, %mul3A_947 : vector<1000x64xf32>
    %tanh3A_949 = math.tanh %add3A_948 : vector<1000x64xf32>
    %mul3A_950 = arith.mulf %logistic3A_945, %tanh3A_949 : vector<1000x64xf32>
    %get3A_951 = arith.constant 0 : index
    %get3A_952 = arith.constant 192 : index
    %get3A_953 = vector.load %arg9[%get3A_951, %get3A_952] : memref<1000x1280xf32, #tpu.memory_space<vmem>>, vector<1000x64xf32>
    %dot_general3A_954 = arith.constant dense<0.000000e+00> : vector<1000x256xf32>
    %dot_general3A_955 = tpu.matmul %get3A_953, %get3A_833, %dot_general3A_954 {dimension_numbers = #tpu.dot_dimension_numbers<[1], [0], [0], [1], [0, 0, 1, 1], [], []>, transpose_lhs_hint = false} : vector<1000x64xf32>, vector<64x256xf32>, vector<1000x256xf32> -> vector<1000x256xf32>
    %dot_general3A_956 = arith.constant dense<0.000000e+00> : vector<1000x256xf32>
    %dot_general3A_957 = tpu.matmul %mul3A_950, %get3A_836, %dot_general3A_956 {dimension_numbers = #tpu.dot_dimension_numbers<[1], [0], [0], [1], [0, 0, 1, 1], [], []>, transpose_lhs_hint = false} : vector<1000x64xf32>, vector<64x256xf32>, vector<1000x256xf32> -> vector<1000x256xf32>
    %add3A_958 = arith.addf %dot_general3A_955, %dot_general3A_957 : vector<1000x256xf32>
    %add3A_959 = vector.broadcast %get3A_830 : vector<1x256xf32> to vector<1000x256xf32>
    %add3A_960 = arith.addf %add3A_958, %add3A_959 : vector<1000x256xf32>
    %slice3A_961 = vector.extract_strided_slice %add3A_960 {offsets = [0, 0], sizes = [1000, 64], strides = [1, 1]} : vector<1000x256xf32> to vector<1000x64xf32>
    %logistic3A_962 = arith.negf %slice3A_961 : vector<1000x64xf32>
    %logistic3A_963 = math.exp %logistic3A_962 : vector<1000x64xf32>
    %logistic3A_964 = arith.constant 1.000000e+00 : f32
    %logistic3A_965 = vector.broadcast %logistic3A_964 : f32 to vector<1000x64xf32>
    %logistic3A_966 = arith.addf %logistic3A_965, %logistic3A_963 : vector<1000x64xf32>
    %logistic3A_967 = arith.divf %logistic3A_965, %logistic3A_966 : vector<1000x64xf32>
    %slice3A_968 = vector.extract_strided_slice %add3A_960 {offsets = [0, 64], sizes = [1000, 64], strides = [1, 1]} : vector<1000x256xf32> to vector<1000x64xf32>
    %logistic3A_969 = arith.negf %slice3A_968 : vector<1000x64xf32>
    %logistic3A_970 = math.exp %logistic3A_969 : vector<1000x64xf32>
    %logistic3A_971 = arith.constant 1.000000e+00 : f32
    %logistic3A_972 = vector.broadcast %logistic3A_971 : f32 to vector<1000x64xf32>
    %logistic3A_973 = arith.addf %logistic3A_972, %logistic3A_970 : vector<1000x64xf32>
    %logistic3A_974 = arith.divf %logistic3A_972, %logistic3A_973 : vector<1000x64xf32>
    %slice3A_975 = vector.extract_strided_slice %add3A_960 {offsets = [0, 128], sizes = [1000, 64], strides = [1, 1]} : vector<1000x256xf32> to vector<1000x64xf32>
    %tanh3A_976 = math.tanh %slice3A_975 : vector<1000x64xf32>
    %slice3A_977 = vector.extract_strided_slice %add3A_960 {offsets = [0, 192], sizes = [1000, 64], strides = [1, 1]} : vector<1000x256xf32> to vector<1000x64xf32>
    %logistic3A_978 = arith.negf %slice3A_977 : vector<1000x64xf32>
    %logistic3A_979 = math.exp %logistic3A_978 : vector<1000x64xf32>
    %logistic3A_980 = arith.constant 1.000000e+00 : f32
    %logistic3A_981 = vector.broadcast %logistic3A_980 : f32 to vector<1000x64xf32>
    %logistic3A_982 = arith.addf %logistic3A_981, %logistic3A_979 : vector<1000x64xf32>
    %logistic3A_983 = arith.divf %logistic3A_981, %logistic3A_982 : vector<1000x64xf32>
    %mul3A_984 = arith.mulf %logistic3A_974, %add3A_948 : vector<1000x64xf32>
    %mul3A_985 = arith.mulf %logistic3A_967, %tanh3A_976 : vector<1000x64xf32>
    %add3A_986 = arith.addf %mul3A_984, %mul3A_985 : vector<1000x64xf32>
    %tanh3A_987 = math.tanh %add3A_986 : vector<1000x64xf32>
    %mul3A_988 = arith.mulf %logistic3A_983, %tanh3A_987 : vector<1000x64xf32>
    %get3A_989 = arith.constant 0 : index
    %get3A_990 = arith.constant 256 : index
    %get3A_991 = vector.load %arg9[%get3A_989, %get3A_990] : memref<1000x1280xf32, #tpu.memory_space<vmem>>, vector<1000x64xf32>
    %dot_general3A_992 = arith.constant dense<0.000000e+00> : vector<1000x256xf32>
    %dot_general3A_993 = tpu.matmul %get3A_991, %get3A_833, %dot_general3A_992 {dimension_numbers = #tpu.dot_dimension_numbers<[1], [0], [0], [1], [0, 0, 1, 1], [], []>, transpose_lhs_hint = false} : vector<1000x64xf32>, vector<64x256xf32>, vector<1000x256xf32> -> vector<1000x256xf32>
    %dot_general3A_994 = arith.constant dense<0.000000e+00> : vector<1000x256xf32>
    %dot_general3A_995 = tpu.matmul %mul3A_988, %get3A_836, %dot_general3A_994 {dimension_numbers = #tpu.dot_dimension_numbers<[1], [0], [0], [1], [0, 0, 1, 1], [], []>, transpose_lhs_hint = false} : vector<1000x64xf32>, vector<64x256xf32>, vector<1000x256xf32> -> vector<1000x256xf32>
    %add3A_996 = arith.addf %dot_general3A_993, %dot_general3A_995 : vector<1000x256xf32>
    %add3A_997 = vector.broadcast %get3A_830 : vector<1x256xf32> to vector<1000x256xf32>
    %add3A_998 = arith.addf %add3A_996, %add3A_997 : vector<1000x256xf32>
    %slice3A_999 = vector.extract_strided_slice %add3A_998 {offsets = [0, 0], sizes = [1000, 64], strides = [1, 1]} : vector<1000x256xf32> to vector<1000x64xf32>
    %logistic3A_1000 = arith.negf %slice3A_999 : vector<1000x64xf32>
    %logistic3A_1001 = math.exp %logistic3A_1000 : vector<1000x64xf32>
    %logistic3A_1002 = arith.constant 1.000000e+00 : f32
    %logistic3A_1003 = vector.broadcast %logistic3A_1002 : f32 to vector<1000x64xf32>
    %logistic3A_1004 = arith.addf %logistic3A_1003, %logistic3A_1001 : vector<1000x64xf32>
    %logistic3A_1005 = arith.divf %logistic3A_1003, %logistic3A_1004 : vector<1000x64xf32>
    %slice3A_1006 = vector.extract_strided_slice %add3A_998 {offsets = [0, 64], sizes = [1000, 64], strides = [1, 1]} : vector<1000x256xf32> to vector<1000x64xf32>
    %logistic3A_1007 = arith.negf %slice3A_1006 : vector<1000x64xf32>
    %logistic3A_1008 = math.exp %logistic3A_1007 : vector<1000x64xf32>
    %logistic3A_1009 = arith.constant 1.000000e+00 : f32
    %logistic3A_1010 = vector.broadcast %logistic3A_1009 : f32 to vector<1000x64xf32>
    %logistic3A_1011 = arith.addf %logistic3A_1010, %logistic3A_1008 : vector<1000x64xf32>
    %logistic3A_1012 = arith.divf %logistic3A_1010, %logistic3A_1011 : vector<1000x64xf32>
    %slice3A_1013 = vector.extract_strided_slice %add3A_998 {offsets = [0, 128], sizes = [1000, 64], strides = [1, 1]} : vector<1000x256xf32> to vector<1000x64xf32>
    %tanh3A_1014 = math.tanh %slice3A_1013 : vector<1000x64xf32>
    %slice3A_1015 = vector.extract_strided_slice %add3A_998 {offsets = [0, 192], sizes = [1000, 64], strides = [1, 1]} : vector<1000x256xf32> to vector<1000x64xf32>
    %logistic3A_1016 = arith.negf %slice3A_1015 : vector<1000x64xf32>
    %logistic3A_1017 = math.exp %logistic3A_1016 : vector<1000x64xf32>
    %logistic3A_1018 = arith.constant 1.000000e+00 : f32
    %logistic3A_1019 = vector.broadcast %logistic3A_1018 : f32 to vector<1000x64xf32>
    %logistic3A_1020 = arith.addf %logistic3A_1019, %logistic3A_1017 : vector<1000x64xf32>
    %logistic3A_1021 = arith.divf %logistic3A_1019, %logistic3A_1020 : vector<1000x64xf32>
    %mul3A_1022 = arith.mulf %logistic3A_1012, %add3A_986 : vector<1000x64xf32>
    %mul3A_1023 = arith.mulf %logistic3A_1005, %tanh3A_1014 : vector<1000x64xf32>
    %add3A_1024 = arith.addf %mul3A_1022, %mul3A_1023 : vector<1000x64xf32>
    %tanh3A_1025 = math.tanh %add3A_1024 : vector<1000x64xf32>
    %mul3A_1026 = arith.mulf %logistic3A_1021, %tanh3A_1025 : vector<1000x64xf32>
    %get3A_1027 = arith.constant 0 : index
    %get3A_1028 = arith.constant 320 : index
    %get3A_1029 = vector.load %arg9[%get3A_1027, %get3A_1028] : memref<1000x1280xf32, #tpu.memory_space<vmem>>, vector<1000x64xf32>
    %dot_general3A_1030 = arith.constant dense<0.000000e+00> : vector<1000x256xf32>
    %dot_general3A_1031 = tpu.matmul %get3A_1029, %get3A_833, %dot_general3A_1030 {dimension_numbers = #tpu.dot_dimension_numbers<[1], [0], [0], [1], [0, 0, 1, 1], [], []>, transpose_lhs_hint = false} : vector<1000x64xf32>, vector<64x256xf32>, vector<1000x256xf32> -> vector<1000x256xf32>
    %dot_general3A_1032 = arith.constant dense<0.000000e+00> : vector<1000x256xf32>
    %dot_general3A_1033 = tpu.matmul %mul3A_1026, %get3A_836, %dot_general3A_1032 {dimension_numbers = #tpu.dot_dimension_numbers<[1], [0], [0], [1], [0, 0, 1, 1], [], []>, transpose_lhs_hint = false} : vector<1000x64xf32>, vector<64x256xf32>, vector<1000x256xf32> -> vector<1000x256xf32>
    %add3A_1034 = arith.addf %dot_general3A_1031, %dot_general3A_1033 : vector<1000x256xf32>
    %add3A_1035 = vector.broadcast %get3A_830 : vector<1x256xf32> to vector<1000x256xf32>
    %add3A_1036 = arith.addf %add3A_1034, %add3A_1035 : vector<1000x256xf32>
    %slice3A_1037 = vector.extract_strided_slice %add3A_1036 {offsets = [0, 0], sizes = [1000, 64], strides = [1, 1]} : vector<1000x256xf32> to vector<1000x64xf32>
    %logistic3A_1038 = arith.negf %slice3A_1037 : vector<1000x64xf32>
    %logistic3A_1039 = math.exp %logistic3A_1038 : vector<1000x64xf32>
    %logistic3A_1040 = arith.constant 1.000000e+00 : f32
    %logistic3A_1041 = vector.broadcast %logistic3A_1040 : f32 to vector<1000x64xf32>
    %logistic3A_1042 = arith.addf %logistic3A_1041, %logistic3A_1039 : vector<1000x64xf32>
    %logistic3A_1043 = arith.divf %logistic3A_1041, %logistic3A_1042 : vector<1000x64xf32>
    %slice3A_1044 = vector.extract_strided_slice %add3A_1036 {offsets = [0, 64], sizes = [1000, 64], strides = [1, 1]} : vector<1000x256xf32> to vector<1000x64xf32>
    %logistic3A_1045 = arith.negf %slice3A_1044 : vector<1000x64xf32>
    %logistic3A_1046 = math.exp %logistic3A_1045 : vector<1000x64xf32>
    %logistic3A_1047 = arith.constant 1.000000e+00 : f32
    %logistic3A_1048 = vector.broadcast %logistic3A_1047 : f32 to vector<1000x64xf32>
    %logistic3A_1049 = arith.addf %logistic3A_1048, %logistic3A_1046 : vector<1000x64xf32>
    %logistic3A_1050 = arith.divf %logistic3A_1048, %logistic3A_1049 : vector<1000x64xf32>
    %slice3A_1051 = vector.extract_strided_slice %add3A_1036 {offsets = [0, 128], sizes = [1000, 64], strides = [1, 1]} : vector<1000x256xf32> to vector<1000x64xf32>
    %tanh3A_1052 = math.tanh %slice3A_1051 : vector<1000x64xf32>
    %slice3A_1053 = vector.extract_strided_slice %add3A_1036 {offsets = [0, 192], sizes = [1000, 64], strides = [1, 1]} : vector<1000x256xf32> to vector<1000x64xf32>
    %logistic3A_1054 = arith.negf %slice3A_1053 : vector<1000x64xf32>
    %logistic3A_1055 = math.exp %logistic3A_1054 : vector<1000x64xf32>
    %logistic3A_1056 = arith.constant 1.000000e+00 : f32
    %logistic3A_1057 = vector.broadcast %logistic3A_1056 : f32 to vector<1000x64xf32>
    %logistic3A_1058 = arith.addf %logistic3A_1057, %logistic3A_1055 : vector<1000x64xf32>
    %logistic3A_1059 = arith.divf %logistic3A_1057, %logistic3A_1058 : vector<1000x64xf32>
    %mul3A_1060 = arith.mulf %logistic3A_1050, %add3A_1024 : vector<1000x64xf32>
    %mul3A_1061 = arith.mulf %logistic3A_1043, %tanh3A_1052 : vector<1000x64xf32>
    %add3A_1062 = arith.addf %mul3A_1060, %mul3A_1061 : vector<1000x64xf32>
    %tanh3A_1063 = math.tanh %add3A_1062 : vector<1000x64xf32>
    %mul3A_1064 = arith.mulf %logistic3A_1059, %tanh3A_1063 : vector<1000x64xf32>
    %get3A_1065 = arith.constant 0 : index
    %get3A_1066 = arith.constant 384 : index
    %get3A_1067 = vector.load %arg9[%get3A_1065, %get3A_1066] : memref<1000x1280xf32, #tpu.memory_space<vmem>>, vector<1000x64xf32>
    %dot_general3A_1068 = arith.constant dense<0.000000e+00> : vector<1000x256xf32>
    %dot_general3A_1069 = tpu.matmul %get3A_1067, %get3A_833, %dot_general3A_1068 {dimension_numbers = #tpu.dot_dimension_numbers<[1], [0], [0], [1], [0, 0, 1, 1], [], []>, transpose_lhs_hint = false} : vector<1000x64xf32>, vector<64x256xf32>, vector<1000x256xf32> -> vector<1000x256xf32>
    %dot_general3A_1070 = arith.constant dense<0.000000e+00> : vector<1000x256xf32>
    %dot_general3A_1071 = tpu.matmul %mul3A_1064, %get3A_836, %dot_general3A_1070 {dimension_numbers = #tpu.dot_dimension_numbers<[1], [0], [0], [1], [0, 0, 1, 1], [], []>, transpose_lhs_hint = false} : vector<1000x64xf32>, vector<64x256xf32>, vector<1000x256xf32> -> vector<1000x256xf32>
    %add3A_1072 = arith.addf %dot_general3A_1069, %dot_general3A_1071 : vector<1000x256xf32>
    %add3A_1073 = vector.broadcast %get3A_830 : vector<1x256xf32> to vector<1000x256xf32>
    %add3A_1074 = arith.addf %add3A_1072, %add3A_1073 : vector<1000x256xf32>
    %slice3A_1075 = vector.extract_strided_slice %add3A_1074 {offsets = [0, 0], sizes = [1000, 64], strides = [1, 1]} : vector<1000x256xf32> to vector<1000x64xf32>
    %logistic3A_1076 = arith.negf %slice3A_1075 : vector<1000x64xf32>
    %logistic3A_1077 = math.exp %logistic3A_1076 : vector<1000x64xf32>
    %logistic3A_1078 = arith.constant 1.000000e+00 : f32
    %logistic3A_1079 = vector.broadcast %logistic3A_1078 : f32 to vector<1000x64xf32>
    %logistic3A_1080 = arith.addf %logistic3A_1079, %logistic3A_1077 : vector<1000x64xf32>
    %logistic3A_1081 = arith.divf %logistic3A_1079, %logistic3A_1080 : vector<1000x64xf32>
    %slice3A_1082 = vector.extract_strided_slice %add3A_1074 {offsets = [0, 64], sizes = [1000, 64], strides = [1, 1]} : vector<1000x256xf32> to vector<1000x64xf32>
    %logistic3A_1083 = arith.negf %slice3A_1082 : vector<1000x64xf32>
    %logistic3A_1084 = math.exp %logistic3A_1083 : vector<1000x64xf32>
    %logistic3A_1085 = arith.constant 1.000000e+00 : f32
    %logistic3A_1086 = vector.broadcast %logistic3A_1085 : f32 to vector<1000x64xf32>
    %logistic3A_1087 = arith.addf %logistic3A_1086, %logistic3A_1084 : vector<1000x64xf32>
    %logistic3A_1088 = arith.divf %logistic3A_1086, %logistic3A_1087 : vector<1000x64xf32>
    %slice3A_1089 = vector.extract_strided_slice %add3A_1074 {offsets = [0, 128], sizes = [1000, 64], strides = [1, 1]} : vector<1000x256xf32> to vector<1000x64xf32>
    %tanh3A_1090 = math.tanh %slice3A_1089 : vector<1000x64xf32>
    %slice3A_1091 = vector.extract_strided_slice %add3A_1074 {offsets = [0, 192], sizes = [1000, 64], strides = [1, 1]} : vector<1000x256xf32> to vector<1000x64xf32>
    %logistic3A_1092 = arith.negf %slice3A_1091 : vector<1000x64xf32>
    %logistic3A_1093 = math.exp %logistic3A_1092 : vector<1000x64xf32>
    %logistic3A_1094 = arith.constant 1.000000e+00 : f32
    %logistic3A_1095 = vector.broadcast %logistic3A_1094 : f32 to vector<1000x64xf32>
    %logistic3A_1096 = arith.addf %logistic3A_1095, %logistic3A_1093 : vector<1000x64xf32>
    %logistic3A_1097 = arith.divf %logistic3A_1095, %logistic3A_1096 : vector<1000x64xf32>
    %mul3A_1098 = arith.mulf %logistic3A_1088, %add3A_1062 : vector<1000x64xf32>
    %mul3A_1099 = arith.mulf %logistic3A_1081, %tanh3A_1090 : vector<1000x64xf32>
    %add3A_1100 = arith.addf %mul3A_1098, %mul3A_1099 : vector<1000x64xf32>
    %tanh3A_1101 = math.tanh %add3A_1100 : vector<1000x64xf32>
    %mul3A_1102 = arith.mulf %logistic3A_1097, %tanh3A_1101 : vector<1000x64xf32>
    %get3A_1103 = arith.constant 0 : index
    %get3A_1104 = arith.constant 448 : index
    %get3A_1105 = vector.load %arg9[%get3A_1103, %get3A_1104] : memref<1000x1280xf32, #tpu.memory_space<vmem>>, vector<1000x64xf32>
    %dot_general3A_1106 = arith.constant dense<0.000000e+00> : vector<1000x256xf32>
    %dot_general3A_1107 = tpu.matmul %get3A_1105, %get3A_833, %dot_general3A_1106 {dimension_numbers = #tpu.dot_dimension_numbers<[1], [0], [0], [1], [0, 0, 1, 1], [], []>, transpose_lhs_hint = false} : vector<1000x64xf32>, vector<64x256xf32>, vector<1000x256xf32> -> vector<1000x256xf32>
    %dot_general3A_1108 = arith.constant dense<0.000000e+00> : vector<1000x256xf32>
    %dot_general3A_1109 = tpu.matmul %mul3A_1102, %get3A_836, %dot_general3A_1108 {dimension_numbers = #tpu.dot_dimension_numbers<[1], [0], [0], [1], [0, 0, 1, 1], [], []>, transpose_lhs_hint = false} : vector<1000x64xf32>, vector<64x256xf32>, vector<1000x256xf32> -> vector<1000x256xf32>
    %add3A_1110 = arith.addf %dot_general3A_1107, %dot_general3A_1109 : vector<1000x256xf32>
    %add3A_1111 = vector.broadcast %get3A_830 : vector<1x256xf32> to vector<1000x256xf32>
    %add3A_1112 = arith.addf %add3A_1110, %add3A_1111 : vector<1000x256xf32>
    %slice3A_1113 = vector.extract_strided_slice %add3A_1112 {offsets = [0, 0], sizes = [1000, 64], strides = [1, 1]} : vector<1000x256xf32> to vector<1000x64xf32>
    %logistic3A_1114 = arith.negf %slice3A_1113 : vector<1000x64xf32>
    %logistic3A_1115 = math.exp %logistic3A_1114 : vector<1000x64xf32>
    %logistic3A_1116 = arith.constant 1.000000e+00 : f32
    %logistic3A_1117 = vector.broadcast %logistic3A_1116 : f32 to vector<1000x64xf32>
    %logistic3A_1118 = arith.addf %logistic3A_1117, %logistic3A_1115 : vector<1000x64xf32>
    %logistic3A_1119 = arith.divf %logistic3A_1117, %logistic3A_1118 : vector<1000x64xf32>
    %slice3A_1120 = vector.extract_strided_slice %add3A_1112 {offsets = [0, 64], sizes = [1000, 64], strides = [1, 1]} : vector<1000x256xf32> to vector<1000x64xf32>
    %logistic3A_1121 = arith.negf %slice3A_1120 : vector<1000x64xf32>
    %logistic3A_1122 = math.exp %logistic3A_1121 : vector<1000x64xf32>
    %logistic3A_1123 = arith.constant 1.000000e+00 : f32
    %logistic3A_1124 = vector.broadcast %logistic3A_1123 : f32 to vector<1000x64xf32>
    %logistic3A_1125 = arith.addf %logistic3A_1124, %logistic3A_1122 : vector<1000x64xf32>
    %logistic3A_1126 = arith.divf %logistic3A_1124, %logistic3A_1125 : vector<1000x64xf32>
    %slice3A_1127 = vector.extract_strided_slice %add3A_1112 {offsets = [0, 128], sizes = [1000, 64], strides = [1, 1]} : vector<1000x256xf32> to vector<1000x64xf32>
    %tanh3A_1128 = math.tanh %slice3A_1127 : vector<1000x64xf32>
    %slice3A_1129 = vector.extract_strided_slice %add3A_1112 {offsets = [0, 192], sizes = [1000, 64], strides = [1, 1]} : vector<1000x256xf32> to vector<1000x64xf32>
    %logistic3A_1130 = arith.negf %slice3A_1129 : vector<1000x64xf32>
    %logistic3A_1131 = math.exp %logistic3A_1130 : vector<1000x64xf32>
    %logistic3A_1132 = arith.constant 1.000000e+00 : f32
    %logistic3A_1133 = vector.broadcast %logistic3A_1132 : f32 to vector<1000x64xf32>
    %logistic3A_1134 = arith.addf %logistic3A_1133, %logistic3A_1131 : vector<1000x64xf32>
    %logistic3A_1135 = arith.divf %logistic3A_1133, %logistic3A_1134 : vector<1000x64xf32>
    %mul3A_1136 = arith.mulf %logistic3A_1126, %add3A_1100 : vector<1000x64xf32>
    %mul3A_1137 = arith.mulf %logistic3A_1119, %tanh3A_1128 : vector<1000x64xf32>
    %add3A_1138 = arith.addf %mul3A_1136, %mul3A_1137 : vector<1000x64xf32>
    %tanh3A_1139 = math.tanh %add3A_1138 : vector<1000x64xf32>
    %mul3A_1140 = arith.mulf %logistic3A_1135, %tanh3A_1139 : vector<1000x64xf32>
    %get3A_1141 = arith.constant 0 : index
    %get3A_1142 = arith.constant 512 : index
    %get3A_1143 = vector.load %arg9[%get3A_1141, %get3A_1142] : memref<1000x1280xf32, #tpu.memory_space<vmem>>, vector<1000x64xf32>
    %dot_general3A_1144 = arith.constant dense<0.000000e+00> : vector<1000x256xf32>
    %dot_general3A_1145 = tpu.matmul %get3A_1143, %get3A_833, %dot_general3A_1144 {dimension_numbers = #tpu.dot_dimension_numbers<[1], [0], [0], [1], [0, 0, 1, 1], [], []>, transpose_lhs_hint = false} : vector<1000x64xf32>, vector<64x256xf32>, vector<1000x256xf32> -> vector<1000x256xf32>
    %dot_general3A_1146 = arith.constant dense<0.000000e+00> : vector<1000x256xf32>
    %dot_general3A_1147 = tpu.matmul %mul3A_1140, %get3A_836, %dot_general3A_1146 {dimension_numbers = #tpu.dot_dimension_numbers<[1], [0], [0], [1], [0, 0, 1, 1], [], []>, transpose_lhs_hint = false} : vector<1000x64xf32>, vector<64x256xf32>, vector<1000x256xf32> -> vector<1000x256xf32>
    %add3A_1148 = arith.addf %dot_general3A_1145, %dot_general3A_1147 : vector<1000x256xf32>
    %add3A_1149 = vector.broadcast %get3A_830 : vector<1x256xf32> to vector<1000x256xf32>
    %add3A_1150 = arith.addf %add3A_1148, %add3A_1149 : vector<1000x256xf32>
    %slice3A_1151 = vector.extract_strided_slice %add3A_1150 {offsets = [0, 0], sizes = [1000, 64], strides = [1, 1]} : vector<1000x256xf32> to vector<1000x64xf32>
    %logistic3A_1152 = arith.negf %slice3A_1151 : vector<1000x64xf32>
    %logistic3A_1153 = math.exp %logistic3A_1152 : vector<1000x64xf32>
    %logistic3A_1154 = arith.constant 1.000000e+00 : f32
    %logistic3A_1155 = vector.broadcast %logistic3A_1154 : f32 to vector<1000x64xf32>
    %logistic3A_1156 = arith.addf %logistic3A_1155, %logistic3A_1153 : vector<1000x64xf32>
    %logistic3A_1157 = arith.divf %logistic3A_1155, %logistic3A_1156 : vector<1000x64xf32>
    %slice3A_1158 = vector.extract_strided_slice %add3A_1150 {offsets = [0, 64], sizes = [1000, 64], strides = [1, 1]} : vector<1000x256xf32> to vector<1000x64xf32>
    %logistic3A_1159 = arith.negf %slice3A_1158 : vector<1000x64xf32>
    %logistic3A_1160 = math.exp %logistic3A_1159 : vector<1000x64xf32>
    %logistic3A_1161 = arith.constant 1.000000e+00 : f32
    %logistic3A_1162 = vector.broadcast %logistic3A_1161 : f32 to vector<1000x64xf32>
    %logistic3A_1163 = arith.addf %logistic3A_1162, %logistic3A_1160 : vector<1000x64xf32>
    %logistic3A_1164 = arith.divf %logistic3A_1162, %logistic3A_1163 : vector<1000x64xf32>
    %slice3A_1165 = vector.extract_strided_slice %add3A_1150 {offsets = [0, 128], sizes = [1000, 64], strides = [1, 1]} : vector<1000x256xf32> to vector<1000x64xf32>
    %tanh3A_1166 = math.tanh %slice3A_1165 : vector<1000x64xf32>
    %slice3A_1167 = vector.extract_strided_slice %add3A_1150 {offsets = [0, 192], sizes = [1000, 64], strides = [1, 1]} : vector<1000x256xf32> to vector<1000x64xf32>
    %logistic3A_1168 = arith.negf %slice3A_1167 : vector<1000x64xf32>
    %logistic3A_1169 = math.exp %logistic3A_1168 : vector<1000x64xf32>
    %logistic3A_1170 = arith.constant 1.000000e+00 : f32
    %logistic3A_1171 = vector.broadcast %logistic3A_1170 : f32 to vector<1000x64xf32>
    %logistic3A_1172 = arith.addf %logistic3A_1171, %logistic3A_1169 : vector<1000x64xf32>
    %logistic3A_1173 = arith.divf %logistic3A_1171, %logistic3A_1172 : vector<1000x64xf32>
    %mul3A_1174 = arith.mulf %logistic3A_1164, %add3A_1138 : vector<1000x64xf32>
    %mul3A_1175 = arith.mulf %logistic3A_1157, %tanh3A_1166 : vector<1000x64xf32>
    %add3A_1176 = arith.addf %mul3A_1174, %mul3A_1175 : vector<1000x64xf32>
    %tanh3A_1177 = math.tanh %add3A_1176 : vector<1000x64xf32>
    %mul3A_1178 = arith.mulf %logistic3A_1173, %tanh3A_1177 : vector<1000x64xf32>
    %get3A_1179 = arith.constant 0 : index
    %get3A_1180 = arith.constant 576 : index
    %get3A_1181 = vector.load %arg9[%get3A_1179, %get3A_1180] : memref<1000x1280xf32, #tpu.memory_space<vmem>>, vector<1000x64xf32>
    %dot_general3A_1182 = arith.constant dense<0.000000e+00> : vector<1000x256xf32>
    %dot_general3A_1183 = tpu.matmul %get3A_1181, %get3A_833, %dot_general3A_1182 {dimension_numbers = #tpu.dot_dimension_numbers<[1], [0], [0], [1], [0, 0, 1, 1], [], []>, transpose_lhs_hint = false} : vector<1000x64xf32>, vector<64x256xf32>, vector<1000x256xf32> -> vector<1000x256xf32>
    %dot_general3A_1184 = arith.constant dense<0.000000e+00> : vector<1000x256xf32>
    %dot_general3A_1185 = tpu.matmul %mul3A_1178, %get3A_836, %dot_general3A_1184 {dimension_numbers = #tpu.dot_dimension_numbers<[1], [0], [0], [1], [0, 0, 1, 1], [], []>, transpose_lhs_hint = false} : vector<1000x64xf32>, vector<64x256xf32>, vector<1000x256xf32> -> vector<1000x256xf32>
    %add3A_1186 = arith.addf %dot_general3A_1183, %dot_general3A_1185 : vector<1000x256xf32>
    %add3A_1187 = vector.broadcast %get3A_830 : vector<1x256xf32> to vector<1000x256xf32>
    %add3A_1188 = arith.addf %add3A_1186, %add3A_1187 : vector<1000x256xf32>
    %slice3A_1189 = vector.extract_strided_slice %add3A_1188 {offsets = [0, 0], sizes = [1000, 64], strides = [1, 1]} : vector<1000x256xf32> to vector<1000x64xf32>
    %logistic3A_1190 = arith.negf %slice3A_1189 : vector<1000x64xf32>
    %logistic3A_1191 = math.exp %logistic3A_1190 : vector<1000x64xf32>
    %logistic3A_1192 = arith.constant 1.000000e+00 : f32
    %logistic3A_1193 = vector.broadcast %logistic3A_1192 : f32 to vector<1000x64xf32>
    %logistic3A_1194 = arith.addf %logistic3A_1193, %logistic3A_1191 : vector<1000x64xf32>
    %logistic3A_1195 = arith.divf %logistic3A_1193, %logistic3A_1194 : vector<1000x64xf32>
    %slice3A_1196 = vector.extract_strided_slice %add3A_1188 {offsets = [0, 64], sizes = [1000, 64], strides = [1, 1]} : vector<1000x256xf32> to vector<1000x64xf32>
    %logistic3A_1197 = arith.negf %slice3A_1196 : vector<1000x64xf32>
    %logistic3A_1198 = math.exp %logistic3A_1197 : vector<1000x64xf32>
    %logistic3A_1199 = arith.constant 1.000000e+00 : f32
    %logistic3A_1200 = vector.broadcast %logistic3A_1199 : f32 to vector<1000x64xf32>
    %logistic3A_1201 = arith.addf %logistic3A_1200, %logistic3A_1198 : vector<1000x64xf32>
    %logistic3A_1202 = arith.divf %logistic3A_1200, %logistic3A_1201 : vector<1000x64xf32>
    %slice3A_1203 = vector.extract_strided_slice %add3A_1188 {offsets = [0, 128], sizes = [1000, 64], strides = [1, 1]} : vector<1000x256xf32> to vector<1000x64xf32>
    %tanh3A_1204 = math.tanh %slice3A_1203 : vector<1000x64xf32>
    %slice3A_1205 = vector.extract_strided_slice %add3A_1188 {offsets = [0, 192], sizes = [1000, 64], strides = [1, 1]} : vector<1000x256xf32> to vector<1000x64xf32>
    %logistic3A_1206 = arith.negf %slice3A_1205 : vector<1000x64xf32>
    %logistic3A_1207 = math.exp %logistic3A_1206 : vector<1000x64xf32>
    %logistic3A_1208 = arith.constant 1.000000e+00 : f32
    %logistic3A_1209 = vector.broadcast %logistic3A_1208 : f32 to vector<1000x64xf32>
    %logistic3A_1210 = arith.addf %logistic3A_1209, %logistic3A_1207 : vector<1000x64xf32>
    %logistic3A_1211 = arith.divf %logistic3A_1209, %logistic3A_1210 : vector<1000x64xf32>
    %mul3A_1212 = arith.mulf %logistic3A_1202, %add3A_1176 : vector<1000x64xf32>
    %mul3A_1213 = arith.mulf %logistic3A_1195, %tanh3A_1204 : vector<1000x64xf32>
    %add3A_1214 = arith.addf %mul3A_1212, %mul3A_1213 : vector<1000x64xf32>
    %tanh3A_1215 = math.tanh %add3A_1214 : vector<1000x64xf32>
    %mul3A_1216 = arith.mulf %logistic3A_1211, %tanh3A_1215 : vector<1000x64xf32>
    %get3A_1217 = arith.constant 0 : index
    %get3A_1218 = arith.constant 640 : index
    %get3A_1219 = vector.load %arg9[%get3A_1217, %get3A_1218] : memref<1000x1280xf32, #tpu.memory_space<vmem>>, vector<1000x64xf32>
    %dot_general3A_1220 = arith.constant dense<0.000000e+00> : vector<1000x256xf32>
    %dot_general3A_1221 = tpu.matmul %get3A_1219, %get3A_833, %dot_general3A_1220 {dimension_numbers = #tpu.dot_dimension_numbers<[1], [0], [0], [1], [0, 0, 1, 1], [], []>, transpose_lhs_hint = false} : vector<1000x64xf32>, vector<64x256xf32>, vector<1000x256xf32> -> vector<1000x256xf32>
    %dot_general3A_1222 = arith.constant dense<0.000000e+00> : vector<1000x256xf32>
    %dot_general3A_1223 = tpu.matmul %mul3A_1216, %get3A_836, %dot_general3A_1222 {dimension_numbers = #tpu.dot_dimension_numbers<[1], [0], [0], [1], [0, 0, 1, 1], [], []>, transpose_lhs_hint = false} : vector<1000x64xf32>, vector<64x256xf32>, vector<1000x256xf32> -> vector<1000x256xf32>
    %add3A_1224 = arith.addf %dot_general3A_1221, %dot_general3A_1223 : vector<1000x256xf32>
    %add3A_1225 = vector.broadcast %get3A_830 : vector<1x256xf32> to vector<1000x256xf32>
    %add3A_1226 = arith.addf %add3A_1224, %add3A_1225 : vector<1000x256xf32>
    %slice3A_1227 = vector.extract_strided_slice %add3A_1226 {offsets = [0, 0], sizes = [1000, 64], strides = [1, 1]} : vector<1000x256xf32> to vector<1000x64xf32>
    %logistic3A_1228 = arith.negf %slice3A_1227 : vector<1000x64xf32>
    %logistic3A_1229 = math.exp %logistic3A_1228 : vector<1000x64xf32>
    %logistic3A_1230 = arith.constant 1.000000e+00 : f32
    %logistic3A_1231 = vector.broadcast %logistic3A_1230 : f32 to vector<1000x64xf32>
    %logistic3A_1232 = arith.addf %logistic3A_1231, %logistic3A_1229 : vector<1000x64xf32>
    %logistic3A_1233 = arith.divf %logistic3A_1231, %logistic3A_1232 : vector<1000x64xf32>
    %slice3A_1234 = vector.extract_strided_slice %add3A_1226 {offsets = [0, 64], sizes = [1000, 64], strides = [1, 1]} : vector<1000x256xf32> to vector<1000x64xf32>
    %logistic3A_1235 = arith.negf %slice3A_1234 : vector<1000x64xf32>
    %logistic3A_1236 = math.exp %logistic3A_1235 : vector<1000x64xf32>
    %logistic3A_1237 = arith.constant 1.000000e+00 : f32
    %logistic3A_1238 = vector.broadcast %logistic3A_1237 : f32 to vector<1000x64xf32>
    %logistic3A_1239 = arith.addf %logistic3A_1238, %logistic3A_1236 : vector<1000x64xf32>
    %logistic3A_1240 = arith.divf %logistic3A_1238, %logistic3A_1239 : vector<1000x64xf32>
    %slice3A_1241 = vector.extract_strided_slice %add3A_1226 {offsets = [0, 128], sizes = [1000, 64], strides = [1, 1]} : vector<1000x256xf32> to vector<1000x64xf32>
    %tanh3A_1242 = math.tanh %slice3A_1241 : vector<1000x64xf32>
    %slice3A_1243 = vector.extract_strided_slice %add3A_1226 {offsets = [0, 192], sizes = [1000, 64], strides = [1, 1]} : vector<1000x256xf32> to vector<1000x64xf32>
    %logistic3A_1244 = arith.negf %slice3A_1243 : vector<1000x64xf32>
    %logistic3A_1245 = math.exp %logistic3A_1244 : vector<1000x64xf32>
    %logistic3A_1246 = arith.constant 1.000000e+00 : f32
    %logistic3A_1247 = vector.broadcast %logistic3A_1246 : f32 to vector<1000x64xf32>
    %logistic3A_1248 = arith.addf %logistic3A_1247, %logistic3A_1245 : vector<1000x64xf32>
    %logistic3A_1249 = arith.divf %logistic3A_1247, %logistic3A_1248 : vector<1000x64xf32>
    %mul3A_1250 = arith.mulf %logistic3A_1240, %add3A_1214 : vector<1000x64xf32>
    %mul3A_1251 = arith.mulf %logistic3A_1233, %tanh3A_1242 : vector<1000x64xf32>
    %add3A_1252 = arith.addf %mul3A_1250, %mul3A_1251 : vector<1000x64xf32>
    %tanh3A_1253 = math.tanh %add3A_1252 : vector<1000x64xf32>
    %mul3A_1254 = arith.mulf %logistic3A_1249, %tanh3A_1253 : vector<1000x64xf32>
    %get3A_1255 = arith.constant 0 : index
    %get3A_1256 = arith.constant 704 : index
    %get3A_1257 = vector.load %arg9[%get3A_1255, %get3A_1256] : memref<1000x1280xf32, #tpu.memory_space<vmem>>, vector<1000x64xf32>
    %dot_general3A_1258 = arith.constant dense<0.000000e+00> : vector<1000x256xf32>
    %dot_general3A_1259 = tpu.matmul %get3A_1257, %get3A_833, %dot_general3A_1258 {dimension_numbers = #tpu.dot_dimension_numbers<[1], [0], [0], [1], [0, 0, 1, 1], [], []>, transpose_lhs_hint = false} : vector<1000x64xf32>, vector<64x256xf32>, vector<1000x256xf32> -> vector<1000x256xf32>
    %dot_general3A_1260 = arith.constant dense<0.000000e+00> : vector<1000x256xf32>
    %dot_general3A_1261 = tpu.matmul %mul3A_1254, %get3A_836, %dot_general3A_1260 {dimension_numbers = #tpu.dot_dimension_numbers<[1], [0], [0], [1], [0, 0, 1, 1], [], []>, transpose_lhs_hint = false} : vector<1000x64xf32>, vector<64x256xf32>, vector<1000x256xf32> -> vector<1000x256xf32>
    %add3A_1262 = arith.addf %dot_general3A_1259, %dot_general3A_1261 : vector<1000x256xf32>
    %add3A_1263 = vector.broadcast %get3A_830 : vector<1x256xf32> to vector<1000x256xf32>
    %add3A_1264 = arith.addf %add3A_1262, %add3A_1263 : vector<1000x256xf32>
    %slice3A_1265 = vector.extract_strided_slice %add3A_1264 {offsets = [0, 0], sizes = [1000, 64], strides = [1, 1]} : vector<1000x256xf32> to vector<1000x64xf32>
    %logistic3A_1266 = arith.negf %slice3A_1265 : vector<1000x64xf32>
    %logistic3A_1267 = math.exp %logistic3A_1266 : vector<1000x64xf32>
    %logistic3A_1268 = arith.constant 1.000000e+00 : f32
    %logistic3A_1269 = vector.broadcast %logistic3A_1268 : f32 to vector<1000x64xf32>
    %logistic3A_1270 = arith.addf %logistic3A_1269, %logistic3A_1267 : vector<1000x64xf32>
    %logistic3A_1271 = arith.divf %logistic3A_1269, %logistic3A_1270 : vector<1000x64xf32>
    %slice3A_1272 = vector.extract_strided_slice %add3A_1264 {offsets = [0, 64], sizes = [1000, 64], strides = [1, 1]} : vector<1000x256xf32> to vector<1000x64xf32>
    %logistic3A_1273 = arith.negf %slice3A_1272 : vector<1000x64xf32>
    %logistic3A_1274 = math.exp %logistic3A_1273 : vector<1000x64xf32>
    %logistic3A_1275 = arith.constant 1.000000e+00 : f32
    %logistic3A_1276 = vector.broadcast %logistic3A_1275 : f32 to vector<1000x64xf32>
    %logistic3A_1277 = arith.addf %logistic3A_1276, %logistic3A_1274 : vector<1000x64xf32>
    %logistic3A_1278 = arith.divf %logistic3A_1276, %logistic3A_1277 : vector<1000x64xf32>
    %slice3A_1279 = vector.extract_strided_slice %add3A_1264 {offsets = [0, 128], sizes = [1000, 64], strides = [1, 1]} : vector<1000x256xf32> to vector<1000x64xf32>
    %tanh3A_1280 = math.tanh %slice3A_1279 : vector<1000x64xf32>
    %slice3A_1281 = vector.extract_strided_slice %add3A_1264 {offsets = [0, 192], sizes = [1000, 64], strides = [1, 1]} : vector<1000x256xf32> to vector<1000x64xf32>
    %logistic3A_1282 = arith.negf %slice3A_1281 : vector<1000x64xf32>
    %logistic3A_1283 = math.exp %logistic3A_1282 : vector<1000x64xf32>
    %logistic3A_1284 = arith.constant 1.000000e+00 : f32
    %logistic3A_1285 = vector.broadcast %logistic3A_1284 : f32 to vector<1000x64xf32>
    %logistic3A_1286 = arith.addf %logistic3A_1285, %logistic3A_1283 : vector<1000x64xf32>
    %logistic3A_1287 = arith.divf %logistic3A_1285, %logistic3A_1286 : vector<1000x64xf32>
    %mul3A_1288 = arith.mulf %logistic3A_1278, %add3A_1252 : vector<1000x64xf32>
    %mul3A_1289 = arith.mulf %logistic3A_1271, %tanh3A_1280 : vector<1000x64xf32>
    %add3A_1290 = arith.addf %mul3A_1288, %mul3A_1289 : vector<1000x64xf32>
    %tanh3A_1291 = math.tanh %add3A_1290 : vector<1000x64xf32>
    %mul3A_1292 = arith.mulf %logistic3A_1287, %tanh3A_1291 : vector<1000x64xf32>
    %get3A_1293 = arith.constant 0 : index
    %get3A_1294 = arith.constant 768 : index
    %get3A_1295 = vector.load %arg9[%get3A_1293, %get3A_1294] : memref<1000x1280xf32, #tpu.memory_space<vmem>>, vector<1000x64xf32>
    %dot_general3A_1296 = arith.constant dense<0.000000e+00> : vector<1000x256xf32>
    %dot_general3A_1297 = tpu.matmul %get3A_1295, %get3A_833, %dot_general3A_1296 {dimension_numbers = #tpu.dot_dimension_numbers<[1], [0], [0], [1], [0, 0, 1, 1], [], []>, transpose_lhs_hint = false} : vector<1000x64xf32>, vector<64x256xf32>, vector<1000x256xf32> -> vector<1000x256xf32>
    %dot_general3A_1298 = arith.constant dense<0.000000e+00> : vector<1000x256xf32>
    %dot_general3A_1299 = tpu.matmul %mul3A_1292, %get3A_836, %dot_general3A_1298 {dimension_numbers = #tpu.dot_dimension_numbers<[1], [0], [0], [1], [0, 0, 1, 1], [], []>, transpose_lhs_hint = false} : vector<1000x64xf32>, vector<64x256xf32>, vector<1000x256xf32> -> vector<1000x256xf32>
    %add3A_1300 = arith.addf %dot_general3A_1297, %dot_general3A_1299 : vector<1000x256xf32>
    %add3A_1301 = vector.broadcast %get3A_830 : vector<1x256xf32> to vector<1000x256xf32>
    %add3A_1302 = arith.addf %add3A_1300, %add3A_1301 : vector<1000x256xf32>
    %slice3A_1303 = vector.extract_strided_slice %add3A_1302 {offsets = [0, 0], sizes = [1000, 64], strides = [1, 1]} : vector<1000x256xf32> to vector<1000x64xf32>
    %logistic3A_1304 = arith.negf %slice3A_1303 : vector<1000x64xf32>
    %logistic3A_1305 = math.exp %logistic3A_1304 : vector<1000x64xf32>
    %logistic3A_1306 = arith.constant 1.000000e+00 : f32
    %logistic3A_1307 = vector.broadcast %logistic3A_1306 : f32 to vector<1000x64xf32>
    %logistic3A_1308 = arith.addf %logistic3A_1307, %logistic3A_1305 : vector<1000x64xf32>
    %logistic3A_1309 = arith.divf %logistic3A_1307, %logistic3A_1308 : vector<1000x64xf32>
    %slice3A_1310 = vector.extract_strided_slice %add3A_1302 {offsets = [0, 64], sizes = [1000, 64], strides = [1, 1]} : vector<1000x256xf32> to vector<1000x64xf32>
    %logistic3A_1311 = arith.negf %slice3A_1310 : vector<1000x64xf32>
    %logistic3A_1312 = math.exp %logistic3A_1311 : vector<1000x64xf32>
    %logistic3A_1313 = arith.constant 1.000000e+00 : f32
    %logistic3A_1314 = vector.broadcast %logistic3A_1313 : f32 to vector<1000x64xf32>
    %logistic3A_1315 = arith.addf %logistic3A_1314, %logistic3A_1312 : vector<1000x64xf32>
    %logistic3A_1316 = arith.divf %logistic3A_1314, %logistic3A_1315 : vector<1000x64xf32>
    %slice3A_1317 = vector.extract_strided_slice %add3A_1302 {offsets = [0, 128], sizes = [1000, 64], strides = [1, 1]} : vector<1000x256xf32> to vector<1000x64xf32>
    %tanh3A_1318 = math.tanh %slice3A_1317 : vector<1000x64xf32>
    %slice3A_1319 = vector.extract_strided_slice %add3A_1302 {offsets = [0, 192], sizes = [1000, 64], strides = [1, 1]} : vector<1000x256xf32> to vector<1000x64xf32>
    %logistic3A_1320 = arith.negf %slice3A_1319 : vector<1000x64xf32>
    %logistic3A_1321 = math.exp %logistic3A_1320 : vector<1000x64xf32>
    %logistic3A_1322 = arith.constant 1.000000e+00 : f32
    %logistic3A_1323 = vector.broadcast %logistic3A_1322 : f32 to vector<1000x64xf32>
    %logistic3A_1324 = arith.addf %logistic3A_1323, %logistic3A_1321 : vector<1000x64xf32>
    %logistic3A_1325 = arith.divf %logistic3A_1323, %logistic3A_1324 : vector<1000x64xf32>
    %mul3A_1326 = arith.mulf %logistic3A_1316, %add3A_1290 : vector<1000x64xf32>
    %mul3A_1327 = arith.mulf %logistic3A_1309, %tanh3A_1318 : vector<1000x64xf32>
    %add3A_1328 = arith.addf %mul3A_1326, %mul3A_1327 : vector<1000x64xf32>
    %tanh3A_1329 = math.tanh %add3A_1328 : vector<1000x64xf32>
    %mul3A_1330 = arith.mulf %logistic3A_1325, %tanh3A_1329 : vector<1000x64xf32>
    %get3A_1331 = arith.constant 0 : index
    %get3A_1332 = arith.constant 832 : index
    %get3A_1333 = vector.load %arg9[%get3A_1331, %get3A_1332] : memref<1000x1280xf32, #tpu.memory_space<vmem>>, vector<1000x64xf32>
    %dot_general3A_1334 = arith.constant dense<0.000000e+00> : vector<1000x256xf32>
    %dot_general3A_1335 = tpu.matmul %get3A_1333, %get3A_833, %dot_general3A_1334 {dimension_numbers = #tpu.dot_dimension_numbers<[1], [0], [0], [1], [0, 0, 1, 1], [], []>, transpose_lhs_hint = false} : vector<1000x64xf32>, vector<64x256xf32>, vector<1000x256xf32> -> vector<1000x256xf32>
    %dot_general3A_1336 = arith.constant dense<0.000000e+00> : vector<1000x256xf32>
    %dot_general3A_1337 = tpu.matmul %mul3A_1330, %get3A_836, %dot_general3A_1336 {dimension_numbers = #tpu.dot_dimension_numbers<[1], [0], [0], [1], [0, 0, 1, 1], [], []>, transpose_lhs_hint = false} : vector<1000x64xf32>, vector<64x256xf32>, vector<1000x256xf32> -> vector<1000x256xf32>
    %add3A_1338 = arith.addf %dot_general3A_1335, %dot_general3A_1337 : vector<1000x256xf32>
    %add3A_1339 = vector.broadcast %get3A_830 : vector<1x256xf32> to vector<1000x256xf32>
    %add3A_1340 = arith.addf %add3A_1338, %add3A_1339 : vector<1000x256xf32>
    %slice3A_1341 = vector.extract_strided_slice %add3A_1340 {offsets = [0, 0], sizes = [1000, 64], strides = [1, 1]} : vector<1000x256xf32> to vector<1000x64xf32>
    %logistic3A_1342 = arith.negf %slice3A_1341 : vector<1000x64xf32>
    %logistic3A_1343 = math.exp %logistic3A_1342 : vector<1000x64xf32>
    %logistic3A_1344 = arith.constant 1.000000e+00 : f32
    %logistic3A_1345 = vector.broadcast %logistic3A_1344 : f32 to vector<1000x64xf32>
    %logistic3A_1346 = arith.addf %logistic3A_1345, %logistic3A_1343 : vector<1000x64xf32>
    %logistic3A_1347 = arith.divf %logistic3A_1345, %logistic3A_1346 : vector<1000x64xf32>
    %slice3A_1348 = vector.extract_strided_slice %add3A_1340 {offsets = [0, 64], sizes = [1000, 64], strides = [1, 1]} : vector<1000x256xf32> to vector<1000x64xf32>
    %logistic3A_1349 = arith.negf %slice3A_1348 : vector<1000x64xf32>
    %logistic3A_1350 = math.exp %logistic3A_1349 : vector<1000x64xf32>
    %logistic3A_1351 = arith.constant 1.000000e+00 : f32
    %logistic3A_1352 = vector.broadcast %logistic3A_1351 : f32 to vector<1000x64xf32>
    %logistic3A_1353 = arith.addf %logistic3A_1352, %logistic3A_1350 : vector<1000x64xf32>
    %logistic3A_1354 = arith.divf %logistic3A_1352, %logistic3A_1353 : vector<1000x64xf32>
    %slice3A_1355 = vector.extract_strided_slice %add3A_1340 {offsets = [0, 128], sizes = [1000, 64], strides = [1, 1]} : vector<1000x256xf32> to vector<1000x64xf32>
    %tanh3A_1356 = math.tanh %slice3A_1355 : vector<1000x64xf32>
    %slice3A_1357 = vector.extract_strided_slice %add3A_1340 {offsets = [0, 192], sizes = [1000, 64], strides = [1, 1]} : vector<1000x256xf32> to vector<1000x64xf32>
    %logistic3A_1358 = arith.negf %slice3A_1357 : vector<1000x64xf32>
    %logistic3A_1359 = math.exp %logistic3A_1358 : vector<1000x64xf32>
    %logistic3A_1360 = arith.constant 1.000000e+00 : f32
    %logistic3A_1361 = vector.broadcast %logistic3A_1360 : f32 to vector<1000x64xf32>
    %logistic3A_1362 = arith.addf %logistic3A_1361, %logistic3A_1359 : vector<1000x64xf32>
    %logistic3A_1363 = arith.divf %logistic3A_1361, %logistic3A_1362 : vector<1000x64xf32>
    %mul3A_1364 = arith.mulf %logistic3A_1354, %add3A_1328 : vector<1000x64xf32>
    %mul3A_1365 = arith.mulf %logistic3A_1347, %tanh3A_1356 : vector<1000x64xf32>
    %add3A_1366 = arith.addf %mul3A_1364, %mul3A_1365 : vector<1000x64xf32>
    %tanh3A_1367 = math.tanh %add3A_1366 : vector<1000x64xf32>
    %mul3A_1368 = arith.mulf %logistic3A_1363, %tanh3A_1367 : vector<1000x64xf32>
    %get3A_1369 = arith.constant 0 : index
    %get3A_1370 = arith.constant 896 : index
    %get3A_1371 = vector.load %arg9[%get3A_1369, %get3A_1370] : memref<1000x1280xf32, #tpu.memory_space<vmem>>, vector<1000x64xf32>
    %dot_general3A_1372 = arith.constant dense<0.000000e+00> : vector<1000x256xf32>
    %dot_general3A_1373 = tpu.matmul %get3A_1371, %get3A_833, %dot_general3A_1372 {dimension_numbers = #tpu.dot_dimension_numbers<[1], [0], [0], [1], [0, 0, 1, 1], [], []>, transpose_lhs_hint = false} : vector<1000x64xf32>, vector<64x256xf32>, vector<1000x256xf32> -> vector<1000x256xf32>
    %dot_general3A_1374 = arith.constant dense<0.000000e+00> : vector<1000x256xf32>
    %dot_general3A_1375 = tpu.matmul %mul3A_1368, %get3A_836, %dot_general3A_1374 {dimension_numbers = #tpu.dot_dimension_numbers<[1], [0], [0], [1], [0, 0, 1, 1], [], []>, transpose_lhs_hint = false} : vector<1000x64xf32>, vector<64x256xf32>, vector<1000x256xf32> -> vector<1000x256xf32>
    %add3A_1376 = arith.addf %dot_general3A_1373, %dot_general3A_1375 : vector<1000x256xf32>
    %add3A_1377 = vector.broadcast %get3A_830 : vector<1x256xf32> to vector<1000x256xf32>
    %add3A_1378 = arith.addf %add3A_1376, %add3A_1377 : vector<1000x256xf32>
    %slice3A_1379 = vector.extract_strided_slice %add3A_1378 {offsets = [0, 0], sizes = [1000, 64], strides = [1, 1]} : vector<1000x256xf32> to vector<1000x64xf32>
    %logistic3A_1380 = arith.negf %slice3A_1379 : vector<1000x64xf32>
    %logistic3A_1381 = math.exp %logistic3A_1380 : vector<1000x64xf32>
    %logistic3A_1382 = arith.constant 1.000000e+00 : f32
    %logistic3A_1383 = vector.broadcast %logistic3A_1382 : f32 to vector<1000x64xf32>
    %logistic3A_1384 = arith.addf %logistic3A_1383, %logistic3A_1381 : vector<1000x64xf32>
    %logistic3A_1385 = arith.divf %logistic3A_1383, %logistic3A_1384 : vector<1000x64xf32>
    %slice3A_1386 = vector.extract_strided_slice %add3A_1378 {offsets = [0, 64], sizes = [1000, 64], strides = [1, 1]} : vector<1000x256xf32> to vector<1000x64xf32>
    %logistic3A_1387 = arith.negf %slice3A_1386 : vector<1000x64xf32>
    %logistic3A_1388 = math.exp %logistic3A_1387 : vector<1000x64xf32>
    %logistic3A_1389 = arith.constant 1.000000e+00 : f32
    %logistic3A_1390 = vector.broadcast %logistic3A_1389 : f32 to vector<1000x64xf32>
    %logistic3A_1391 = arith.addf %logistic3A_1390, %logistic3A_1388 : vector<1000x64xf32>
    %logistic3A_1392 = arith.divf %logistic3A_1390, %logistic3A_1391 : vector<1000x64xf32>
    %slice3A_1393 = vector.extract_strided_slice %add3A_1378 {offsets = [0, 128], sizes = [1000, 64], strides = [1, 1]} : vector<1000x256xf32> to vector<1000x64xf32>
    %tanh3A_1394 = math.tanh %slice3A_1393 : vector<1000x64xf32>
    %slice3A_1395 = vector.extract_strided_slice %add3A_1378 {offsets = [0, 192], sizes = [1000, 64], strides = [1, 1]} : vector<1000x256xf32> to vector<1000x64xf32>
    %logistic3A_1396 = arith.negf %slice3A_1395 : vector<1000x64xf32>
    %logistic3A_1397 = math.exp %logistic3A_1396 : vector<1000x64xf32>
    %logistic3A_1398 = arith.constant 1.000000e+00 : f32
    %logistic3A_1399 = vector.broadcast %logistic3A_1398 : f32 to vector<1000x64xf32>
    %logistic3A_1400 = arith.addf %logistic3A_1399, %logistic3A_1397 : vector<1000x64xf32>
    %logistic3A_1401 = arith.divf %logistic3A_1399, %logistic3A_1400 : vector<1000x64xf32>
    %mul3A_1402 = arith.mulf %logistic3A_1392, %add3A_1366 : vector<1000x64xf32>
    %mul3A_1403 = arith.mulf %logistic3A_1385, %tanh3A_1394 : vector<1000x64xf32>
    %add3A_1404 = arith.addf %mul3A_1402, %mul3A_1403 : vector<1000x64xf32>
    %tanh3A_1405 = math.tanh %add3A_1404 : vector<1000x64xf32>
    %mul3A_1406 = arith.mulf %logistic3A_1401, %tanh3A_1405 : vector<1000x64xf32>
    %get3A_1407 = arith.constant 0 : index
    %get3A_1408 = arith.constant 960 : index
    %get3A_1409 = vector.load %arg9[%get3A_1407, %get3A_1408] : memref<1000x1280xf32, #tpu.memory_space<vmem>>, vector<1000x64xf32>
    %dot_general3A_1410 = arith.constant dense<0.000000e+00> : vector<1000x256xf32>
    %dot_general3A_1411 = tpu.matmul %get3A_1409, %get3A_833, %dot_general3A_1410 {dimension_numbers = #tpu.dot_dimension_numbers<[1], [0], [0], [1], [0, 0, 1, 1], [], []>, transpose_lhs_hint = false} : vector<1000x64xf32>, vector<64x256xf32>, vector<1000x256xf32> -> vector<1000x256xf32>
    %dot_general3A_1412 = arith.constant dense<0.000000e+00> : vector<1000x256xf32>
    %dot_general3A_1413 = tpu.matmul %mul3A_1406, %get3A_836, %dot_general3A_1412 {dimension_numbers = #tpu.dot_dimension_numbers<[1], [0], [0], [1], [0, 0, 1, 1], [], []>, transpose_lhs_hint = false} : vector<1000x64xf32>, vector<64x256xf32>, vector<1000x256xf32> -> vector<1000x256xf32>
    %add3A_1414 = arith.addf %dot_general3A_1411, %dot_general3A_1413 : vector<1000x256xf32>
    %add3A_1415 = vector.broadcast %get3A_830 : vector<1x256xf32> to vector<1000x256xf32>
    %add3A_1416 = arith.addf %add3A_1414, %add3A_1415 : vector<1000x256xf32>
    %slice3A_1417 = vector.extract_strided_slice %add3A_1416 {offsets = [0, 0], sizes = [1000, 64], strides = [1, 1]} : vector<1000x256xf32> to vector<1000x64xf32>
    %logistic3A_1418 = arith.negf %slice3A_1417 : vector<1000x64xf32>
    %logistic3A_1419 = math.exp %logistic3A_1418 : vector<1000x64xf32>
    %logistic3A_1420 = arith.constant 1.000000e+00 : f32
    %logistic3A_1421 = vector.broadcast %logistic3A_1420 : f32 to vector<1000x64xf32>
    %logistic3A_1422 = arith.addf %logistic3A_1421, %logistic3A_1419 : vector<1000x64xf32>
    %logistic3A_1423 = arith.divf %logistic3A_1421, %logistic3A_1422 : vector<1000x64xf32>
    %slice3A_1424 = vector.extract_strided_slice %add3A_1416 {offsets = [0, 64], sizes = [1000, 64], strides = [1, 1]} : vector<1000x256xf32> to vector<1000x64xf32>
    %logistic3A_1425 = arith.negf %slice3A_1424 : vector<1000x64xf32>
    %logistic3A_1426 = math.exp %logistic3A_1425 : vector<1000x64xf32>
    %logistic3A_1427 = arith.constant 1.000000e+00 : f32
    %logistic3A_1428 = vector.broadcast %logistic3A_1427 : f32 to vector<1000x64xf32>
    %logistic3A_1429 = arith.addf %logistic3A_1428, %logistic3A_1426 : vector<1000x64xf32>
    %logistic3A_1430 = arith.divf %logistic3A_1428, %logistic3A_1429 : vector<1000x64xf32>
    %slice3A_1431 = vector.extract_strided_slice %add3A_1416 {offsets = [0, 128], sizes = [1000, 64], strides = [1, 1]} : vector<1000x256xf32> to vector<1000x64xf32>
    %tanh3A_1432 = math.tanh %slice3A_1431 : vector<1000x64xf32>
    %slice3A_1433 = vector.extract_strided_slice %add3A_1416 {offsets = [0, 192], sizes = [1000, 64], strides = [1, 1]} : vector<1000x256xf32> to vector<1000x64xf32>
    %logistic3A_1434 = arith.negf %slice3A_1433 : vector<1000x64xf32>
    %logistic3A_1435 = math.exp %logistic3A_1434 : vector<1000x64xf32>
    %logistic3A_1436 = arith.constant 1.000000e+00 : f32
    %logistic3A_1437 = vector.broadcast %logistic3A_1436 : f32 to vector<1000x64xf32>
    %logistic3A_1438 = arith.addf %logistic3A_1437, %logistic3A_1435 : vector<1000x64xf32>
    %logistic3A_1439 = arith.divf %logistic3A_1437, %logistic3A_1438 : vector<1000x64xf32>
    %mul3A_1440 = arith.mulf %logistic3A_1430, %add3A_1404 : vector<1000x64xf32>
    %mul3A_1441 = arith.mulf %logistic3A_1423, %tanh3A_1432 : vector<1000x64xf32>
    %add3A_1442 = arith.addf %mul3A_1440, %mul3A_1441 : vector<1000x64xf32>
    %tanh3A_1443 = math.tanh %add3A_1442 : vector<1000x64xf32>
    %mul3A_1444 = arith.mulf %logistic3A_1439, %tanh3A_1443 : vector<1000x64xf32>
    %get3A_1445 = arith.constant 0 : index
    %get3A_1446 = arith.constant 1024 : index
    %get3A_1447 = vector.load %arg9[%get3A_1445, %get3A_1446] : memref<1000x1280xf32, #tpu.memory_space<vmem>>, vector<1000x64xf32>
    %dot_general3A_1448 = arith.constant dense<0.000000e+00> : vector<1000x256xf32>
    %dot_general3A_1449 = tpu.matmul %get3A_1447, %get3A_833, %dot_general3A_1448 {dimension_numbers = #tpu.dot_dimension_numbers<[1], [0], [0], [1], [0, 0, 1, 1], [], []>, transpose_lhs_hint = false} : vector<1000x64xf32>, vector<64x256xf32>, vector<1000x256xf32> -> vector<1000x256xf32>
    %dot_general3A_1450 = arith.constant dense<0.000000e+00> : vector<1000x256xf32>
    %dot_general3A_1451 = tpu.matmul %mul3A_1444, %get3A_836, %dot_general3A_1450 {dimension_numbers = #tpu.dot_dimension_numbers<[1], [0], [0], [1], [0, 0, 1, 1], [], []>, transpose_lhs_hint = false} : vector<1000x64xf32>, vector<64x256xf32>, vector<1000x256xf32> -> vector<1000x256xf32>
    %add3A_1452 = arith.addf %dot_general3A_1449, %dot_general3A_1451 : vector<1000x256xf32>
    %add3A_1453 = vector.broadcast %get3A_830 : vector<1x256xf32> to vector<1000x256xf32>
    %add3A_1454 = arith.addf %add3A_1452, %add3A_1453 : vector<1000x256xf32>
    %slice3A_1455 = vector.extract_strided_slice %add3A_1454 {offsets = [0, 0], sizes = [1000, 64], strides = [1, 1]} : vector<1000x256xf32> to vector<1000x64xf32>
    %logistic3A_1456 = arith.negf %slice3A_1455 : vector<1000x64xf32>
    %logistic3A_1457 = math.exp %logistic3A_1456 : vector<1000x64xf32>
    %logistic3A_1458 = arith.constant 1.000000e+00 : f32
    %logistic3A_1459 = vector.broadcast %logistic3A_1458 : f32 to vector<1000x64xf32>
    %logistic3A_1460 = arith.addf %logistic3A_1459, %logistic3A_1457 : vector<1000x64xf32>
    %logistic3A_1461 = arith.divf %logistic3A_1459, %logistic3A_1460 : vector<1000x64xf32>
    %slice3A_1462 = vector.extract_strided_slice %add3A_1454 {offsets = [0, 64], sizes = [1000, 64], strides = [1, 1]} : vector<1000x256xf32> to vector<1000x64xf32>
    %logistic3A_1463 = arith.negf %slice3A_1462 : vector<1000x64xf32>
    %logistic3A_1464 = math.exp %logistic3A_1463 : vector<1000x64xf32>
    %logistic3A_1465 = arith.constant 1.000000e+00 : f32
    %logistic3A_1466 = vector.broadcast %logistic3A_1465 : f32 to vector<1000x64xf32>
    %logistic3A_1467 = arith.addf %logistic3A_1466, %logistic3A_1464 : vector<1000x64xf32>
    %logistic3A_1468 = arith.divf %logistic3A_1466, %logistic3A_1467 : vector<1000x64xf32>
    %slice3A_1469 = vector.extract_strided_slice %add3A_1454 {offsets = [0, 128], sizes = [1000, 64], strides = [1, 1]} : vector<1000x256xf32> to vector<1000x64xf32>
    %tanh3A_1470 = math.tanh %slice3A_1469 : vector<1000x64xf32>
    %slice3A_1471 = vector.extract_strided_slice %add3A_1454 {offsets = [0, 192], sizes = [1000, 64], strides = [1, 1]} : vector<1000x256xf32> to vector<1000x64xf32>
    %logistic3A_1472 = arith.negf %slice3A_1471 : vector<1000x64xf32>
    %logistic3A_1473 = math.exp %logistic3A_1472 : vector<1000x64xf32>
    %logistic3A_1474 = arith.constant 1.000000e+00 : f32
    %logistic3A_1475 = vector.broadcast %logistic3A_1474 : f32 to vector<1000x64xf32>
    %logistic3A_1476 = arith.addf %logistic3A_1475, %logistic3A_1473 : vector<1000x64xf32>
    %logistic3A_1477 = arith.divf %logistic3A_1475, %logistic3A_1476 : vector<1000x64xf32>
    %mul3A_1478 = arith.mulf %logistic3A_1468, %add3A_1442 : vector<1000x64xf32>
    %mul3A_1479 = arith.mulf %logistic3A_1461, %tanh3A_1470 : vector<1000x64xf32>
    %add3A_1480 = arith.addf %mul3A_1478, %mul3A_1479 : vector<1000x64xf32>
    %tanh3A_1481 = math.tanh %add3A_1480 : vector<1000x64xf32>
    %mul3A_1482 = arith.mulf %logistic3A_1477, %tanh3A_1481 : vector<1000x64xf32>
    %get3A_1483 = arith.constant 0 : index
    %get3A_1484 = arith.constant 1088 : index
    %get3A_1485 = vector.load %arg9[%get3A_1483, %get3A_1484] : memref<1000x1280xf32, #tpu.memory_space<vmem>>, vector<1000x64xf32>
    %dot_general3A_1486 = arith.constant dense<0.000000e+00> : vector<1000x256xf32>
    %dot_general3A_1487 = tpu.matmul %get3A_1485, %get3A_833, %dot_general3A_1486 {dimension_numbers = #tpu.dot_dimension_numbers<[1], [0], [0], [1], [0, 0, 1, 1], [], []>, transpose_lhs_hint = false} : vector<1000x64xf32>, vector<64x256xf32>, vector<1000x256xf32> -> vector<1000x256xf32>
    %dot_general3A_1488 = arith.constant dense<0.000000e+00> : vector<1000x256xf32>
    %dot_general3A_1489 = tpu.matmul %mul3A_1482, %get3A_836, %dot_general3A_1488 {dimension_numbers = #tpu.dot_dimension_numbers<[1], [0], [0], [1], [0, 0, 1, 1], [], []>, transpose_lhs_hint = false} : vector<1000x64xf32>, vector<64x256xf32>, vector<1000x256xf32> -> vector<1000x256xf32>
    %add3A_1490 = arith.addf %dot_general3A_1487, %dot_general3A_1489 : vector<1000x256xf32>
    %add3A_1491 = vector.broadcast %get3A_830 : vector<1x256xf32> to vector<1000x256xf32>
    %add3A_1492 = arith.addf %add3A_1490, %add3A_1491 : vector<1000x256xf32>
    %slice3A_1493 = vector.extract_strided_slice %add3A_1492 {offsets = [0, 0], sizes = [1000, 64], strides = [1, 1]} : vector<1000x256xf32> to vector<1000x64xf32>
    %logistic3A_1494 = arith.negf %slice3A_1493 : vector<1000x64xf32>
    %logistic3A_1495 = math.exp %logistic3A_1494 : vector<1000x64xf32>
    %logistic3A_1496 = arith.constant 1.000000e+00 : f32
    %logistic3A_1497 = vector.broadcast %logistic3A_1496 : f32 to vector<1000x64xf32>
    %logistic3A_1498 = arith.addf %logistic3A_1497, %logistic3A_1495 : vector<1000x64xf32>
    %logistic3A_1499 = arith.divf %logistic3A_1497, %logistic3A_1498 : vector<1000x64xf32>
    %slice3A_1500 = vector.extract_strided_slice %add3A_1492 {offsets = [0, 64], sizes = [1000, 64], strides = [1, 1]} : vector<1000x256xf32> to vector<1000x64xf32>
    %logistic3A_1501 = arith.negf %slice3A_1500 : vector<1000x64xf32>
    %logistic3A_1502 = math.exp %logistic3A_1501 : vector<1000x64xf32>
    %logistic3A_1503 = arith.constant 1.000000e+00 : f32
    %logistic3A_1504 = vector.broadcast %logistic3A_1503 : f32 to vector<1000x64xf32>
    %logistic3A_1505 = arith.addf %logistic3A_1504, %logistic3A_1502 : vector<1000x64xf32>
    %logistic3A_1506 = arith.divf %logistic3A_1504, %logistic3A_1505 : vector<1000x64xf32>
    %slice3A_1507 = vector.extract_strided_slice %add3A_1492 {offsets = [0, 128], sizes = [1000, 64], strides = [1, 1]} : vector<1000x256xf32> to vector<1000x64xf32>
    %tanh3A_1508 = math.tanh %slice3A_1507 : vector<1000x64xf32>
    %slice3A_1509 = vector.extract_strided_slice %add3A_1492 {offsets = [0, 192], sizes = [1000, 64], strides = [1, 1]} : vector<1000x256xf32> to vector<1000x64xf32>
    %logistic3A_1510 = arith.negf %slice3A_1509 : vector<1000x64xf32>
    %logistic3A_1511 = math.exp %logistic3A_1510 : vector<1000x64xf32>
    %logistic3A_1512 = arith.constant 1.000000e+00 : f32
    %logistic3A_1513 = vector.broadcast %logistic3A_1512 : f32 to vector<1000x64xf32>
    %logistic3A_1514 = arith.addf %logistic3A_1513, %logistic3A_1511 : vector<1000x64xf32>
    %logistic3A_1515 = arith.divf %logistic3A_1513, %logistic3A_1514 : vector<1000x64xf32>
    %mul3A_1516 = arith.mulf %logistic3A_1506, %add3A_1480 : vector<1000x64xf32>
    %mul3A_1517 = arith.mulf %logistic3A_1499, %tanh3A_1508 : vector<1000x64xf32>
    %add3A_1518 = arith.addf %mul3A_1516, %mul3A_1517 : vector<1000x64xf32>
    %tanh3A_1519 = math.tanh %add3A_1518 : vector<1000x64xf32>
    %mul3A_1520 = arith.mulf %logistic3A_1515, %tanh3A_1519 : vector<1000x64xf32>
    %get3A_1521 = arith.constant 0 : index
    %get3A_1522 = arith.constant 1152 : index
    %get3A_1523 = vector.load %arg9[%get3A_1521, %get3A_1522] : memref<1000x1280xf32, #tpu.memory_space<vmem>>, vector<1000x64xf32>
    %dot_general3A_1524 = arith.constant dense<0.000000e+00> : vector<1000x256xf32>
    %dot_general3A_1525 = tpu.matmul %get3A_1523, %get3A_833, %dot_general3A_1524 {dimension_numbers = #tpu.dot_dimension_numbers<[1], [0], [0], [1], [0, 0, 1, 1], [], []>, transpose_lhs_hint = false} : vector<1000x64xf32>, vector<64x256xf32>, vector<1000x256xf32> -> vector<1000x256xf32>
    %dot_general3A_1526 = arith.constant dense<0.000000e+00> : vector<1000x256xf32>
    %dot_general3A_1527 = tpu.matmul %mul3A_1520, %get3A_836, %dot_general3A_1526 {dimension_numbers = #tpu.dot_dimension_numbers<[1], [0], [0], [1], [0, 0, 1, 1], [], []>, transpose_lhs_hint = false} : vector<1000x64xf32>, vector<64x256xf32>, vector<1000x256xf32> -> vector<1000x256xf32>
    %add3A_1528 = arith.addf %dot_general3A_1525, %dot_general3A_1527 : vector<1000x256xf32>
    %add3A_1529 = vector.broadcast %get3A_830 : vector<1x256xf32> to vector<1000x256xf32>
    %add3A_1530 = arith.addf %add3A_1528, %add3A_1529 : vector<1000x256xf32>
    %slice3A_1531 = vector.extract_strided_slice %add3A_1530 {offsets = [0, 0], sizes = [1000, 64], strides = [1, 1]} : vector<1000x256xf32> to vector<1000x64xf32>
    %logistic3A_1532 = arith.negf %slice3A_1531 : vector<1000x64xf32>
    %logistic3A_1533 = math.exp %logistic3A_1532 : vector<1000x64xf32>
    %logistic3A_1534 = arith.constant 1.000000e+00 : f32
    %logistic3A_1535 = vector.broadcast %logistic3A_1534 : f32 to vector<1000x64xf32>
    %logistic3A_1536 = arith.addf %logistic3A_1535, %logistic3A_1533 : vector<1000x64xf32>
    %logistic3A_1537 = arith.divf %logistic3A_1535, %logistic3A_1536 : vector<1000x64xf32>
    %slice3A_1538 = vector.extract_strided_slice %add3A_1530 {offsets = [0, 64], sizes = [1000, 64], strides = [1, 1]} : vector<1000x256xf32> to vector<1000x64xf32>
    %logistic3A_1539 = arith.negf %slice3A_1538 : vector<1000x64xf32>
    %logistic3A_1540 = math.exp %logistic3A_1539 : vector<1000x64xf32>
    %logistic3A_1541 = arith.constant 1.000000e+00 : f32
    %logistic3A_1542 = vector.broadcast %logistic3A_1541 : f32 to vector<1000x64xf32>
    %logistic3A_1543 = arith.addf %logistic3A_1542, %logistic3A_1540 : vector<1000x64xf32>
    %logistic3A_1544 = arith.divf %logistic3A_1542, %logistic3A_1543 : vector<1000x64xf32>
    %slice3A_1545 = vector.extract_strided_slice %add3A_1530 {offsets = [0, 128], sizes = [1000, 64], strides = [1, 1]} : vector<1000x256xf32> to vector<1000x64xf32>
    %tanh3A_1546 = math.tanh %slice3A_1545 : vector<1000x64xf32>
    %slice3A_1547 = vector.extract_strided_slice %add3A_1530 {offsets = [0, 192], sizes = [1000, 64], strides = [1, 1]} : vector<1000x256xf32> to vector<1000x64xf32>
    %logistic3A_1548 = arith.negf %slice3A_1547 : vector<1000x64xf32>
    %logistic3A_1549 = math.exp %logistic3A_1548 : vector<1000x64xf32>
    %logistic3A_1550 = arith.constant 1.000000e+00 : f32
    %logistic3A_1551 = vector.broadcast %logistic3A_1550 : f32 to vector<1000x64xf32>
    %logistic3A_1552 = arith.addf %logistic3A_1551, %logistic3A_1549 : vector<1000x64xf32>
    %logistic3A_1553 = arith.divf %logistic3A_1551, %logistic3A_1552 : vector<1000x64xf32>
    %mul3A_1554 = arith.mulf %logistic3A_1544, %add3A_1518 : vector<1000x64xf32>
    %mul3A_1555 = arith.mulf %logistic3A_1537, %tanh3A_1546 : vector<1000x64xf32>
    %add3A_1556 = arith.addf %mul3A_1554, %mul3A_1555 : vector<1000x64xf32>
    %tanh3A_1557 = math.tanh %add3A_1556 : vector<1000x64xf32>
    %mul3A_1558 = arith.mulf %logistic3A_1553, %tanh3A_1557 : vector<1000x64xf32>
    %get3A_1559 = arith.constant 0 : index
    %get3A_1560 = arith.constant 1216 : index
    %get3A_1561 = vector.load %arg9[%get3A_1559, %get3A_1560] : memref<1000x1280xf32, #tpu.memory_space<vmem>>, vector<1000x64xf32>
    %dot_general3A_1562 = arith.constant dense<0.000000e+00> : vector<1000x256xf32>
    %dot_general3A_1563 = tpu.matmul %get3A_1561, %get3A_833, %dot_general3A_1562 {dimension_numbers = #tpu.dot_dimension_numbers<[1], [0], [0], [1], [0, 0, 1, 1], [], []>, transpose_lhs_hint = false} : vector<1000x64xf32>, vector<64x256xf32>, vector<1000x256xf32> -> vector<1000x256xf32>
    %dot_general3A_1564 = arith.constant dense<0.000000e+00> : vector<1000x256xf32>
    %dot_general3A_1565 = tpu.matmul %mul3A_1558, %get3A_836, %dot_general3A_1564 {dimension_numbers = #tpu.dot_dimension_numbers<[1], [0], [0], [1], [0, 0, 1, 1], [], []>, transpose_lhs_hint = false} : vector<1000x64xf32>, vector<64x256xf32>, vector<1000x256xf32> -> vector<1000x256xf32>
    %add3A_1566 = arith.addf %dot_general3A_1563, %dot_general3A_1565 : vector<1000x256xf32>
    %add3A_1567 = vector.broadcast %get3A_830 : vector<1x256xf32> to vector<1000x256xf32>
    %add3A_1568 = arith.addf %add3A_1566, %add3A_1567 : vector<1000x256xf32>
    %slice3A_1569 = vector.extract_strided_slice %add3A_1568 {offsets = [0, 0], sizes = [1000, 64], strides = [1, 1]} : vector<1000x256xf32> to vector<1000x64xf32>
    %logistic3A_1570 = arith.negf %slice3A_1569 : vector<1000x64xf32>
    %logistic3A_1571 = math.exp %logistic3A_1570 : vector<1000x64xf32>
    %logistic3A_1572 = arith.constant 1.000000e+00 : f32
    %logistic3A_1573 = vector.broadcast %logistic3A_1572 : f32 to vector<1000x64xf32>
    %logistic3A_1574 = arith.addf %logistic3A_1573, %logistic3A_1571 : vector<1000x64xf32>
    %logistic3A_1575 = arith.divf %logistic3A_1573, %logistic3A_1574 : vector<1000x64xf32>
    %slice3A_1576 = vector.extract_strided_slice %add3A_1568 {offsets = [0, 64], sizes = [1000, 64], strides = [1, 1]} : vector<1000x256xf32> to vector<1000x64xf32>
    %logistic3A_1577 = arith.negf %slice3A_1576 : vector<1000x64xf32>
    %logistic3A_1578 = math.exp %logistic3A_1577 : vector<1000x64xf32>
    %logistic3A_1579 = arith.constant 1.000000e+00 : f32
    %logistic3A_1580 = vector.broadcast %logistic3A_1579 : f32 to vector<1000x64xf32>
    %logistic3A_1581 = arith.addf %logistic3A_1580, %logistic3A_1578 : vector<1000x64xf32>
    %logistic3A_1582 = arith.divf %logistic3A_1580, %logistic3A_1581 : vector<1000x64xf32>
    %slice3A_1583 = vector.extract_strided_slice %add3A_1568 {offsets = [0, 128], sizes = [1000, 64], strides = [1, 1]} : vector<1000x256xf32> to vector<1000x64xf32>
    %tanh3A_1584 = math.tanh %slice3A_1583 : vector<1000x64xf32>
    %slice3A_1585 = vector.extract_strided_slice %add3A_1568 {offsets = [0, 192], sizes = [1000, 64], strides = [1, 1]} : vector<1000x256xf32> to vector<1000x64xf32>
    %logistic3A_1586 = arith.negf %slice3A_1585 : vector<1000x64xf32>
    %logistic3A_1587 = math.exp %logistic3A_1586 : vector<1000x64xf32>
    %logistic3A_1588 = arith.constant 1.000000e+00 : f32
    %logistic3A_1589 = vector.broadcast %logistic3A_1588 : f32 to vector<1000x64xf32>
    %logistic3A_1590 = arith.addf %logistic3A_1589, %logistic3A_1587 : vector<1000x64xf32>
    %logistic3A_1591 = arith.divf %logistic3A_1589, %logistic3A_1590 : vector<1000x64xf32>
    %mul3A_1592 = arith.mulf %logistic3A_1582, %add3A_1556 : vector<1000x64xf32>
    %mul3A_1593 = arith.mulf %logistic3A_1575, %tanh3A_1584 : vector<1000x64xf32>
    %add3A_1594 = arith.addf %mul3A_1592, %mul3A_1593 : vector<1000x64xf32>
    %tanh3A_1595 = math.tanh %add3A_1594 : vector<1000x64xf32>
    %mul3A_1596 = arith.mulf %logistic3A_1591, %tanh3A_1595 : vector<1000x64xf32>
    %reduce_sum3A = arith.constant dense<0.000000e+00> : vector<1000xf32>
    %reduce_sum3A_1597 = vector.multi_reduction <add>, %mul3A_1596, %reduce_sum3A [1] : vector<1000x64xf32> to vector<1000xf32>
    %broadcast_in_dim3A_1598 = vector.shape_cast %reduce_sum3A_1597 : vector<1000xf32> to vector<1000x1xf32>
    %div3A = arith.constant 6.400000e+01 : f32
    %div3A_1599 = vector.broadcast %div3A : f32 to vector<1000x1xf32>
    %div3A_1600 = arith.divf %broadcast_in_dim3A_1598, %div3A_1599 : vector<1000x1xf32>
    %swap3A_1601 = arith.constant 0 : index
    %swap3A_1602 = arith.constant 0 : index
    %swap3A_1603 = vector.load %arg8[%swap3A_1601, %swap3A_1602] : memref<1000x1xf32, #tpu.memory_space<vmem>>, vector<1000x1xf32>
    tpu.vector_store %arg8[%swap3A_1601, %swap3A_1602], %div3A_1600 {strides = array<i32>} : memref<1000x1xf32, #tpu.memory_space<vmem>>, vector<1000x1xf32>,
    return
  }
  func.func @transform_0(%arg0: i32) -> (i32, i32) {
    %c0_i32 = arith.constant 0 : i32
    %c0_i32_0 = arith.constant 0 : i32
    return %arg0, %c0_i32 : i32, i32
  }
  func.func @transform_1(%arg0: i32) -> (i32, i32) {
    %c0_i32 = arith.constant 0 : i32
    %c0_i32_0 = arith.constant 0 : i32
    %c0_i32_1 = arith.constant 0 : i32
    return %c0_i32, %c0_i32_0 : i32, i32
  }
  func.func @transform_2(%arg0: i32) -> (i32, i32) {
    %c0_i32 = arith.constant 0 : i32
    %c0_i32_0 = arith.constant 0 : i32
    %c0_i32_1 = arith.constant 0 : i32
    return %c0_i32, %c0_i32_0 : i32, i32
  }
  func.func @transform_3(%arg0: i32) -> (i32, i32) {
    %c0_i32 = arith.constant 0 : i32
    %c0_i32_0 = arith.constant 0 : i32
    %c0_i32_1 = arith.constant 0 : i32
    return %c0_i32, %c0_i32_0 : i32, i32
  }
  func.func @transform_4(%arg0: i32) -> (i32, i32) {
    %c0_i32 = arith.constant 0 : i32
    %c0_i32_0 = arith.constant 0 : i32
    %c0_i32_1 = arith.constant 0 : i32
    return %c0_i32, %c0_i32_0 : i32, i32
  }
  func.func @transform_5(%arg0: i32) -> (i32, i32) {
    %c0_i32 = arith.constant 0 : i32
    %c0_i32_0 = arith.constant 0 : i32
    %c0_i32_1 = arith.constant 0 : i32
    return %c0_i32, %c0_i32_0 : i32, i32
  }
  func.func @transform_6(%arg0: i32) -> (i32, i32) {
    %c0_i32 = arith.constant 0 : i32
    %c0_i32_0 = arith.constant 0 : i32
    %c0_i32_1 = arith.constant 0 : i32
    return %c0_i32, %c0_i32_0 : i32, i32
  }
  func.func @transform_7(%arg0: i32) -> (i32, i32) {
    %c0_i32 = arith.constant 0 : i32
    %c0_i32_0 = arith.constant 0 : i32
    return %arg0, %c0_i32 : i32, i32
  }
}

module attributes {stable_mosaic.version = 14 : i64} {
  func.func @_tc_final_body(%arg0: i32, %arg1: memref<2x1000x128xf32, #tpu.memory_space<vmem>>, %arg2: memref<1000x128xf32, #tpu.memory_space<vmem>>, %arg3: memref<2x1000x16xf32, #tpu.memory_space<vmem>>, %arg4: memref<1x128xf32, #tpu.memory_space<vmem>>, %arg5: memref<1000x1xf32, #tpu.memory_space<vmem>>, %arg6: memref<1000x2xf32, #tpu.memory_space<vmem>>, %arg7: memref<128x64xf32, #tpu.memory_space<vmem>>, %arg8: memref<1x64xf32, #tpu.memory_space<vmem>>, %arg9: memref<2x64xf32, #tpu.memory_space<vmem>>, %arg10: memref<1x64xf32, #tpu.memory_space<vmem>>, %arg11: memref<64x64xf32, #tpu.memory_space<vmem>>, %arg12: memref<1x64xf32, #tpu.memory_space<vmem>>, %arg13: memref<64x1xf32, #tpu.memory_space<vmem>>, %arg14: memref<1x1xf32, #tpu.memory_space<vmem>>, %arg15: memref<1000x1xf32, #tpu.memory_space<vmem>>) attributes {dimension_semantics = [#tpu.dimension_semantics<arbitrary>], iteration_bounds = array<i64: 10>, scalar_prefetch = 0 : i64, scratch_operands = 0 : i64, tpu.core_type = #tpu.core_type<tc>, window_params = [{transform_indices = @transform_0, window_bounds = array<i64: 2, 1000, 128>}, {transform_indices = @transform_1, window_bounds = array<i64: 1000, 128>}, {transform_indices = @transform_2, window_bounds = array<i64: 2, 1000, 16>}, {pipeline_mode = #tpu.pipeline_mode<synchronous>, transform_indices = @transform_3, window_bounds = array<i64: 1, 128>}, {transform_indices = @transform_4, window_bounds = array<i64: 1000, 1>}, {transform_indices = @transform_5, window_bounds = array<i64: 1000, 2>}, {pipeline_mode = #tpu.pipeline_mode<synchronous>, transform_indices = @transform_6, window_bounds = array<i64: 128, 64>}, {pipeline_mode = #tpu.pipeline_mode<synchronous>, transform_indices = @transform_7, window_bounds = array<i64: 1, 64>}, {pipeline_mode = #tpu.pipeline_mode<synchronous>, transform_indices = @transform_8, window_bounds = array<i64: 2, 64>}, {pipeline_mode = #tpu.pipeline_mode<synchronous>, transform_indices = @transform_9, window_bounds = array<i64: 1, 64>}, {pipeline_mode = #tpu.pipeline_mode<synchronous>, transform_indices = @transform_10, window_bounds = array<i64: 64, 64>}, {pipeline_mode = #tpu.pipeline_mode<synchronous>, transform_indices = @transform_11, window_bounds = array<i64: 1, 64>}, {pipeline_mode = #tpu.pipeline_mode<synchronous>, transform_indices = @transform_12, window_bounds = array<i64: 64, 1>}, {pipeline_mode = #tpu.pipeline_mode<synchronous>, transform_indices = @transform_13, window_bounds = array<i64: 1, 1>}, {transform_indices = @transform_14, window_bounds = array<i64: 1000, 1>}]} {
    %get3A = arith.constant 0 : index
    %get3A_0 = arith.constant 0 : index
    %get3A_1 = arith.constant 0 : index
    %get3A_2 = vector.load %arg3[%get3A, %get3A_0, %get3A_1] : memref<2x1000x16xf32, #tpu.memory_space<vmem>>, vector<1x1000x16xf32>
    %get3A_3 = vector.shape_cast %get3A_2 : vector<1x1000x16xf32> to vector<1000x16xf32>
    %slice3A = vector.extract_strided_slice %get3A_3 {offsets = [0, 0], sizes = [1000, 1], strides = [1, 1]} : vector<1000x16xf32> to vector<1000x1xf32>
    %get3A_4 = arith.constant 1 : index
    %get3A_5 = arith.constant 0 : index
    %get3A_6 = arith.constant 0 : index
    %get3A_7 = vector.load %arg3[%get3A_4, %get3A_5, %get3A_6] : memref<2x1000x16xf32, #tpu.memory_space<vmem>>, vector<1x1000x16xf32>
    %get3A_8 = vector.shape_cast %get3A_7 : vector<1x1000x16xf32> to vector<1000x16xf32>
    %slice3A_9 = vector.extract_strided_slice %get3A_8 {offsets = [0, 0], sizes = [1000, 1], strides = [1, 1]} : vector<1000x16xf32> to vector<1000x1xf32>
    %add3A = arith.addf %slice3A, %slice3A_9 : vector<1000x1xf32>
    %add3A_10 = arith.constant 1.000000e+00 : f32
    %add3A_11 = vector.broadcast %add3A_10 : f32 to vector<1000x1xf32>
    %add3A_12 = arith.addf %add3A, %add3A_11 : vector<1000x1xf32>
    %rsqrt3A = math.rsqrt %add3A_12 : vector<1000x1xf32>
    %get3A_13 = arith.constant 0 : index
    %get3A_14 = arith.constant 0 : index
    %get3A_15 = arith.constant 0 : index
    %get3A_16 = vector.load %arg1[%get3A_13, %get3A_14, %get3A_15] : memref<2x1000x128xf32, #tpu.memory_space<vmem>>, vector<1x1000x128xf32>
    %get3A_17 = vector.shape_cast %get3A_16 : vector<1x1000x128xf32> to vector<1000x128xf32>
    %get3A_18 = arith.constant 1 : index
    %get3A_19 = arith.constant 0 : index
    %get3A_20 = arith.constant 0 : index
    %get3A_21 = vector.load %arg1[%get3A_18, %get3A_19, %get3A_20] : memref<2x1000x128xf32, #tpu.memory_space<vmem>>, vector<1x1000x128xf32>
    %get3A_22 = vector.shape_cast %get3A_21 : vector<1x1000x128xf32> to vector<1000x128xf32>
    %add3A_23 = arith.addf %get3A_17, %get3A_22 : vector<1000x128xf32>
    %get3A_24 = arith.constant 0 : index
    %get3A_25 = arith.constant 0 : index
    %get3A_26 = vector.load %arg2[%get3A_24, %get3A_25] : memref<1000x128xf32, #tpu.memory_space<vmem>>, vector<1000x128xf32>
    %add3A_27 = arith.addf %add3A_23, %get3A_26 : vector<1000x128xf32>
    %mul3A = vector.broadcast %rsqrt3A : vector<1000x1xf32> to vector<1000x128xf32>
    %mul3A_28 = arith.mulf %mul3A, %add3A_27 : vector<1000x128xf32>
    %get3A_29 = arith.constant 0 : index
    %get3A_30 = arith.constant 0 : index
    %get3A_31 = vector.load %arg4[%get3A_29, %get3A_30] : memref<1x128xf32, #tpu.memory_space<vmem>>, vector<1x128xf32>
    %add3A_32 = vector.broadcast %get3A_31 : vector<1x128xf32> to vector<1000x128xf32>
    %add3A_33 = arith.addf %mul3A_28, %add3A_32 : vector<1000x128xf32>
    %max3A = arith.constant 0.000000e+00 : f32
    %max3A_34 = vector.broadcast %max3A : f32 to vector<1000x128xf32>
    %max3A_35 = arith.maximumf %add3A_33, %max3A_34 : vector<1000x128xf32>
    %get3A_36 = arith.constant 0 : index
    %get3A_37 = arith.constant 0 : index
    %get3A_38 = vector.load %arg7[%get3A_36, %get3A_37] : memref<128x64xf32, #tpu.memory_space<vmem>>, vector<128x64xf32>
    %dot_general3A = arith.constant dense<0.000000e+00> : vector<1000x64xf32>
    %dot_general3A_39 = tpu.matmul %max3A_35, %get3A_38, %dot_general3A {dimension_numbers = #tpu.dot_dimension_numbers<[1], [0], [0], [1], [0, 0, 1, 1], [], []>, transpose_lhs_hint = false} : vector<1000x128xf32>, vector<128x64xf32>, vector<1000x64xf32> -> vector<1000x64xf32>
    %get3A_40 = arith.constant 0 : index
    %get3A_41 = arith.constant 0 : index
    %get3A_42 = vector.load %arg5[%get3A_40, %get3A_41] : memref<1000x1xf32, #tpu.memory_space<vmem>>, vector<1000x1xf32>
    %max3A_43 = arith.constant 0.000000e+00 : f32
    %max3A_44 = vector.broadcast %max3A_43 : f32 to vector<1000x1xf32>
    %max3A_45 = arith.maximumf %get3A_42, %max3A_44 : vector<1000x1xf32>
    %get3A_46 = arith.constant 0 : index
    %get3A_47 = arith.constant 0 : index
    %get3A_48 = vector.load %arg8[%get3A_46, %get3A_47] : memref<1x64xf32, #tpu.memory_space<vmem>>, vector<1x64xf32>
    %dot_general3A_49 = arith.constant dense<0.000000e+00> : vector<1000x64xf32>
    %dot_general3A_50 = tpu.matmul %max3A_45, %get3A_48, %dot_general3A_49 {dimension_numbers = #tpu.dot_dimension_numbers<[1], [0], [0], [1], [0, 0, 1, 1], [], []>, transpose_lhs_hint = false} : vector<1000x1xf32>, vector<1x64xf32>, vector<1000x64xf32> -> vector<1000x64xf32>
    %add3A_51 = arith.addf %dot_general3A_39, %dot_general3A_50 : vector<1000x64xf32>
    %get3A_52 = arith.constant 0 : index
    %get3A_53 = arith.constant 0 : index
    %get3A_54 = vector.load %arg6[%get3A_52, %get3A_53] : memref<1000x2xf32, #tpu.memory_space<vmem>>, vector<1000x2xf32>
    %max3A_55 = arith.constant 0.000000e+00 : f32
    %max3A_56 = vector.broadcast %max3A_55 : f32 to vector<1000x2xf32>
    %max3A_57 = arith.maximumf %get3A_54, %max3A_56 : vector<1000x2xf32>
    %get3A_58 = arith.constant 0 : index
    %get3A_59 = arith.constant 0 : index
    %get3A_60 = vector.load %arg9[%get3A_58, %get3A_59] : memref<2x64xf32, #tpu.memory_space<vmem>>, vector<2x64xf32>
    %dot_general3A_61 = arith.constant dense<0.000000e+00> : vector<1000x64xf32>
    %dot_general3A_62 = tpu.matmul %max3A_57, %get3A_60, %dot_general3A_61 {dimension_numbers = #tpu.dot_dimension_numbers<[1], [0], [0], [1], [0, 0, 1, 1], [], []>, transpose_lhs_hint = false} : vector<1000x2xf32>, vector<2x64xf32>, vector<1000x64xf32> -> vector<1000x64xf32>
    %add3A_63 = arith.addf %add3A_51, %dot_general3A_62 : vector<1000x64xf32>
    %get3A_64 = arith.constant 0 : index
    %get3A_65 = arith.constant 0 : index
    %get3A_66 = vector.load %arg10[%get3A_64, %get3A_65] : memref<1x64xf32, #tpu.memory_space<vmem>>, vector<1x64xf32>
    %add3A_67 = vector.broadcast %get3A_66 : vector<1x64xf32> to vector<1000x64xf32>
    %add3A_68 = arith.addf %add3A_63, %add3A_67 : vector<1000x64xf32>
    %max3A_69 = arith.constant 0.000000e+00 : f32
    %max3A_70 = vector.broadcast %max3A_69 : f32 to vector<1000x64xf32>
    %max3A_71 = arith.maximumf %add3A_68, %max3A_70 : vector<1000x64xf32>
    %get3A_72 = arith.constant 0 : index
    %get3A_73 = arith.constant 0 : index
    %get3A_74 = vector.load %arg11[%get3A_72, %get3A_73] : memref<64x64xf32, #tpu.memory_space<vmem>>, vector<64x64xf32>
    %dot_general3A_75 = arith.constant dense<0.000000e+00> : vector<1000x64xf32>
    %dot_general3A_76 = tpu.matmul %max3A_71, %get3A_74, %dot_general3A_75 {dimension_numbers = #tpu.dot_dimension_numbers<[1], [0], [0], [1], [0, 0, 1, 1], [], []>, transpose_lhs_hint = false} : vector<1000x64xf32>, vector<64x64xf32>, vector<1000x64xf32> -> vector<1000x64xf32>
    %get3A_77 = arith.constant 0 : index
    %get3A_78 = arith.constant 0 : index
    %get3A_79 = vector.load %arg12[%get3A_77, %get3A_78] : memref<1x64xf32, #tpu.memory_space<vmem>>, vector<1x64xf32>
    %add3A_80 = vector.broadcast %get3A_79 : vector<1x64xf32> to vector<1000x64xf32>
    %add3A_81 = arith.addf %dot_general3A_76, %add3A_80 : vector<1000x64xf32>
    %max3A_82 = arith.constant 0.000000e+00 : f32
    %max3A_83 = vector.broadcast %max3A_82 : f32 to vector<1000x64xf32>
    %max3A_84 = arith.maximumf %add3A_81, %max3A_83 : vector<1000x64xf32>
    %get3A_85 = arith.constant 0 : index
    %get3A_86 = arith.constant 0 : index
    %get3A_87 = vector.load %arg13[%get3A_85, %get3A_86] : memref<64x1xf32, #tpu.memory_space<vmem>>, vector<64x1xf32>
    %dot_general3A_88 = arith.constant dense<0.000000e+00> : vector<1000x1xf32>
    %dot_general3A_89 = tpu.matmul %max3A_84, %get3A_87, %dot_general3A_88 {dimension_numbers = #tpu.dot_dimension_numbers<[1], [0], [0], [1], [0, 0, 1, 1], [], []>, transpose_lhs_hint = false} : vector<1000x64xf32>, vector<64x1xf32>, vector<1000x1xf32> -> vector<1000x1xf32>
    %get3A_90 = arith.constant 0 : index
    %get3A_91 = arith.constant 0 : index
    %get3A_92 = vector.load %arg14[%get3A_90, %get3A_91] : memref<1x1xf32, #tpu.memory_space<vmem>>, vector<1x1xf32>
    %add3A_93 = vector.broadcast %get3A_92 : vector<1x1xf32> to vector<1000x1xf32>
    %add3A_94 = arith.addf %dot_general3A_89, %add3A_93 : vector<1000x1xf32>
    %swap3A = arith.constant 0 : index
    %swap3A_95 = arith.constant 0 : index
    %swap3A_96 = vector.load %arg15[%swap3A, %swap3A_95] : memref<1000x1xf32, #tpu.memory_space<vmem>>, vector<1000x1xf32>
    tpu.vector_store %arg15[%swap3A, %swap3A_95], %add3A_94 {strides = array<i32>} : memref<1000x1xf32, #tpu.memory_space<vmem>>, vector<1000x1xf32>,
    return
  }
  func.func @transform_0(%arg0: i32) -> (i32, i32, i32) {
    %c0_i32 = arith.constant 0 : i32
    %c0_i32_0 = arith.constant 0 : i32
    %c0_i32_1 = arith.constant 0 : i32
    return %c0_i32, %arg0, %c0_i32_0 : i32, i32, i32
  }
  func.func @transform_1(%arg0: i32) -> (i32, i32) {
    %c0_i32 = arith.constant 0 : i32
    %c0_i32_0 = arith.constant 0 : i32
    return %arg0, %c0_i32 : i32, i32
  }
  func.func @transform_2(%arg0: i32) -> (i32, i32, i32) {
    %c0_i32 = arith.constant 0 : i32
    %c0_i32_0 = arith.constant 0 : i32
    %c0_i32_1 = arith.constant 0 : i32
    return %c0_i32, %arg0, %c0_i32_0 : i32, i32, i32
  }
  func.func @transform_3(%arg0: i32) -> (i32, i32) {
    %c0_i32 = arith.constant 0 : i32
    %c0_i32_0 = arith.constant 0 : i32
    %c0_i32_1 = arith.constant 0 : i32
    return %c0_i32, %c0_i32_0 : i32, i32
  }
  func.func @transform_4(%arg0: i32) -> (i32, i32) {
    %c0_i32 = arith.constant 0 : i32
    %c0_i32_0 = arith.constant 0 : i32
    return %arg0, %c0_i32 : i32, i32
  }
  func.func @transform_5(%arg0: i32) -> (i32, i32) {
    %c0_i32 = arith.constant 0 : i32
    %c0_i32_0 = arith.constant 0 : i32
    return %arg0, %c0_i32 : i32, i32
  }
  func.func @transform_6(%arg0: i32) -> (i32, i32) {
    %c0_i32 = arith.constant 0 : i32
    %c0_i32_0 = arith.constant 0 : i32
    %c0_i32_1 = arith.constant 0 : i32
    return %c0_i32, %c0_i32_0 : i32, i32
  }
  func.func @transform_7(%arg0: i32) -> (i32, i32) {
    %c0_i32 = arith.constant 0 : i32
    %c0_i32_0 = arith.constant 0 : i32
    %c0_i32_1 = arith.constant 0 : i32
    return %c0_i32, %c0_i32_0 : i32, i32
  }
  func.func @transform_8(%arg0: i32) -> (i32, i32) {
    %c0_i32 = arith.constant 0 : i32
    %c0_i32_0 = arith.constant 0 : i32
    %c0_i32_1 = arith.constant 0 : i32
    return %c0_i32, %c0_i32_0 : i32, i32
  }
  func.func @transform_9(%arg0: i32) -> (i32, i32) {
    %c0_i32 = arith.constant 0 : i32
    %c0_i32_0 = arith.constant 0 : i32
    %c0_i32_1 = arith.constant 0 : i32
    return %c0_i32, %c0_i32_0 : i32, i32
  }
  func.func @transform_10(%arg0: i32) -> (i32, i32) {
    %c0_i32 = arith.constant 0 : i32
    %c0_i32_0 = arith.constant 0 : i32
    %c0_i32_1 = arith.constant 0 : i32
    return %c0_i32, %c0_i32_0 : i32, i32
  }
  func.func @transform_11(%arg0: i32) -> (i32, i32) {
    %c0_i32 = arith.constant 0 : i32
    %c0_i32_0 = arith.constant 0 : i32
    %c0_i32_1 = arith.constant 0 : i32
    return %c0_i32, %c0_i32_0 : i32, i32
  }
  func.func @transform_12(%arg0: i32) -> (i32, i32) {
    %c0_i32 = arith.constant 0 : i32
    %c0_i32_0 = arith.constant 0 : i32
    %c0_i32_1 = arith.constant 0 : i32
    return %c0_i32, %c0_i32_0 : i32, i32
  }
  func.func @transform_13(%arg0: i32) -> (i32, i32) {
    %c0_i32 = arith.constant 0 : i32
    %c0_i32_0 = arith.constant 0 : i32
    %c0_i32_1 = arith.constant 0 : i32
    return %c0_i32, %c0_i32_0 : i32, i32
  }
  func.func @transform_14(%arg0: i32) -> (i32, i32) {
    %c0_i32 = arith.constant 0 : i32
    %c0_i32_0 = arith.constant 0 : i32
    return %arg0, %c0_i32 : i32, i32
  }
}

</mosaic_0001>

<sc_bundles>
// kernel: kernel.12.cloned.1.call-start
scs
__scs_entry_jumppad:
0x0: {  	(pc) =	sbr.rel $0x88, $3  }
0x1: {  	(tag) =	ssettag $0x0;
	lr =	simm.s32 $0x1  }
0x2: {  	[smem:$0x3F8C] =	sst lr;
	_ =	strace $0xD0000000  }
0x3: {  	_ = 	snop  }
0x4: {  	_ = 	snop  }
0x5: {  	_ = 	snop  }
0x6: {  	_ = 	snop  }
0x7: {  	_ = 	snop  }
__scs_overlays_trampoline_lowered:
0x8: {  	[smem:$0x3F9B] =	sst s0  }
0x9: {  	[smem:$0x3F9C] =	sst s1  }
0xa: {  	[smem:$0x3F9D] =	sst s2  }
0xb: {  	[smem:$0x3F9E] =	sst s3  }
0xc: {  	[smem:$0x3F9F] =	sst s4  }
0xd: {  	[smem:$0x3FA0] =	sst s5  }
0xe: {  	[smem:$0x3FA1] =	sst s6  }
0xf: {  	[smem:$0x3FA2] =	sst s7  }
0x10: {  	[smem:$0x3FA3] =	sst s8  }
0x11: {  	[smem:$0x3FA4] =	sst s9;
	s0 =	simm.s32 @!p0 $0x0  }
0x12: {  	s1 =	sld [smem:$0x3F8A];
	s0 =	simm.s32 @p0 $0x1  }
0x13: {  	[smem:$0x3FA5] =	sst s0;
	s0 =	simm.s32 @!p1 $0x0  }
0x14: {  	s2 =	sld [smem:$0x3F89];
	s0 =	simm.s32 @p1 $0x1  }
0x15: {  	[smem:$0x3FA6] =	sst s0;
	s0 =	simm.s32 @!p2 $0x0  }
0x16: {  	s3 =	sld [smem:$0x3FDB];
	s0 =	simm.s32 @p2 $0x1  }
0x17: {  	s4 =	simm.s32 $0x1BF5;
	[smem:$0x3FA8] =	sst s0  }
0x18: {  	s0 =	sld [smem:$0x3F8B];
	_ =	swait.ge [sflag:s4], $0x0  }
0x19: {  	s7 =	sld [smem:$0x3F8C]  }
0x1a: {  	s8 =	sadd.s32 $0xFFFFE003, lr  }
0x1b: {  	s9 =	sadd.s32 $0xFFFFFEF7, lr;
	s5 =	simm.s32 $0xFFFFFFFF;
	p2 =	slt.u32 s8, $0xFFFFF086  }
0x1c: {  	p1 =	slt.u32 s9, $0xF7A;
	s5 =	simm.s32 @!p2 $0x0  }
0x1d: {  	s5 =	simm.s32 @p1 $0x1;
	p0 =	seq.s32 s7, s2  }
0x1e: {  	s7 =	smul.u32 @!p0 $0xF7A, s2;
	p2 =	seq.s32 @!p0 s5, $0x0  }
0x1f: {  	s9 =	smul.u32 $0xF7A, s1;
	s8 =	simm.s32 @!p0 $0x1BF5;
	p2 =	por !p2, p0  }
0x20: {  	[sflag:s8] =	ssyncset.s32 @!p0 $0xFFFFF086;
	s6 =	sadd.s32 @!p0 s3, s7;
	s7 =	simm.s32 @!p0 $0x108  }
0x21: {  	s3 =	sadd.s32 s3, s9;
	s6 =	sadd.s32 @!p0 $0x88, s6;
	s7 =	simm.s32 @p2 $0x1082  }
0x22: {  	[simem:s7], [sflag:s8] =	dma.local @!p0 [hbm:s6], $0xF7A  }
0x23: {  	s9 =	sor.u32 $0xD0000000, s2;
	s6 =	simm.s32 $0x108;
	_ =	swait.ge @!p0 [sflag:s8], $0x0  }
0x24: {  	s3 =	sadd.s32 $0x88, s3;
	s6 =	simm.s32 @!p1 $0x1082;
	[sflag:s4] =	ssyncset.s32 $0xFFFFF086  }
0x25: {  	[simem:s6], [sflag:s4] =	dma.local [hbm:s3], $0xF7A  }
0x26: {  	[smem:$0x3F8C] =	sst s1;
	(tag) =	ssettag s2;
	_ =	strace s9  }
0x27: {  	s1 =	sld [smem:$0x3F9C]  }
0x28: {  	s2 =	sld [smem:$0x3F9D]  }
0x29: {  	s4 =	sld [smem:$0x3F9F]  }
0x2a: {  	p0 =	seq.s32 s5, $0x0;
	s5 =	sld [smem:$0x3FA0]  }
0x2b: {  	s6 =	sld [smem:$0x3FA1]  }
0x2c: {  	s7 =	sld [smem:$0x3FA2]  }
0x2d: {  	s3 =	simm.s32 $0x108;
	s8 =	sld [smem:$0x3FA3]  }
0x2e: {  	s3 =	simm.s32 @!p0 $0x1082;
	s9 =	sld [smem:$0x3FA4]  }
0x2f: {  	lr =	sadd.s32 s0, s3;
	s0 =	sld [smem:$0x3F9B]  }
0x30: {  	s3 =	sld [smem:$0x3F9E]  }
0x31: {  	[smem:$0x3FA7] =	sst s10  }
0x32: {  	s10 =	sld [smem:$0x3FA5];
	_ =	sdelay $0x3  }
0x33: {  	p0 =	seq.s32 s10, $0x1;
	s10 =	sld [smem:$0x3FA7];
	_ =	sdelay $0x3  }
0x34: {  	[smem:$0x3FA7] =	sst s10  }
0x35: {  	s10 =	sld [smem:$0x3FA6];
	_ =	sdelay $0x3  }
0x36: {  	p1 =	seq.s32 s10, $0x1;
	s10 =	sld [smem:$0x3FA7];
	_ =	sdelay $0x3  }
0x37: {  	[smem:$0x3FA7] =	sst s10  }
0x38: {  	s10 =	sld [smem:$0x3FA8]  }
0x39: {  	_ = 	snop;
	(pc) =	sbr.ind lr, $3  }
0x3a: {  	_ = 	snop  }
0x3b: {  	_ = 	snop  }
0x3c: {  	p2 =	seq.s32 s10, $0x1;
	s10 =	sld [smem:$0x3FA7]  }
0x3d: {  	_ =	shalt  }
0x3e: {  	_ =	shalt  }
0x3f: {  	_ =	shalt  }
0x40: {  	_ =	shalt  }
0x41: {  	_ =	shalt  }
0x42: {  	_ =	shalt  }
0x43: {  	_ =	shalt  }
0x44: {  	_ =	shalt  }
0x45: {  	_ =	shalt  }
0x46: {  	_ =	shalt  }
0x47: {  	_ =	shalt  }
0x48: {  	_ =	shalt  }
0x49: {  	_ =	shalt  }
0x4a: {  	_ =	shalt  }
0x4b: {  	_ =	shalt  }
0x4c: {  	_ =	shalt  }
0x4d: {  	_ =	shalt  }
0x4e: {  	_ =	shalt  }
0x4f: {  	_ =	shalt  }
0x50: {  	_ =	shalt  }
0x51: {  	_ =	shalt  }
0x52: {  	_ =	shalt  }
0x53: {  	_ =	shalt  }
0x54: {  	_ =	shalt  }
0x55: {  	_ =	shalt  }
0x56: {  	_ =	shalt  }
0x57: {  	_ =	shalt  }
0x58: {  	_ =	shalt  }
0x59: {  	_ =	shalt  }
0x5a: {  	_ =	shalt  }
0x5b: {  	_ =	shalt  }
0x5c: {  	_ =	shalt  }
0x5d: {  	_ =	shalt  }
0x5e: {  	_ =	shalt  }
0x5f: {  	_ =	shalt  }
0x60: {  	_ =	shalt  }
0x61: {  	_ =	shalt  }
0x62: {  	_ =	shalt  }
0x63: {  	_ =	shalt  }
0x64: {  	_ =	shalt  }
0x65: {  	_ =	shalt  }
0x66: {  	_ =	shalt  }
0x67: {  	_ =	shalt  }
0x68: {  	_ =	shalt  }
0x69: {  	_ =	shalt  }
0x6a: {  	_ =	shalt  }
0x6b: {  	_ =	shalt  }
0x6c: {  	_ =	shalt  }
0x6d: {  	_ =	shalt  }
0x6e: {  	_ =	shalt  }
0x6f: {  	_ =	shalt  }
0x70: {  	_ =	shalt  }
0x71: {  	_ =	shalt  }
0x72: {  	_ =	shalt  }
0x73: {  	_ =	shalt  }
0x74: {  	_ =	shalt  }
0x75: {  	_ =	shalt  }
0x76: {  	_ =	shalt  }
0x77: {  	_ =	shalt  }
0x78: {  	_ =	shalt  }
0x79: {  	_ =	shalt  }
0x7a: {  	_ =	shalt  }
0x7b: {  	_ =	shalt  }
0x7c: {  	_ =	shalt  }
0x7d: {  	_ =	shalt  }
0x7e: {  	_ =	shalt  }
0x7f: {  	_ =	shalt  }
0x80: {  	_ =	shalt  }
0x81: {  	_ =	shalt  }
0x82: {  	_ =	shalt  }
0x83: {  	_ =	shalt  }
0x84: {  	_ =	shalt  }
0x85: {  	_ =	shalt  }
0x86: {  	_ =	shalt  }
0x87: {  	_ =	shalt  }
.Lfunc_end0:
.L_simem_size_0:
called_computation.1_lowered:
.L_overlay_start_0:
0x88: {  	s2 =	sld [smem:$0x3FD9]  }
0x89: {  	s3 =	sld [smem:$0x3FFE];
	_ =	sdelay $0x1  }
0x8a: {  	s1 =	srdreg.scid  }
0x8b: {  	s0 =	sand.u32 $0x1, s1  }
0x8c: {  	s16 =	sshll.u32 s0, $0xA;
	s2 =	sadd.s32 s3, s2  }
0x8d: {  	s2 =	sadd.s32 s2, s16  }
0x8e: {  	[smem:$0x3FB3] =	sst s2  }
0x8f: {  	_ = 	snop  }
0x90: {  	(tm) =	ssettm $0x1  }
0x91: {  	s17 =	sld [smem:$0x3FFB];
	_ =	sdelay $0x3  }
0x92: {  	_ =	strace s17  }
0x93: {  	s2 =	sld [smem:$0x3FFC];
	_ =	sdelay $0x3  }
0x94: {  	_ =	strace s2  }
0x95: {  	s2 =	sld [smem:$0x3FFD];
	_ =	sdelay $0x3  }
0x96: {  	_ =	strace s2  }
0x97: {  	_ =	strace $0x8FFFFFFF  }
0x98: {  	s18 =	sld [smem:$0x3FDB];
	_ =	sdelay $0x1  }
0x99: {  	s19 =	simm.s32 $_scs_section_size  }
0x9a: {  	s4 =	simm.s32 $_size__tile_overlayer_lowered;
	s5 =	simm.s32 $_tile_overlayer_lowered  }
0x9b: {  	s22 =	simm.s32 $0x1BFF;
	s21 =	sshll.u32 s5, $0x1;
	s2 =	sadd.s32 s19, s18  }
0x9c: {  	s6 =	simm.s32 $0x0;
	s20 =	sshll.u32 s4, $0x1;
	s4 =	sadd.s32 s21, s2  }
0x9d: {  	[timem:s6], [sflag:s22] =	dma.local [hbm:s4], s20  }
0x9e: {  	_ =	swait.ge [sflag:s22], s20  }
0x9f: {  	s3 =	ssub.s32 $0x0, s20;
	[sflag:s22] =	ssyncset.done $0x0  }
0xa0: {  	[sflag:s22] =	ssyncadd.s32 s3;
	_ =	sdelay $0x1  }
0xa1: {  	s23 =	simm.s32 $0x1B8B  }
0xa2: {  	_ =	swait.ge [sflag:s23], $0x1  }
0xa3: {  	[sflag:s23] =	ssyncset.done $0x0  }
0xa4: {  	s25 =	simm.s32 $0x1B8E;
	s24 =	sld [smem:$0x3FFE];
	[sflag:s23] =	ssyncadd.s32 $0xFFFFFFFF  }
0xa5: {  	s26 =	simm.s32 $execute0_lowered;
	[smem:$0x3FD2] =	sst s25  }
0xa6: {  	s4 =	sshll.u32 s26, $0x1;
	_ =	strace $0x80000049;
	[dreg:$0x1] =	wrdreg $0xFFFFFFFF  }
0xa7: {  	s28 =	simm.s32 $_size_execute0_lowered;
	s2 =	sadd.s32 s2, s4;
	[dreg:$0x0] =	wrdreg $0x0  }
0xa8: {  	s4 =	sshll.u32 s28, $0x1;
	[dreg:$0x2] =	wrdreg s2  }
0xa9: {  	[dreg:$0x3] =	wrdreg s4  }
0xaa: {  	[dreg:$0x4] =	wrdreg $0xC0  }
0xab: {  	_ =	task [dreg:s6], $0x5FFFF  }
0xac: {  	[dreg:$0x1] =	wrdreg $0xFFFFFFFF  }
0xad: {  	[dreg:$0x0] =	wrdreg $0x60  }
0xae: {  	[dreg:$0x2] =	wrdreg s24  }
0xaf: {  	[dreg:$0x3] =	wrdreg $0xA8000  }
0xb0: {  	[dreg:$0x4] =	wrdreg $0x9  }
0xb1: {  	_ =	task.clear_ibuf [dreg:s6], $0x5FFFF;
	_ =	strace $0x90000049  }
0xb2: {  	s29 =	simm.s32 $0x9;
	_ =	strace $0x8000004B  }
0xb3: {  	_ =	swait.ge [sflag:s29], $0x1  }
0xb4: {  	[sflag:s29] =	ssyncadd.s32 $0xFFFFFFFF  }
0xb5: {  	_ =	strace $0x9000004B  }
0xb6: {  	_ =	sfence  }
0xb7: {  	s30 =	sld [smem:$0x0];
	_ =	sdelay $0x2  }
0xb8: {  	s31 =	sshll.u32 s1, $0xD;
	s1 =	sshrl.u32 s1, $0x2  }
0xb9: {  	s3 =	sand.u32 $0x4000, s31;
	s1 =	sadd.s32 s1, s30  }
0xba: {  	s0 =	sor.u32 s3, s0;
	s1 =	sshll.u32 s1, $0x11  }
0xbb: {  	s0 =	sor.u32 s1, s0  }
0xbc: {  	s0 =	sadd.s32 $0x8F2B, s0  }
0xbd: {  	[sflag:s0] =	ssyncadd.remote.s32 $0x1  }
0xbe: {  	_ =	sfence.sel $0xFFFF  }
0xbf: {  	[dreg:$0x0] =	wrdreg $0xFFFFFFFF;
	(pc) =	sbr.abs _section_cstart, $3  }
0xc0: {  	[dreg:$0x1] =	wrdreg $0xFFFFFFFF  }
0xc1: {  	_ =	task.clear_ibuf [dreg:s6], $0x2FFFF;
	_ =	strace $0x9FFFFFFF  }
0xc2: {  	(tm) =	ssettm $0x7FFFFFFF  }
0xc3: {  	_ =	shalt  }
tec
execute0_lowered:
.L_overlay_start_1:
0x0: {  	(tag) =	ssettag $0x1  }
0x1: {  	s0 =	rddreg [dreg:$0x0]  }
0x2: {  	s1 =	rddreg [dreg:$0x1];
	s2 =	simm.s32 $0x0;
	s5 =	srdreg.scid  }
0x3: {  	s3 =	stileid.u32;
	s22 =	simm.s32 $0x1400;
	s23 =	simm.s32 $0x80  }
0x4: {  	s24 =	simm.s32 $0x6800;
	s25 =	simm.s32 $0x1;
	s28 =	simm.s32 $0x2700  }
0x5: {  	s29 =	simm.s32 $0x2780;
	s30 =	simm.s32 $0x0;
	[smem:$0x7FF] =	sst s2  }
0x6: {  	s4 =	sadd.s32 $0x6A800, s0;
	s12 =	sadd.s32 $0x6800, s0;
	s9 =	sand.u32 $0x1, s5  }
0x7: {  	s13 =	sadd.s32 $0x10800, s0;
	s6 =	smul.u32 $0x50000, s3;
	s0 =	sadd.s32 $0x91A00, s0  }
0x8: {  	s14 =	smul.u32 $0x14000, s3;
	s26 =	sshll.u32 s3, $0x1;
	_ =	strace $0x8000004A  }
0x9: {  	s5 =	ssub.s32 $0x2, s9;
	s8 =	sor.u32 s9, s26;
	s21 =	smul.u32 $0x140000, s9  }
0xa: {  	s26 =	simm.s32 $0x2;
	s7 =	sshrl.u32 s5, $0x1;
	s6 =	sshrl.u32 s6, $0x2  }
0xb: {  	s15 =	sadd.s32 $0x4000, s14;
	s16 =	sadd.s32 $0x8000, s14;
	s11 =	smul.u32 $0x500, s8  }
0xc: {  	s17 =	sadd.s32 $0xC000, s14;
	s18 =	smul.u32 $0x2800, s8;
	s20 =	sadd.s32 $0x10000, s14  }
0xd: {  	s19 =	ssub.s32 s5, s7;
	s5 =	sadd.s32 s6, s1;
	s6 =	sadd.s32 s15, s1  }
0xe: {  	s7 =	sadd.s32 s16, s1;
	s8 =	sadd.s32 s17, s1;
	s9 =	sadd.s32 s20, s1  }
0xf: {  	s14 =	sadd.s32 s14, s21;
	s15 =	sadd.s32 s21, s15;
	s16 =	sadd.s32 s21, s16  }
0x10: {  	s17 =	sadd.s32 s21, s17;
	s31 =	sadd.s32 s21, s20;
	s20 =	simm.s32 $0x2800  }
0x11: {  	s21 =	simm.s32 $0x3;
	s10 =	sadd.s32 s12, s11;
	s18 =	sshrl.u32 s18, $0x3  }
0x12: {  	s11 =	sadd.s32 s13, s11;
	s14 =	sshrl.u32 s14, $0x3;
	s15 =	sshrl.u32 s15, $0x3  }
0x13: {  	s16 =	sshrl.u32 s16, $0x3;
	s17 =	sshrl.u32 s17, $0x3;
	s19 =	smax.u32 s19, $0x1  }
0x14: {  	s18 =	sadd.s32 $0x280, s18;
	s14 =	sadd.s32 s0, s14;
	s15 =	sadd.s32 s0, s15  }
0x15: {  	s12 =	sadd.s32 s12, s18;
	s13 =	sadd.s32 s13, s18;
	s18 =	sshrl.u32 s31, $0x3  }
0x16: {  	v0 =	vimm.f32 $0.0e+00;
	s16 =	sadd.s32 s0, s16;
	s17 =	sadd.s32 s0, s17;
	s18 =	sadd.s32 s0, s18  }
.LBB2_1:
0x17: {  	s31 =	simm.s32 $0x0;
	s0 =	simm.s32 $0x200  }
.LBB2_2:
0x18: {  	p0 =	sne.s32 s0, $0xFE00;
	[tilespmem:s31+$0x2870] =	vst v0  }
0x19: {  	[tilespmem:s31+$0x2800] =	vst v0  }
0x1a: {  	[tilespmem:s31+$0x2810] =	vst v0  }
.Ltmp0:
0x1b: {  	[tilespmem:s31+$0x2820] =	vst v0;
	(pc) =	sbr.rel @p0 .LBB2_2-.Ltmp0, $4  }
0x1c: {  	[tilespmem:s31+$0x2830] =	vst v0  }
0x1d: {  	[tilespmem:s31+$0x2840] =	vst v0  }
0x1e: {  	[tilespmem:s31+$0x2850] =	vst v0  }
0x1f: {  	[tilespmem:s31+$0x2860] =	vst v0;
	s31 =	sshra.s32 s0, $0x2;
	s0 =	sadd.s32 $0x200, s0  }
0x20: {  	[tilespmem:s31+$0x2870] =	vst v0  }
0x21: {  	[tilespmem:s31+$0x2800] =	vst v0  }
0x22: {  	[tilespmem:s31+$0x2810] =	vst v0  }
0x23: {  	[tilespmem:s31+$0x2820] =	vst v0  }
0x24: {  	[tilespmem:s31+$0x2830] =	vst v0  }
0x25: {  	[tilespmem:s31+$0x2840] =	vst v0  }
0x26: {  	[tilespmem:s31+$0x2850] =	vst v0  }
0x27: {  	[tilespmem:s31+$0x2860] =	vst v0  }
0x28: {  	[spmem:s5] =	stream.linear.scatter [tilespmem:s20], [sflag:$0x3], $0x4000, $0x38;
	[tilespmem:$0x1E800] =	vst v63  }
0x29: {  	_ =	swait.ge [sflag:s21], $0x4000  }
0x2a: {  	[sflag:s21] =	ssyncset.done $0x0  }
0x2b: {  	[sflag:s21] =	ssyncadd.s32 $0xFFFFC000  }
0x2c: {  	[spmem:s6] =	stream.linear.scatter [tilespmem:s20], [sflag:$0x3], $0x4000, $0x38;
	[tilespmem:$0x1E800] =	vst v63  }
0x2d: {  	_ =	swait.ge [sflag:s21], $0x4000  }
0x2e: {  	[sflag:s21] =	ssyncset.done $0x0  }
0x2f: {  	[sflag:s21] =	ssyncadd.s32 $0xFFFFC000  }
0x30: {  	[spmem:s7] =	stream.linear.scatter [tilespmem:s20], [sflag:$0x3], $0x4000, $0x38;
	[tilespmem:$0x1E800] =	vst v63  }
0x31: {  	_ =	swait.ge [sflag:s21], $0x4000  }
0x32: {  	[sflag:s21] =	ssyncset.done $0x0  }
0x33: {  	[sflag:s21] =	ssyncadd.s32 $0xFFFFC000  }
0x34: {  	[spmem:s8] =	stream.linear.scatter [tilespmem:s20], [sflag:$0x3], $0x4000, $0x38;
	[tilespmem:$0x1E800] =	vst v63  }
0x35: {  	_ =	swait.ge [sflag:s21], $0x4000  }
0x36: {  	[sflag:s21] =	ssyncset.done $0x0  }
0x37: {  	[sflag:s21] =	ssyncadd.s32 $0xFFFFC000  }
0x38: {  	[spmem:s9] =	stream.linear.scatter [tilespmem:s20], [sflag:$0x3], $0x4000, $0x38;
	[tilespmem:$0x1E800] =	vst v63  }
0x39: {  	_ =	swait.ge [sflag:s21], $0x4000  }
0x3a: {  	[sflag:s21] =	ssyncset.done $0x0  }
0x3b: {  	[sflag:s21] =	ssyncadd.s32 $0xFFFFC000  }
0x3c: {  	s0 =	simm.s32 $0x0;
	[bflag:$0x0] =	sbarrier.arrive $0xFFFF  }
0x3d: {  	[tilespmem:s0], [sflag:$0x3] =	stream.linear.gather [hbm4b:s10+s0], $0x1400, $0x38;
	[tilespmem:$0x1E800] =	vst v63  }
0x3e: {  	_ =	swait.ge [sflag:s21], $0x1400  }
0x3f: {  	[sflag:s21] =	ssyncset.done $0x0  }
0x40: {  	[sflag:s21] =	ssyncadd.s32 $0xFFFFEC00  }
0x41: {  	[tilespmem:s22], [sflag:$0x3] =	stream.linear.gather [hbm4b:s11+s0], $0x1400, $0x38;
	[tilespmem:$0x1E800] =	vst v63  }
0x42: {  	_ =	swait.ge [sflag:s21], $0x1400  }
0x43: {  	[sflag:s21] =	ssyncset.done $0x0  }
0x44: {  	[sflag:s21] =	ssyncadd.s32 $0xFFFFEC00  }
0x45: {  	[tilespmem:s20], [sflag:$0x1] =	stream.indirect.gather [hbm4b:s4+s23], $0x80, s0, s23, $0xb8;
	[tilespmem:$0x1E800] =	vst v63  }
0x46: {  	_ = 	snop  }
0x47: {  	[tilespmem:s24], [sflag:$0x2] =	stream.indirect.gather [hbm4b:s4+s23], $0x80, s23, s23, $0xb8;
	[tilespmem:$0x1E800] =	vst v63  }
0x48: {  	_ =	swait.ge [sflag:s25], $0x4000  }
0x49: {  	[sflag:s25] =	ssyncset.done $0x0  }
0x4a: {  	s3 =	simm.s32 $0x1400;
	[sflag:s25] =	ssyncadd.s32 $0xFFFFC000  }
0x4b: {  	[spmem:s1] =	stream.indirect.scatter.add.f32 [tilespmem:s20], [sflag:$0x3], $0x80, s3, s23, $0xb8;
	[tilespmem:$0x1E800] =	vst v63  }
0x4c: {  	_ =	swait.ge [sflag:s21], $0x4000  }
0x4d: {  	[sflag:s21] =	ssyncset.done $0x0  }
0x4e: {  	s3 =	simm.s32 $0x100;
	[sflag:s21] =	ssyncadd.s32 $0xFFFFC000  }
0x4f: {  	[tilespmem:s20], [sflag:$0x1] =	stream.indirect.gather [hbm4b:s4+s23], $0x80, s3, s23, $0xb8;
	[tilespmem:$0x1E800] =	vst v63  }
0x50: {  	_ =	swait.ge [sflag:s26], $0x4000  }
0x51: {  	[sflag:s26] =	ssyncset.done $0x0  }
0x52: {  	s3 =	simm.s32 $0x1480;
	[sflag:s26] =	ssyncadd.s32 $0xFFFFC000  }
0x53: {  	[spmem:s1] =	stream.indirect.scatter.add.f32 [tilespmem:s24], [sflag:$0x3], $0x80, s3, s23, $0xb8;
	[tilespmem:$0x1E800] =	vst v63  }
0x54: {  	_ =	swait.ge [sflag:s21], $0x4000  }
0x55: {  	[sflag:s21] =	ssyncset.done $0x0  }
0x56: {  	s31 =	simm.s32 $0x400;
	s0 =	simm.s32 $0x180;
	[sflag:s21] =	ssyncadd.s32 $0xFFFFC000  }
.LBB2_4:
0x57: {  	[tilespmem:s24], [sflag:$0x2] =	stream.indirect.gather [hbm4b:s4+s23], $0x80, s0, s23, $0xb8;
	[tilespmem:$0x1E800] =	vst v63  }
0x58: {  	s0 =	smov.u32 s31  }
0x59: {  	p0 =	sne.s32 s31, $0x4800;
	s31 =	sadd.s32 $0x400, s31;
	_ =	swait.ge [sflag:s25], $0x4000  }
0x5a: {  	s0 =	sshra.s32 s0, $0x2;
	[sflag:s25] =	ssyncset.done $0x0  }
0x5b: {  	s3 =	sadd.s32 $0x1400, s0;
	[sflag:s25] =	ssyncadd.s32 $0xFFFFC000  }
0x5c: {  	[spmem:s1] =	stream.indirect.scatter.add.f32 [tilespmem:s20], [sflag:$0x3], $0x80, s3, s23, $0xb8;
	[tilespmem:$0x1E800] =	vst v63  }
0x5d: {  	_ =	swait.ge [sflag:s21], $0x4000  }
0x5e: {  	[sflag:s21] =	ssyncset.done $0x0  }
0x5f: {  	s3 =	sadd.s32 $0x100, s0;
	[sflag:s21] =	ssyncadd.s32 $0xFFFFC000  }
0x60: {  	[tilespmem:s20], [sflag:$0x1] =	stream.indirect.gather [hbm4b:s4+s23], $0x80, s3, s23, $0xb8;
	[tilespmem:$0x1E800] =	vst v63  }
0x61: {  	_ =	swait.ge [sflag:s26], $0x4000  }
0x62: {  	[sflag:s26] =	ssyncset.done $0x0  }
.Ltmp1:
0x63: {  	s3 =	sadd.s32 $0x1480, s0;
	[sflag:s26] =	ssyncadd.s32 $0xFFFFC000;
	(pc) =	sbr.rel @p0 .LBB2_4-.Ltmp1, $4  }
0x64: {  	[spmem:s1] =	stream.indirect.scatter.add.f32 [tilespmem:s24], [sflag:$0x3], $0x80, s3, s23, $0xb8;
	[tilespmem:$0x1E800] =	vst v63  }
0x65: {  	_ =	swait.ge [sflag:s21], $0x4000  }
0x66: {  	[sflag:s21] =	ssyncset.done $0x0  }
0x67: {  	s0 =	sadd.s32 $0x180, s0;
	[sflag:s21] =	ssyncadd.s32 $0xFFFFC000  }
0x68: {  	[tilespmem:s24], [sflag:$0x2] =	stream.indirect.gather [hbm4b:s4+s23], $0x80, s0, s23, $0xb8;
	[tilespmem:$0x1E800] =	vst v63  }
0x69: {  	_ =	swait.ge [sflag:s25], $0x4000  }
0x6a: {  	[sflag:s25] =	ssyncset.done $0x0  }
0x6b: {  	[sflag:s25] =	ssyncadd.s32 $0xFFFFC000  }
0x6c: {  	[spmem:s1] =	stream.indirect.scatter.add.f32 [tilespmem:s20], [sflag:$0x3], $0x80, s28, s23, $0xb8;
	[tilespmem:$0x1E800] =	vst v63  }
0x6d: {  	_ =	swait.ge [sflag:s21], $0x4000  }
0x6e: {  	[sflag:s21] =	ssyncset.done $0x0  }
0x6f: {  	[sflag:s21] =	ssyncadd.s32 $0xFFFFC000  }
0x70: {  	_ =	swait.ge [sflag:s26], $0x4000  }
0x71: {  	[sflag:s26] =	ssyncset.done $0x0  }
0x72: {  	[sflag:s26] =	ssyncadd.s32 $0xFFFFC000  }
0x73: {  	[spmem:s1] =	stream.indirect.scatter.add.f32 [tilespmem:s24], [sflag:$0x3], $0x80, s29, s23, $0xb8;
	[tilespmem:$0x1E800] =	vst v63  }
0x74: {  	_ =	swait.ge [sflag:s21], $0x4000  }
0x75: {  	[sflag:s21] =	ssyncset.done $0x0  }
0x76: {  	s3 =	simm.s32 $0x0;
	[sflag:s21] =	ssyncadd.s32 $0xFFFFC000  }
0x77: {  	[tilespmem:s3], [sflag:$0x3] =	stream.linear.gather [hbm4b:s12+s3], $0x1400, $0x38;
	[tilespmem:$0x1E800] =	vst v63  }
0x78: {  	_ =	swait.ge [sflag:s21], $0x1400  }
0x79: {  	[sflag:s21] =	ssyncset.done $0x0  }
0x7a: {  	[sflag:s21] =	ssyncadd.s32 $0xFFFFEC00  }
0x7b: {  	[tilespmem:s22], [sflag:$0x3] =	stream.linear.gather [hbm4b:s13+s3], $0x1400, $0x38;
	[tilespmem:$0x1E800] =	vst v63  }
0x7c: {  	_ =	swait.ge [sflag:s21], $0x1400  }
0x7d: {  	[sflag:s21] =	ssyncset.done $0x0  }
0x7e: {  	[sflag:s21] =	ssyncadd.s32 $0xFFFFEC00  }
0x7f: {  	[tilespmem:s20], [sflag:$0x1] =	stream.indirect.gather [hbm4b:s4+s23], $0x80, s3, s23, $0xb8;
	[tilespmem:$0x1E800] =	vst v63  }
0x80: {  	_ = 	snop  }
0x81: {  	[tilespmem:s24], [sflag:$0x2] =	stream.indirect.gather [hbm4b:s4+s23], $0x80, s23, s23, $0xb8;
	[tilespmem:$0x1E800] =	vst v63  }
0x82: {  	_ =	swait.ge [sflag:s25], $0x4000  }
0x83: {  	[sflag:s25] =	ssyncset.done $0x0  }
0x84: {  	s3 =	simm.s32 $0x1400;
	[sflag:s25] =	ssyncadd.s32 $0xFFFFC000  }
0x85: {  	[spmem:s1] =	stream.indirect.scatter.add.f32 [tilespmem:s20], [sflag:$0x3], $0x80, s3, s23, $0xb8;
	[tilespmem:$0x1E800] =	vst v63  }
0x86: {  	_ =	swait.ge [sflag:s21], $0x4000  }
0x87: {  	[sflag:s21] =	ssyncset.done $0x0  }
0x88: {  	s3 =	simm.s32 $0x100;
	[sflag:s21] =	ssyncadd.s32 $0xFFFFC000  }
0x89: {  	[tilespmem:s20], [sflag:$0x1] =	stream.indirect.gather [hbm4b:s4+s23], $0x80, s3, s23, $0xb8;
	[tilespmem:$0x1E800] =	vst v63  }
0x8a: {  	_ =	swait.ge [sflag:s26], $0x4000  }
0x8b: {  	[sflag:s26] =	ssyncset.done $0x0  }
0x8c: {  	s3 =	simm.s32 $0x1480;
	[sflag:s26] =	ssyncadd.s32 $0xFFFFC000  }
0x8d: {  	[spmem:s1] =	stream.indirect.scatter.add.f32 [tilespmem:s24], [sflag:$0x3], $0x80, s3, s23, $0xb8;
	[tilespmem:$0x1E800] =	vst v63  }
0x8e: {  	_ =	swait.ge [sflag:s21], $0x4000  }
0x8f: {  	[sflag:s21] =	ssyncset.done $0x0  }
0x90: {  	s31 =	simm.s32 $0x400;
	s0 =	simm.s32 $0x180;
	[sflag:s21] =	ssyncadd.s32 $0xFFFFC000  }
.LBB2_6:
0x91: {  	[tilespmem:s24], [sflag:$0x2] =	stream.indirect.gather [hbm4b:s4+s23], $0x80, s0, s23, $0xb8;
	[tilespmem:$0x1E800] =	vst v63  }
0x92: {  	s0 =	smov.u32 s31  }
0x93: {  	p0 =	sne.s32 s31, $0x4800;
	s31 =	sadd.s32 $0x400, s31;
	_ =	swait.ge [sflag:s25], $0x4000  }
0x94: {  	s0 =	sshra.s32 s0, $0x2;
	[sflag:s25] =	ssyncset.done $0x0  }
0x95: {  	s3 =	sadd.s32 $0x1400, s0;
	[sflag:s25] =	ssyncadd.s32 $0xFFFFC000  }
0x96: {  	[spmem:s1] =	stream.indirect.scatter.add.f32 [tilespmem:s20], [sflag:$0x3], $0x80, s3, s23, $0xb8;
	[tilespmem:$0x1E800] =	vst v63  }
0x97: {  	_ =	swait.ge [sflag:s21], $0x4000  }
0x98: {  	[sflag:s21] =	ssyncset.done $0x0  }
0x99: {  	s3 =	sadd.s32 $0x100, s0;
	[sflag:s21] =	ssyncadd.s32 $0xFFFFC000  }
0x9a: {  	[tilespmem:s20], [sflag:$0x1] =	stream.indirect.gather [hbm4b:s4+s23], $0x80, s3, s23, $0xb8;
	[tilespmem:$0x1E800] =	vst v63  }
0x9b: {  	_ =	swait.ge [sflag:s26], $0x4000  }
0x9c: {  	[sflag:s26] =	ssyncset.done $0x0  }
.Ltmp2:
0x9d: {  	s3 =	sadd.s32 $0x1480, s0;
	[sflag:s26] =	ssyncadd.s32 $0xFFFFC000;
	(pc) =	sbr.rel @p0 .LBB2_6-.Ltmp2, $4  }
0x9e: {  	[spmem:s1] =	stream.indirect.scatter.add.f32 [tilespmem:s24], [sflag:$0x3], $0x80, s3, s23, $0xb8;
	[tilespmem:$0x1E800] =	vst v63  }
0x9f: {  	_ =	swait.ge [sflag:s21], $0x4000  }
0xa0: {  	[sflag:s21] =	ssyncset.done $0x0  }
0xa1: {  	s0 =	sadd.s32 $0x180, s0;
	[sflag:s21] =	ssyncadd.s32 $0xFFFFC000  }
0xa2: {  	[tilespmem:s24], [sflag:$0x2] =	stream.indirect.gather [hbm4b:s4+s23], $0x80, s0, s23, $0xb8;
	[tilespmem:$0x1E800] =	vst v63  }
0xa3: {  	_ =	swait.ge [sflag:s25], $0x4000  }
0xa4: {  	[sflag:s25] =	ssyncset.done $0x0  }
0xa5: {  	[sflag:s25] =	ssyncadd.s32 $0xFFFFC000  }
0xa6: {  	[spmem:s1] =	stream.indirect.scatter.add.f32 [tilespmem:s20], [sflag:$0x3], $0x80, s28, s23, $0xb8;
	[tilespmem:$0x1E800] =	vst v63  }
0xa7: {  	_ =	swait.ge [sflag:s21], $0x4000  }
0xa8: {  	[sflag:s21] =	ssyncset.done $0x0  }
0xa9: {  	[sflag:s21] =	ssyncadd.s32 $0xFFFFC000  }
0xaa: {  	_ =	swait.ge [sflag:s26], $0x4000  }
0xab: {  	[sflag:s26] =	ssyncset.done $0x0  }
0xac: {  	[sflag:s26] =	ssyncadd.s32 $0xFFFFC000  }
0xad: {  	[spmem:s1] =	stream.indirect.scatter.add.f32 [tilespmem:s24], [sflag:$0x3], $0x80, s29, s23, $0xb8;
	[tilespmem:$0x1E800] =	vst v63  }
0xae: {  	_ =	swait.ge [sflag:s21], $0x4000  }
0xaf: {  	[sflag:s21] =	ssyncset.done $0x0  }
0xb0: {  	[sflag:s21] =	ssyncadd.s32 $0xFFFFC000  }
0xb1: {  	[bflag:$0x0] =	sbarrier.arrive $0xFFFF  }
0xb2: {  	[tilespmem:s20], [sflag:$0x3] =	stream.linear.gather [spmem:s5], $0x4000, $0x38;
	[tilespmem:$0x1E800] =	vst v63  }
0xb3: {  	_ =	swait.ge [sflag:s21], $0x4000  }
0xb4: {  	[sflag:s21] =	ssyncset.done $0x0  }
0xb5: {  	[sflag:s21] =	ssyncadd.s32 $0xFFFFC000  }
0xb6: {  	[hbm4b:s14+s2] =	stream.linear.scatter [tilespmem:s20], [sflag:$0x3], $0x4000, $0x38;
	[tilespmem:$0x1E800] =	vst v63  }
0xb7: {  	_ =	swait.ge [sflag:s21], $0x4000  }
0xb8: {  	[sflag:s21] =	ssyncset.done $0x0  }
0xb9: {  	[sflag:s21] =	ssyncadd.s32 $0xFFFFC000  }
0xba: {  	[tilespmem:s20], [sflag:$0x3] =	stream.linear.gather [spmem:s6], $0x4000, $0x38;
	[tilespmem:$0x1E800] =	vst v63  }
0xbb: {  	_ =	swait.ge [sflag:s21], $0x4000  }
0xbc: {  	[sflag:s21] =	ssyncset.done $0x0  }
0xbd: {  	[sflag:s21] =	ssyncadd.s32 $0xFFFFC000  }
0xbe: {  	[hbm4b:s15+s2] =	stream.linear.scatter [tilespmem:s20], [sflag:$0x3], $0x4000, $0x38;
	[tilespmem:$0x1E800] =	vst v63  }
0xbf: {  	_ =	swait.ge [sflag:s21], $0x4000  }
0xc0: {  	[sflag:s21] =	ssyncset.done $0x0  }
0xc1: {  	[sflag:s21] =	ssyncadd.s32 $0xFFFFC000  }
0xc2: {  	[tilespmem:s20], [sflag:$0x3] =	stream.linear.gather [spmem:s7], $0x4000, $0x38;
	[tilespmem:$0x1E800] =	vst v63  }
0xc3: {  	_ =	swait.ge [sflag:s21], $0x4000  }
0xc4: {  	[sflag:s21] =	ssyncset.done $0x0  }
0xc5: {  	[sflag:s21] =	ssyncadd.s32 $0xFFFFC000  }
0xc6: {  	[hbm4b:s16+s2] =	stream.linear.scatter [tilespmem:s20], [sflag:$0x3], $0x4000, $0x38;
	[tilespmem:$0x1E800] =	vst v63  }
0xc7: {  	_ =	swait.ge [sflag:s21], $0x4000  }
0xc8: {  	[sflag:s21] =	ssyncset.done $0x0  }
0xc9: {  	[sflag:s21] =	ssyncadd.s32 $0xFFFFC000  }
0xca: {  	[tilespmem:s20], [sflag:$0x3] =	stream.linear.gather [spmem:s8], $0x4000, $0x38;
	[tilespmem:$0x1E800] =	vst v63  }
0xcb: {  	_ =	swait.ge [sflag:s21], $0x4000  }
0xcc: {  	[sflag:s21] =	ssyncset.done $0x0  }
0xcd: {  	[sflag:s21] =	ssyncadd.s32 $0xFFFFC000  }
0xce: {  	[hbm4b:s17+s2] =	stream.linear.scatter [tilespmem:s20], [sflag:$0x3], $0x4000, $0x38;
	[tilespmem:$0x1E800] =	vst v63  }
0xcf: {  	_ =	swait.ge [sflag:s21], $0x4000  }
0xd0: {  	[sflag:s21] =	ssyncset.done $0x0  }
0xd1: {  	[sflag:s21] =	ssyncadd.s32 $0xFFFFC000  }
0xd2: {  	[tilespmem:s20], [sflag:$0x3] =	stream.linear.gather [spmem:s9], $0x4000, $0x38;
	[tilespmem:$0x1E800] =	vst v63  }
0xd3: {  	s30 =	sadd.s32 $0x1, s30;
	_ =	swait.ge [sflag:s21], $0x4000  }
0xd4: {  	p0 =	sne.s32 s30, s19;
	[sflag:s21] =	ssyncset.done $0x0  }
.Ltmp3:
0xd5: {  	[sflag:s21] =	ssyncadd.s32 $0xFFFFC000;
	(pc) =	sbr.rel @p0 .LBB2_1-.Ltmp3, $4  }
0xd6: {  	[hbm4b:s18+s2] =	stream.linear.scatter [tilespmem:s20], [sflag:$0x3], $0x4000, $0x38;
	[tilespmem:$0x1E800] =	vst v63  }
0xd7: {  	_ =	swait.ge [sflag:s21], $0x4000  }
0xd8: {  	[sflag:s21] =	ssyncset.done $0x0  }
0xd9: {  	[sflag:s21] =	ssyncadd.s32 $0xFFFFC000  }
0xda: {  	_ =	sfence.sel $0x180000  }
0xdb: {  	[bflag:$0x0] =	sbarrier.arrive $0xFFFF  }
0xdc: {  	_ =	strace $0x9000004A  }
0xdd: {  	s0 =	stileid.u32;
	[bflag:$0x2] =	sbarrier.arrive $0xFFFF  }
0xde: {  	p0 =	sne.s32 s0, $0x0;
	s0 =	rddreg [dreg:$0x2]  }
0xdf: {  	s0 =	sadd.s32 @!p0 $0x100000, s0  }
0xe0: {  	[sflag:s0] =	ssyncadd.tile.s32 @!p0 $0x1;
	_ =	shalt  }
.Lfunc_end2:
_tile_overlayer_lowered:
.L_overlay_start_2:
0xe1: {  	(tag) =	ssettag $0x2  }
0xe2: {  	s0 =	rddreg [dreg:$0x0];
	s2 =	stileid.u32  }
0xe3: {  	s1 =	rddreg [dreg:$0x1];
	p0 =	sne.s32 s2, $0x0  }
0xe4: {  	s3 =	rddreg [dreg:$0x2];
	[bflag:$0x3] =	sbarrier.arrive $0xFFFF;
	s2 =	simm.s32 @!p0 $0x1C03  }
0xe5: {  	[timem:s3], [sflag:s2] =	dma.local @!p0 [hbm:s0], s1  }
0xe6: {  	s0 =	simm.s32 @!p0 $0x3  }
0xe7: {  	_ =	swait.ge @!p0 [sflag:s0], s1  }
0xe8: {  	s1 =	ssub.s32 @!p0 $0x0, s1;
	[sflag:s0] =	ssyncset.done @!p0 $0x0  }
0xe9: {  	[sflag:s0] =	ssyncadd.s32 @!p0 s1  }
0xea: {  	[bflag:$0x3] =	sbarrier.arrive $0xFFFF  }
0xeb: {  	_ =	shalt  }

// kernel: kernel.15.cloned.1.call-start
scs
__scs_entry_jumppad:
0x0: {  	(pc) =	sbr.rel $0x88, $3  }
0x1: {  	(tag) =	ssettag $0x0;
	lr =	simm.s32 $0x1  }
0x2: {  	[smem:$0x3F8C] =	sst lr;
	_ =	strace $0xD0000000  }
0x3: {  	_ = 	snop  }
0x4: {  	_ = 	snop  }
0x5: {  	_ = 	snop  }
0x6: {  	_ = 	snop  }
0x7: {  	_ = 	snop  }
__scs_overlays_trampoline_lowered:
0x8: {  	[smem:$0x3F9B] =	sst s0  }
0x9: {  	[smem:$0x3F9C] =	sst s1  }
0xa: {  	[smem:$0x3F9D] =	sst s2  }
0xb: {  	[smem:$0x3F9E] =	sst s3  }
0xc: {  	[smem:$0x3F9F] =	sst s4  }
0xd: {  	[smem:$0x3FA0] =	sst s5  }
0xe: {  	[smem:$0x3FA1] =	sst s6  }
0xf: {  	[smem:$0x3FA2] =	sst s7  }
0x10: {  	[smem:$0x3FA3] =	sst s8  }
0x11: {  	[smem:$0x3FA4] =	sst s9;
	s0 =	simm.s32 @!p0 $0x0  }
0x12: {  	s1 =	sld [smem:$0x3F8A];
	s0 =	simm.s32 @p0 $0x1  }
0x13: {  	[smem:$0x3FA5] =	sst s0;
	s0 =	simm.s32 @!p1 $0x0  }
0x14: {  	s2 =	sld [smem:$0x3F89];
	s0 =	simm.s32 @p1 $0x1  }
0x15: {  	[smem:$0x3FA6] =	sst s0;
	s0 =	simm.s32 @!p2 $0x0  }
0x16: {  	s3 =	sld [smem:$0x3FDB];
	s0 =	simm.s32 @p2 $0x1  }
0x17: {  	s4 =	simm.s32 $0x1BF5;
	[smem:$0x3FA8] =	sst s0  }
0x18: {  	s0 =	sld [smem:$0x3F8B];
	_ =	swait.ge [sflag:s4], $0x0  }
0x19: {  	s7 =	sld [smem:$0x3F8C]  }
0x1a: {  	s8 =	sadd.s32 $0xFFFFE003, lr  }
0x1b: {  	s9 =	sadd.s32 $0xFFFFFEF7, lr;
	s5 =	simm.s32 $0xFFFFFFFF;
	p2 =	slt.u32 s8, $0xFFFFF086  }
0x1c: {  	p1 =	slt.u32 s9, $0xF7A;
	s5 =	simm.s32 @!p2 $0x0  }
0x1d: {  	s5 =	simm.s32 @p1 $0x1;
	p0 =	seq.s32 s7, s2  }
0x1e: {  	s7 =	smul.u32 @!p0 $0xF7A, s2;
	p2 =	seq.s32 @!p0 s5, $0x0  }
0x1f: {  	s9 =	smul.u32 $0xF7A, s1;
	s8 =	simm.s32 @!p0 $0x1BF5;
	p2 =	por !p2, p0  }
0x20: {  	[sflag:s8] =	ssyncset.s32 @!p0 $0xFFFFF086;
	s6 =	sadd.s32 @!p0 s3, s7;
	s7 =	simm.s32 @!p0 $0x108  }
0x21: {  	s3 =	sadd.s32 s3, s9;
	s6 =	sadd.s32 @!p0 $0x88, s6;
	s7 =	simm.s32 @p2 $0x1082  }
0x22: {  	[simem:s7], [sflag:s8] =	dma.local @!p0 [hbm:s6], $0xF7A  }
0x23: {  	s9 =	sor.u32 $0xD0000000, s2;
	s6 =	simm.s32 $0x108;
	_ =	swait.ge @!p0 [sflag:s8], $0x0  }
0x24: {  	s3 =	sadd.s32 $0x88, s3;
	s6 =	simm.s32 @!p1 $0x1082;
	[sflag:s4] =	ssyncset.s32 $0xFFFFF086  }
0x25: {  	[simem:s6], [sflag:s4] =	dma.local [hbm:s3], $0xF7A  }
0x26: {  	[smem:$0x3F8C] =	sst s1;
	(tag) =	ssettag s2;
	_ =	strace s9  }
0x27: {  	s1 =	sld [smem:$0x3F9C]  }
0x28: {  	s2 =	sld [smem:$0x3F9D]  }
0x29: {  	s4 =	sld [smem:$0x3F9F]  }
0x2a: {  	p0 =	seq.s32 s5, $0x0;
	s5 =	sld [smem:$0x3FA0]  }
0x2b: {  	s6 =	sld [smem:$0x3FA1]  }
0x2c: {  	s7 =	sld [smem:$0x3FA2]  }
0x2d: {  	s3 =	simm.s32 $0x108;
	s8 =	sld [smem:$0x3FA3]  }
0x2e: {  	s3 =	simm.s32 @!p0 $0x1082;
	s9 =	sld [smem:$0x3FA4]  }
0x2f: {  	lr =	sadd.s32 s0, s3;
	s0 =	sld [smem:$0x3F9B]  }
0x30: {  	s3 =	sld [smem:$0x3F9E]  }
0x31: {  	[smem:$0x3FA7] =	sst s10  }
0x32: {  	s10 =	sld [smem:$0x3FA5];
	_ =	sdelay $0x3  }
0x33: {  	p0 =	seq.s32 s10, $0x1;
	s10 =	sld [smem:$0x3FA7];
	_ =	sdelay $0x3  }
0x34: {  	[smem:$0x3FA7] =	sst s10  }
0x35: {  	s10 =	sld [smem:$0x3FA6];
	_ =	sdelay $0x3  }
0x36: {  	p1 =	seq.s32 s10, $0x1;
	s10 =	sld [smem:$0x3FA7];
	_ =	sdelay $0x3  }
0x37: {  	[smem:$0x3FA7] =	sst s10  }
0x38: {  	s10 =	sld [smem:$0x3FA8]  }
0x39: {  	_ = 	snop;
	(pc) =	sbr.ind lr, $3  }
0x3a: {  	_ = 	snop  }
0x3b: {  	_ = 	snop  }
0x3c: {  	p2 =	seq.s32 s10, $0x1;
	s10 =	sld [smem:$0x3FA7]  }
0x3d: {  	_ =	shalt  }
0x3e: {  	_ =	shalt  }
0x3f: {  	_ =	shalt  }
0x40: {  	_ =	shalt  }
0x41: {  	_ =	shalt  }
0x42: {  	_ =	shalt  }
0x43: {  	_ =	shalt  }
0x44: {  	_ =	shalt  }
0x45: {  	_ =	shalt  }
0x46: {  	_ =	shalt  }
0x47: {  	_ =	shalt  }
0x48: {  	_ =	shalt  }
0x49: {  	_ =	shalt  }
0x4a: {  	_ =	shalt  }
0x4b: {  	_ =	shalt  }
0x4c: {  	_ =	shalt  }
0x4d: {  	_ =	shalt  }
0x4e: {  	_ =	shalt  }
0x4f: {  	_ =	shalt  }
0x50: {  	_ =	shalt  }
0x51: {  	_ =	shalt  }
0x52: {  	_ =	shalt  }
0x53: {  	_ =	shalt  }
0x54: {  	_ =	shalt  }
0x55: {  	_ =	shalt  }
0x56: {  	_ =	shalt  }
0x57: {  	_ =	shalt  }
0x58: {  	_ =	shalt  }
0x59: {  	_ =	shalt  }
0x5a: {  	_ =	shalt  }
0x5b: {  	_ =	shalt  }
0x5c: {  	_ =	shalt  }
0x5d: {  	_ =	shalt  }
0x5e: {  	_ =	shalt  }
0x5f: {  	_ =	shalt  }
0x60: {  	_ =	shalt  }
0x61: {  	_ =	shalt  }
0x62: {  	_ =	shalt  }
0x63: {  	_ =	shalt  }
0x64: {  	_ =	shalt  }
0x65: {  	_ =	shalt  }
0x66: {  	_ =	shalt  }
0x67: {  	_ =	shalt  }
0x68: {  	_ =	shalt  }
0x69: {  	_ =	shalt  }
0x6a: {  	_ =	shalt  }
0x6b: {  	_ =	shalt  }
0x6c: {  	_ =	shalt  }
0x6d: {  	_ =	shalt  }
0x6e: {  	_ =	shalt  }
0x6f: {  	_ =	shalt  }
0x70: {  	_ =	shalt  }
0x71: {  	_ =	shalt  }
0x72: {  	_ =	shalt  }
0x73: {  	_ =	shalt  }
0x74: {  	_ =	shalt  }
0x75: {  	_ =	shalt  }
0x76: {  	_ =	shalt  }
0x77: {  	_ =	shalt  }
0x78: {  	_ =	shalt  }
0x79: {  	_ =	shalt  }
0x7a: {  	_ =	shalt  }
0x7b: {  	_ =	shalt  }
0x7c: {  	_ =	shalt  }
0x7d: {  	_ =	shalt  }
0x7e: {  	_ =	shalt  }
0x7f: {  	_ =	shalt  }
0x80: {  	_ =	shalt  }
0x81: {  	_ =	shalt  }
0x82: {  	_ =	shalt  }
0x83: {  	_ =	shalt  }
0x84: {  	_ =	shalt  }
0x85: {  	_ =	shalt  }
0x86: {  	_ =	shalt  }
0x87: {  	_ =	shalt  }
.Lfunc_end0:
.L_simem_size_0:
called_computation.2_lowered:
.L_overlay_start_0:
0x88: {  	s2 =	sld [smem:$0x3FD9]  }
0x89: {  	s3 =	sld [smem:$0x3FFE];
	_ =	sdelay $0x1  }
0x8a: {  	s1 =	srdreg.scid  }
0x8b: {  	s0 =	sand.u32 $0x1, s1  }
0x8c: {  	s16 =	sshll.u32 s0, $0xA;
	s2 =	sadd.s32 s3, s2  }
0x8d: {  	s2 =	sadd.s32 s2, s16  }
0x8e: {  	[smem:$0x3FB3] =	sst s2  }
0x8f: {  	_ = 	snop  }
0x90: {  	(tm) =	ssettm $0x1  }
0x91: {  	s17 =	sld [smem:$0x3FFB];
	_ =	sdelay $0x3  }
0x92: {  	_ =	strace s17  }
0x93: {  	s2 =	sld [smem:$0x3FFC];
	_ =	sdelay $0x3  }
0x94: {  	_ =	strace s2  }
0x95: {  	s2 =	sld [smem:$0x3FFD];
	_ =	sdelay $0x3  }
0x96: {  	_ =	strace s2  }
0x97: {  	_ =	strace $0x8FFFFFFF  }
0x98: {  	s18 =	sld [smem:$0x3FDB];
	_ =	sdelay $0x1  }
0x99: {  	s19 =	simm.s32 $_scs_section_size  }
0x9a: {  	s4 =	simm.s32 $_size__tile_overlayer_lowered;
	s5 =	simm.s32 $_tile_overlayer_lowered  }
0x9b: {  	s22 =	simm.s32 $0x1BFF;
	s21 =	sshll.u32 s5, $0x1;
	s2 =	sadd.s32 s19, s18  }
0x9c: {  	s6 =	simm.s32 $0x0;
	s20 =	sshll.u32 s4, $0x1;
	s4 =	sadd.s32 s21, s2  }
0x9d: {  	[timem:s6], [sflag:s22] =	dma.local [hbm:s4], s20  }
0x9e: {  	_ =	swait.ge [sflag:s22], s20  }
0x9f: {  	s3 =	ssub.s32 $0x0, s20;
	[sflag:s22] =	ssyncset.done $0x0  }
0xa0: {  	[sflag:s22] =	ssyncadd.s32 s3;
	_ =	sdelay $0x1  }
0xa1: {  	s23 =	simm.s32 $0x1B8B  }
0xa2: {  	_ =	swait.ge [sflag:s23], $0x1  }
0xa3: {  	[sflag:s23] =	ssyncset.done $0x0  }
0xa4: {  	s25 =	simm.s32 $0x1B8E;
	s24 =	sld [smem:$0x3FFE];
	[sflag:s23] =	ssyncadd.s32 $0xFFFFFFFF  }
0xa5: {  	s26 =	simm.s32 $execute0_lowered;
	[smem:$0x3FD2] =	sst s25  }
0xa6: {  	s4 =	sshll.u32 s26, $0x1;
	_ =	strace $0x8000004C;
	[dreg:$0x1] =	wrdreg $0xFFFFFFFF  }
0xa7: {  	s28 =	simm.s32 $_size_execute0_lowered;
	s2 =	sadd.s32 s2, s4;
	[dreg:$0x0] =	wrdreg $0x0  }
0xa8: {  	s4 =	sshll.u32 s28, $0x1;
	[dreg:$0x2] =	wrdreg s2  }
0xa9: {  	[dreg:$0x3] =	wrdreg s4  }
0xaa: {  	[dreg:$0x4] =	wrdreg $0xC0  }
0xab: {  	_ =	task [dreg:s6], $0x5FFFF  }
0xac: {  	[dreg:$0x1] =	wrdreg $0xFFFFFFFF  }
0xad: {  	[dreg:$0x0] =	wrdreg $0x60  }
0xae: {  	[dreg:$0x2] =	wrdreg s24  }
0xaf: {  	[dreg:$0x3] =	wrdreg $0xA8000  }
0xb0: {  	[dreg:$0x4] =	wrdreg $0x9  }
0xb1: {  	_ =	task.clear_ibuf [dreg:s6], $0x5FFFF;
	_ =	strace $0x9000004C  }
0xb2: {  	s29 =	simm.s32 $0x9;
	_ =	strace $0x8000004E  }
0xb3: {  	_ =	swait.ge [sflag:s29], $0x1  }
0xb4: {  	[sflag:s29] =	ssyncadd.s32 $0xFFFFFFFF  }
0xb5: {  	_ =	strace $0x9000004E  }
0xb6: {  	_ =	sfence  }
0xb7: {  	s30 =	sld [smem:$0x0];
	_ =	sdelay $0x2  }
0xb8: {  	s31 =	sshll.u32 s1, $0xD;
	s1 =	sshrl.u32 s1, $0x2  }
0xb9: {  	s3 =	sand.u32 $0x4000, s31;
	s1 =	sadd.s32 s1, s30  }
0xba: {  	s0 =	sor.u32 s3, s0;
	s1 =	sshll.u32 s1, $0x11  }
0xbb: {  	s0 =	sor.u32 s1, s0  }
0xbc: {  	s0 =	sadd.s32 $0x8F2B, s0  }
0xbd: {  	[sflag:s0] =	ssyncadd.remote.s32 $0x1  }
0xbe: {  	_ =	sfence.sel $0xFFFF  }
0xbf: {  	[dreg:$0x0] =	wrdreg $0xFFFFFFFF;
	(pc) =	sbr.abs _section_cstart, $3  }
0xc0: {  	[dreg:$0x1] =	wrdreg $0xFFFFFFFF  }
0xc1: {  	_ =	task.clear_ibuf [dreg:s6], $0x2FFFF;
	_ =	strace $0x9FFFFFFF  }
0xc2: {  	(tm) =	ssettm $0x7FFFFFFF  }
0xc3: {  	_ =	shalt  }
tec
execute0_lowered:
.L_overlay_start_1:
0x0: {  	(tag) =	ssettag $0x1  }
0x1: {  	s0 =	rddreg [dreg:$0x0]  }
0x2: {  	s1 =	rddreg [dreg:$0x1];
	s2 =	simm.s32 $0x0;
	s5 =	srdreg.scid  }
0x3: {  	s3 =	stileid.u32;
	s22 =	simm.s32 $0x1400;
	s23 =	simm.s32 $0x80  }
0x4: {  	s24 =	simm.s32 $0x6800;
	s25 =	simm.s32 $0x1;
	s28 =	simm.s32 $0x2700  }
0x5: {  	s29 =	simm.s32 $0x2780;
	s30 =	simm.s32 $0x0;
	[smem:$0x7FF] =	sst s2  }
0x6: {  	s4 =	sadd.s32 $0x6A800, s0;
	s12 =	sadd.s32 $0x6800, s0;
	s9 =	sand.u32 $0x1, s5  }
0x7: {  	s13 =	sadd.s32 $0x10800, s0;
	s6 =	smul.u32 $0x50000, s3;
	s0 =	sadd.s32 $0x91A00, s0  }
0x8: {  	s14 =	smul.u32 $0x14000, s3;
	s26 =	sshll.u32 s3, $0x1;
	_ =	strace $0x8000004D  }
0x9: {  	s5 =	ssub.s32 $0x2, s9;
	s8 =	sor.u32 s9, s26;
	s21 =	smul.u32 $0x140000, s9  }
0xa: {  	s26 =	simm.s32 $0x2;
	s7 =	sshrl.u32 s5, $0x1;
	s6 =	sshrl.u32 s6, $0x2  }
0xb: {  	s15 =	sadd.s32 $0x4000, s14;
	s16 =	sadd.s32 $0x8000, s14;
	s11 =	smul.u32 $0x500, s8  }
0xc: {  	s17 =	sadd.s32 $0xC000, s14;
	s18 =	smul.u32 $0x2800, s8;
	s20 =	sadd.s32 $0x10000, s14  }
0xd: {  	s19 =	ssub.s32 s5, s7;
	s5 =	sadd.s32 s6, s1;
	s6 =	sadd.s32 s15, s1  }
0xe: {  	s7 =	sadd.s32 s16, s1;
	s8 =	sadd.s32 s17, s1;
	s9 =	sadd.s32 s20, s1  }
0xf: {  	s14 =	sadd.s32 s14, s21;
	s15 =	sadd.s32 s21, s15;
	s16 =	sadd.s32 s21, s16  }
0x10: {  	s17 =	sadd.s32 s21, s17;
	s31 =	sadd.s32 s21, s20;
	s20 =	simm.s32 $0x2800  }
0x11: {  	s21 =	simm.s32 $0x3;
	s10 =	sadd.s32 s12, s11;
	s18 =	sshrl.u32 s18, $0x3  }
0x12: {  	s11 =	sadd.s32 s13, s11;
	s14 =	sshrl.u32 s14, $0x3;
	s15 =	sshrl.u32 s15, $0x3  }
0x13: {  	s16 =	sshrl.u32 s16, $0x3;
	s17 =	sshrl.u32 s17, $0x3;
	s19 =	smax.u32 s19, $0x1  }
0x14: {  	s18 =	sadd.s32 $0x280, s18;
	s14 =	sadd.s32 s0, s14;
	s15 =	sadd.s32 s0, s15  }
0x15: {  	s12 =	sadd.s32 s12, s18;
	s13 =	sadd.s32 s13, s18;
	s18 =	sshrl.u32 s31, $0x3  }
0x16: {  	v0 =	vimm.f32 $0.0e+00;
	s16 =	sadd.s32 s0, s16;
	s17 =	sadd.s32 s0, s17;
	s18 =	sadd.s32 s0, s18  }
.LBB2_1:
0x17: {  	s31 =	simm.s32 $0x0;
	s0 =	simm.s32 $0x200  }
.LBB2_2:
0x18: {  	p0 =	sne.s32 s0, $0xFE00;
	[tilespmem:s31+$0x2870] =	vst v0  }
0x19: {  	[tilespmem:s31+$0x2800] =	vst v0  }
0x1a: {  	[tilespmem:s31+$0x2810] =	vst v0  }
.Ltmp0:
0x1b: {  	[tilespmem:s31+$0x2820] =	vst v0;
	(pc) =	sbr.rel @p0 .LBB2_2-.Ltmp0, $4  }
0x1c: {  	[tilespmem:s31+$0x2830] =	vst v0  }
0x1d: {  	[tilespmem:s31+$0x2840] =	vst v0  }
0x1e: {  	[tilespmem:s31+$0x2850] =	vst v0  }
0x1f: {  	[tilespmem:s31+$0x2860] =	vst v0;
	s31 =	sshra.s32 s0, $0x2;
	s0 =	sadd.s32 $0x200, s0  }
0x20: {  	[tilespmem:s31+$0x2870] =	vst v0  }
0x21: {  	[tilespmem:s31+$0x2800] =	vst v0  }
0x22: {  	[tilespmem:s31+$0x2810] =	vst v0  }
0x23: {  	[tilespmem:s31+$0x2820] =	vst v0  }
0x24: {  	[tilespmem:s31+$0x2830] =	vst v0  }
0x25: {  	[tilespmem:s31+$0x2840] =	vst v0  }
0x26: {  	[tilespmem:s31+$0x2850] =	vst v0  }
0x27: {  	[tilespmem:s31+$0x2860] =	vst v0  }
0x28: {  	[spmem:s5] =	stream.linear.scatter [tilespmem:s20], [sflag:$0x3], $0x4000, $0x38;
	[tilespmem:$0x1E800] =	vst v63  }
0x29: {  	_ =	swait.ge [sflag:s21], $0x4000  }
0x2a: {  	[sflag:s21] =	ssyncset.done $0x0  }
0x2b: {  	[sflag:s21] =	ssyncadd.s32 $0xFFFFC000  }
0x2c: {  	[spmem:s6] =	stream.linear.scatter [tilespmem:s20], [sflag:$0x3], $0x4000, $0x38;
	[tilespmem:$0x1E800] =	vst v63  }
0x2d: {  	_ =	swait.ge [sflag:s21], $0x4000  }
0x2e: {  	[sflag:s21] =	ssyncset.done $0x0  }
0x2f: {  	[sflag:s21] =	ssyncadd.s32 $0xFFFFC000  }
0x30: {  	[spmem:s7] =	stream.linear.scatter [tilespmem:s20], [sflag:$0x3], $0x4000, $0x38;
	[tilespmem:$0x1E800] =	vst v63  }
0x31: {  	_ =	swait.ge [sflag:s21], $0x4000  }
0x32: {  	[sflag:s21] =	ssyncset.done $0x0  }
0x33: {  	[sflag:s21] =	ssyncadd.s32 $0xFFFFC000  }
0x34: {  	[spmem:s8] =	stream.linear.scatter [tilespmem:s20], [sflag:$0x3], $0x4000, $0x38;
	[tilespmem:$0x1E800] =	vst v63  }
0x35: {  	_ =	swait.ge [sflag:s21], $0x4000  }
0x36: {  	[sflag:s21] =	ssyncset.done $0x0  }
0x37: {  	[sflag:s21] =	ssyncadd.s32 $0xFFFFC000  }
0x38: {  	[spmem:s9] =	stream.linear.scatter [tilespmem:s20], [sflag:$0x3], $0x4000, $0x38;
	[tilespmem:$0x1E800] =	vst v63  }
0x39: {  	_ =	swait.ge [sflag:s21], $0x4000  }
0x3a: {  	[sflag:s21] =	ssyncset.done $0x0  }
0x3b: {  	[sflag:s21] =	ssyncadd.s32 $0xFFFFC000  }
0x3c: {  	s0 =	simm.s32 $0x0;
	[bflag:$0x0] =	sbarrier.arrive $0xFFFF  }
0x3d: {  	[tilespmem:s0], [sflag:$0x3] =	stream.linear.gather [hbm4b:s10+s0], $0x1400, $0x38;
	[tilespmem:$0x1E800] =	vst v63  }
0x3e: {  	_ =	swait.ge [sflag:s21], $0x1400  }
0x3f: {  	[sflag:s21] =	ssyncset.done $0x0  }
0x40: {  	[sflag:s21] =	ssyncadd.s32 $0xFFFFEC00  }
0x41: {  	[tilespmem:s22], [sflag:$0x3] =	stream.linear.gather [hbm4b:s11+s0], $0x1400, $0x38;
	[tilespmem:$0x1E800] =	vst v63  }
0x42: {  	_ =	swait.ge [sflag:s21], $0x1400  }
0x43: {  	[sflag:s21] =	ssyncset.done $0x0  }
0x44: {  	[sflag:s21] =	ssyncadd.s32 $0xFFFFEC00  }
0x45: {  	[tilespmem:s20], [sflag:$0x1] =	stream.indirect.gather [hbm4b:s4+s23], $0x80, s0, s23, $0xb8;
	[tilespmem:$0x1E800] =	vst v63  }
0x46: {  	_ = 	snop  }
0x47: {  	[tilespmem:s24], [sflag:$0x2] =	stream.indirect.gather [hbm4b:s4+s23], $0x80, s23, s23, $0xb8;
	[tilespmem:$0x1E800] =	vst v63  }
0x48: {  	_ =	swait.ge [sflag:s25], $0x4000  }
0x49: {  	[sflag:s25] =	ssyncset.done $0x0  }
0x4a: {  	s3 =	simm.s32 $0x1400;
	[sflag:s25] =	ssyncadd.s32 $0xFFFFC000  }
0x4b: {  	[spmem:s1] =	stream.indirect.scatter.add.f32 [tilespmem:s20], [sflag:$0x3], $0x80, s3, s23, $0xb8;
	[tilespmem:$0x1E800] =	vst v63  }
0x4c: {  	_ =	swait.ge [sflag:s21], $0x4000  }
0x4d: {  	[sflag:s21] =	ssyncset.done $0x0  }
0x4e: {  	s3 =	simm.s32 $0x100;
	[sflag:s21] =	ssyncadd.s32 $0xFFFFC000  }
0x4f: {  	[tilespmem:s20], [sflag:$0x1] =	stream.indirect.gather [hbm4b:s4+s23], $0x80, s3, s23, $0xb8;
	[tilespmem:$0x1E800] =	vst v63  }
0x50: {  	_ =	swait.ge [sflag:s26], $0x4000  }
0x51: {  	[sflag:s26] =	ssyncset.done $0x0  }
0x52: {  	s3 =	simm.s32 $0x1480;
	[sflag:s26] =	ssyncadd.s32 $0xFFFFC000  }
0x53: {  	[spmem:s1] =	stream.indirect.scatter.add.f32 [tilespmem:s24], [sflag:$0x3], $0x80, s3, s23, $0xb8;
	[tilespmem:$0x1E800] =	vst v63  }
0x54: {  	_ =	swait.ge [sflag:s21], $0x4000  }
0x55: {  	[sflag:s21] =	ssyncset.done $0x0  }
0x56: {  	s31 =	simm.s32 $0x400;
	s0 =	simm.s32 $0x180;
	[sflag:s21] =	ssyncadd.s32 $0xFFFFC000  }
.LBB2_4:
0x57: {  	[tilespmem:s24], [sflag:$0x2] =	stream.indirect.gather [hbm4b:s4+s23], $0x80, s0, s23, $0xb8;
	[tilespmem:$0x1E800] =	vst v63  }
0x58: {  	s0 =	smov.u32 s31  }
0x59: {  	p0 =	sne.s32 s31, $0x4800;
	s31 =	sadd.s32 $0x400, s31;
	_ =	swait.ge [sflag:s25], $0x4000  }
0x5a: {  	s0 =	sshra.s32 s0, $0x2;
	[sflag:s25] =	ssyncset.done $0x0  }
0x5b: {  	s3 =	sadd.s32 $0x1400, s0;
	[sflag:s25] =	ssyncadd.s32 $0xFFFFC000  }
0x5c: {  	[spmem:s1] =	stream.indirect.scatter.add.f32 [tilespmem:s20], [sflag:$0x3], $0x80, s3, s23, $0xb8;
	[tilespmem:$0x1E800] =	vst v63  }
0x5d: {  	_ =	swait.ge [sflag:s21], $0x4000  }
0x5e: {  	[sflag:s21] =	ssyncset.done $0x0  }
0x5f: {  	s3 =	sadd.s32 $0x100, s0;
	[sflag:s21] =	ssyncadd.s32 $0xFFFFC000  }
0x60: {  	[tilespmem:s20], [sflag:$0x1] =	stream.indirect.gather [hbm4b:s4+s23], $0x80, s3, s23, $0xb8;
	[tilespmem:$0x1E800] =	vst v63  }
0x61: {  	_ =	swait.ge [sflag:s26], $0x4000  }
0x62: {  	[sflag:s26] =	ssyncset.done $0x0  }
.Ltmp1:
0x63: {  	s3 =	sadd.s32 $0x1480, s0;
	[sflag:s26] =	ssyncadd.s32 $0xFFFFC000;
	(pc) =	sbr.rel @p0 .LBB2_4-.Ltmp1, $4  }
0x64: {  	[spmem:s1] =	stream.indirect.scatter.add.f32 [tilespmem:s24], [sflag:$0x3], $0x80, s3, s23, $0xb8;
	[tilespmem:$0x1E800] =	vst v63  }
0x65: {  	_ =	swait.ge [sflag:s21], $0x4000  }
0x66: {  	[sflag:s21] =	ssyncset.done $0x0  }
0x67: {  	s0 =	sadd.s32 $0x180, s0;
	[sflag:s21] =	ssyncadd.s32 $0xFFFFC000  }
0x68: {  	[tilespmem:s24], [sflag:$0x2] =	stream.indirect.gather [hbm4b:s4+s23], $0x80, s0, s23, $0xb8;
	[tilespmem:$0x1E800] =	vst v63  }
0x69: {  	_ =	swait.ge [sflag:s25], $0x4000  }
0x6a: {  	[sflag:s25] =	ssyncset.done $0x0  }
0x6b: {  	[sflag:s25] =	ssyncadd.s32 $0xFFFFC000  }
0x6c: {  	[spmem:s1] =	stream.indirect.scatter.add.f32 [tilespmem:s20], [sflag:$0x3], $0x80, s28, s23, $0xb8;
	[tilespmem:$0x1E800] =	vst v63  }
0x6d: {  	_ =	swait.ge [sflag:s21], $0x4000  }
0x6e: {  	[sflag:s21] =	ssyncset.done $0x0  }
0x6f: {  	[sflag:s21] =	ssyncadd.s32 $0xFFFFC000  }
0x70: {  	_ =	swait.ge [sflag:s26], $0x4000  }
0x71: {  	[sflag:s26] =	ssyncset.done $0x0  }
0x72: {  	[sflag:s26] =	ssyncadd.s32 $0xFFFFC000  }
0x73: {  	[spmem:s1] =	stream.indirect.scatter.add.f32 [tilespmem:s24], [sflag:$0x3], $0x80, s29, s23, $0xb8;
	[tilespmem:$0x1E800] =	vst v63  }
0x74: {  	_ =	swait.ge [sflag:s21], $0x4000  }
0x75: {  	[sflag:s21] =	ssyncset.done $0x0  }
0x76: {  	s3 =	simm.s32 $0x0;
	[sflag:s21] =	ssyncadd.s32 $0xFFFFC000  }
0x77: {  	[tilespmem:s3], [sflag:$0x3] =	stream.linear.gather [hbm4b:s12+s3], $0x1400, $0x38;
	[tilespmem:$0x1E800] =	vst v63  }
0x78: {  	_ =	swait.ge [sflag:s21], $0x1400  }
0x79: {  	[sflag:s21] =	ssyncset.done $0x0  }
0x7a: {  	[sflag:s21] =	ssyncadd.s32 $0xFFFFEC00  }
0x7b: {  	[tilespmem:s22], [sflag:$0x3] =	stream.linear.gather [hbm4b:s13+s3], $0x1400, $0x38;
	[tilespmem:$0x1E800] =	vst v63  }
0x7c: {  	_ =	swait.ge [sflag:s21], $0x1400  }
0x7d: {  	[sflag:s21] =	ssyncset.done $0x0  }
0x7e: {  	[sflag:s21] =	ssyncadd.s32 $0xFFFFEC00  }
0x7f: {  	[tilespmem:s20], [sflag:$0x1] =	stream.indirect.gather [hbm4b:s4+s23], $0x80, s3, s23, $0xb8;
	[tilespmem:$0x1E800] =	vst v63  }
0x80: {  	_ = 	snop  }
0x81: {  	[tilespmem:s24], [sflag:$0x2] =	stream.indirect.gather [hbm4b:s4+s23], $0x80, s23, s23, $0xb8;
	[tilespmem:$0x1E800] =	vst v63  }
0x82: {  	_ =	swait.ge [sflag:s25], $0x4000  }
0x83: {  	[sflag:s25] =	ssyncset.done $0x0  }
0x84: {  	s3 =	simm.s32 $0x1400;
	[sflag:s25] =	ssyncadd.s32 $0xFFFFC000  }
0x85: {  	[spmem:s1] =	stream.indirect.scatter.add.f32 [tilespmem:s20], [sflag:$0x3], $0x80, s3, s23, $0xb8;
	[tilespmem:$0x1E800] =	vst v63  }
0x86: {  	_ =	swait.ge [sflag:s21], $0x4000  }
0x87: {  	[sflag:s21] =	ssyncset.done $0x0  }
0x88: {  	s3 =	simm.s32 $0x100;
	[sflag:s21] =	ssyncadd.s32 $0xFFFFC000  }
0x89: {  	[tilespmem:s20], [sflag:$0x1] =	stream.indirect.gather [hbm4b:s4+s23], $0x80, s3, s23, $0xb8;
	[tilespmem:$0x1E800] =	vst v63  }
0x8a: {  	_ =	swait.ge [sflag:s26], $0x4000  }
0x8b: {  	[sflag:s26] =	ssyncset.done $0x0  }
0x8c: {  	s3 =	simm.s32 $0x1480;
	[sflag:s26] =	ssyncadd.s32 $0xFFFFC000  }
0x8d: {  	[spmem:s1] =	stream.indirect.scatter.add.f32 [tilespmem:s24], [sflag:$0x3], $0x80, s3, s23, $0xb8;
	[tilespmem:$0x1E800] =	vst v63  }
0x8e: {  	_ =	swait.ge [sflag:s21], $0x4000  }
0x8f: {  	[sflag:s21] =	ssyncset.done $0x0  }
0x90: {  	s31 =	simm.s32 $0x400;
	s0 =	simm.s32 $0x180;
	[sflag:s21] =	ssyncadd.s32 $0xFFFFC000  }
.LBB2_6:
0x91: {  	[tilespmem:s24], [sflag:$0x2] =	stream.indirect.gather [hbm4b:s4+s23], $0x80, s0, s23, $0xb8;
	[tilespmem:$0x1E800] =	vst v63  }
0x92: {  	s0 =	smov.u32 s31  }
0x93: {  	p0 =	sne.s32 s31, $0x4800;
	s31 =	sadd.s32 $0x400, s31;
	_ =	swait.ge [sflag:s25], $0x4000  }
0x94: {  	s0 =	sshra.s32 s0, $0x2;
	[sflag:s25] =	ssyncset.done $0x0  }
0x95: {  	s3 =	sadd.s32 $0x1400, s0;
	[sflag:s25] =	ssyncadd.s32 $0xFFFFC000  }
0x96: {  	[spmem:s1] =	stream.indirect.scatter.add.f32 [tilespmem:s20], [sflag:$0x3], $0x80, s3, s23, $0xb8;
	[tilespmem:$0x1E800] =	vst v63  }
0x97: {  	_ =	swait.ge [sflag:s21], $0x4000  }
0x98: {  	[sflag:s21] =	ssyncset.done $0x0  }
0x99: {  	s3 =	sadd.s32 $0x100, s0;
	[sflag:s21] =	ssyncadd.s32 $0xFFFFC000  }
0x9a: {  	[tilespmem:s20], [sflag:$0x1] =	stream.indirect.gather [hbm4b:s4+s23], $0x80, s3, s23, $0xb8;
	[tilespmem:$0x1E800] =	vst v63  }
0x9b: {  	_ =	swait.ge [sflag:s26], $0x4000  }
0x9c: {  	[sflag:s26] =	ssyncset.done $0x0  }
.Ltmp2:
0x9d: {  	s3 =	sadd.s32 $0x1480, s0;
	[sflag:s26] =	ssyncadd.s32 $0xFFFFC000;
	(pc) =	sbr.rel @p0 .LBB2_6-.Ltmp2, $4  }
0x9e: {  	[spmem:s1] =	stream.indirect.scatter.add.f32 [tilespmem:s24], [sflag:$0x3], $0x80, s3, s23, $0xb8;
	[tilespmem:$0x1E800] =	vst v63  }
0x9f: {  	_ =	swait.ge [sflag:s21], $0x4000  }
0xa0: {  	[sflag:s21] =	ssyncset.done $0x0  }
0xa1: {  	s0 =	sadd.s32 $0x180, s0;
	[sflag:s21] =	ssyncadd.s32 $0xFFFFC000  }
0xa2: {  	[tilespmem:s24], [sflag:$0x2] =	stream.indirect.gather [hbm4b:s4+s23], $0x80, s0, s23, $0xb8;
	[tilespmem:$0x1E800] =	vst v63  }
0xa3: {  	_ =	swait.ge [sflag:s25], $0x4000  }
0xa4: {  	[sflag:s25] =	ssyncset.done $0x0  }
0xa5: {  	[sflag:s25] =	ssyncadd.s32 $0xFFFFC000  }
0xa6: {  	[spmem:s1] =	stream.indirect.scatter.add.f32 [tilespmem:s20], [sflag:$0x3], $0x80, s28, s23, $0xb8;
	[tilespmem:$0x1E800] =	vst v63  }
0xa7: {  	_ =	swait.ge [sflag:s21], $0x4000  }
0xa8: {  	[sflag:s21] =	ssyncset.done $0x0  }
0xa9: {  	[sflag:s21] =	ssyncadd.s32 $0xFFFFC000  }
0xaa: {  	_ =	swait.ge [sflag:s26], $0x4000  }
0xab: {  	[sflag:s26] =	ssyncset.done $0x0  }
0xac: {  	[sflag:s26] =	ssyncadd.s32 $0xFFFFC000  }
0xad: {  	[spmem:s1] =	stream.indirect.scatter.add.f32 [tilespmem:s24], [sflag:$0x3], $0x80, s29, s23, $0xb8;
	[tilespmem:$0x1E800] =	vst v63  }
0xae: {  	_ =	swait.ge [sflag:s21], $0x4000  }
0xaf: {  	[sflag:s21] =	ssyncset.done $0x0  }
0xb0: {  	[sflag:s21] =	ssyncadd.s32 $0xFFFFC000  }
0xb1: {  	[bflag:$0x0] =	sbarrier.arrive $0xFFFF  }
0xb2: {  	[tilespmem:s20], [sflag:$0x3] =	stream.linear.gather [spmem:s5], $0x4000, $0x38;
	[tilespmem:$0x1E800] =	vst v63  }
0xb3: {  	_ =	swait.ge [sflag:s21], $0x4000  }
0xb4: {  	[sflag:s21] =	ssyncset.done $0x0  }
0xb5: {  	[sflag:s21] =	ssyncadd.s32 $0xFFFFC000  }
0xb6: {  	[hbm4b:s14+s2] =	stream.linear.scatter [tilespmem:s20], [sflag:$0x3], $0x4000, $0x38;
	[tilespmem:$0x1E800] =	vst v63  }
0xb7: {  	_ =	swait.ge [sflag:s21], $0x4000  }
0xb8: {  	[sflag:s21] =	ssyncset.done $0x0  }
0xb9: {  	[sflag:s21] =	ssyncadd.s32 $0xFFFFC000  }
0xba: {  	[tilespmem:s20], [sflag:$0x3] =	stream.linear.gather [spmem:s6], $0x4000, $0x38;
	[tilespmem:$0x1E800] =	vst v63  }
0xbb: {  	_ =	swait.ge [sflag:s21], $0x4000  }
0xbc: {  	[sflag:s21] =	ssyncset.done $0x0  }
0xbd: {  	[sflag:s21] =	ssyncadd.s32 $0xFFFFC000  }
0xbe: {  	[hbm4b:s15+s2] =	stream.linear.scatter [tilespmem:s20], [sflag:$0x3], $0x4000, $0x38;
	[tilespmem:$0x1E800] =	vst v63  }
0xbf: {  	_ =	swait.ge [sflag:s21], $0x4000  }
0xc0: {  	[sflag:s21] =	ssyncset.done $0x0  }
0xc1: {  	[sflag:s21] =	ssyncadd.s32 $0xFFFFC000  }
0xc2: {  	[tilespmem:s20], [sflag:$0x3] =	stream.linear.gather [spmem:s7], $0x4000, $0x38;
	[tilespmem:$0x1E800] =	vst v63  }
0xc3: {  	_ =	swait.ge [sflag:s21], $0x4000  }
0xc4: {  	[sflag:s21] =	ssyncset.done $0x0  }
0xc5: {  	[sflag:s21] =	ssyncadd.s32 $0xFFFFC000  }
0xc6: {  	[hbm4b:s16+s2] =	stream.linear.scatter [tilespmem:s20], [sflag:$0x3], $0x4000, $0x38;
	[tilespmem:$0x1E800] =	vst v63  }
0xc7: {  	_ =	swait.ge [sflag:s21], $0x4000  }
0xc8: {  	[sflag:s21] =	ssyncset.done $0x0  }
0xc9: {  	[sflag:s21] =	ssyncadd.s32 $0xFFFFC000  }
0xca: {  	[tilespmem:s20], [sflag:$0x3] =	stream.linear.gather [spmem:s8], $0x4000, $0x38;
	[tilespmem:$0x1E800] =	vst v63  }
0xcb: {  	_ =	swait.ge [sflag:s21], $0x4000  }
0xcc: {  	[sflag:s21] =	ssyncset.done $0x0  }
0xcd: {  	[sflag:s21] =	ssyncadd.s32 $0xFFFFC000  }
0xce: {  	[hbm4b:s17+s2] =	stream.linear.scatter [tilespmem:s20], [sflag:$0x3], $0x4000, $0x38;
	[tilespmem:$0x1E800] =	vst v63  }
0xcf: {  	_ =	swait.ge [sflag:s21], $0x4000  }
0xd0: {  	[sflag:s21] =	ssyncset.done $0x0  }
0xd1: {  	[sflag:s21] =	ssyncadd.s32 $0xFFFFC000  }
0xd2: {  	[tilespmem:s20], [sflag:$0x3] =	stream.linear.gather [spmem:s9], $0x4000, $0x38;
	[tilespmem:$0x1E800] =	vst v63  }
0xd3: {  	s30 =	sadd.s32 $0x1, s30;
	_ =	swait.ge [sflag:s21], $0x4000  }
0xd4: {  	p0 =	sne.s32 s30, s19;
	[sflag:s21] =	ssyncset.done $0x0  }
.Ltmp3:
0xd5: {  	[sflag:s21] =	ssyncadd.s32 $0xFFFFC000;
	(pc) =	sbr.rel @p0 .LBB2_1-.Ltmp3, $4  }
0xd6: {  	[hbm4b:s18+s2] =	stream.linear.scatter [tilespmem:s20], [sflag:$0x3], $0x4000, $0x38;
	[tilespmem:$0x1E800] =	vst v63  }
0xd7: {  	_ =	swait.ge [sflag:s21], $0x4000  }
0xd8: {  	[sflag:s21] =	ssyncset.done $0x0  }
0xd9: {  	[sflag:s21] =	ssyncadd.s32 $0xFFFFC000  }
0xda: {  	_ =	sfence.sel $0x180000  }
0xdb: {  	[bflag:$0x0] =	sbarrier.arrive $0xFFFF  }
0xdc: {  	_ =	strace $0x9000004D  }
0xdd: {  	s0 =	stileid.u32;
	[bflag:$0x2] =	sbarrier.arrive $0xFFFF  }
0xde: {  	p0 =	sne.s32 s0, $0x0;
	s0 =	rddreg [dreg:$0x2]  }
0xdf: {  	s0 =	sadd.s32 @!p0 $0x100000, s0  }
0xe0: {  	[sflag:s0] =	ssyncadd.tile.s32 @!p0 $0x1;
	_ =	shalt  }
.Lfunc_end2:
_tile_overlayer_lowered:
.L_overlay_start_2:
0xe1: {  	(tag) =	ssettag $0x2  }
0xe2: {  	s0 =	rddreg [dreg:$0x0];
	s2 =	stileid.u32  }
0xe3: {  	s1 =	rddreg [dreg:$0x1];
	p0 =	sne.s32 s2, $0x0  }
0xe4: {  	s3 =	rddreg [dreg:$0x2];
	[bflag:$0x3] =	sbarrier.arrive $0xFFFF;
	s2 =	simm.s32 @!p0 $0x1C03  }
0xe5: {  	[timem:s3], [sflag:s2] =	dma.local @!p0 [hbm:s0], s1  }
0xe6: {  	s0 =	simm.s32 @!p0 $0x3  }
0xe7: {  	_ =	swait.ge @!p0 [sflag:s0], s1  }
0xe8: {  	s1 =	ssub.s32 @!p0 $0x0, s1;
	[sflag:s0] =	ssyncset.done @!p0 $0x0  }
0xe9: {  	[sflag:s0] =	ssyncadd.s32 @!p0 s1  }
0xea: {  	[bflag:$0x3] =	sbarrier.arrive $0xFFFF  }
0xeb: {  	_ =	shalt  }

// kernel: kernel.9.cloned.1.call-start
scs
__scs_entry_jumppad:
0x0: {  	(pc) =	sbr.rel $0x88, $3  }
0x1: {  	(tag) =	ssettag $0x0;
	lr =	simm.s32 $0x1  }
0x2: {  	[smem:$0x3F8C] =	sst lr;
	_ =	strace $0xD0000000  }
0x3: {  	_ = 	snop  }
0x4: {  	_ = 	snop  }
0x5: {  	_ = 	snop  }
0x6: {  	_ = 	snop  }
0x7: {  	_ = 	snop  }
__scs_overlays_trampoline_lowered:
0x8: {  	[smem:$0x3F9B] =	sst s0  }
0x9: {  	[smem:$0x3F9C] =	sst s1  }
0xa: {  	[smem:$0x3F9D] =	sst s2  }
0xb: {  	[smem:$0x3F9E] =	sst s3  }
0xc: {  	[smem:$0x3F9F] =	sst s4  }
0xd: {  	[smem:$0x3FA0] =	sst s5  }
0xe: {  	[smem:$0x3FA1] =	sst s6  }
0xf: {  	[smem:$0x3FA2] =	sst s7  }
0x10: {  	[smem:$0x3FA3] =	sst s8  }
0x11: {  	[smem:$0x3FA4] =	sst s9;
	s0 =	simm.s32 @!p0 $0x0  }
0x12: {  	s1 =	sld [smem:$0x3F8A];
	s0 =	simm.s32 @p0 $0x1  }
0x13: {  	[smem:$0x3FA5] =	sst s0;
	s0 =	simm.s32 @!p1 $0x0  }
0x14: {  	s2 =	sld [smem:$0x3F89];
	s0 =	simm.s32 @p1 $0x1  }
0x15: {  	[smem:$0x3FA6] =	sst s0;
	s0 =	simm.s32 @!p2 $0x0  }
0x16: {  	s3 =	sld [smem:$0x3FDB];
	s0 =	simm.s32 @p2 $0x1  }
0x17: {  	s4 =	simm.s32 $0x1BF5;
	[smem:$0x3FA8] =	sst s0  }
0x18: {  	s0 =	sld [smem:$0x3F8B];
	_ =	swait.ge [sflag:s4], $0x0  }
0x19: {  	s7 =	sld [smem:$0x3F8C]  }
0x1a: {  	s8 =	sadd.s32 $0xFFFFE003, lr  }
0x1b: {  	s9 =	sadd.s32 $0xFFFFFEF7, lr;
	s5 =	simm.s32 $0xFFFFFFFF;
	p2 =	slt.u32 s8, $0xFFFFF086  }
0x1c: {  	p1 =	slt.u32 s9, $0xF7A;
	s5 =	simm.s32 @!p2 $0x0  }
0x1d: {  	s5 =	simm.s32 @p1 $0x1;
	p0 =	seq.s32 s7, s2  }
0x1e: {  	s7 =	smul.u32 @!p0 $0xF7A, s2;
	p2 =	seq.s32 @!p0 s5, $0x0  }
0x1f: {  	s9 =	smul.u32 $0xF7A, s1;
	s8 =	simm.s32 @!p0 $0x1BF5;
	p2 =	por !p2, p0  }
0x20: {  	[sflag:s8] =	ssyncset.s32 @!p0 $0xFFFFF086;
	s6 =	sadd.s32 @!p0 s3, s7;
	s7 =	simm.s32 @!p0 $0x108  }
0x21: {  	s3 =	sadd.s32 s3, s9;
	s6 =	sadd.s32 @!p0 $0x88, s6;
	s7 =	simm.s32 @p2 $0x1082  }
0x22: {  	[simem:s7], [sflag:s8] =	dma.local @!p0 [hbm:s6], $0xF7A  }
0x23: {  	s9 =	sor.u32 $0xD0000000, s2;
	s6 =	simm.s32 $0x108;
	_ =	swait.ge @!p0 [sflag:s8], $0x0  }
0x24: {  	s3 =	sadd.s32 $0x88, s3;
	s6 =	simm.s32 @!p1 $0x1082;
	[sflag:s4] =	ssyncset.s32 $0xFFFFF086  }
0x25: {  	[simem:s6], [sflag:s4] =	dma.local [hbm:s3], $0xF7A  }
0x26: {  	[smem:$0x3F8C] =	sst s1;
	(tag) =	ssettag s2;
	_ =	strace s9  }
0x27: {  	s1 =	sld [smem:$0x3F9C]  }
0x28: {  	s2 =	sld [smem:$0x3F9D]  }
0x29: {  	s4 =	sld [smem:$0x3F9F]  }
0x2a: {  	p0 =	seq.s32 s5, $0x0;
	s5 =	sld [smem:$0x3FA0]  }
0x2b: {  	s6 =	sld [smem:$0x3FA1]  }
0x2c: {  	s7 =	sld [smem:$0x3FA2]  }
0x2d: {  	s3 =	simm.s32 $0x108;
	s8 =	sld [smem:$0x3FA3]  }
0x2e: {  	s3 =	simm.s32 @!p0 $0x1082;
	s9 =	sld [smem:$0x3FA4]  }
0x2f: {  	lr =	sadd.s32 s0, s3;
	s0 =	sld [smem:$0x3F9B]  }
0x30: {  	s3 =	sld [smem:$0x3F9E]  }
0x31: {  	[smem:$0x3FA7] =	sst s10  }
0x32: {  	s10 =	sld [smem:$0x3FA5];
	_ =	sdelay $0x3  }
0x33: {  	p0 =	seq.s32 s10, $0x1;
	s10 =	sld [smem:$0x3FA7];
	_ =	sdelay $0x3  }
0x34: {  	[smem:$0x3FA7] =	sst s10  }
0x35: {  	s10 =	sld [smem:$0x3FA6];
	_ =	sdelay $0x3  }
0x36: {  	p1 =	seq.s32 s10, $0x1;
	s10 =	sld [smem:$0x3FA7];
	_ =	sdelay $0x3  }
0x37: {  	[smem:$0x3FA7] =	sst s10  }
0x38: {  	s10 =	sld [smem:$0x3FA8]  }
0x39: {  	_ = 	snop;
	(pc) =	sbr.ind lr, $3  }
0x3a: {  	_ = 	snop  }
0x3b: {  	_ = 	snop  }
0x3c: {  	p2 =	seq.s32 s10, $0x1;
	s10 =	sld [smem:$0x3FA7]  }
0x3d: {  	_ =	shalt  }
0x3e: {  	_ =	shalt  }
0x3f: {  	_ =	shalt  }
0x40: {  	_ =	shalt  }
0x41: {  	_ =	shalt  }
0x42: {  	_ =	shalt  }
0x43: {  	_ =	shalt  }
0x44: {  	_ =	shalt  }
0x45: {  	_ =	shalt  }
0x46: {  	_ =	shalt  }
0x47: {  	_ =	shalt  }
0x48: {  	_ =	shalt  }
0x49: {  	_ =	shalt  }
0x4a: {  	_ =	shalt  }
0x4b: {  	_ =	shalt  }
0x4c: {  	_ =	shalt  }
0x4d: {  	_ =	shalt  }
0x4e: {  	_ =	shalt  }
0x4f: {  	_ =	shalt  }
0x50: {  	_ =	shalt  }
0x51: {  	_ =	shalt  }
0x52: {  	_ =	shalt  }
0x53: {  	_ =	shalt  }
0x54: {  	_ =	shalt  }
0x55: {  	_ =	shalt  }
0x56: {  	_ =	shalt  }
0x57: {  	_ =	shalt  }
0x58: {  	_ =	shalt  }
0x59: {  	_ =	shalt  }
0x5a: {  	_ =	shalt  }
0x5b: {  	_ =	shalt  }
0x5c: {  	_ =	shalt  }
0x5d: {  	_ =	shalt  }
0x5e: {  	_ =	shalt  }
0x5f: {  	_ =	shalt  }
0x60: {  	_ =	shalt  }
0x61: {  	_ =	shalt  }
0x62: {  	_ =	shalt  }
0x63: {  	_ =	shalt  }
0x64: {  	_ =	shalt  }
0x65: {  	_ =	shalt  }
0x66: {  	_ =	shalt  }
0x67: {  	_ =	shalt  }
0x68: {  	_ =	shalt  }
0x69: {  	_ =	shalt  }
0x6a: {  	_ =	shalt  }
0x6b: {  	_ =	shalt  }
0x6c: {  	_ =	shalt  }
0x6d: {  	_ =	shalt  }
0x6e: {  	_ =	shalt  }
0x6f: {  	_ =	shalt  }
0x70: {  	_ =	shalt  }
0x71: {  	_ =	shalt  }
0x72: {  	_ =	shalt  }
0x73: {  	_ =	shalt  }
0x74: {  	_ =	shalt  }
0x75: {  	_ =	shalt  }
0x76: {  	_ =	shalt  }
0x77: {  	_ =	shalt  }
0x78: {  	_ =	shalt  }
0x79: {  	_ =	shalt  }
0x7a: {  	_ =	shalt  }
0x7b: {  	_ =	shalt  }
0x7c: {  	_ =	shalt  }
0x7d: {  	_ =	shalt  }
0x7e: {  	_ =	shalt  }
0x7f: {  	_ =	shalt  }
0x80: {  	_ =	shalt  }
0x81: {  	_ =	shalt  }
0x82: {  	_ =	shalt  }
0x83: {  	_ =	shalt  }
0x84: {  	_ =	shalt  }
0x85: {  	_ =	shalt  }
0x86: {  	_ =	shalt  }
0x87: {  	_ =	shalt  }
.Lfunc_end0:
.L_simem_size_0:
called_computation_lowered:
.L_overlay_start_0:
0x88: {  	s2 =	sld [smem:$0x3FD9]  }
0x89: {  	s3 =	sld [smem:$0x3FFE];
	_ =	sdelay $0x1  }
0x8a: {  	s1 =	srdreg.scid  }
0x8b: {  	s0 =	sand.u32 $0x1, s1  }
0x8c: {  	s16 =	sshll.u32 s0, $0xA;
	s2 =	sadd.s32 s3, s2  }
0x8d: {  	s2 =	sadd.s32 s2, s16  }
0x8e: {  	[smem:$0x3FB3] =	sst s2  }
0x8f: {  	_ = 	snop  }
0x90: {  	(tm) =	ssettm $0x1  }
0x91: {  	s17 =	sld [smem:$0x3FFB];
	_ =	sdelay $0x3  }
0x92: {  	_ =	strace s17  }
0x93: {  	s2 =	sld [smem:$0x3FFC];
	_ =	sdelay $0x3  }
0x94: {  	_ =	strace s2  }
0x95: {  	s2 =	sld [smem:$0x3FFD];
	_ =	sdelay $0x3  }
0x96: {  	_ =	strace s2  }
0x97: {  	_ =	strace $0x8FFFFFFF  }
0x98: {  	s18 =	sld [smem:$0x3FDB];
	_ =	sdelay $0x1  }
0x99: {  	s19 =	simm.s32 $_scs_section_size  }
0x9a: {  	s4 =	simm.s32 $_size__tile_overlayer_lowered;
	s5 =	simm.s32 $_tile_overlayer_lowered  }
0x9b: {  	s22 =	simm.s32 $0x1BFF;
	s21 =	sshll.u32 s5, $0x1;
	s2 =	sadd.s32 s19, s18  }
0x9c: {  	s6 =	simm.s32 $0x0;
	s20 =	sshll.u32 s4, $0x1;
	s4 =	sadd.s32 s21, s2  }
0x9d: {  	[timem:s6], [sflag:s22] =	dma.local [hbm:s4], s20  }
0x9e: {  	_ =	swait.ge [sflag:s22], s20  }
0x9f: {  	s3 =	ssub.s32 $0x0, s20;
	[sflag:s22] =	ssyncset.done $0x0  }
0xa0: {  	[sflag:s22] =	ssyncadd.s32 s3;
	_ =	sdelay $0x1  }
0xa1: {  	s23 =	simm.s32 $0x1B8B  }
0xa2: {  	_ =	swait.ge [sflag:s23], $0x1  }
0xa3: {  	[sflag:s23] =	ssyncset.done $0x0  }
0xa4: {  	s25 =	simm.s32 $0x1B8E;
	s24 =	sld [smem:$0x3FFE];
	[sflag:s23] =	ssyncadd.s32 $0xFFFFFFFF  }
0xa5: {  	s26 =	simm.s32 $execute0_lowered;
	[smem:$0x3FD2] =	sst s25  }
0xa6: {  	s4 =	sshll.u32 s26, $0x1;
	_ =	strace $0x80000046;
	[dreg:$0x1] =	wrdreg $0xFFFFFFFF  }
0xa7: {  	s28 =	simm.s32 $_size_execute0_lowered;
	s2 =	sadd.s32 s2, s4;
	[dreg:$0x0] =	wrdreg $0x0  }
0xa8: {  	s4 =	sshll.u32 s28, $0x1;
	[dreg:$0x2] =	wrdreg s2  }
0xa9: {  	[dreg:$0x3] =	wrdreg s4  }
0xaa: {  	[dreg:$0x4] =	wrdreg $0xC0  }
0xab: {  	_ =	task [dreg:s6], $0x5FFFF  }
0xac: {  	[dreg:$0x1] =	wrdreg $0xFFFFFFFF  }
0xad: {  	[dreg:$0x0] =	wrdreg $0x60  }
0xae: {  	[dreg:$0x2] =	wrdreg s24  }
0xaf: {  	[dreg:$0x3] =	wrdreg $0x68000  }
0xb0: {  	[dreg:$0x4] =	wrdreg $0x9  }
0xb1: {  	_ =	task.clear_ibuf [dreg:s6], $0x5FFFF;
	_ =	strace $0x90000046  }
0xb2: {  	s29 =	simm.s32 $0x9;
	_ =	strace $0x80000048  }
0xb3: {  	_ =	swait.ge [sflag:s29], $0x1  }
0xb4: {  	[sflag:s29] =	ssyncadd.s32 $0xFFFFFFFF  }
0xb5: {  	_ =	strace $0x90000048  }
0xb6: {  	_ =	sfence  }
0xb7: {  	s30 =	sld [smem:$0x0];
	_ =	sdelay $0x2  }
0xb8: {  	s31 =	sshll.u32 s1, $0xD;
	s1 =	sshrl.u32 s1, $0x2  }
0xb9: {  	s3 =	sand.u32 $0x4000, s31;
	s1 =	sadd.s32 s1, s30  }
0xba: {  	s0 =	sor.u32 s3, s0;
	s1 =	sshll.u32 s1, $0x11  }
0xbb: {  	s0 =	sor.u32 s1, s0  }
0xbc: {  	s0 =	sadd.s32 $0x8F2B, s0  }
0xbd: {  	[sflag:s0] =	ssyncadd.remote.s32 $0x1  }
0xbe: {  	_ =	sfence.sel $0xFFFF  }
0xbf: {  	[dreg:$0x0] =	wrdreg $0xFFFFFFFF;
	(pc) =	sbr.abs _section_cstart, $3  }
0xc0: {  	[dreg:$0x1] =	wrdreg $0xFFFFFFFF  }
0xc1: {  	_ =	task.clear_ibuf [dreg:s6], $0x2FFFF;
	_ =	strace $0x9FFFFFFF  }
0xc2: {  	(tm) =	ssettm $0x7FFFFFFF  }
0xc3: {  	_ =	shalt  }
tec
execute0_lowered:
.L_overlay_start_1:
0x0: {  	(tag) =	ssettag $0x1  }
0x1: {  	s1 =	srdreg.scid  }
0x2: {  	s0 =	stileid.u32;
	s4 =	rddreg [dreg:$0x0]  }
0x3: {  	s2 =	rddreg [dreg:$0x1];
	s3 =	simm.s32 $0x0;
	s18 =	simm.s32 $0x80  }
0x4: {  	s19 =	simm.s32 $0x0;
	s5 =	sand.u32 $0x1, s1;
	s1 =	rddreg [dreg:$0x2]  }
0x5: {  	s29 =	sshll.u32 s0, $0x1;
	[smem:$0x7FF] =	sst s3;
	s7 =	smul.u32 $0x50000, s0  }
0x6: {  	s10 =	smul.u32 $0x14000, s0;
	s14 =	sadd.s32 $0x1A800, s4;
	s6 =	sor.u32 s5, s29  }
0x7: {  	_ =	strace $0x80000047;
	s30 =	ssub.s32 $0x2, s5;
	s13 =	smul.u32 $0x140000, s5  }
0x8: {  	s6 =	smul.u32 $0x500, s6;
	s8 =	sshrl.u32 s30, $0x1;
	s7 =	sshrl.u32 s7, $0x2  }
0x9: {  	s11 =	sadd.s32 $0x4000, s10;
	s12 =	sadd.s32 $0x8000, s10;
	s16 =	sadd.s32 $0xC000, s10  }
0xa: {  	s17 =	sadd.s32 $0x10000, s10;
	s15 =	ssub.s32 s30, s8;
	s5 =	sadd.s32 s11, s2  }
0xb: {  	s10 =	sadd.s32 s10, s13;
	s8 =	sadd.s32 s17, s2;
	s11 =	sadd.s32 s13, s11  }
0xc: {  	s17 =	sadd.s32 s13, s17;
	s9 =	sadd.s32 s6, s4;
	s4 =	sadd.s32 s7, s2  }
0xd: {  	s6 =	sadd.s32 s12, s2;
	s7 =	sadd.s32 s16, s2;
	s10 =	sshrl.u32 s10, $0x3  }
0xe: {  	s11 =	sshrl.u32 s11, $0x3;
	s12 =	sadd.s32 s13, s12;
	s16 =	sadd.s32 s13, s16  }
0xf: {  	s31 =	sshrl.u32 s17, $0x3;
	s15 =	smax.u32 s15, $0x1;
	s17 =	simm.s32 $0x1  }
0x10: {  	s9 =	sadd.s32 $0x10800, s9;
	s10 =	sadd.s32 s14, s10;
	s12 =	sshrl.u32 s12, $0x3  }
0x11: {  	s11 =	sadd.s32 s14, s11;
	s16 =	sshrl.u32 s16, $0x3;
	s12 =	sadd.s32 s14, s12  }
0x12: {  	v0 =	vimm.f32 $0.0e+00;
	v1 =	vimm.f32 $1.000000000e+00;
	s13 =	sadd.s32 s14, s16;
	s14 =	sadd.s32 s14, s31;
	s16 =	simm.s32 $0x2800  }
.LBB2_1:
0x13: {  	s20 =	simm.s32 $0x200;
	s21 =	simm.s32 $0x0  }
.LBB2_2:
0x14: {  	p0 =	sne.s32 s20, $0xFE00;
	[tilespmem:s21+$0x2800] =	vst v0;
	s21 =	smov.u32 s20;
	s20 =	sadd.s32 $0x200, s20  }
.Ltmp0:
0x15: {  	(pc) =	sbr.rel @p0 .LBB2_2-.Ltmp0, $2  }
0x16: {  	_ =	sdelay $0x2  }
0x17: {  	s21 =	sshra.s32 s21, $0x2  }
0x18: {  	[tilespmem:s21+$0x2800] =	vst v0  }
0x19: {  	[spmem:s4] =	stream.linear.scatter [tilespmem:s16], [sflag:$0x1], $0x4000, $0x38;
	[tilespmem:$0x9000] =	vst v63  }
0x1a: {  	_ =	swait.ge [sflag:s17], $0x4000  }
0x1b: {  	[sflag:s17] =	ssyncset.done $0x0  }
0x1c: {  	[sflag:s17] =	ssyncadd.s32 $0xFFFFC000  }
0x1d: {  	[spmem:s5] =	stream.linear.scatter [tilespmem:s16], [sflag:$0x1], $0x4000, $0x38;
	[tilespmem:$0x9000] =	vst v63  }
0x1e: {  	_ =	swait.ge [sflag:s17], $0x4000  }
0x1f: {  	[sflag:s17] =	ssyncset.done $0x0  }
0x20: {  	[sflag:s17] =	ssyncadd.s32 $0xFFFFC000  }
0x21: {  	[spmem:s6] =	stream.linear.scatter [tilespmem:s16], [sflag:$0x1], $0x4000, $0x38;
	[tilespmem:$0x9000] =	vst v63  }
0x22: {  	_ =	swait.ge [sflag:s17], $0x4000  }
0x23: {  	[sflag:s17] =	ssyncset.done $0x0  }
0x24: {  	[sflag:s17] =	ssyncadd.s32 $0xFFFFC000  }
0x25: {  	[spmem:s7] =	stream.linear.scatter [tilespmem:s16], [sflag:$0x1], $0x4000, $0x38;
	[tilespmem:$0x9000] =	vst v63  }
0x26: {  	_ =	swait.ge [sflag:s17], $0x4000  }
0x27: {  	[sflag:s17] =	ssyncset.done $0x0  }
0x28: {  	[sflag:s17] =	ssyncadd.s32 $0xFFFFC000  }
0x29: {  	[spmem:s8] =	stream.linear.scatter [tilespmem:s16], [sflag:$0x1], $0x4000, $0x38;
	[tilespmem:$0x9000] =	vst v63  }
0x2a: {  	_ =	swait.ge [sflag:s17], $0x4000  }
0x2b: {  	[sflag:s17] =	ssyncset.done $0x0  }
0x2c: {  	s20 =	simm.s32 $0x200;
	s21 =	simm.s32 $0x0;
	[sflag:s17] =	ssyncadd.s32 $0xFFFFC000  }
.LBB2_4:
0x2d: {  	p0 =	sne.s32 s20, $0xFE00;
	[tilespmem:s21+$0x2800] =	vst v1;
	s21 =	smov.u32 s20;
	s20 =	sadd.s32 $0x200, s20  }
.Ltmp1:
0x2e: {  	(pc) =	sbr.rel @p0 .LBB2_4-.Ltmp1, $2  }
0x2f: {  	_ =	sdelay $0x2  }
0x30: {  	s21 =	sshra.s32 s21, $0x2  }
0x31: {  	[tilespmem:s21+$0x2800] =	vst v1;
	s20 =	simm.s32 $0x0  }
0x32: {  	[tilespmem:s20], [sflag:$0x1] =	stream.linear.gather [hbm4b:s9+s20], $0x2800, $0x38;
	[tilespmem:$0x9000] =	vst v63  }
0x33: {  	_ =	swait.ge [sflag:s17], $0x2800  }
0x34: {  	[sflag:s17] =	ssyncset.done $0x0  }
0x35: {  	[sflag:s17] =	ssyncadd.s32 $0xFFFFD800  }
0x36: {  	s31 =	simm.s32 $0x0;
	[bflag:$0x0] =	sbarrier.arrive $0xFFFF  }
0x37: {  	[spmem:s2] =	stream.indirect.scatter.add.f32 [tilespmem:s16], [sflag:$0x1], $0x10, s31, s18, $0xb8;
	[tilespmem:$0x9000] =	vst v63  }
0x38: {  	_ =	swait.ge [sflag:s17], $0x800  }
0x39: {  	s20 =	simm.s32 $0x200;
	[sflag:s17] =	ssyncset.done $0x0  }
.LBB2_6:
0x3a: {  	s21 =	sshra.s32 s20, $0x2;
	[sflag:s17] =	ssyncadd.s32 $0xFFFFF800;
	p0 =	sne.s32 s20, $0x9E00  }
0x3b: {  	[spmem:s2] =	stream.indirect.scatter.add.f32 [tilespmem:s16], [sflag:$0x1], $0x10, s21, s18, $0xb8;
	[tilespmem:$0x9000] =	vst v63  }
.Ltmp2:
0x3c: {  	_ = 	snop;
	(pc) =	sbr.rel @p0 .LBB2_6-.Ltmp2, $4  }
0x3d: {  	_ = 	snop  }
0x3e: {  	s20 =	sadd.s32 $0x200, s20  }
0x3f: {  	_ =	swait.ge [sflag:s17], $0x800  }
0x40: {  	[sflag:s17] =	ssyncset.done $0x0  }
0x41: {  	[sflag:s17] =	ssyncadd.s32 $0xFFFFF800  }
0x42: {  	[bflag:$0x0] =	sbarrier.arrive $0xFFFF  }
0x43: {  	[tilespmem:s16], [sflag:$0x1] =	stream.linear.gather [spmem:s4], $0x4000, $0x38;
	[tilespmem:$0x9000] =	vst v63  }
0x44: {  	_ =	swait.ge [sflag:s17], $0x4000  }
0x45: {  	[sflag:s17] =	ssyncset.done $0x0  }
0x46: {  	[sflag:s17] =	ssyncadd.s32 $0xFFFFC000  }
0x47: {  	[hbm4b:s10+s3] =	stream.linear.scatter [tilespmem:s16], [sflag:$0x1], $0x4000, $0x38;
	[tilespmem:$0x9000] =	vst v63  }
0x48: {  	_ =	swait.ge [sflag:s17], $0x4000  }
0x49: {  	[sflag:s17] =	ssyncset.done $0x0  }
0x4a: {  	[sflag:s17] =	ssyncadd.s32 $0xFFFFC000  }
0x4b: {  	[tilespmem:s16], [sflag:$0x1] =	stream.linear.gather [spmem:s5], $0x4000, $0x38;
	[tilespmem:$0x9000] =	vst v63  }
0x4c: {  	_ =	swait.ge [sflag:s17], $0x4000  }
0x4d: {  	[sflag:s17] =	ssyncset.done $0x0  }
0x4e: {  	[sflag:s17] =	ssyncadd.s32 $0xFFFFC000  }
0x4f: {  	[hbm4b:s11+s3] =	stream.linear.scatter [tilespmem:s16], [sflag:$0x1], $0x4000, $0x38;
	[tilespmem:$0x9000] =	vst v63  }
0x50: {  	_ =	swait.ge [sflag:s17], $0x4000  }
0x51: {  	[sflag:s17] =	ssyncset.done $0x0  }
0x52: {  	[sflag:s17] =	ssyncadd.s32 $0xFFFFC000  }
0x53: {  	[tilespmem:s16], [sflag:$0x1] =	stream.linear.gather [spmem:s6], $0x4000, $0x38;
	[tilespmem:$0x9000] =	vst v63  }
0x54: {  	_ =	swait.ge [sflag:s17], $0x4000  }
0x55: {  	[sflag:s17] =	ssyncset.done $0x0  }
0x56: {  	[sflag:s17] =	ssyncadd.s32 $0xFFFFC000  }
0x57: {  	[hbm4b:s12+s3] =	stream.linear.scatter [tilespmem:s16], [sflag:$0x1], $0x4000, $0x38;
	[tilespmem:$0x9000] =	vst v63  }
0x58: {  	_ =	swait.ge [sflag:s17], $0x4000  }
0x59: {  	[sflag:s17] =	ssyncset.done $0x0  }
0x5a: {  	[sflag:s17] =	ssyncadd.s32 $0xFFFFC000  }
0x5b: {  	[tilespmem:s16], [sflag:$0x1] =	stream.linear.gather [spmem:s7], $0x4000, $0x38;
	[tilespmem:$0x9000] =	vst v63  }
0x5c: {  	_ =	swait.ge [sflag:s17], $0x4000  }
0x5d: {  	[sflag:s17] =	ssyncset.done $0x0  }
0x5e: {  	[sflag:s17] =	ssyncadd.s32 $0xFFFFC000  }
0x5f: {  	[hbm4b:s13+s3] =	stream.linear.scatter [tilespmem:s16], [sflag:$0x1], $0x4000, $0x38;
	[tilespmem:$0x9000] =	vst v63  }
0x60: {  	_ =	swait.ge [sflag:s17], $0x4000  }
0x61: {  	[sflag:s17] =	ssyncset.done $0x0  }
0x62: {  	[sflag:s17] =	ssyncadd.s32 $0xFFFFC000  }
0x63: {  	[tilespmem:s16], [sflag:$0x1] =	stream.linear.gather [spmem:s8], $0x4000, $0x38;
	[tilespmem:$0x9000] =	vst v63  }
0x64: {  	s19 =	sadd.s32 $0x1, s19;
	_ =	swait.ge [sflag:s17], $0x4000  }
0x65: {  	p0 =	sne.s32 s19, s15;
	[sflag:s17] =	ssyncset.done $0x0  }
.Ltmp3:
0x66: {  	[sflag:s17] =	ssyncadd.s32 $0xFFFFC000;
	(pc) =	sbr.rel @p0 .LBB2_1-.Ltmp3, $4  }
0x67: {  	[hbm4b:s14+s3] =	stream.linear.scatter [tilespmem:s16], [sflag:$0x1], $0x4000, $0x38;
	[tilespmem:$0x9000] =	vst v63  }
0x68: {  	_ =	swait.ge [sflag:s17], $0x4000  }
0x69: {  	[sflag:s17] =	ssyncset.done $0x0  }
0x6a: {  	[sflag:s17] =	ssyncadd.s32 $0xFFFFC000  }
0x6b: {  	_ =	sfence.sel $0x180000  }
0x6c: {  	[bflag:$0x0] =	sbarrier.arrive $0xFFFF  }
0x6d: {  	p0 =	sne.s32 s0, $0x0;
	_ =	strace $0x90000047  }
0x6e: {  	s0 =	sadd.s32 @!p0 $0x100000, s1;
	[bflag:$0x2] =	sbarrier.arrive $0xFFFF  }
0x6f: {  	[sflag:s0] =	ssyncadd.tile.s32 @!p0 $0x1;
	_ =	shalt  }
.Lfunc_end2:
_tile_overlayer_lowered:
.L_overlay_start_2:
0x70: {  	(tag) =	ssettag $0x2  }
0x71: {  	s0 =	rddreg [dreg:$0x0];
	s2 =	stileid.u32  }
0x72: {  	s1 =	rddreg [dreg:$0x1];
	p0 =	sne.s32 s2, $0x0  }
0x73: {  	s3 =	rddreg [dreg:$0x2];
	[bflag:$0x3] =	sbarrier.arrive $0xFFFF;
	s2 =	simm.s32 @!p0 $0x1C01  }
0x74: {  	[timem:s3], [sflag:s2] =	dma.local @!p0 [hbm:s0], s1  }
0x75: {  	s0 =	simm.s32 @!p0 $0x1  }
0x76: {  	_ =	swait.ge @!p0 [sflag:s0], s1  }
0x77: {  	s1 =	ssub.s32 @!p0 $0x0, s1;
	[sflag:s0] =	ssyncset.done @!p0 $0x0  }
0x78: {  	[sflag:s0] =	ssyncadd.s32 @!p0 s1  }
0x79: {  	[bflag:$0x3] =	sbarrier.arrive $0xFFFF  }
0x7a: {  	_ =	shalt  }

</sc_bundles>
